<compile_context>
chip_gen: v7x
topology: tpu7x:2x2x1
jax: 0.10.2.dev20260603
libtpu: 0.0.44.dev20260713+nightly
codegen_flags: <defaults>
</compile_context>

<pallas_src>
import functools

import jax
import jax.numpy as jnp
from jax import lax
from jax.experimental import pallas as pl
from jax.experimental.pallas import tpu as pltpu
from jax.experimental.pallas import tpu_sc as plsc

_BATCH = 4096
_HIST = 200
_EMBED = 64
_B = _BATCH * _HIST
_NW = 32
_B_PER_W = _B // _NW
_HC = 2
_CROWS = _HC * 128
_NCHUNK = _HIST // _HC
_NPAIR = _NCHUNK // 2


def _make_gather():
    mesh = plsc.VectorSubcoreMesh(core_axis_name="c", subcore_axis_name="s")

    @functools.partial(
        pl.kernel,
        mesh=mesh,
        out_type=jax.ShapeDtypeStruct(
            (_HIST, _EMBED // 8, _BATCH // 128, 8, 128), jnp.float32),
        scratch_types=[
            pltpu.VMEM((_B_PER_W,), jnp.int32),
            pltpu.VMEM((4, _CROWS), jnp.int32),
            pltpu.VMEM((4, _CROWS, _EMBED), jnp.float32),
            pltpu.VMEM((2, _HC, 8, 8, 128), jnp.float32),
            pltpu.SemaphoreType.DMA((4,)),
            pltpu.SemaphoreType.DMA((2,)),
        ],
        compiler_params=pltpu.CompilerParams(use_tc_tiling_on_sc=False,
                                             needs_layout_passes=False),
    )
    def gather_kernel(idx_hbm, table_hbm, out_hbm, idx_v, li_v, rows_v,
                      stg_v, gsem, osem):
        wid = lax.axis_index("s") * 2 + lax.axis_index("c")
        base = wid * _B_PER_W
        pltpu.sync_copy(idx_hbm.at[pl.ds(base, _B_PER_W)], idx_v)

        lane = lax.broadcasted_iota(jnp.int32, (16,), 0)
        lane200 = lane * 200
        hi8 = lane >> 3
        lo8 = lane & 7
        d1 = [hi8 + 2 * eg for eg in range(4)]

        def build_li(c, lslot):
            for h_i in range(_HC):
                for bg in range(8):
                    addr = lane200 + (bg * 16 * 200 + 2 * c + h_i)
                    v = plsc.load_gather(idx_v, [addr])
                    li_v[lslot, pl.ds(h_i * 128 + bg * 16, 16)] = v

        def gather_start(lslot):
            pltpu.async_copy(table_hbm.at[li_v.at[lslot]],
                             rows_v.at[lslot], gsem.at[lslot])

        def gather_wait(lslot):
            pltpu.make_async_copy(table_hbm.at[li_v.at[lslot]],
                                  rows_v.at[lslot], gsem.at[lslot]).wait()

        def transpose(j, sslot):
            dst = stg_v.at[sslot]

            @plsc.parallel_loop(0, _CROWS, 1, unroll=8)
            def _(r):
                dh = lane * 0 + (r >> 7)
                d3 = lane * 0 + (r & 127)
                for eg in range(4):
                    v = rows_v[j, r, pl.ds(eg * 16, 16)]
                    plsc.store_scatter(dst, [dh, d1[eg], lo8, d3], v)

        def out_start(c, sslot):
            for h_i in range(_HC):
                pltpu.async_copy(stg_v.at[sslot, h_i],
                                 out_hbm.at[2 * c + h_i, :, wid],
                                 osem.at[sslot])

        def out_wait(c, sslot):
            for h_i in range(_HC):
                pltpu.make_async_copy(stg_v.at[sslot, h_i],
                                      out_hbm.at[2 * c + h_i, :, wid],
                                      osem.at[sslot]).wait()

        for j in range(3):
            build_li(j, j)
            gather_start(j)

        def chunk_step(c, j, sslot):
            gather_wait(j)

            @pl.when(c + 3 < _NCHUNK)
            def _():
                build_li(c + 3, (j + 3) % 4)
                gather_start((j + 3) % 4)

            @pl.when(c >= 2)
            def _():
                out_wait(c - 2, sslot)

            transpose(j, sslot)
            out_start(c, sslot)

        def body(i, carry):
            g = 4 * i
            for k in range(4):
                chunk_step(g + k, k, k % 2)
            return carry

        lax.fori_loop(0, _NCHUNK // 4, body, 0)
        out_wait(_NCHUNK - 2, 0)
        out_wait(_NCHUNK - 1, 1)

    return gather_kernel


_gather = _make_gather()


def kernel(visit_order, visit_rel_times, pos_table, time_table):
    idx = visit_rel_times.reshape(_B).astype(jnp.int32)
    out5 = _gather(idx, time_table)
    return out5.transpose(2, 4, 0, 1, 3).reshape(_BATCH, _HIST, _EMBED)

# --- scband reference (transcript-rebuilt; emitter-appended) ---
"""Pipeline reference for scband-data-embedding-9457517986356 (READ-ONLY COPY).

The authoritative reference and input builder live on the scoring server;
editing this copy changes nothing except your own understanding.
"""

import jax, jax.numpy as jnp
import numpy as np

BATCH = 4096
HIST = 200
TIME_VOCAB = 100000
POS_VOCAB = 200
EMBED_DIM = 64


def setup_inputs(seed: int = 0) -> dict:
    key = jax.random.key(seed)
    k1, k2, k3, k4 = jax.random.split(key, 4)
    visit_order = jax.random.randint(k1, (BATCH, HIST), 0, POS_VOCAB, dtype=jnp.int64 if jax.config.jax_enable_x64 else jnp.int32)
    visit_rel_times = jax.random.randint(k2, (BATCH, HIST), 0, TIME_VOCAB, dtype=jnp.int64 if jax.config.jax_enable_x64 else jnp.int32)
    # learned parameters
    pos_table = jax.random.normal(k3, (POS_VOCAB, EMBED_DIM), dtype=jnp.float32)
    time_table = jax.random.normal(k4, (TIME_VOCAB, EMBED_DIM), dtype=jnp.float32)
    # padding_idx=0 for time embedding -> row 0 is zero
    time_table = time_table.at[0].set(0.0)
    return {
        "visit_order": visit_order,
        "visit_rel_times": visit_rel_times,
        "pos_table": pos_table,
        "time_table": time_table,
    }


def reference(visit_order, visit_rel_times, pos_table, time_table):
    # DataEmbedding.forward: only uses the temporal embedding lookup.
    # TemporalEmbedding: nn.Embedding(time_embed_num, embed_dim, padding_idx=0)
    embed = jnp.take(time_table, visit_rel_times, axis=0)
    return embed

if __name__ == "__main__":
    import jax
    _d = setup_inputs()
    print(jax.jit(kernel)(*tuple(_d.values())))

</pallas_src>

<mosaic_0001>
#map = affine_map<(d0, d1) -> (0)>
#map1 = affine_map<(d0, d1) -> (0, 0)>
#map2 = affine_map<(d0, d1) -> (0, 0, 0, 0, 0)>
module attributes {stable_mosaic.version = 14 : i64} {
  func.func @gather_kernel(%arg0: i32, %arg1: i32, %arg2: memref<819200xi32, #tpu.memory_space<hbm>>, %arg3: memref<100000x64xf32, #tpu.memory_space<hbm>>, %arg4: memref<200x8x32x8x128xf32, #tpu.memory_space<hbm>>, %arg5: memref<25600xi32, #tpu.memory_space<vmem>>, %arg6: memref<4x256xi32, #tpu.memory_space<vmem>>, %arg7: memref<4x256x64xf32, #tpu.memory_space<vmem>>, %arg8: memref<2x2x8x8x128xf32, #tpu.memory_space<vmem>>, %arg9: memref<4x!tpu.dma_semaphore, #tpu.memory_space<semaphore_mem>>, %arg10: memref<2x!tpu.dma_semaphore, #tpu.memory_space<semaphore_mem>>) attributes {dimension_semantics = [#tpu.dimension_semantics<core_parallel>, #tpu.dimension_semantics<subcore_parallel>], iteration_bounds = array<i64: 2, 16>, scalar_prefetch = 0 : i64, scratch_operands = 6 : i64, tpu.core_type = #tpu.core_type<sc_vector_subcore>, window_params = [{transform_indices = #map}, {transform_indices = #map1}, {transform_indices = #map2}]} {
    %mul3A = arith.constant 2 : i32
    %mul3A_0 = arith.muli %arg1, %mul3A : i32
    %add3A = arith.addi %mul3A_0, %arg0 : i32
    %mul3A_1 = arith.constant 25600 : i32
    %mul3A_2 = arith.muli %add3A, %mul3A_1 : i32
    "tpu.region"() ({
      %run_scoped3A = tpu.sem_alloc : memref<!tpu.dma_semaphore, #tpu.memory_space<semaphore_mem>>
      %dma_start3A_556 = tpu.memref_slice %arg2[%mul3A_2] : memref<819200xi32, #tpu.memory_space<hbm>> -> memref<25600xi32, #tpu.memory_space<hbm>>
      %dma_start3A_557 = tpu.memref_slice %arg2[%mul3A_2] : memref<819200xi32, #tpu.memory_space<hbm>> -> memref<25600xi32, #tpu.memory_space<hbm>>
      tpu.enqueue_dma source(%dma_start3A_557 : memref<25600xi32, #tpu.memory_space<hbm>>) target(%arg5 : memref<25600xi32, #tpu.memory_space<vmem>>) target_semaphore(%run_scoped3A : memref<!tpu.dma_semaphore, #tpu.memory_space<semaphore_mem>>)
      %dma_wait3A_558 = tpu.memref_slice %arg2[%mul3A_2] : memref<819200xi32, #tpu.memory_space<hbm>> -> memref<25600xi32, #tpu.memory_space<hbm>>
      %dma_wait3A_559 = tpu.memref_slice %arg2[%mul3A_2] : memref<819200xi32, #tpu.memory_space<hbm>> -> memref<25600xi32, #tpu.memory_space<hbm>>
      tpu.wait_dma2 semaphore(%run_scoped3A : memref<!tpu.dma_semaphore, #tpu.memory_space<semaphore_mem>>) src(%dma_wait3A_559 : memref<25600xi32, #tpu.memory_space<hbm>>) dst(%arg5 : memref<25600xi32, #tpu.memory_space<vmem>>)
      tpu.yield
    }) : () -> ()
    %iota3A = tpu.iota {dimensions = array<i32: 0>} : vector<16xi32>
    %mul3A_3 = arith.constant 200 : i32
    %mul3A_4 = vector.broadcast %mul3A_3 : i32 to vector<16xi32>
    %mul3A_5 = arith.muli %iota3A, %mul3A_4 : vector<16xi32>
    %shift_right_arithmetic3A = arith.constant 3 : i32
    %shift_right_arithmetic3A_6 = vector.broadcast %shift_right_arithmetic3A : i32 to vector<16xi32>
    %shift_right_arithmetic3A_7 = arith.shrsi %iota3A, %shift_right_arithmetic3A_6 : vector<16xi32>
    %and3A = arith.constant 7 : i32
    %and3A_8 = vector.broadcast %and3A : i32 to vector<16xi32>
    %and3A_9 = arith.andi %iota3A, %and3A_8 : vector<16xi32>
    %add3A_10 = arith.constant 0 : i32
    %add3A_11 = vector.broadcast %add3A_10 : i32 to vector<16xi32>
    %add3A_12 = arith.addi %shift_right_arithmetic3A_7, %add3A_11 : vector<16xi32>
    %add3A_13 = arith.constant 2 : i32
    %add3A_14 = vector.broadcast %add3A_13 : i32 to vector<16xi32>
    %add3A_15 = arith.addi %shift_right_arithmetic3A_7, %add3A_14 : vector<16xi32>
    %add3A_16 = arith.constant 4 : i32
    %add3A_17 = vector.broadcast %add3A_16 : i32 to vector<16xi32>
    %add3A_18 = arith.addi %shift_right_arithmetic3A_7, %add3A_17 : vector<16xi32>
    %add3A_19 = arith.constant 6 : i32
    %add3A_20 = vector.broadcast %add3A_19 : i32 to vector<16xi32>
    %add3A_21 = arith.addi %shift_right_arithmetic3A_7, %add3A_20 : vector<16xi32>
    %add3A_22 = arith.constant 0 : i32
    %add3A_23 = vector.broadcast %add3A_22 : i32 to vector<16xi32>
    %add3A_24 = arith.addi %mul3A_5, %add3A_23 : vector<16xi32>
    %gather3A = tpu.vector_load_idx %arg5[%add3A_24] : memref<25600xi32, #tpu.memory_space<vmem>>[vector<16xi32>], vector<16xi32>,
    %swap3A = arith.constant 0 : i32
    %swap3A_25 = arith.index_cast %swap3A : i32 to index
    %swap3A_26 = arith.constant 0 : index
    %swap3A_27 = tpu.vector_load %arg6[%swap3A_25, %swap3A_26] {strides = array<i32>} : memref<4x256xi32, #tpu.memory_space<vmem>>, vector<16xi32>,
    tpu.vector_store %arg6[%swap3A_25, %swap3A_26], %gather3A {strides = array<i32>} : memref<4x256xi32, #tpu.memory_space<vmem>>, vector<16xi32>,
    %add3A_28 = arith.constant 3200 : i32
    %add3A_29 = vector.broadcast %add3A_28 : i32 to vector<16xi32>
    %add3A_30 = arith.addi %mul3A_5, %add3A_29 : vector<16xi32>
    %gather3A_31 = tpu.vector_load_idx %arg5[%add3A_30] : memref<25600xi32, #tpu.memory_space<vmem>>[vector<16xi32>], vector<16xi32>,
    %swap3A_32 = arith.constant 0 : i32
    %swap3A_33 = arith.index_cast %swap3A_32 : i32 to index
    %swap3A_34 = arith.constant 16 : index
    %swap3A_35 = tpu.vector_load %arg6[%swap3A_33, %swap3A_34] {strides = array<i32>} : memref<4x256xi32, #tpu.memory_space<vmem>>, vector<16xi32>,
    tpu.vector_store %arg6[%swap3A_33, %swap3A_34], %gather3A_31 {strides = array<i32>} : memref<4x256xi32, #tpu.memory_space<vmem>>, vector<16xi32>,
    %add3A_36 = arith.constant 6400 : i32
    %add3A_37 = vector.broadcast %add3A_36 : i32 to vector<16xi32>
    %add3A_38 = arith.addi %mul3A_5, %add3A_37 : vector<16xi32>
    %gather3A_39 = tpu.vector_load_idx %arg5[%add3A_38] : memref<25600xi32, #tpu.memory_space<vmem>>[vector<16xi32>], vector<16xi32>,
    %swap3A_40 = arith.constant 0 : i32
    %swap3A_41 = arith.index_cast %swap3A_40 : i32 to index
    %swap3A_42 = arith.constant 32 : index
    %swap3A_43 = tpu.vector_load %arg6[%swap3A_41, %swap3A_42] {strides = array<i32>} : memref<4x256xi32, #tpu.memory_space<vmem>>, vector<16xi32>,
    tpu.vector_store %arg6[%swap3A_41, %swap3A_42], %gather3A_39 {strides = array<i32>} : memref<4x256xi32, #tpu.memory_space<vmem>>, vector<16xi32>,
    %add3A_44 = arith.constant 9600 : i32
    %add3A_45 = vector.broadcast %add3A_44 : i32 to vector<16xi32>
    %add3A_46 = arith.addi %mul3A_5, %add3A_45 : vector<16xi32>
    %gather3A_47 = tpu.vector_load_idx %arg5[%add3A_46] : memref<25600xi32, #tpu.memory_space<vmem>>[vector<16xi32>], vector<16xi32>,
    %swap3A_48 = arith.constant 0 : i32
    %swap3A_49 = arith.index_cast %swap3A_48 : i32 to index
    %swap3A_50 = arith.constant 48 : index
    %swap3A_51 = tpu.vector_load %arg6[%swap3A_49, %swap3A_50] {strides = array<i32>} : memref<4x256xi32, #tpu.memory_space<vmem>>, vector<16xi32>,
    tpu.vector_store %arg6[%swap3A_49, %swap3A_50], %gather3A_47 {strides = array<i32>} : memref<4x256xi32, #tpu.memory_space<vmem>>, vector<16xi32>,
    %add3A_52 = arith.constant 12800 : i32
    %add3A_53 = vector.broadcast %add3A_52 : i32 to vector<16xi32>
    %add3A_54 = arith.addi %mul3A_5, %add3A_53 : vector<16xi32>
    %gather3A_55 = tpu.vector_load_idx %arg5[%add3A_54] : memref<25600xi32, #tpu.memory_space<vmem>>[vector<16xi32>], vector<16xi32>,
    %swap3A_56 = arith.constant 0 : i32
    %swap3A_57 = arith.index_cast %swap3A_56 : i32 to index
    %swap3A_58 = arith.constant 64 : index
    %swap3A_59 = tpu.vector_load %arg6[%swap3A_57, %swap3A_58] {strides = array<i32>} : memref<4x256xi32, #tpu.memory_space<vmem>>, vector<16xi32>,
    tpu.vector_store %arg6[%swap3A_57, %swap3A_58], %gather3A_55 {strides = array<i32>} : memref<4x256xi32, #tpu.memory_space<vmem>>, vector<16xi32>,
    %add3A_60 = arith.constant 16000 : i32
    %add3A_61 = vector.broadcast %add3A_60 : i32 to vector<16xi32>
    %add3A_62 = arith.addi %mul3A_5, %add3A_61 : vector<16xi32>
    %gather3A_63 = tpu.vector_load_idx %arg5[%add3A_62] : memref<25600xi32, #tpu.memory_space<vmem>>[vector<16xi32>], vector<16xi32>,
    %swap3A_64 = arith.constant 0 : i32
    %swap3A_65 = arith.index_cast %swap3A_64 : i32 to index
    %swap3A_66 = arith.constant 80 : index
    %swap3A_67 = tpu.vector_load %arg6[%swap3A_65, %swap3A_66] {strides = array<i32>} : memref<4x256xi32, #tpu.memory_space<vmem>>, vector<16xi32>,
    tpu.vector_store %arg6[%swap3A_65, %swap3A_66], %gather3A_63 {strides = array<i32>} : memref<4x256xi32, #tpu.memory_space<vmem>>, vector<16xi32>,
    %add3A_68 = arith.constant 19200 : i32
    %add3A_69 = vector.broadcast %add3A_68 : i32 to vector<16xi32>
    %add3A_70 = arith.addi %mul3A_5, %add3A_69 : vector<16xi32>
    %gather3A_71 = tpu.vector_load_idx %arg5[%add3A_70] : memref<25600xi32, #tpu.memory_space<vmem>>[vector<16xi32>], vector<16xi32>,
    %swap3A_72 = arith.constant 0 : i32
    %swap3A_73 = arith.index_cast %swap3A_72 : i32 to index
    %swap3A_74 = arith.constant 96 : index
    %swap3A_75 = tpu.vector_load %arg6[%swap3A_73, %swap3A_74] {strides = array<i32>} : memref<4x256xi32, #tpu.memory_space<vmem>>, vector<16xi32>,
    tpu.vector_store %arg6[%swap3A_73, %swap3A_74], %gather3A_71 {strides = array<i32>} : memref<4x256xi32, #tpu.memory_space<vmem>>, vector<16xi32>,
    %add3A_76 = arith.constant 22400 : i32
    %add3A_77 = vector.broadcast %add3A_76 : i32 to vector<16xi32>
    %add3A_78 = arith.addi %mul3A_5, %add3A_77 : vector<16xi32>
    %gather3A_79 = tpu.vector_load_idx %arg5[%add3A_78] : memref<25600xi32, #tpu.memory_space<vmem>>[vector<16xi32>], vector<16xi32>,
    %swap3A_80 = arith.constant 0 : i32
    %swap3A_81 = arith.index_cast %swap3A_80 : i32 to index
    %swap3A_82 = arith.constant 112 : index
    %swap3A_83 = tpu.vector_load %arg6[%swap3A_81, %swap3A_82] {strides = array<i32>} : memref<4x256xi32, #tpu.memory_space<vmem>>, vector<16xi32>,
    tpu.vector_store %arg6[%swap3A_81, %swap3A_82], %gather3A_79 {strides = array<i32>} : memref<4x256xi32, #tpu.memory_space<vmem>>, vector<16xi32>,
    %add3A_84 = arith.constant 1 : i32
    %add3A_85 = vector.broadcast %add3A_84 : i32 to vector<16xi32>
    %add3A_86 = arith.addi %mul3A_5, %add3A_85 : vector<16xi32>
    %gather3A_87 = tpu.vector_load_idx %arg5[%add3A_86] : memref<25600xi32, #tpu.memory_space<vmem>>[vector<16xi32>], vector<16xi32>,
    %swap3A_88 = arith.constant 0 : i32
    %swap3A_89 = arith.index_cast %swap3A_88 : i32 to index
    %swap3A_90 = arith.constant 128 : index
    %swap3A_91 = tpu.vector_load %arg6[%swap3A_89, %swap3A_90] {strides = array<i32>} : memref<4x256xi32, #tpu.memory_space<vmem>>, vector<16xi32>,
    tpu.vector_store %arg6[%swap3A_89, %swap3A_90], %gather3A_87 {strides = array<i32>} : memref<4x256xi32, #tpu.memory_space<vmem>>, vector<16xi32>,
    %add3A_92 = arith.constant 3201 : i32
    %add3A_93 = vector.broadcast %add3A_92 : i32 to vector<16xi32>
    %add3A_94 = arith.addi %mul3A_5, %add3A_93 : vector<16xi32>
    %gather3A_95 = tpu.vector_load_idx %arg5[%add3A_94] : memref<25600xi32, #tpu.memory_space<vmem>>[vector<16xi32>], vector<16xi32>,
    %swap3A_96 = arith.constant 0 : i32
    %swap3A_97 = arith.index_cast %swap3A_96 : i32 to index
    %swap3A_98 = arith.constant 144 : index
    %swap3A_99 = tpu.vector_load %arg6[%swap3A_97, %swap3A_98] {strides = array<i32>} : memref<4x256xi32, #tpu.memory_space<vmem>>, vector<16xi32>,
    tpu.vector_store %arg6[%swap3A_97, %swap3A_98], %gather3A_95 {strides = array<i32>} : memref<4x256xi32, #tpu.memory_space<vmem>>, vector<16xi32>,
    %add3A_100 = arith.constant 6401 : i32
    %add3A_101 = vector.broadcast %add3A_100 : i32 to vector<16xi32>
    %add3A_102 = arith.addi %mul3A_5, %add3A_101 : vector<16xi32>
    %gather3A_103 = tpu.vector_load_idx %arg5[%add3A_102] : memref<25600xi32, #tpu.memory_space<vmem>>[vector<16xi32>], vector<16xi32>,
    %swap3A_104 = arith.constant 0 : i32
    %swap3A_105 = arith.index_cast %swap3A_104 : i32 to index
    %swap3A_106 = arith.constant 160 : index
    %swap3A_107 = tpu.vector_load %arg6[%swap3A_105, %swap3A_106] {strides = array<i32>} : memref<4x256xi32, #tpu.memory_space<vmem>>, vector<16xi32>,
    tpu.vector_store %arg6[%swap3A_105, %swap3A_106], %gather3A_103 {strides = array<i32>} : memref<4x256xi32, #tpu.memory_space<vmem>>, vector<16xi32>,
    %add3A_108 = arith.constant 9601 : i32
    %add3A_109 = vector.broadcast %add3A_108 : i32 to vector<16xi32>
    %add3A_110 = arith.addi %mul3A_5, %add3A_109 : vector<16xi32>
    %gather3A_111 = tpu.vector_load_idx %arg5[%add3A_110] : memref<25600xi32, #tpu.memory_space<vmem>>[vector<16xi32>], vector<16xi32>,
    %swap3A_112 = arith.constant 0 : i32
    %swap3A_113 = arith.index_cast %swap3A_112 : i32 to index
    %swap3A_114 = arith.constant 176 : index
    %swap3A_115 = tpu.vector_load %arg6[%swap3A_113, %swap3A_114] {strides = array<i32>} : memref<4x256xi32, #tpu.memory_space<vmem>>, vector<16xi32>,
    tpu.vector_store %arg6[%swap3A_113, %swap3A_114], %gather3A_111 {strides = array<i32>} : memref<4x256xi32, #tpu.memory_space<vmem>>, vector<16xi32>,
    %add3A_116 = arith.constant 12801 : i32
    %add3A_117 = vector.broadcast %add3A_116 : i32 to vector<16xi32>
    %add3A_118 = arith.addi %mul3A_5, %add3A_117 : vector<16xi32>
    %gather3A_119 = tpu.vector_load_idx %arg5[%add3A_118] : memref<25600xi32, #tpu.memory_space<vmem>>[vector<16xi32>], vector<16xi32>,
    %swap3A_120 = arith.constant 0 : i32
    %swap3A_121 = arith.index_cast %swap3A_120 : i32 to index
    %swap3A_122 = arith.constant 192 : index
    %swap3A_123 = tpu.vector_load %arg6[%swap3A_121, %swap3A_122] {strides = array<i32>} : memref<4x256xi32, #tpu.memory_space<vmem>>, vector<16xi32>,
    tpu.vector_store %arg6[%swap3A_121, %swap3A_122], %gather3A_119 {strides = array<i32>} : memref<4x256xi32, #tpu.memory_space<vmem>>, vector<16xi32>,
    %add3A_124 = arith.constant 16001 : i32
    %add3A_125 = vector.broadcast %add3A_124 : i32 to vector<16xi32>
    %add3A_126 = arith.addi %mul3A_5, %add3A_125 : vector<16xi32>
    %gather3A_127 = tpu.vector_load_idx %arg5[%add3A_126] : memref<25600xi32, #tpu.memory_space<vmem>>[vector<16xi32>], vector<16xi32>,
    %swap3A_128 = arith.constant 0 : i32
    %swap3A_129 = arith.index_cast %swap3A_128 : i32 to index
    %swap3A_130 = arith.constant 208 : index
    %swap3A_131 = tpu.vector_load %arg6[%swap3A_129, %swap3A_130] {strides = array<i32>} : memref<4x256xi32, #tpu.memory_space<vmem>>, vector<16xi32>,
    tpu.vector_store %arg6[%swap3A_129, %swap3A_130], %gather3A_127 {strides = array<i32>} : memref<4x256xi32, #tpu.memory_space<vmem>>, vector<16xi32>,
    %add3A_132 = arith.constant 19201 : i32
    %add3A_133 = vector.broadcast %add3A_132 : i32 to vector<16xi32>
    %add3A_134 = arith.addi %mul3A_5, %add3A_133 : vector<16xi32>
    %gather3A_135 = tpu.vector_load_idx %arg5[%add3A_134] : memref<25600xi32, #tpu.memory_space<vmem>>[vector<16xi32>], vector<16xi32>,
    %swap3A_136 = arith.constant 0 : i32
    %swap3A_137 = arith.index_cast %swap3A_136 : i32 to index
    %swap3A_138 = arith.constant 224 : index
    %swap3A_139 = tpu.vector_load %arg6[%swap3A_137, %swap3A_138] {strides = array<i32>} : memref<4x256xi32, #tpu.memory_space<vmem>>, vector<16xi32>,
    tpu.vector_store %arg6[%swap3A_137, %swap3A_138], %gather3A_135 {strides = array<i32>} : memref<4x256xi32, #tpu.memory_space<vmem>>, vector<16xi32>,
    %add3A_140 = arith.constant 22401 : i32
    %add3A_141 = vector.broadcast %add3A_140 : i32 to vector<16xi32>
    %add3A_142 = arith.addi %mul3A_5, %add3A_141 : vector<16xi32>
    %gather3A_143 = tpu.vector_load_idx %arg5[%add3A_142] : memref<25600xi32, #tpu.memory_space<vmem>>[vector<16xi32>], vector<16xi32>,
    %swap3A_144 = arith.constant 0 : i32
    %swap3A_145 = arith.index_cast %swap3A_144 : i32 to index
    %swap3A_146 = arith.constant 240 : index
    %swap3A_147 = tpu.vector_load %arg6[%swap3A_145, %swap3A_146] {strides = array<i32>} : memref<4x256xi32, #tpu.memory_space<vmem>>, vector<16xi32>,
    tpu.vector_store %arg6[%swap3A_145, %swap3A_146], %gather3A_143 {strides = array<i32>} : memref<4x256xi32, #tpu.memory_space<vmem>>, vector<16xi32>,
    %dma_start3A = arith.constant 0 : i32
    %dma_start3A_148 = arith.constant 0 : i32
    %dma_start3A_149 = arith.constant 0 : i32
    %dma_start3A_150 = arith.constant 0 : i32
    %dma_start3A_151 = arith.constant 0 : i32
    %dma_start3A_152 = tpu.memref_slice %arg7[%dma_start3A_148, %dma_start3A_150, %dma_start3A_151] : memref<4x256x64xf32, #tpu.memory_space<vmem>> -> memref<1x256x64xf32, #tpu.memory_space<vmem>>
    %dma_start3A_153 = tpu.memref_squeeze %dma_start3A_152 : memref<1x256x64xf32, #tpu.memory_space<vmem>> -> memref<256x64xf32, #tpu.memory_space<vmem>>
    %dma_start3A_154 = arith.constant 0 : i32
    %dma_start3A_155 = tpu.memref_slice %arg6[%dma_start3A, %dma_start3A_154] : memref<4x256xi32, #tpu.memory_space<vmem>> -> memref<1x256xi32, #tpu.memory_space<vmem>>
    %dma_start3A_156 = tpu.memref_squeeze %dma_start3A_155 : memref<1x256xi32, #tpu.memory_space<vmem>> -> memref<256xi32, #tpu.memory_space<vmem>>
    %dma_start3A_157 = arith.constant 0 : i32
    %dma_start3A_158 = arith.constant 0 : i32
    %dma_start3A_159 = tpu.memref_slice %arg3[%dma_start3A_157, %dma_start3A_158] : memref<100000x64xf32, #tpu.memory_space<hbm>> -> memref<100000x64xf32, #tpu.memory_space<hbm>>
    %dma_start3A_160 = tpu.memref_slice %arg9[%dma_start3A_149] : memref<4x!tpu.dma_semaphore, #tpu.memory_space<semaphore_mem>> -> memref<1x!tpu.dma_semaphore, #tpu.memory_space<semaphore_mem>>
    %dma_start3A_161 = tpu.memref_squeeze %dma_start3A_160 : memref<1x!tpu.dma_semaphore, #tpu.memory_space<semaphore_mem>> -> memref<!tpu.dma_semaphore, #tpu.memory_space<semaphore_mem>>
    tpu.enqueue_indirect_dma source(%dma_start3A_159 : memref<100000x64xf32, #tpu.memory_space<hbm>>) target(%dma_start3A_153 : memref<256x64xf32, #tpu.memory_space<vmem>>) offsets(%dma_start3A_156 : memref<256xi32, #tpu.memory_space<vmem>>) semaphore(%dma_start3A_161 : memref<!tpu.dma_semaphore, #tpu.memory_space<semaphore_mem>>)
    %add3A_162 = arith.constant 2 : i32
    %add3A_163 = vector.broadcast %add3A_162 : i32 to vector<16xi32>
    %add3A_164 = arith.addi %mul3A_5, %add3A_163 : vector<16xi32>
    %gather3A_165 = tpu.vector_load_idx %arg5[%add3A_164] : memref<25600xi32, #tpu.memory_space<vmem>>[vector<16xi32>], vector<16xi32>,
    %swap3A_166 = arith.constant 1 : i32
    %swap3A_167 = arith.index_cast %swap3A_166 : i32 to index
    %swap3A_168 = arith.constant 0 : index
    %swap3A_169 = tpu.vector_load %arg6[%swap3A_167, %swap3A_168] {strides = array<i32>} : memref<4x256xi32, #tpu.memory_space<vmem>>, vector<16xi32>,
    tpu.vector_store %arg6[%swap3A_167, %swap3A_168], %gather3A_165 {strides = array<i32>} : memref<4x256xi32, #tpu.memory_space<vmem>>, vector<16xi32>,
    %add3A_170 = arith.constant 3202 : i32
    %add3A_171 = vector.broadcast %add3A_170 : i32 to vector<16xi32>
    %add3A_172 = arith.addi %mul3A_5, %add3A_171 : vector<16xi32>
    %gather3A_173 = tpu.vector_load_idx %arg5[%add3A_172] : memref<25600xi32, #tpu.memory_space<vmem>>[vector<16xi32>], vector<16xi32>,
    %swap3A_174 = arith.constant 1 : i32
    %swap3A_175 = arith.index_cast %swap3A_174 : i32 to index
    %swap3A_176 = arith.constant 16 : index
    %swap3A_177 = tpu.vector_load %arg6[%swap3A_175, %swap3A_176] {strides = array<i32>} : memref<4x256xi32, #tpu.memory_space<vmem>>, vector<16xi32>,
    tpu.vector_store %arg6[%swap3A_175, %swap3A_176], %gather3A_173 {strides = array<i32>} : memref<4x256xi32, #tpu.memory_space<vmem>>, vector<16xi32>,
    %add3A_178 = arith.constant 6402 : i32
    %add3A_179 = vector.broadcast %add3A_178 : i32 to vector<16xi32>
    %add3A_180 = arith.addi %mul3A_5, %add3A_179 : vector<16xi32>
    %gather3A_181 = tpu.vector_load_idx %arg5[%add3A_180] : memref<25600xi32, #tpu.memory_space<vmem>>[vector<16xi32>], vector<16xi32>,
    %swap3A_182 = arith.constant 1 : i32
    %swap3A_183 = arith.index_cast %swap3A_182 : i32 to index
    %swap3A_184 = arith.constant 32 : index
    %swap3A_185 = tpu.vector_load %arg6[%swap3A_183, %swap3A_184] {strides = array<i32>} : memref<4x256xi32, #tpu.memory_space<vmem>>, vector<16xi32>,
    tpu.vector_store %arg6[%swap3A_183, %swap3A_184], %gather3A_181 {strides = array<i32>} : memref<4x256xi32, #tpu.memory_space<vmem>>, vector<16xi32>,
    %add3A_186 = arith.constant 9602 : i32
    %add3A_187 = vector.broadcast %add3A_186 : i32 to vector<16xi32>
    %add3A_188 = arith.addi %mul3A_5, %add3A_187 : vector<16xi32>
    %gather3A_189 = tpu.vector_load_idx %arg5[%add3A_188] : memref<25600xi32, #tpu.memory_space<vmem>>[vector<16xi32>], vector<16xi32>,
    %swap3A_190 = arith.constant 1 : i32
    %swap3A_191 = arith.index_cast %swap3A_190 : i32 to index
    %swap3A_192 = arith.constant 48 : index
    %swap3A_193 = tpu.vector_load %arg6[%swap3A_191, %swap3A_192] {strides = array<i32>} : memref<4x256xi32, #tpu.memory_space<vmem>>, vector<16xi32>,
    tpu.vector_store %arg6[%swap3A_191, %swap3A_192], %gather3A_189 {strides = array<i32>} : memref<4x256xi32, #tpu.memory_space<vmem>>, vector<16xi32>,
    %add3A_194 = arith.constant 12802 : i32
    %add3A_195 = vector.broadcast %add3A_194 : i32 to vector<16xi32>
    %add3A_196 = arith.addi %mul3A_5, %add3A_195 : vector<16xi32>
    %gather3A_197 = tpu.vector_load_idx %arg5[%add3A_196] : memref<25600xi32, #tpu.memory_space<vmem>>[vector<16xi32>], vector<16xi32>,
    %swap3A_198 = arith.constant 1 : i32
    %swap3A_199 = arith.index_cast %swap3A_198 : i32 to index
    %swap3A_200 = arith.constant 64 : index
    %swap3A_201 = tpu.vector_load %arg6[%swap3A_199, %swap3A_200] {strides = array<i32>} : memref<4x256xi32, #tpu.memory_space<vmem>>, vector<16xi32>,
    tpu.vector_store %arg6[%swap3A_199, %swap3A_200], %gather3A_197 {strides = array<i32>} : memref<4x256xi32, #tpu.memory_space<vmem>>, vector<16xi32>,
    %add3A_202 = arith.constant 16002 : i32
    %add3A_203 = vector.broadcast %add3A_202 : i32 to vector<16xi32>
    %add3A_204 = arith.addi %mul3A_5, %add3A_203 : vector<16xi32>
    %gather3A_205 = tpu.vector_load_idx %arg5[%add3A_204] : memref<25600xi32, #tpu.memory_space<vmem>>[vector<16xi32>], vector<16xi32>,
    %swap3A_206 = arith.constant 1 : i32
    %swap3A_207 = arith.index_cast %swap3A_206 : i32 to index
    %swap3A_208 = arith.constant 80 : index
    %swap3A_209 = tpu.vector_load %arg6[%swap3A_207, %swap3A_208] {strides = array<i32>} : memref<4x256xi32, #tpu.memory_space<vmem>>, vector<16xi32>,
    tpu.vector_store %arg6[%swap3A_207, %swap3A_208], %gather3A_205 {strides = array<i32>} : memref<4x256xi32, #tpu.memory_space<vmem>>, vector<16xi32>,
    %add3A_210 = arith.constant 19202 : i32
    %add3A_211 = vector.broadcast %add3A_210 : i32 to vector<16xi32>
    %add3A_212 = arith.addi %mul3A_5, %add3A_211 : vector<16xi32>
    %gather3A_213 = tpu.vector_load_idx %arg5[%add3A_212] : memref<25600xi32, #tpu.memory_space<vmem>>[vector<16xi32>], vector<16xi32>,
    %swap3A_214 = arith.constant 1 : i32
    %swap3A_215 = arith.index_cast %swap3A_214 : i32 to index
    %swap3A_216 = arith.constant 96 : index
    %swap3A_217 = tpu.vector_load %arg6[%swap3A_215, %swap3A_216] {strides = array<i32>} : memref<4x256xi32, #tpu.memory_space<vmem>>, vector<16xi32>,
    tpu.vector_store %arg6[%swap3A_215, %swap3A_216], %gather3A_213 {strides = array<i32>} : memref<4x256xi32, #tpu.memory_space<vmem>>, vector<16xi32>,
    %add3A_218 = arith.constant 22402 : i32
    %add3A_219 = vector.broadcast %add3A_218 : i32 to vector<16xi32>
    %add3A_220 = arith.addi %mul3A_5, %add3A_219 : vector<16xi32>
    %gather3A_221 = tpu.vector_load_idx %arg5[%add3A_220] : memref<25600xi32, #tpu.memory_space<vmem>>[vector<16xi32>], vector<16xi32>,
    %swap3A_222 = arith.constant 1 : i32
    %swap3A_223 = arith.index_cast %swap3A_222 : i32 to index
    %swap3A_224 = arith.constant 112 : index
    %swap3A_225 = tpu.vector_load %arg6[%swap3A_223, %swap3A_224] {strides = array<i32>} : memref<4x256xi32, #tpu.memory_space<vmem>>, vector<16xi32>,
    tpu.vector_store %arg6[%swap3A_223, %swap3A_224], %gather3A_221 {strides = array<i32>} : memref<4x256xi32, #tpu.memory_space<vmem>>, vector<16xi32>,
    %add3A_226 = arith.constant 3 : i32
    %add3A_227 = vector.broadcast %add3A_226 : i32 to vector<16xi32>
    %add3A_228 = arith.addi %mul3A_5, %add3A_227 : vector<16xi32>
    %gather3A_229 = tpu.vector_load_idx %arg5[%add3A_228] : memref<25600xi32, #tpu.memory_space<vmem>>[vector<16xi32>], vector<16xi32>,
    %swap3A_230 = arith.constant 1 : i32
    %swap3A_231 = arith.index_cast %swap3A_230 : i32 to index
    %swap3A_232 = arith.constant 128 : index
    %swap3A_233 = tpu.vector_load %arg6[%swap3A_231, %swap3A_232] {strides = array<i32>} : memref<4x256xi32, #tpu.memory_space<vmem>>, vector<16xi32>,
    tpu.vector_store %arg6[%swap3A_231, %swap3A_232], %gather3A_229 {strides = array<i32>} : memref<4x256xi32, #tpu.memory_space<vmem>>, vector<16xi32>,
    %add3A_234 = arith.constant 3203 : i32
    %add3A_235 = vector.broadcast %add3A_234 : i32 to vector<16xi32>
    %add3A_236 = arith.addi %mul3A_5, %add3A_235 : vector<16xi32>
    %gather3A_237 = tpu.vector_load_idx %arg5[%add3A_236] : memref<25600xi32, #tpu.memory_space<vmem>>[vector<16xi32>], vector<16xi32>,
    %swap3A_238 = arith.constant 1 : i32
    %swap3A_239 = arith.index_cast %swap3A_238 : i32 to index
    %swap3A_240 = arith.constant 144 : index
    %swap3A_241 = tpu.vector_load %arg6[%swap3A_239, %swap3A_240] {strides = array<i32>} : memref<4x256xi32, #tpu.memory_space<vmem>>, vector<16xi32>,
    tpu.vector_store %arg6[%swap3A_239, %swap3A_240], %gather3A_237 {strides = array<i32>} : memref<4x256xi32, #tpu.memory_space<vmem>>, vector<16xi32>,
    %add3A_242 = arith.constant 6403 : i32
    %add3A_243 = vector.broadcast %add3A_242 : i32 to vector<16xi32>
    %add3A_244 = arith.addi %mul3A_5, %add3A_243 : vector<16xi32>
    %gather3A_245 = tpu.vector_load_idx %arg5[%add3A_244] : memref<25600xi32, #tpu.memory_space<vmem>>[vector<16xi32>], vector<16xi32>,
    %swap3A_246 = arith.constant 1 : i32
    %swap3A_247 = arith.index_cast %swap3A_246 : i32 to index
    %swap3A_248 = arith.constant 160 : index
    %swap3A_249 = tpu.vector_load %arg6[%swap3A_247, %swap3A_248] {strides = array<i32>} : memref<4x256xi32, #tpu.memory_space<vmem>>, vector<16xi32>,
    tpu.vector_store %arg6[%swap3A_247, %swap3A_248], %gather3A_245 {strides = array<i32>} : memref<4x256xi32, #tpu.memory_space<vmem>>, vector<16xi32>,
    %add3A_250 = arith.constant 9603 : i32
    %add3A_251 = vector.broadcast %add3A_250 : i32 to vector<16xi32>
    %add3A_252 = arith.addi %mul3A_5, %add3A_251 : vector<16xi32>
    %gather3A_253 = tpu.vector_load_idx %arg5[%add3A_252] : memref<25600xi32, #tpu.memory_space<vmem>>[vector<16xi32>], vector<16xi32>,
    %swap3A_254 = arith.constant 1 : i32
    %swap3A_255 = arith.index_cast %swap3A_254 : i32 to index
    %swap3A_256 = arith.constant 176 : index
    %swap3A_257 = tpu.vector_load %arg6[%swap3A_255, %swap3A_256] {strides = array<i32>} : memref<4x256xi32, #tpu.memory_space<vmem>>, vector<16xi32>,
    tpu.vector_store %arg6[%swap3A_255, %swap3A_256], %gather3A_253 {strides = array<i32>} : memref<4x256xi32, #tpu.memory_space<vmem>>, vector<16xi32>,
    %add3A_258 = arith.constant 12803 : i32
    %add3A_259 = vector.broadcast %add3A_258 : i32 to vector<16xi32>
    %add3A_260 = arith.addi %mul3A_5, %add3A_259 : vector<16xi32>
    %gather3A_261 = tpu.vector_load_idx %arg5[%add3A_260] : memref<25600xi32, #tpu.memory_space<vmem>>[vector<16xi32>], vector<16xi32>,
    %swap3A_262 = arith.constant 1 : i32
    %swap3A_263 = arith.index_cast %swap3A_262 : i32 to index
    %swap3A_264 = arith.constant 192 : index
    %swap3A_265 = tpu.vector_load %arg6[%swap3A_263, %swap3A_264] {strides = array<i32>} : memref<4x256xi32, #tpu.memory_space<vmem>>, vector<16xi32>,
    tpu.vector_store %arg6[%swap3A_263, %swap3A_264], %gather3A_261 {strides = array<i32>} : memref<4x256xi32, #tpu.memory_space<vmem>>, vector<16xi32>,
    %add3A_266 = arith.constant 16003 : i32
    %add3A_267 = vector.broadcast %add3A_266 : i32 to vector<16xi32>
    %add3A_268 = arith.addi %mul3A_5, %add3A_267 : vector<16xi32>
    %gather3A_269 = tpu.vector_load_idx %arg5[%add3A_268] : memref<25600xi32, #tpu.memory_space<vmem>>[vector<16xi32>], vector<16xi32>,
    %swap3A_270 = arith.constant 1 : i32
    %swap3A_271 = arith.index_cast %swap3A_270 : i32 to index
    %swap3A_272 = arith.constant 208 : index
    %swap3A_273 = tpu.vector_load %arg6[%swap3A_271, %swap3A_272] {strides = array<i32>} : memref<4x256xi32, #tpu.memory_space<vmem>>, vector<16xi32>,
    tpu.vector_store %arg6[%swap3A_271, %swap3A_272], %gather3A_269 {strides = array<i32>} : memref<4x256xi32, #tpu.memory_space<vmem>>, vector<16xi32>,
    %add3A_274 = arith.constant 19203 : i32
    %add3A_275 = vector.broadcast %add3A_274 : i32 to vector<16xi32>
    %add3A_276 = arith.addi %mul3A_5, %add3A_275 : vector<16xi32>
    %gather3A_277 = tpu.vector_load_idx %arg5[%add3A_276] : memref<25600xi32, #tpu.memory_space<vmem>>[vector<16xi32>], vector<16xi32>,
    %swap3A_278 = arith.constant 1 : i32
    %swap3A_279 = arith.index_cast %swap3A_278 : i32 to index
    %swap3A_280 = arith.constant 224 : index
    %swap3A_281 = tpu.vector_load %arg6[%swap3A_279, %swap3A_280] {strides = array<i32>} : memref<4x256xi32, #tpu.memory_space<vmem>>, vector<16xi32>,
    tpu.vector_store %arg6[%swap3A_279, %swap3A_280], %gather3A_277 {strides = array<i32>} : memref<4x256xi32, #tpu.memory_space<vmem>>, vector<16xi32>,
    %add3A_282 = arith.constant 22403 : i32
    %add3A_283 = vector.broadcast %add3A_282 : i32 to vector<16xi32>
    %add3A_284 = arith.addi %mul3A_5, %add3A_283 : vector<16xi32>
    %gather3A_285 = tpu.vector_load_idx %arg5[%add3A_284] : memref<25600xi32, #tpu.memory_space<vmem>>[vector<16xi32>], vector<16xi32>,
    %swap3A_286 = arith.constant 1 : i32
    %swap3A_287 = arith.index_cast %swap3A_286 : i32 to index
    %swap3A_288 = arith.constant 240 : index
    %swap3A_289 = tpu.vector_load %arg6[%swap3A_287, %swap3A_288] {strides = array<i32>} : memref<4x256xi32, #tpu.memory_space<vmem>>, vector<16xi32>,
    tpu.vector_store %arg6[%swap3A_287, %swap3A_288], %gather3A_285 {strides = array<i32>} : memref<4x256xi32, #tpu.memory_space<vmem>>, vector<16xi32>,
    %dma_start3A_290 = arith.constant 1 : i32
    %dma_start3A_291 = arith.constant 1 : i32
    %dma_start3A_292 = arith.constant 1 : i32
    %dma_start3A_293 = arith.constant 0 : i32
    %dma_start3A_294 = arith.constant 0 : i32
    %dma_start3A_295 = tpu.memref_slice %arg7[%dma_start3A_291, %dma_start3A_293, %dma_start3A_294] : memref<4x256x64xf32, #tpu.memory_space<vmem>> -> memref<1x256x64xf32, #tpu.memory_space<vmem>>
    %dma_start3A_296 = tpu.memref_squeeze %dma_start3A_295 : memref<1x256x64xf32, #tpu.memory_space<vmem>> -> memref<256x64xf32, #tpu.memory_space<vmem>>
    %dma_start3A_297 = arith.constant 0 : i32
    %dma_start3A_298 = tpu.memref_slice %arg6[%dma_start3A_290, %dma_start3A_297] : memref<4x256xi32, #tpu.memory_space<vmem>> -> memref<1x256xi32, #tpu.memory_space<vmem>>
    %dma_start3A_299 = tpu.memref_squeeze %dma_start3A_298 : memref<1x256xi32, #tpu.memory_space<vmem>> -> memref<256xi32, #tpu.memory_space<vmem>>
    %dma_start3A_300 = arith.constant 0 : i32
    %dma_start3A_301 = arith.constant 0 : i32
    %dma_start3A_302 = tpu.memref_slice %arg3[%dma_start3A_300, %dma_start3A_301] : memref<100000x64xf32, #tpu.memory_space<hbm>> -> memref<100000x64xf32, #tpu.memory_space<hbm>>
    %dma_start3A_303 = tpu.memref_slice %arg9[%dma_start3A_292] : memref<4x!tpu.dma_semaphore, #tpu.memory_space<semaphore_mem>> -> memref<1x!tpu.dma_semaphore, #tpu.memory_space<semaphore_mem>>
    %dma_start3A_304 = tpu.memref_squeeze %dma_start3A_303 : memref<1x!tpu.dma_semaphore, #tpu.memory_space<semaphore_mem>> -> memref<!tpu.dma_semaphore, #tpu.memory_space<semaphore_mem>>
    tpu.enqueue_indirect_dma source(%dma_start3A_302 : memref<100000x64xf32, #tpu.memory_space<hbm>>) target(%dma_start3A_296 : memref<256x64xf32, #tpu.memory_space<vmem>>) offsets(%dma_start3A_299 : memref<256xi32, #tpu.memory_space<vmem>>) semaphore(%dma_start3A_304 : memref<!tpu.dma_semaphore, #tpu.memory_space<semaphore_mem>>)
    %add3A_305 = arith.constant 4 : i32
    %add3A_306 = vector.broadcast %add3A_305 : i32 to vector<16xi32>
    %add3A_307 = arith.addi %mul3A_5, %add3A_306 : vector<16xi32>
    %gather3A_308 = tpu.vector_load_idx %arg5[%add3A_307] : memref<25600xi32, #tpu.memory_space<vmem>>[vector<16xi32>], vector<16xi32>,
    %swap3A_309 = arith.constant 2 : i32
    %swap3A_310 = arith.index_cast %swap3A_309 : i32 to index
    %swap3A_311 = arith.constant 0 : index
    %swap3A_312 = tpu.vector_load %arg6[%swap3A_310, %swap3A_311] {strides = array<i32>} : memref<4x256xi32, #tpu.memory_space<vmem>>, vector<16xi32>,
    tpu.vector_store %arg6[%swap3A_310, %swap3A_311], %gather3A_308 {strides = array<i32>} : memref<4x256xi32, #tpu.memory_space<vmem>>, vector<16xi32>,
    %add3A_313 = arith.constant 3204 : i32
    %add3A_314 = vector.broadcast %add3A_313 : i32 to vector<16xi32>
    %add3A_315 = arith.addi %mul3A_5, %add3A_314 : vector<16xi32>
    %gather3A_316 = tpu.vector_load_idx %arg5[%add3A_315] : memref<25600xi32, #tpu.memory_space<vmem>>[vector<16xi32>], vector<16xi32>,
    %swap3A_317 = arith.constant 2 : i32
    %swap3A_318 = arith.index_cast %swap3A_317 : i32 to index
    %swap3A_319 = arith.constant 16 : index
    %swap3A_320 = tpu.vector_load %arg6[%swap3A_318, %swap3A_319] {strides = array<i32>} : memref<4x256xi32, #tpu.memory_space<vmem>>, vector<16xi32>,
    tpu.vector_store %arg6[%swap3A_318, %swap3A_319], %gather3A_316 {strides = array<i32>} : memref<4x256xi32, #tpu.memory_space<vmem>>, vector<16xi32>,
    %add3A_321 = arith.constant 6404 : i32
    %add3A_322 = vector.broadcast %add3A_321 : i32 to vector<16xi32>
    %add3A_323 = arith.addi %mul3A_5, %add3A_322 : vector<16xi32>
    %gather3A_324 = tpu.vector_load_idx %arg5[%add3A_323] : memref<25600xi32, #tpu.memory_space<vmem>>[vector<16xi32>], vector<16xi32>,
    %swap3A_325 = arith.constant 2 : i32
    %swap3A_326 = arith.index_cast %swap3A_325 : i32 to index
    %swap3A_327 = arith.constant 32 : index
    %swap3A_328 = tpu.vector_load %arg6[%swap3A_326, %swap3A_327] {strides = array<i32>} : memref<4x256xi32, #tpu.memory_space<vmem>>, vector<16xi32>,
    tpu.vector_store %arg6[%swap3A_326, %swap3A_327], %gather3A_324 {strides = array<i32>} : memref<4x256xi32, #tpu.memory_space<vmem>>, vector<16xi32>,
    %add3A_329 = arith.constant 9604 : i32
    %add3A_330 = vector.broadcast %add3A_329 : i32 to vector<16xi32>
    %add3A_331 = arith.addi %mul3A_5, %add3A_330 : vector<16xi32>
    %gather3A_332 = tpu.vector_load_idx %arg5[%add3A_331] : memref<25600xi32, #tpu.memory_space<vmem>>[vector<16xi32>], vector<16xi32>,
    %swap3A_333 = arith.constant 2 : i32
    %swap3A_334 = arith.index_cast %swap3A_333 : i32 to index
    %swap3A_335 = arith.constant 48 : index
    %swap3A_336 = tpu.vector_load %arg6[%swap3A_334, %swap3A_335] {strides = array<i32>} : memref<4x256xi32, #tpu.memory_space<vmem>>, vector<16xi32>,
    tpu.vector_store %arg6[%swap3A_334, %swap3A_335], %gather3A_332 {strides = array<i32>} : memref<4x256xi32, #tpu.memory_space<vmem>>, vector<16xi32>,
    %add3A_337 = arith.constant 12804 : i32
    %add3A_338 = vector.broadcast %add3A_337 : i32 to vector<16xi32>
    %add3A_339 = arith.addi %mul3A_5, %add3A_338 : vector<16xi32>
    %gather3A_340 = tpu.vector_load_idx %arg5[%add3A_339] : memref<25600xi32, #tpu.memory_space<vmem>>[vector<16xi32>], vector<16xi32>,
    %swap3A_341 = arith.constant 2 : i32
    %swap3A_342 = arith.index_cast %swap3A_341 : i32 to index
    %swap3A_343 = arith.constant 64 : index
    %swap3A_344 = tpu.vector_load %arg6[%swap3A_342, %swap3A_343] {strides = array<i32>} : memref<4x256xi32, #tpu.memory_space<vmem>>, vector<16xi32>,
    tpu.vector_store %arg6[%swap3A_342, %swap3A_343], %gather3A_340 {strides = array<i32>} : memref<4x256xi32, #tpu.memory_space<vmem>>, vector<16xi32>,
    %add3A_345 = arith.constant 16004 : i32
    %add3A_346 = vector.broadcast %add3A_345 : i32 to vector<16xi32>
    %add3A_347 = arith.addi %mul3A_5, %add3A_346 : vector<16xi32>
    %gather3A_348 = tpu.vector_load_idx %arg5[%add3A_347] : memref<25600xi32, #tpu.memory_space<vmem>>[vector<16xi32>], vector<16xi32>,
    %swap3A_349 = arith.constant 2 : i32
    %swap3A_350 = arith.index_cast %swap3A_349 : i32 to index
    %swap3A_351 = arith.constant 80 : index
    %swap3A_352 = tpu.vector_load %arg6[%swap3A_350, %swap3A_351] {strides = array<i32>} : memref<4x256xi32, #tpu.memory_space<vmem>>, vector<16xi32>,
    tpu.vector_store %arg6[%swap3A_350, %swap3A_351], %gather3A_348 {strides = array<i32>} : memref<4x256xi32, #tpu.memory_space<vmem>>, vector<16xi32>,
    %add3A_353 = arith.constant 19204 : i32
    %add3A_354 = vector.broadcast %add3A_353 : i32 to vector<16xi32>
    %add3A_355 = arith.addi %mul3A_5, %add3A_354 : vector<16xi32>
    %gather3A_356 = tpu.vector_load_idx %arg5[%add3A_355] : memref<25600xi32, #tpu.memory_space<vmem>>[vector<16xi32>], vector<16xi32>,
    %swap3A_357 = arith.constant 2 : i32
    %swap3A_358 = arith.index_cast %swap3A_357 : i32 to index
    %swap3A_359 = arith.constant 96 : index
    %swap3A_360 = tpu.vector_load %arg6[%swap3A_358, %swap3A_359] {strides = array<i32>} : memref<4x256xi32, #tpu.memory_space<vmem>>, vector<16xi32>,
    tpu.vector_store %arg6[%swap3A_358, %swap3A_359], %gather3A_356 {strides = array<i32>} : memref<4x256xi32, #tpu.memory_space<vmem>>, vector<16xi32>,
    %add3A_361 = arith.constant 22404 : i32
    %add3A_362 = vector.broadcast %add3A_361 : i32 to vector<16xi32>
    %add3A_363 = arith.addi %mul3A_5, %add3A_362 : vector<16xi32>
    %gather3A_364 = tpu.vector_load_idx %arg5[%add3A_363] : memref<25600xi32, #tpu.memory_space<vmem>>[vector<16xi32>], vector<16xi32>,
    %swap3A_365 = arith.constant 2 : i32
    %swap3A_366 = arith.index_cast %swap3A_365 : i32 to index
    %swap3A_367 = arith.constant 112 : index
    %swap3A_368 = tpu.vector_load %arg6[%swap3A_366, %swap3A_367] {strides = array<i32>} : memref<4x256xi32, #tpu.memory_space<vmem>>, vector<16xi32>,
    tpu.vector_store %arg6[%swap3A_366, %swap3A_367], %gather3A_364 {strides = array<i32>} : memref<4x256xi32, #tpu.memory_space<vmem>>, vector<16xi32>,
    %add3A_369 = arith.constant 5 : i32
    %add3A_370 = vector.broadcast %add3A_369 : i32 to vector<16xi32>
    %add3A_371 = arith.addi %mul3A_5, %add3A_370 : vector<16xi32>
    %gather3A_372 = tpu.vector_load_idx %arg5[%add3A_371] : memref<25600xi32, #tpu.memory_space<vmem>>[vector<16xi32>], vector<16xi32>,
    %swap3A_373 = arith.constant 2 : i32
    %swap3A_374 = arith.index_cast %swap3A_373 : i32 to index
    %swap3A_375 = arith.constant 128 : index
    %swap3A_376 = tpu.vector_load %arg6[%swap3A_374, %swap3A_375] {strides = array<i32>} : memref<4x256xi32, #tpu.memory_space<vmem>>, vector<16xi32>,
    tpu.vector_store %arg6[%swap3A_374, %swap3A_375], %gather3A_372 {strides = array<i32>} : memref<4x256xi32, #tpu.memory_space<vmem>>, vector<16xi32>,
    %add3A_377 = arith.constant 3205 : i32
    %add3A_378 = vector.broadcast %add3A_377 : i32 to vector<16xi32>
    %add3A_379 = arith.addi %mul3A_5, %add3A_378 : vector<16xi32>
    %gather3A_380 = tpu.vector_load_idx %arg5[%add3A_379] : memref<25600xi32, #tpu.memory_space<vmem>>[vector<16xi32>], vector<16xi32>,
    %swap3A_381 = arith.constant 2 : i32
    %swap3A_382 = arith.index_cast %swap3A_381 : i32 to index
    %swap3A_383 = arith.constant 144 : index
    %swap3A_384 = tpu.vector_load %arg6[%swap3A_382, %swap3A_383] {strides = array<i32>} : memref<4x256xi32, #tpu.memory_space<vmem>>, vector<16xi32>,
    tpu.vector_store %arg6[%swap3A_382, %swap3A_383], %gather3A_380 {strides = array<i32>} : memref<4x256xi32, #tpu.memory_space<vmem>>, vector<16xi32>,
    %add3A_385 = arith.constant 6405 : i32
    %add3A_386 = vector.broadcast %add3A_385 : i32 to vector<16xi32>
    %add3A_387 = arith.addi %mul3A_5, %add3A_386 : vector<16xi32>
    %gather3A_388 = tpu.vector_load_idx %arg5[%add3A_387] : memref<25600xi32, #tpu.memory_space<vmem>>[vector<16xi32>], vector<16xi32>,
    %swap3A_389 = arith.constant 2 : i32
    %swap3A_390 = arith.index_cast %swap3A_389 : i32 to index
    %swap3A_391 = arith.constant 160 : index
    %swap3A_392 = tpu.vector_load %arg6[%swap3A_390, %swap3A_391] {strides = array<i32>} : memref<4x256xi32, #tpu.memory_space<vmem>>, vector<16xi32>,
    tpu.vector_store %arg6[%swap3A_390, %swap3A_391], %gather3A_388 {strides = array<i32>} : memref<4x256xi32, #tpu.memory_space<vmem>>, vector<16xi32>,
    %add3A_393 = arith.constant 9605 : i32
    %add3A_394 = vector.broadcast %add3A_393 : i32 to vector<16xi32>
    %add3A_395 = arith.addi %mul3A_5, %add3A_394 : vector<16xi32>
    %gather3A_396 = tpu.vector_load_idx %arg5[%add3A_395] : memref<25600xi32, #tpu.memory_space<vmem>>[vector<16xi32>], vector<16xi32>,
    %swap3A_397 = arith.constant 2 : i32
    %swap3A_398 = arith.index_cast %swap3A_397 : i32 to index
    %swap3A_399 = arith.constant 176 : index
    %swap3A_400 = tpu.vector_load %arg6[%swap3A_398, %swap3A_399] {strides = array<i32>} : memref<4x256xi32, #tpu.memory_space<vmem>>, vector<16xi32>,
    tpu.vector_store %arg6[%swap3A_398, %swap3A_399], %gather3A_396 {strides = array<i32>} : memref<4x256xi32, #tpu.memory_space<vmem>>, vector<16xi32>,
    %add3A_401 = arith.constant 12805 : i32
    %add3A_402 = vector.broadcast %add3A_401 : i32 to vector<16xi32>
    %add3A_403 = arith.addi %mul3A_5, %add3A_402 : vector<16xi32>
    %gather3A_404 = tpu.vector_load_idx %arg5[%add3A_403] : memref<25600xi32, #tpu.memory_space<vmem>>[vector<16xi32>], vector<16xi32>,
    %swap3A_405 = arith.constant 2 : i32
    %swap3A_406 = arith.index_cast %swap3A_405 : i32 to index
    %swap3A_407 = arith.constant 192 : index
    %swap3A_408 = tpu.vector_load %arg6[%swap3A_406, %swap3A_407] {strides = array<i32>} : memref<4x256xi32, #tpu.memory_space<vmem>>, vector<16xi32>,
    tpu.vector_store %arg6[%swap3A_406, %swap3A_407], %gather3A_404 {strides = array<i32>} : memref<4x256xi32, #tpu.memory_space<vmem>>, vector<16xi32>,
    %add3A_409 = arith.constant 16005 : i32
    %add3A_410 = vector.broadcast %add3A_409 : i32 to vector<16xi32>
    %add3A_411 = arith.addi %mul3A_5, %add3A_410 : vector<16xi32>
    %gather3A_412 = tpu.vector_load_idx %arg5[%add3A_411] : memref<25600xi32, #tpu.memory_space<vmem>>[vector<16xi32>], vector<16xi32>,
    %swap3A_413 = arith.constant 2 : i32
    %swap3A_414 = arith.index_cast %swap3A_413 : i32 to index
    %swap3A_415 = arith.constant 208 : index
    %swap3A_416 = tpu.vector_load %arg6[%swap3A_414, %swap3A_415] {strides = array<i32>} : memref<4x256xi32, #tpu.memory_space<vmem>>, vector<16xi32>,
    tpu.vector_store %arg6[%swap3A_414, %swap3A_415], %gather3A_412 {strides = array<i32>} : memref<4x256xi32, #tpu.memory_space<vmem>>, vector<16xi32>,
    %add3A_417 = arith.constant 19205 : i32
    %add3A_418 = vector.broadcast %add3A_417 : i32 to vector<16xi32>
    %add3A_419 = arith.addi %mul3A_5, %add3A_418 : vector<16xi32>
    %gather3A_420 = tpu.vector_load_idx %arg5[%add3A_419] : memref<25600xi32, #tpu.memory_space<vmem>>[vector<16xi32>], vector<16xi32>,
    %swap3A_421 = arith.constant 2 : i32
    %swap3A_422 = arith.index_cast %swap3A_421 : i32 to index
    %swap3A_423 = arith.constant 224 : index
    %swap3A_424 = tpu.vector_load %arg6[%swap3A_422, %swap3A_423] {strides = array<i32>} : memref<4x256xi32, #tpu.memory_space<vmem>>, vector<16xi32>,
    tpu.vector_store %arg6[%swap3A_422, %swap3A_423], %gather3A_420 {strides = array<i32>} : memref<4x256xi32, #tpu.memory_space<vmem>>, vector<16xi32>,
    %add3A_425 = arith.constant 22405 : i32
    %add3A_426 = vector.broadcast %add3A_425 : i32 to vector<16xi32>
    %add3A_427 = arith.addi %mul3A_5, %add3A_426 : vector<16xi32>
    %gather3A_428 = tpu.vector_load_idx %arg5[%add3A_427] : memref<25600xi32, #tpu.memory_space<vmem>>[vector<16xi32>], vector<16xi32>,
    %swap3A_429 = arith.constant 2 : i32
    %swap3A_430 = arith.index_cast %swap3A_429 : i32 to index
    %swap3A_431 = arith.constant 240 : index
    %swap3A_432 = tpu.vector_load %arg6[%swap3A_430, %swap3A_431] {strides = array<i32>} : memref<4x256xi32, #tpu.memory_space<vmem>>, vector<16xi32>,
    tpu.vector_store %arg6[%swap3A_430, %swap3A_431], %gather3A_428 {strides = array<i32>} : memref<4x256xi32, #tpu.memory_space<vmem>>, vector<16xi32>,
    %dma_start3A_433 = arith.constant 2 : i32
    %dma_start3A_434 = arith.constant 2 : i32
    %dma_start3A_435 = arith.constant 2 : i32
    %dma_start3A_436 = arith.constant 0 : i32
    %dma_start3A_437 = arith.constant 0 : i32
    %dma_start3A_438 = tpu.memref_slice %arg7[%dma_start3A_434, %dma_start3A_436, %dma_start3A_437] : memref<4x256x64xf32, #tpu.memory_space<vmem>> -> memref<1x256x64xf32, #tpu.memory_space<vmem>>
    %dma_start3A_439 = tpu.memref_squeeze %dma_start3A_438 : memref<1x256x64xf32, #tpu.memory_space<vmem>> -> memref<256x64xf32, #tpu.memory_space<vmem>>
    %dma_start3A_440 = arith.constant 0 : i32
    %dma_start3A_441 = tpu.memref_slice %arg6[%dma_start3A_433, %dma_start3A_440] : memref<4x256xi32, #tpu.memory_space<vmem>> -> memref<1x256xi32, #tpu.memory_space<vmem>>
    %dma_start3A_442 = tpu.memref_squeeze %dma_start3A_441 : memref<1x256xi32, #tpu.memory_space<vmem>> -> memref<256xi32, #tpu.memory_space<vmem>>
    %dma_start3A_443 = arith.constant 0 : i32
    %dma_start3A_444 = arith.constant 0 : i32
    %dma_start3A_445 = tpu.memref_slice %arg3[%dma_start3A_443, %dma_start3A_444] : memref<100000x64xf32, #tpu.memory_space<hbm>> -> memref<100000x64xf32, #tpu.memory_space<hbm>>
    %dma_start3A_446 = tpu.memref_slice %arg9[%dma_start3A_435] : memref<4x!tpu.dma_semaphore, #tpu.memory_space<semaphore_mem>> -> memref<1x!tpu.dma_semaphore, #tpu.memory_space<semaphore_mem>>
    %dma_start3A_447 = tpu.memref_squeeze %dma_start3A_446 : memref<1x!tpu.dma_semaphore, #tpu.memory_space<semaphore_mem>> -> memref<!tpu.dma_semaphore, #tpu.memory_space<semaphore_mem>>
    tpu.enqueue_indirect_dma source(%dma_start3A_445 : memref<100000x64xf32, #tpu.memory_space<hbm>>) target(%dma_start3A_439 : memref<256x64xf32, #tpu.memory_space<vmem>>) offsets(%dma_start3A_442 : memref<256xi32, #tpu.memory_space<vmem>>) semaphore(%dma_start3A_447 : memref<!tpu.dma_semaphore, #tpu.memory_space<semaphore_mem>>)
    %scan3A = arith.constant 0 : i32
    %scan3A_448 = arith.constant 0 : i32
    %scan3A_449 = arith.constant 25 : i32
    %scan3A_450 = arith.addi %scan3A_448, %scan3A_449 : i32
    %scan3A_451 = arith.constant 1 : i32
    scf.for %scan3A_556 = %scan3A_448 to %scan3A_450 step %scan3A_451  : i32 {
      %mul3A_557 = arith.constant 4 : i32
      %mul3A_558 = arith.muli %mul3A_557, %scan3A_556 : i32
      %add3A_559 = arith.constant 0 : i32
      %add3A_560 = arith.addi %mul3A_558, %add3A_559 : i32
      %dma_wait3A_561 = arith.constant 0 : i32
      %dma_wait3A_562 = arith.constant 0 : i32
      %dma_wait3A_563 = arith.constant 0 : i32
      %dma_wait3A_564 = arith.constant 0 : i32
      %dma_wait3A_565 = arith.constant 0 : i32
      %dma_wait3A_566 = tpu.memref_slice %arg7[%dma_wait3A_562, %dma_wait3A_564, %dma_wait3A_565] : memref<4x256x64xf32, #tpu.memory_space<vmem>> -> memref<1x256x64xf32, #tpu.memory_space<vmem>>
      %dma_wait3A_567 = tpu.memref_squeeze %dma_wait3A_566 : memref<1x256x64xf32, #tpu.memory_space<vmem>> -> memref<256x64xf32, #tpu.memory_space<vmem>>
      %dma_wait3A_568 = arith.constant 0 : i32
      %dma_wait3A_569 = tpu.memref_slice %arg6[%dma_wait3A_561, %dma_wait3A_568] : memref<4x256xi32, #tpu.memory_space<vmem>> -> memref<1x256xi32, #tpu.memory_space<vmem>>
      %dma_wait3A_570 = tpu.memref_squeeze %dma_wait3A_569 : memref<1x256xi32, #tpu.memory_space<vmem>> -> memref<256xi32, #tpu.memory_space<vmem>>
      %dma_wait3A_571 = arith.constant 0 : i32
      %dma_wait3A_572 = arith.constant 0 : i32
      %dma_wait3A_573 = tpu.memref_slice %arg3[%dma_wait3A_571, %dma_wait3A_572] : memref<100000x64xf32, #tpu.memory_space<hbm>> -> memref<100000x64xf32, #tpu.memory_space<hbm>>
      %dma_wait3A_574 = tpu.memref_slice %arg9[%dma_wait3A_563] : memref<4x!tpu.dma_semaphore, #tpu.memory_space<semaphore_mem>> -> memref<1x!tpu.dma_semaphore, #tpu.memory_space<semaphore_mem>>
      %dma_wait3A_575 = tpu.memref_squeeze %dma_wait3A_574 : memref<1x!tpu.dma_semaphore, #tpu.memory_space<semaphore_mem>> -> memref<!tpu.dma_semaphore, #tpu.memory_space<semaphore_mem>>
      tpu.wait_indirect_dma semaphore(%dma_wait3A_575 : memref<!tpu.dma_semaphore, #tpu.memory_space<semaphore_mem>>) src(%dma_wait3A_573 : memref<100000x64xf32, #tpu.memory_space<hbm>>) dst(%dma_wait3A_567 : memref<256x64xf32, #tpu.memory_space<vmem>>)
      %add3A_576 = arith.constant 3 : i32
      %add3A_577 = arith.addi %add3A_560, %add3A_576 : i32
      %lt3A = arith.constant 100 : i32
      %lt3A_578 = arith.cmpi slt, %add3A_577, %lt3A : i32
      %convert_element_type3A = arith.extui %lt3A_578 : i1 to i32
      %cond3A = arith.constant 0 : i32
      %cond3A_579 = arith.cmpi ne, %convert_element_type3A, %cond3A : i32
      scf.if %cond3A_579 {
        %add3A_918 = arith.constant 3 : i32
        %add3A_919 = arith.addi %add3A_560, %add3A_918 : i32
        %mul3A_920 = arith.constant 2 : i32
        %mul3A_921 = arith.muli %mul3A_920, %add3A_919 : i32
        %add3A_922 = arith.constant 0 : i32
        %add3A_923 = arith.addi %add3A_922, %mul3A_921 : i32
        %add3A_924 = arith.constant 0 : i32
        %add3A_925 = arith.addi %add3A_923, %add3A_924 : i32
        %add3A_926 = vector.broadcast %add3A_925 : i32 to vector<16xi32>
        %add3A_927 = arith.addi %mul3A_5, %add3A_926 : vector<16xi32>
        %gather3A_928 = tpu.vector_load_idx %arg5[%add3A_927] : memref<25600xi32, #tpu.memory_space<vmem>>[vector<16xi32>], vector<16xi32>,
        %swap3A_929 = arith.constant 3 : i32
        %swap3A_930 = arith.index_cast %swap3A_929 : i32 to index
        %swap3A_931 = arith.constant 0 : index
        %swap3A_932 = tpu.vector_load %arg6[%swap3A_930, %swap3A_931] {strides = array<i32>} : memref<4x256xi32, #tpu.memory_space<vmem>>, vector<16xi32>,
        tpu.vector_store %arg6[%swap3A_930, %swap3A_931], %gather3A_928 {strides = array<i32>} : memref<4x256xi32, #tpu.memory_space<vmem>>, vector<16xi32>,
        %mul3A_933 = arith.constant 2 : i32
        %mul3A_934 = arith.muli %mul3A_933, %add3A_919 : i32
        %add3A_935 = arith.constant 3200 : i32
        %add3A_936 = arith.addi %add3A_935, %mul3A_934 : i32
        %add3A_937 = arith.constant 0 : i32
        %add3A_938 = arith.addi %add3A_936, %add3A_937 : i32
        %add3A_939 = vector.broadcast %add3A_938 : i32 to vector<16xi32>
        %add3A_940 = arith.addi %mul3A_5, %add3A_939 : vector<16xi32>
        %gather3A_941 = tpu.vector_load_idx %arg5[%add3A_940] : memref<25600xi32, #tpu.memory_space<vmem>>[vector<16xi32>], vector<16xi32>,
        %swap3A_942 = arith.constant 3 : i32
        %swap3A_943 = arith.index_cast %swap3A_942 : i32 to index
        %swap3A_944 = arith.constant 16 : index
        %swap3A_945 = tpu.vector_load %arg6[%swap3A_943, %swap3A_944] {strides = array<i32>} : memref<4x256xi32, #tpu.memory_space<vmem>>, vector<16xi32>,
        tpu.vector_store %arg6[%swap3A_943, %swap3A_944], %gather3A_941 {strides = array<i32>} : memref<4x256xi32, #tpu.memory_space<vmem>>, vector<16xi32>,
        %mul3A_946 = arith.constant 2 : i32
        %mul3A_947 = arith.muli %mul3A_946, %add3A_919 : i32
        %add3A_948 = arith.constant 6400 : i32
        %add3A_949 = arith.addi %add3A_948, %mul3A_947 : i32
        %add3A_950 = arith.constant 0 : i32
        %add3A_951 = arith.addi %add3A_949, %add3A_950 : i32
        %add3A_952 = vector.broadcast %add3A_951 : i32 to vector<16xi32>
        %add3A_953 = arith.addi %mul3A_5, %add3A_952 : vector<16xi32>
        %gather3A_954 = tpu.vector_load_idx %arg5[%add3A_953] : memref<25600xi32, #tpu.memory_space<vmem>>[vector<16xi32>], vector<16xi32>,
        %swap3A_955 = arith.constant 3 : i32
        %swap3A_956 = arith.index_cast %swap3A_955 : i32 to index
        %swap3A_957 = arith.constant 32 : index
        %swap3A_958 = tpu.vector_load %arg6[%swap3A_956, %swap3A_957] {strides = array<i32>} : memref<4x256xi32, #tpu.memory_space<vmem>>, vector<16xi32>,
        tpu.vector_store %arg6[%swap3A_956, %swap3A_957], %gather3A_954 {strides = array<i32>} : memref<4x256xi32, #tpu.memory_space<vmem>>, vector<16xi32>,
        %mul3A_959 = arith.constant 2 : i32
        %mul3A_960 = arith.muli %mul3A_959, %add3A_919 : i32
        %add3A_961 = arith.constant 9600 : i32
        %add3A_962 = arith.addi %add3A_961, %mul3A_960 : i32
        %add3A_963 = arith.constant 0 : i32
        %add3A_964 = arith.addi %add3A_962, %add3A_963 : i32
        %add3A_965 = vector.broadcast %add3A_964 : i32 to vector<16xi32>
        %add3A_966 = arith.addi %mul3A_5, %add3A_965 : vector<16xi32>
        %gather3A_967 = tpu.vector_load_idx %arg5[%add3A_966] : memref<25600xi32, #tpu.memory_space<vmem>>[vector<16xi32>], vector<16xi32>,
        %swap3A_968 = arith.constant 3 : i32
        %swap3A_969 = arith.index_cast %swap3A_968 : i32 to index
        %swap3A_970 = arith.constant 48 : index
        %swap3A_971 = tpu.vector_load %arg6[%swap3A_969, %swap3A_970] {strides = array<i32>} : memref<4x256xi32, #tpu.memory_space<vmem>>, vector<16xi32>,
        tpu.vector_store %arg6[%swap3A_969, %swap3A_970], %gather3A_967 {strides = array<i32>} : memref<4x256xi32, #tpu.memory_space<vmem>>, vector<16xi32>,
        %mul3A_972 = arith.constant 2 : i32
        %mul3A_973 = arith.muli %mul3A_972, %add3A_919 : i32
        %add3A_974 = arith.constant 12800 : i32
        %add3A_975 = arith.addi %add3A_974, %mul3A_973 : i32
        %add3A_976 = arith.constant 0 : i32
        %add3A_977 = arith.addi %add3A_975, %add3A_976 : i32
        %add3A_978 = vector.broadcast %add3A_977 : i32 to vector<16xi32>
        %add3A_979 = arith.addi %mul3A_5, %add3A_978 : vector<16xi32>
        %gather3A_980 = tpu.vector_load_idx %arg5[%add3A_979] : memref<25600xi32, #tpu.memory_space<vmem>>[vector<16xi32>], vector<16xi32>,
        %swap3A_981 = arith.constant 3 : i32
        %swap3A_982 = arith.index_cast %swap3A_981 : i32 to index
        %swap3A_983 = arith.constant 64 : index
        %swap3A_984 = tpu.vector_load %arg6[%swap3A_982, %swap3A_983] {strides = array<i32>} : memref<4x256xi32, #tpu.memory_space<vmem>>, vector<16xi32>,
        tpu.vector_store %arg6[%swap3A_982, %swap3A_983], %gather3A_980 {strides = array<i32>} : memref<4x256xi32, #tpu.memory_space<vmem>>, vector<16xi32>,
        %mul3A_985 = arith.constant 2 : i32
        %mul3A_986 = arith.muli %mul3A_985, %add3A_919 : i32
        %add3A_987 = arith.constant 16000 : i32
        %add3A_988 = arith.addi %add3A_987, %mul3A_986 : i32
        %add3A_989 = arith.constant 0 : i32
        %add3A_990 = arith.addi %add3A_988, %add3A_989 : i32
        %add3A_991 = vector.broadcast %add3A_990 : i32 to vector<16xi32>
        %add3A_992 = arith.addi %mul3A_5, %add3A_991 : vector<16xi32>
        %gather3A_993 = tpu.vector_load_idx %arg5[%add3A_992] : memref<25600xi32, #tpu.memory_space<vmem>>[vector<16xi32>], vector<16xi32>,
        %swap3A_994 = arith.constant 3 : i32
        %swap3A_995 = arith.index_cast %swap3A_994 : i32 to index
        %swap3A_996 = arith.constant 80 : index
        %swap3A_997 = tpu.vector_load %arg6[%swap3A_995, %swap3A_996] {strides = array<i32>} : memref<4x256xi32, #tpu.memory_space<vmem>>, vector<16xi32>,
        tpu.vector_store %arg6[%swap3A_995, %swap3A_996], %gather3A_993 {strides = array<i32>} : memref<4x256xi32, #tpu.memory_space<vmem>>, vector<16xi32>,
        %mul3A_998 = arith.constant 2 : i32
        %mul3A_999 = arith.muli %mul3A_998, %add3A_919 : i32
        %add3A_1000 = arith.constant 19200 : i32
        %add3A_1001 = arith.addi %add3A_1000, %mul3A_999 : i32
        %add3A_1002 = arith.constant 0 : i32
        %add3A_1003 = arith.addi %add3A_1001, %add3A_1002 : i32
        %add3A_1004 = vector.broadcast %add3A_1003 : i32 to vector<16xi32>
        %add3A_1005 = arith.addi %mul3A_5, %add3A_1004 : vector<16xi32>
        %gather3A_1006 = tpu.vector_load_idx %arg5[%add3A_1005] : memref<25600xi32, #tpu.memory_space<vmem>>[vector<16xi32>], vector<16xi32>,
        %swap3A_1007 = arith.constant 3 : i32
        %swap3A_1008 = arith.index_cast %swap3A_1007 : i32 to index
        %swap3A_1009 = arith.constant 96 : index
        %swap3A_1010 = tpu.vector_load %arg6[%swap3A_1008, %swap3A_1009] {strides = array<i32>} : memref<4x256xi32, #tpu.memory_space<vmem>>, vector<16xi32>,
        tpu.vector_store %arg6[%swap3A_1008, %swap3A_1009], %gather3A_1006 {strides = array<i32>} : memref<4x256xi32, #tpu.memory_space<vmem>>, vector<16xi32>,
        %mul3A_1011 = arith.constant 2 : i32
        %mul3A_1012 = arith.muli %mul3A_1011, %add3A_919 : i32
        %add3A_1013 = arith.constant 22400 : i32
        %add3A_1014 = arith.addi %add3A_1013, %mul3A_1012 : i32
        %add3A_1015 = arith.constant 0 : i32
        %add3A_1016 = arith.addi %add3A_1014, %add3A_1015 : i32
        %add3A_1017 = vector.broadcast %add3A_1016 : i32 to vector<16xi32>
        %add3A_1018 = arith.addi %mul3A_5, %add3A_1017 : vector<16xi32>
        %gather3A_1019 = tpu.vector_load_idx %arg5[%add3A_1018] : memref<25600xi32, #tpu.memory_space<vmem>>[vector<16xi32>], vector<16xi32>,
        %swap3A_1020 = arith.constant 3 : i32
        %swap3A_1021 = arith.index_cast %swap3A_1020 : i32 to index
        %swap3A_1022 = arith.constant 112 : index
        %swap3A_1023 = tpu.vector_load %arg6[%swap3A_1021, %swap3A_1022] {strides = array<i32>} : memref<4x256xi32, #tpu.memory_space<vmem>>, vector<16xi32>,
        tpu.vector_store %arg6[%swap3A_1021, %swap3A_1022], %gather3A_1019 {strides = array<i32>} : memref<4x256xi32, #tpu.memory_space<vmem>>, vector<16xi32>,
        %mul3A_1024 = arith.constant 2 : i32
        %mul3A_1025 = arith.muli %mul3A_1024, %add3A_919 : i32
        %add3A_1026 = arith.constant 0 : i32
        %add3A_1027 = arith.addi %add3A_1026, %mul3A_1025 : i32
        %add3A_1028 = arith.constant 1 : i32
        %add3A_1029 = arith.addi %add3A_1027, %add3A_1028 : i32
        %add3A_1030 = vector.broadcast %add3A_1029 : i32 to vector<16xi32>
        %add3A_1031 = arith.addi %mul3A_5, %add3A_1030 : vector<16xi32>
        %gather3A_1032 = tpu.vector_load_idx %arg5[%add3A_1031] : memref<25600xi32, #tpu.memory_space<vmem>>[vector<16xi32>], vector<16xi32>,
        %swap3A_1033 = arith.constant 3 : i32
        %swap3A_1034 = arith.index_cast %swap3A_1033 : i32 to index
        %swap3A_1035 = arith.constant 128 : index
        %swap3A_1036 = tpu.vector_load %arg6[%swap3A_1034, %swap3A_1035] {strides = array<i32>} : memref<4x256xi32, #tpu.memory_space<vmem>>, vector<16xi32>,
        tpu.vector_store %arg6[%swap3A_1034, %swap3A_1035], %gather3A_1032 {strides = array<i32>} : memref<4x256xi32, #tpu.memory_space<vmem>>, vector<16xi32>,
        %mul3A_1037 = arith.constant 2 : i32
        %mul3A_1038 = arith.muli %mul3A_1037, %add3A_919 : i32
        %add3A_1039 = arith.constant 3200 : i32
        %add3A_1040 = arith.addi %add3A_1039, %mul3A_1038 : i32
        %add3A_1041 = arith.constant 1 : i32
        %add3A_1042 = arith.addi %add3A_1040, %add3A_1041 : i32
        %add3A_1043 = vector.broadcast %add3A_1042 : i32 to vector<16xi32>
        %add3A_1044 = arith.addi %mul3A_5, %add3A_1043 : vector<16xi32>
        %gather3A_1045 = tpu.vector_load_idx %arg5[%add3A_1044] : memref<25600xi32, #tpu.memory_space<vmem>>[vector<16xi32>], vector<16xi32>,
        %swap3A_1046 = arith.constant 3 : i32
        %swap3A_1047 = arith.index_cast %swap3A_1046 : i32 to index
        %swap3A_1048 = arith.constant 144 : index
        %swap3A_1049 = tpu.vector_load %arg6[%swap3A_1047, %swap3A_1048] {strides = array<i32>} : memref<4x256xi32, #tpu.memory_space<vmem>>, vector<16xi32>,
        tpu.vector_store %arg6[%swap3A_1047, %swap3A_1048], %gather3A_1045 {strides = array<i32>} : memref<4x256xi32, #tpu.memory_space<vmem>>, vector<16xi32>,
        %mul3A_1050 = arith.constant 2 : i32
        %mul3A_1051 = arith.muli %mul3A_1050, %add3A_919 : i32
        %add3A_1052 = arith.constant 6400 : i32
        %add3A_1053 = arith.addi %add3A_1052, %mul3A_1051 : i32
        %add3A_1054 = arith.constant 1 : i32
        %add3A_1055 = arith.addi %add3A_1053, %add3A_1054 : i32
        %add3A_1056 = vector.broadcast %add3A_1055 : i32 to vector<16xi32>
        %add3A_1057 = arith.addi %mul3A_5, %add3A_1056 : vector<16xi32>
        %gather3A_1058 = tpu.vector_load_idx %arg5[%add3A_1057] : memref<25600xi32, #tpu.memory_space<vmem>>[vector<16xi32>], vector<16xi32>,
        %swap3A_1059 = arith.constant 3 : i32
        %swap3A_1060 = arith.index_cast %swap3A_1059 : i32 to index
        %swap3A_1061 = arith.constant 160 : index
        %swap3A_1062 = tpu.vector_load %arg6[%swap3A_1060, %swap3A_1061] {strides = array<i32>} : memref<4x256xi32, #tpu.memory_space<vmem>>, vector<16xi32>,
        tpu.vector_store %arg6[%swap3A_1060, %swap3A_1061], %gather3A_1058 {strides = array<i32>} : memref<4x256xi32, #tpu.memory_space<vmem>>, vector<16xi32>,
        %mul3A_1063 = arith.constant 2 : i32
        %mul3A_1064 = arith.muli %mul3A_1063, %add3A_919 : i32
        %add3A_1065 = arith.constant 9600 : i32
        %add3A_1066 = arith.addi %add3A_1065, %mul3A_1064 : i32
        %add3A_1067 = arith.constant 1 : i32
        %add3A_1068 = arith.addi %add3A_1066, %add3A_1067 : i32
        %add3A_1069 = vector.broadcast %add3A_1068 : i32 to vector<16xi32>
        %add3A_1070 = arith.addi %mul3A_5, %add3A_1069 : vector<16xi32>
        %gather3A_1071 = tpu.vector_load_idx %arg5[%add3A_1070] : memref<25600xi32, #tpu.memory_space<vmem>>[vector<16xi32>], vector<16xi32>,
        %swap3A_1072 = arith.constant 3 : i32
        %swap3A_1073 = arith.index_cast %swap3A_1072 : i32 to index
        %swap3A_1074 = arith.constant 176 : index
        %swap3A_1075 = tpu.vector_load %arg6[%swap3A_1073, %swap3A_1074] {strides = array<i32>} : memref<4x256xi32, #tpu.memory_space<vmem>>, vector<16xi32>,
        tpu.vector_store %arg6[%swap3A_1073, %swap3A_1074], %gather3A_1071 {strides = array<i32>} : memref<4x256xi32, #tpu.memory_space<vmem>>, vector<16xi32>,
        %mul3A_1076 = arith.constant 2 : i32
        %mul3A_1077 = arith.muli %mul3A_1076, %add3A_919 : i32
        %add3A_1078 = arith.constant 12800 : i32
        %add3A_1079 = arith.addi %add3A_1078, %mul3A_1077 : i32
        %add3A_1080 = arith.constant 1 : i32
        %add3A_1081 = arith.addi %add3A_1079, %add3A_1080 : i32
        %add3A_1082 = vector.broadcast %add3A_1081 : i32 to vector<16xi32>
        %add3A_1083 = arith.addi %mul3A_5, %add3A_1082 : vector<16xi32>
        %gather3A_1084 = tpu.vector_load_idx %arg5[%add3A_1083] : memref<25600xi32, #tpu.memory_space<vmem>>[vector<16xi32>], vector<16xi32>,
        %swap3A_1085 = arith.constant 3 : i32
        %swap3A_1086 = arith.index_cast %swap3A_1085 : i32 to index
        %swap3A_1087 = arith.constant 192 : index
        %swap3A_1088 = tpu.vector_load %arg6[%swap3A_1086, %swap3A_1087] {strides = array<i32>} : memref<4x256xi32, #tpu.memory_space<vmem>>, vector<16xi32>,
        tpu.vector_store %arg6[%swap3A_1086, %swap3A_1087], %gather3A_1084 {strides = array<i32>} : memref<4x256xi32, #tpu.memory_space<vmem>>, vector<16xi32>,
        %mul3A_1089 = arith.constant 2 : i32
        %mul3A_1090 = arith.muli %mul3A_1089, %add3A_919 : i32
        %add3A_1091 = arith.constant 16000 : i32
        %add3A_1092 = arith.addi %add3A_1091, %mul3A_1090 : i32
        %add3A_1093 = arith.constant 1 : i32
        %add3A_1094 = arith.addi %add3A_1092, %add3A_1093 : i32
        %add3A_1095 = vector.broadcast %add3A_1094 : i32 to vector<16xi32>
        %add3A_1096 = arith.addi %mul3A_5, %add3A_1095 : vector<16xi32>
        %gather3A_1097 = tpu.vector_load_idx %arg5[%add3A_1096] : memref<25600xi32, #tpu.memory_space<vmem>>[vector<16xi32>], vector<16xi32>,
        %swap3A_1098 = arith.constant 3 : i32
        %swap3A_1099 = arith.index_cast %swap3A_1098 : i32 to index
        %swap3A_1100 = arith.constant 208 : index
        %swap3A_1101 = tpu.vector_load %arg6[%swap3A_1099, %swap3A_1100] {strides = array<i32>} : memref<4x256xi32, #tpu.memory_space<vmem>>, vector<16xi32>,
        tpu.vector_store %arg6[%swap3A_1099, %swap3A_1100], %gather3A_1097 {strides = array<i32>} : memref<4x256xi32, #tpu.memory_space<vmem>>, vector<16xi32>,
        %mul3A_1102 = arith.constant 2 : i32
        %mul3A_1103 = arith.muli %mul3A_1102, %add3A_919 : i32
        %add3A_1104 = arith.constant 19200 : i32
        %add3A_1105 = arith.addi %add3A_1104, %mul3A_1103 : i32
        %add3A_1106 = arith.constant 1 : i32
        %add3A_1107 = arith.addi %add3A_1105, %add3A_1106 : i32
        %add3A_1108 = vector.broadcast %add3A_1107 : i32 to vector<16xi32>
        %add3A_1109 = arith.addi %mul3A_5, %add3A_1108 : vector<16xi32>
        %gather3A_1110 = tpu.vector_load_idx %arg5[%add3A_1109] : memref<25600xi32, #tpu.memory_space<vmem>>[vector<16xi32>], vector<16xi32>,
        %swap3A_1111 = arith.constant 3 : i32
        %swap3A_1112 = arith.index_cast %swap3A_1111 : i32 to index
        %swap3A_1113 = arith.constant 224 : index
        %swap3A_1114 = tpu.vector_load %arg6[%swap3A_1112, %swap3A_1113] {strides = array<i32>} : memref<4x256xi32, #tpu.memory_space<vmem>>, vector<16xi32>,
        tpu.vector_store %arg6[%swap3A_1112, %swap3A_1113], %gather3A_1110 {strides = array<i32>} : memref<4x256xi32, #tpu.memory_space<vmem>>, vector<16xi32>,
        %mul3A_1115 = arith.constant 2 : i32
        %mul3A_1116 = arith.muli %mul3A_1115, %add3A_919 : i32
        %add3A_1117 = arith.constant 22400 : i32
        %add3A_1118 = arith.addi %add3A_1117, %mul3A_1116 : i32
        %add3A_1119 = arith.constant 1 : i32
        %add3A_1120 = arith.addi %add3A_1118, %add3A_1119 : i32
        %add3A_1121 = vector.broadcast %add3A_1120 : i32 to vector<16xi32>
        %add3A_1122 = arith.addi %mul3A_5, %add3A_1121 : vector<16xi32>
        %gather3A_1123 = tpu.vector_load_idx %arg5[%add3A_1122] : memref<25600xi32, #tpu.memory_space<vmem>>[vector<16xi32>], vector<16xi32>,
        %swap3A_1124 = arith.constant 3 : i32
        %swap3A_1125 = arith.index_cast %swap3A_1124 : i32 to index
        %swap3A_1126 = arith.constant 240 : index
        %swap3A_1127 = tpu.vector_load %arg6[%swap3A_1125, %swap3A_1126] {strides = array<i32>} : memref<4x256xi32, #tpu.memory_space<vmem>>, vector<16xi32>,
        tpu.vector_store %arg6[%swap3A_1125, %swap3A_1126], %gather3A_1123 {strides = array<i32>} : memref<4x256xi32, #tpu.memory_space<vmem>>, vector<16xi32>,
        %dma_start3A_1128 = arith.constant 3 : i32
        %dma_start3A_1129 = arith.constant 3 : i32
        %dma_start3A_1130 = arith.constant 3 : i32
        %dma_start3A_1131 = arith.constant 0 : i32
        %dma_start3A_1132 = arith.constant 0 : i32
        %dma_start3A_1133 = tpu.memref_slice %arg7[%dma_start3A_1129, %dma_start3A_1131, %dma_start3A_1132] : memref<4x256x64xf32, #tpu.memory_space<vmem>> -> memref<1x256x64xf32, #tpu.memory_space<vmem>>
        %dma_start3A_1134 = tpu.memref_squeeze %dma_start3A_1133 : memref<1x256x64xf32, #tpu.memory_space<vmem>> -> memref<256x64xf32, #tpu.memory_space<vmem>>
        %dma_start3A_1135 = arith.constant 0 : i32
        %dma_start3A_1136 = tpu.memref_slice %arg6[%dma_start3A_1128, %dma_start3A_1135] : memref<4x256xi32, #tpu.memory_space<vmem>> -> memref<1x256xi32, #tpu.memory_space<vmem>>
        %dma_start3A_1137 = tpu.memref_squeeze %dma_start3A_1136 : memref<1x256xi32, #tpu.memory_space<vmem>> -> memref<256xi32, #tpu.memory_space<vmem>>
        %dma_start3A_1138 = arith.constant 0 : i32
        %dma_start3A_1139 = arith.constant 0 : i32
        %dma_start3A_1140 = tpu.memref_slice %arg3[%dma_start3A_1138, %dma_start3A_1139] : memref<100000x64xf32, #tpu.memory_space<hbm>> -> memref<100000x64xf32, #tpu.memory_space<hbm>>
        %dma_start3A_1141 = tpu.memref_slice %arg9[%dma_start3A_1130] : memref<4x!tpu.dma_semaphore, #tpu.memory_space<semaphore_mem>> -> memref<1x!tpu.dma_semaphore, #tpu.memory_space<semaphore_mem>>
        %dma_start3A_1142 = tpu.memref_squeeze %dma_start3A_1141 : memref<1x!tpu.dma_semaphore, #tpu.memory_space<semaphore_mem>> -> memref<!tpu.dma_semaphore, #tpu.memory_space<semaphore_mem>>
        tpu.enqueue_indirect_dma source(%dma_start3A_1140 : memref<100000x64xf32, #tpu.memory_space<hbm>>) target(%dma_start3A_1134 : memref<256x64xf32, #tpu.memory_space<vmem>>) offsets(%dma_start3A_1137 : memref<256xi32, #tpu.memory_space<vmem>>) semaphore(%dma_start3A_1142 : memref<!tpu.dma_semaphore, #tpu.memory_space<semaphore_mem>>)
      } else {
      }
      %ge3A = arith.constant 2 : i32
      %ge3A_580 = arith.cmpi sge, %add3A_560, %ge3A : i32
      %convert_element_type3A_581 = arith.extui %ge3A_580 : i1 to i32
      %cond3A_582 = arith.constant 0 : i32
      %cond3A_583 = arith.cmpi ne, %convert_element_type3A_581, %cond3A_582 : i32
      scf.if %cond3A_583 {
        %sub3A = arith.constant 2 : i32
        %sub3A_918 = arith.subi %add3A_560, %sub3A : i32
        %mul3A_919 = arith.constant 2 : i32
        %mul3A_920 = arith.muli %mul3A_919, %sub3A_918 : i32
        %add3A_921 = arith.constant 0 : i32
        %add3A_922 = arith.addi %mul3A_920, %add3A_921 : i32
        %dma_wait3A_923 = arith.constant 0 : i32
        %dma_wait3A_924 = arith.constant 0 : i32
        %dma_wait3A_925 = arith.constant 0 : i32
        %dma_wait3A_926 = arith.constant 0 : i32
        %dma_wait3A_927 = arith.constant 0 : i32
        %dma_wait3A_928 = arith.constant 0 : i32
        %dma_wait3A_929 = tpu.memref_slice %arg8[%dma_wait3A_923, %dma_wait3A_924, %dma_wait3A_926, %dma_wait3A_927, %dma_wait3A_928] : memref<2x2x8x8x128xf32, #tpu.memory_space<vmem>> -> memref<1x1x8x8x128xf32, #tpu.memory_space<vmem>>
        %dma_wait3A_930 = tpu.memref_squeeze %dma_wait3A_929 : memref<1x1x8x8x128xf32, #tpu.memory_space<vmem>> -> memref<8x8x128xf32, #tpu.memory_space<vmem>>
        %dma_wait3A_931 = arith.constant 0 : i32
        %dma_wait3A_932 = arith.constant 0 : i32
        %dma_wait3A_933 = arith.constant 0 : i32
        %dma_wait3A_934 = tpu.memref_slice %arg4[%add3A_922, %dma_wait3A_931, %add3A, %dma_wait3A_932, %dma_wait3A_933] : memref<200x8x32x8x128xf32, #tpu.memory_space<hbm>> -> memref<1x8x1x8x128xf32, #tpu.memory_space<hbm>>
        %dma_wait3A_935 = tpu.memref_squeeze %dma_wait3A_934 : memref<1x8x1x8x128xf32, #tpu.memory_space<hbm>> -> memref<8x8x128xf32, #tpu.memory_space<hbm>>
        %dma_wait3A_936 = tpu.memref_slice %arg10[%dma_wait3A_925] : memref<2x!tpu.dma_semaphore, #tpu.memory_space<semaphore_mem>> -> memref<1x!tpu.dma_semaphore, #tpu.memory_space<semaphore_mem>>
        %dma_wait3A_937 = tpu.memref_squeeze %dma_wait3A_936 : memref<1x!tpu.dma_semaphore, #tpu.memory_space<semaphore_mem>> -> memref<!tpu.dma_semaphore, #tpu.memory_space<semaphore_mem>>
        %dma_wait3A_938 = arith.constant 0 : i32
        %dma_wait3A_939 = arith.constant 0 : i32
        %dma_wait3A_940 = arith.constant 0 : i32
        %dma_wait3A_941 = tpu.memref_slice %arg4[%add3A_922, %dma_wait3A_938, %add3A, %dma_wait3A_939, %dma_wait3A_940] : memref<200x8x32x8x128xf32, #tpu.memory_space<hbm>> -> memref<1x8x1x8x128xf32, #tpu.memory_space<hbm>>
        %dma_wait3A_942 = tpu.memref_squeeze %dma_wait3A_941 : memref<1x8x1x8x128xf32, #tpu.memory_space<hbm>> -> memref<8x8x128xf32, #tpu.memory_space<hbm>>
        %dma_wait3A_943 = arith.constant 0 : i32
        %dma_wait3A_944 = arith.constant 0 : i32
        %dma_wait3A_945 = arith.constant 0 : i32
        %dma_wait3A_946 = tpu.memref_slice %arg8[%dma_wait3A_923, %dma_wait3A_924, %dma_wait3A_943, %dma_wait3A_944, %dma_wait3A_945] : memref<2x2x8x8x128xf32, #tpu.memory_space<vmem>> -> memref<1x1x8x8x128xf32, #tpu.memory_space<vmem>>
        %dma_wait3A_947 = tpu.memref_squeeze %dma_wait3A_946 : memref<1x1x8x8x128xf32, #tpu.memory_space<vmem>> -> memref<8x8x128xf32, #tpu.memory_space<vmem>>
        tpu.wait_dma2 semaphore(%dma_wait3A_937 : memref<!tpu.dma_semaphore, #tpu.memory_space<semaphore_mem>>) src(%dma_wait3A_947 : memref<8x8x128xf32, #tpu.memory_space<vmem>>) dst(%dma_wait3A_942 : memref<8x8x128xf32, #tpu.memory_space<hbm>>)
        %mul3A_948 = arith.constant 2 : i32
        %mul3A_949 = arith.muli %mul3A_948, %sub3A_918 : i32
        %add3A_950 = arith.constant 1 : i32
        %add3A_951 = arith.addi %mul3A_949, %add3A_950 : i32
        %dma_wait3A_952 = arith.constant 0 : i32
        %dma_wait3A_953 = arith.constant 1 : i32
        %dma_wait3A_954 = arith.constant 0 : i32
        %dma_wait3A_955 = arith.constant 0 : i32
        %dma_wait3A_956 = arith.constant 0 : i32
        %dma_wait3A_957 = arith.constant 0 : i32
        %dma_wait3A_958 = tpu.memref_slice %arg8[%dma_wait3A_952, %dma_wait3A_953, %dma_wait3A_955, %dma_wait3A_956, %dma_wait3A_957] : memref<2x2x8x8x128xf32, #tpu.memory_space<vmem>> -> memref<1x1x8x8x128xf32, #tpu.memory_space<vmem>>
        %dma_wait3A_959 = tpu.memref_squeeze %dma_wait3A_958 : memref<1x1x8x8x128xf32, #tpu.memory_space<vmem>> -> memref<8x8x128xf32, #tpu.memory_space<vmem>>
        %dma_wait3A_960 = arith.constant 0 : i32
        %dma_wait3A_961 = arith.constant 0 : i32
        %dma_wait3A_962 = arith.constant 0 : i32
        %dma_wait3A_963 = tpu.memref_slice %arg4[%add3A_951, %dma_wait3A_960, %add3A, %dma_wait3A_961, %dma_wait3A_962] : memref<200x8x32x8x128xf32, #tpu.memory_space<hbm>> -> memref<1x8x1x8x128xf32, #tpu.memory_space<hbm>>
        %dma_wait3A_964 = tpu.memref_squeeze %dma_wait3A_963 : memref<1x8x1x8x128xf32, #tpu.memory_space<hbm>> -> memref<8x8x128xf32, #tpu.memory_space<hbm>>
        %dma_wait3A_965 = tpu.memref_slice %arg10[%dma_wait3A_954] : memref<2x!tpu.dma_semaphore, #tpu.memory_space<semaphore_mem>> -> memref<1x!tpu.dma_semaphore, #tpu.memory_space<semaphore_mem>>
        %dma_wait3A_966 = tpu.memref_squeeze %dma_wait3A_965 : memref<1x!tpu.dma_semaphore, #tpu.memory_space<semaphore_mem>> -> memref<!tpu.dma_semaphore, #tpu.memory_space<semaphore_mem>>
        %dma_wait3A_967 = arith.constant 0 : i32
        %dma_wait3A_968 = arith.constant 0 : i32
        %dma_wait3A_969 = arith.constant 0 : i32
        %dma_wait3A_970 = tpu.memref_slice %arg4[%add3A_951, %dma_wait3A_967, %add3A, %dma_wait3A_968, %dma_wait3A_969] : memref<200x8x32x8x128xf32, #tpu.memory_space<hbm>> -> memref<1x8x1x8x128xf32, #tpu.memory_space<hbm>>
        %dma_wait3A_971 = tpu.memref_squeeze %dma_wait3A_970 : memref<1x8x1x8x128xf32, #tpu.memory_space<hbm>> -> memref<8x8x128xf32, #tpu.memory_space<hbm>>
        %dma_wait3A_972 = arith.constant 0 : i32
        %dma_wait3A_973 = arith.constant 0 : i32
        %dma_wait3A_974 = arith.constant 0 : i32
        %dma_wait3A_975 = tpu.memref_slice %arg8[%dma_wait3A_952, %dma_wait3A_953, %dma_wait3A_972, %dma_wait3A_973, %dma_wait3A_974] : memref<2x2x8x8x128xf32, #tpu.memory_space<vmem>> -> memref<1x1x8x8x128xf32, #tpu.memory_space<vmem>>
        %dma_wait3A_976 = tpu.memref_squeeze %dma_wait3A_975 : memref<1x1x8x8x128xf32, #tpu.memory_space<vmem>> -> memref<8x8x128xf32, #tpu.memory_space<vmem>>
        tpu.wait_dma2 semaphore(%dma_wait3A_966 : memref<!tpu.dma_semaphore, #tpu.memory_space<semaphore_mem>>) src(%dma_wait3A_976 : memref<8x8x128xf32, #tpu.memory_space<vmem>>) dst(%dma_wait3A_971 : memref<8x8x128xf32, #tpu.memory_space<hbm>>)
      } else {
      }
      %parallel_loop3A = arith.constant 0 : i32
      %parallel_loop3A_584 = arith.constant 256 : i32
      %parallel_loop3A_585 = arith.constant 1 : i32
      %parallel_loop3A_586 = arith.constant 0 : i32
      scf.for %parallel_loop3A_918 = %parallel_loop3A to %parallel_loop3A_584 step %parallel_loop3A_585  : i32 {
        %parallel_loop3A_919 = arith.constant 0 : i32
        %parallel_loop3A_920 = vector.broadcast %parallel_loop3A_919 : i32 to vector<16xi32>
        %parallel_loop3A_921 = arith.muli %iota3A, %parallel_loop3A_920 : vector<16xi32>
        %parallel_loop3A_922 = arith.constant 7 : i32
        %parallel_loop3A_923 = arith.shrsi %parallel_loop3A_918, %parallel_loop3A_922 : i32
        %parallel_loop3A_924 = vector.broadcast %parallel_loop3A_923 : i32 to vector<16xi32>
        %parallel_loop3A_925 = arith.addi %parallel_loop3A_921, %parallel_loop3A_924 : vector<16xi32>
        %parallel_loop3A_926 = arith.constant 0 : i32
        %parallel_loop3A_927 = vector.broadcast %parallel_loop3A_926 : i32 to vector<16xi32>
        %parallel_loop3A_928 = arith.muli %iota3A, %parallel_loop3A_927 : vector<16xi32>
        %parallel_loop3A_929 = arith.constant 127 : i32
        %parallel_loop3A_930 = arith.andi %parallel_loop3A_918, %parallel_loop3A_929 : i32
        %parallel_loop3A_931 = vector.broadcast %parallel_loop3A_930 : i32 to vector<16xi32>
        %parallel_loop3A_932 = arith.addi %parallel_loop3A_928, %parallel_loop3A_931 : vector<16xi32>
        %parallel_loop3A_933 = arith.constant 0 : i32
        %parallel_loop3A_934 = arith.index_cast %parallel_loop3A_933 : i32 to index
        %parallel_loop3A_935 = arith.index_cast %parallel_loop3A_918 : i32 to index
        %parallel_loop3A_936 = arith.constant 0 : index
        %parallel_loop3A_937 = tpu.vector_load %arg7[%parallel_loop3A_934, %parallel_loop3A_935, %parallel_loop3A_936] {strides = array<i32>} : memref<4x256x64xf32, #tpu.memory_space<vmem>>, vector<16xf32>,
        %parallel_loop3A_938 = arith.constant 0 : i32
        %parallel_loop3A_939 = arith.constant 0 : i32
        %parallel_loop3A_940 = arith.constant 0 : i32
        %parallel_loop3A_941 = arith.constant 0 : i32
        %parallel_loop3A_942 = tpu.memref_slice %arg8[%parallel_loop3A_586, %parallel_loop3A_938, %parallel_loop3A_939, %parallel_loop3A_940, %parallel_loop3A_941] : memref<2x2x8x8x128xf32, #tpu.memory_space<vmem>> -> memref<1x2x8x8x128xf32, #tpu.memory_space<vmem>>
        %parallel_loop3A_943 = tpu.memref_squeeze %parallel_loop3A_942 : memref<1x2x8x8x128xf32, #tpu.memory_space<vmem>> -> memref<2x8x8x128xf32, #tpu.memory_space<vmem>>
        tpu.vector_store_idx %parallel_loop3A_943[%parallel_loop3A_925, %add3A_12, %and3A_9, %parallel_loop3A_932], %parallel_loop3A_937 : memref<2x8x8x128xf32, #tpu.memory_space<vmem>>[vector<16xi32>, vector<16xi32>, vector<16xi32>, vector<16xi32>], vector<16xf32>,
        %parallel_loop3A_944 = arith.constant 0 : i32
        %parallel_loop3A_945 = arith.index_cast %parallel_loop3A_944 : i32 to index
        %parallel_loop3A_946 = arith.index_cast %parallel_loop3A_918 : i32 to index
        %parallel_loop3A_947 = arith.constant 16 : index
        %parallel_loop3A_948 = tpu.vector_load %arg7[%parallel_loop3A_945, %parallel_loop3A_946, %parallel_loop3A_947] {strides = array<i32>} : memref<4x256x64xf32, #tpu.memory_space<vmem>>, vector<16xf32>,
        %parallel_loop3A_949 = arith.constant 0 : i32
        %parallel_loop3A_950 = arith.constant 0 : i32
        %parallel_loop3A_951 = arith.constant 0 : i32
        %parallel_loop3A_952 = arith.constant 0 : i32
        %parallel_loop3A_953 = tpu.memref_slice %arg8[%parallel_loop3A_586, %parallel_loop3A_949, %parallel_loop3A_950, %parallel_loop3A_951, %parallel_loop3A_952] : memref<2x2x8x8x128xf32, #tpu.memory_space<vmem>> -> memref<1x2x8x8x128xf32, #tpu.memory_space<vmem>>
        %parallel_loop3A_954 = tpu.memref_squeeze %parallel_loop3A_953 : memref<1x2x8x8x128xf32, #tpu.memory_space<vmem>> -> memref<2x8x8x128xf32, #tpu.memory_space<vmem>>
        tpu.vector_store_idx %parallel_loop3A_954[%parallel_loop3A_925, %add3A_15, %and3A_9, %parallel_loop3A_932], %parallel_loop3A_948 : memref<2x8x8x128xf32, #tpu.memory_space<vmem>>[vector<16xi32>, vector<16xi32>, vector<16xi32>, vector<16xi32>], vector<16xf32>,
        %parallel_loop3A_955 = arith.constant 0 : i32
        %parallel_loop3A_956 = arith.index_cast %parallel_loop3A_955 : i32 to index
        %parallel_loop3A_957 = arith.index_cast %parallel_loop3A_918 : i32 to index
        %parallel_loop3A_958 = arith.constant 32 : index
        %parallel_loop3A_959 = tpu.vector_load %arg7[%parallel_loop3A_956, %parallel_loop3A_957, %parallel_loop3A_958] {strides = array<i32>} : memref<4x256x64xf32, #tpu.memory_space<vmem>>, vector<16xf32>,
        %parallel_loop3A_960 = arith.constant 0 : i32
        %parallel_loop3A_961 = arith.constant 0 : i32
        %parallel_loop3A_962 = arith.constant 0 : i32
        %parallel_loop3A_963 = arith.constant 0 : i32
        %parallel_loop3A_964 = tpu.memref_slice %arg8[%parallel_loop3A_586, %parallel_loop3A_960, %parallel_loop3A_961, %parallel_loop3A_962, %parallel_loop3A_963] : memref<2x2x8x8x128xf32, #tpu.memory_space<vmem>> -> memref<1x2x8x8x128xf32, #tpu.memory_space<vmem>>
        %parallel_loop3A_965 = tpu.memref_squeeze %parallel_loop3A_964 : memref<1x2x8x8x128xf32, #tpu.memory_space<vmem>> -> memref<2x8x8x128xf32, #tpu.memory_space<vmem>>
        tpu.vector_store_idx %parallel_loop3A_965[%parallel_loop3A_925, %add3A_18, %and3A_9, %parallel_loop3A_932], %parallel_loop3A_959 : memref<2x8x8x128xf32, #tpu.memory_space<vmem>>[vector<16xi32>, vector<16xi32>, vector<16xi32>, vector<16xi32>], vector<16xf32>,
        %parallel_loop3A_966 = arith.constant 0 : i32
        %parallel_loop3A_967 = arith.index_cast %parallel_loop3A_966 : i32 to index
        %parallel_loop3A_968 = arith.index_cast %parallel_loop3A_918 : i32 to index
        %parallel_loop3A_969 = arith.constant 48 : index
        %parallel_loop3A_970 = tpu.vector_load %arg7[%parallel_loop3A_967, %parallel_loop3A_968, %parallel_loop3A_969] {strides = array<i32>} : memref<4x256x64xf32, #tpu.memory_space<vmem>>, vector<16xf32>,
        %parallel_loop3A_971 = arith.constant 0 : i32
        %parallel_loop3A_972 = arith.constant 0 : i32
        %parallel_loop3A_973 = arith.constant 0 : i32
        %parallel_loop3A_974 = arith.constant 0 : i32
        %parallel_loop3A_975 = tpu.memref_slice %arg8[%parallel_loop3A_586, %parallel_loop3A_971, %parallel_loop3A_972, %parallel_loop3A_973, %parallel_loop3A_974] : memref<2x2x8x8x128xf32, #tpu.memory_space<vmem>> -> memref<1x2x8x8x128xf32, #tpu.memory_space<vmem>>
        %parallel_loop3A_976 = tpu.memref_squeeze %parallel_loop3A_975 : memref<1x2x8x8x128xf32, #tpu.memory_space<vmem>> -> memref<2x8x8x128xf32, #tpu.memory_space<vmem>>
        tpu.vector_store_idx %parallel_loop3A_976[%parallel_loop3A_925, %add3A_21, %and3A_9, %parallel_loop3A_932], %parallel_loop3A_970 : memref<2x8x8x128xf32, #tpu.memory_space<vmem>>[vector<16xi32>, vector<16xi32>, vector<16xi32>, vector<16xi32>], vector<16xf32>,
      } {sc.loop_unroll_factor = 8 : i64, sc.parallel_access}
      %mul3A_587 = arith.constant 2 : i32
      %mul3A_588 = arith.muli %mul3A_587, %add3A_560 : i32
      %add3A_589 = arith.constant 0 : i32
      %add3A_590 = arith.addi %mul3A_588, %add3A_589 : i32
      %dma_start3A_591 = arith.constant 0 : i32
      %dma_start3A_592 = arith.constant 0 : i32
      %dma_start3A_593 = arith.constant 0 : i32
      %dma_start3A_594 = arith.constant 0 : i32
      %dma_start3A_595 = arith.constant 0 : i32
      %dma_start3A_596 = arith.constant 0 : i32
      %dma_start3A_597 = tpu.memref_slice %arg8[%dma_start3A_591, %dma_start3A_592, %dma_start3A_594, %dma_start3A_595, %dma_start3A_596] : memref<2x2x8x8x128xf32, #tpu.memory_space<vmem>> -> memref<1x1x8x8x128xf32, #tpu.memory_space<vmem>>
      %dma_start3A_598 = tpu.memref_squeeze %dma_start3A_597 : memref<1x1x8x8x128xf32, #tpu.memory_space<vmem>> -> memref<8x8x128xf32, #tpu.memory_space<vmem>>
      %dma_start3A_599 = arith.constant 0 : i32
      %dma_start3A_600 = arith.constant 0 : i32
      %dma_start3A_601 = arith.constant 0 : i32
      %dma_start3A_602 = tpu.memref_slice %arg4[%add3A_590, %dma_start3A_599, %add3A, %dma_start3A_600, %dma_start3A_601] : memref<200x8x32x8x128xf32, #tpu.memory_space<hbm>> -> memref<1x8x1x8x128xf32, #tpu.memory_space<hbm>>
      %dma_start3A_603 = tpu.memref_squeeze %dma_start3A_602 : memref<1x8x1x8x128xf32, #tpu.memory_space<hbm>> -> memref<8x8x128xf32, #tpu.memory_space<hbm>>
      %dma_start3A_604 = tpu.memref_slice %arg10[%dma_start3A_593] : memref<2x!tpu.dma_semaphore, #tpu.memory_space<semaphore_mem>> -> memref<1x!tpu.dma_semaphore, #tpu.memory_space<semaphore_mem>>
      %dma_start3A_605 = tpu.memref_squeeze %dma_start3A_604 : memref<1x!tpu.dma_semaphore, #tpu.memory_space<semaphore_mem>> -> memref<!tpu.dma_semaphore, #tpu.memory_space<semaphore_mem>>
      %dma_start3A_606 = arith.constant 0 : i32
      %dma_start3A_607 = arith.constant 0 : i32
      %dma_start3A_608 = arith.constant 0 : i32
      %dma_start3A_609 = tpu.memref_slice %arg4[%add3A_590, %dma_start3A_606, %add3A, %dma_start3A_607, %dma_start3A_608] : memref<200x8x32x8x128xf32, #tpu.memory_space<hbm>> -> memref<1x8x1x8x128xf32, #tpu.memory_space<hbm>>
      %dma_start3A_610 = tpu.memref_squeeze %dma_start3A_609 : memref<1x8x1x8x128xf32, #tpu.memory_space<hbm>> -> memref<8x8x128xf32, #tpu.memory_space<hbm>>
      %dma_start3A_611 = arith.constant 0 : i32
      %dma_start3A_612 = arith.constant 0 : i32
      %dma_start3A_613 = arith.constant 0 : i32
      %dma_start3A_614 = tpu.memref_slice %arg8[%dma_start3A_591, %dma_start3A_592, %dma_start3A_611, %dma_start3A_612, %dma_start3A_613] : memref<2x2x8x8x128xf32, #tpu.memory_space<vmem>> -> memref<1x1x8x8x128xf32, #tpu.memory_space<vmem>>
      %dma_start3A_615 = tpu.memref_squeeze %dma_start3A_614 : memref<1x1x8x8x128xf32, #tpu.memory_space<vmem>> -> memref<8x8x128xf32, #tpu.memory_space<vmem>>
      tpu.enqueue_dma source(%dma_start3A_615 : memref<8x8x128xf32, #tpu.memory_space<vmem>>) target(%dma_start3A_610 : memref<8x8x128xf32, #tpu.memory_space<hbm>>) target_semaphore(%dma_start3A_605 : memref<!tpu.dma_semaphore, #tpu.memory_space<semaphore_mem>>)
      %mul3A_616 = arith.constant 2 : i32
      %mul3A_617 = arith.muli %mul3A_616, %add3A_560 : i32
      %add3A_618 = arith.constant 1 : i32
      %add3A_619 = arith.addi %mul3A_617, %add3A_618 : i32
      %dma_start3A_620 = arith.constant 0 : i32
      %dma_start3A_621 = arith.constant 1 : i32
      %dma_start3A_622 = arith.constant 0 : i32
      %dma_start3A_623 = arith.constant 0 : i32
      %dma_start3A_624 = arith.constant 0 : i32
      %dma_start3A_625 = arith.constant 0 : i32
      %dma_start3A_626 = tpu.memref_slice %arg8[%dma_start3A_620, %dma_start3A_621, %dma_start3A_623, %dma_start3A_624, %dma_start3A_625] : memref<2x2x8x8x128xf32, #tpu.memory_space<vmem>> -> memref<1x1x8x8x128xf32, #tpu.memory_space<vmem>>
      %dma_start3A_627 = tpu.memref_squeeze %dma_start3A_626 : memref<1x1x8x8x128xf32, #tpu.memory_space<vmem>> -> memref<8x8x128xf32, #tpu.memory_space<vmem>>
      %dma_start3A_628 = arith.constant 0 : i32
      %dma_start3A_629 = arith.constant 0 : i32
      %dma_start3A_630 = arith.constant 0 : i32
      %dma_start3A_631 = tpu.memref_slice %arg4[%add3A_619, %dma_start3A_628, %add3A, %dma_start3A_629, %dma_start3A_630] : memref<200x8x32x8x128xf32, #tpu.memory_space<hbm>> -> memref<1x8x1x8x128xf32, #tpu.memory_space<hbm>>
      %dma_start3A_632 = tpu.memref_squeeze %dma_start3A_631 : memref<1x8x1x8x128xf32, #tpu.memory_space<hbm>> -> memref<8x8x128xf32, #tpu.memory_space<hbm>>
      %dma_start3A_633 = tpu.memref_slice %arg10[%dma_start3A_622] : memref<2x!tpu.dma_semaphore, #tpu.memory_space<semaphore_mem>> -> memref<1x!tpu.dma_semaphore, #tpu.memory_space<semaphore_mem>>
      %dma_start3A_634 = tpu.memref_squeeze %dma_start3A_633 : memref<1x!tpu.dma_semaphore, #tpu.memory_space<semaphore_mem>> -> memref<!tpu.dma_semaphore, #tpu.memory_space<semaphore_mem>>
      %dma_start3A_635 = arith.constant 0 : i32
      %dma_start3A_636 = arith.constant 0 : i32
      %dma_start3A_637 = arith.constant 0 : i32
      %dma_start3A_638 = tpu.memref_slice %arg4[%add3A_619, %dma_start3A_635, %add3A, %dma_start3A_636, %dma_start3A_637] : memref<200x8x32x8x128xf32, #tpu.memory_space<hbm>> -> memref<1x8x1x8x128xf32, #tpu.memory_space<hbm>>
      %dma_start3A_639 = tpu.memref_squeeze %dma_start3A_638 : memref<1x8x1x8x128xf32, #tpu.memory_space<hbm>> -> memref<8x8x128xf32, #tpu.memory_space<hbm>>
      %dma_start3A_640 = arith.constant 0 : i32
      %dma_start3A_641 = arith.constant 0 : i32
      %dma_start3A_642 = arith.constant 0 : i32
      %dma_start3A_643 = tpu.memref_slice %arg8[%dma_start3A_620, %dma_start3A_621, %dma_start3A_640, %dma_start3A_641, %dma_start3A_642] : memref<2x2x8x8x128xf32, #tpu.memory_space<vmem>> -> memref<1x1x8x8x128xf32, #tpu.memory_space<vmem>>
      %dma_start3A_644 = tpu.memref_squeeze %dma_start3A_643 : memref<1x1x8x8x128xf32, #tpu.memory_space<vmem>> -> memref<8x8x128xf32, #tpu.memory_space<vmem>>
      tpu.enqueue_dma source(%dma_start3A_644 : memref<8x8x128xf32, #tpu.memory_space<vmem>>) target(%dma_start3A_639 : memref<8x8x128xf32, #tpu.memory_space<hbm>>) target_semaphore(%dma_start3A_634 : memref<!tpu.dma_semaphore, #tpu.memory_space<semaphore_mem>>)
      %add3A_645 = arith.constant 1 : i32
      %add3A_646 = arith.addi %mul3A_558, %add3A_645 : i32
      %dma_wait3A_647 = arith.constant 1 : i32
      %dma_wait3A_648 = arith.constant 1 : i32
      %dma_wait3A_649 = arith.constant 1 : i32
      %dma_wait3A_650 = arith.constant 0 : i32
      %dma_wait3A_651 = arith.constant 0 : i32
      %dma_wait3A_652 = tpu.memref_slice %arg7[%dma_wait3A_648, %dma_wait3A_650, %dma_wait3A_651] : memref<4x256x64xf32, #tpu.memory_space<vmem>> -> memref<1x256x64xf32, #tpu.memory_space<vmem>>
      %dma_wait3A_653 = tpu.memref_squeeze %dma_wait3A_652 : memref<1x256x64xf32, #tpu.memory_space<vmem>> -> memref<256x64xf32, #tpu.memory_space<vmem>>
      %dma_wait3A_654 = arith.constant 0 : i32
      %dma_wait3A_655 = tpu.memref_slice %arg6[%dma_wait3A_647, %dma_wait3A_654] : memref<4x256xi32, #tpu.memory_space<vmem>> -> memref<1x256xi32, #tpu.memory_space<vmem>>
      %dma_wait3A_656 = tpu.memref_squeeze %dma_wait3A_655 : memref<1x256xi32, #tpu.memory_space<vmem>> -> memref<256xi32, #tpu.memory_space<vmem>>
      %dma_wait3A_657 = arith.constant 0 : i32
      %dma_wait3A_658 = arith.constant 0 : i32
      %dma_wait3A_659 = tpu.memref_slice %arg3[%dma_wait3A_657, %dma_wait3A_658] : memref<100000x64xf32, #tpu.memory_space<hbm>> -> memref<100000x64xf32, #tpu.memory_space<hbm>>
      %dma_wait3A_660 = tpu.memref_slice %arg9[%dma_wait3A_649] : memref<4x!tpu.dma_semaphore, #tpu.memory_space<semaphore_mem>> -> memref<1x!tpu.dma_semaphore, #tpu.memory_space<semaphore_mem>>
      %dma_wait3A_661 = tpu.memref_squeeze %dma_wait3A_660 : memref<1x!tpu.dma_semaphore, #tpu.memory_space<semaphore_mem>> -> memref<!tpu.dma_semaphore, #tpu.memory_space<semaphore_mem>>
      tpu.wait_indirect_dma semaphore(%dma_wait3A_661 : memref<!tpu.dma_semaphore, #tpu.memory_space<semaphore_mem>>) src(%dma_wait3A_659 : memref<100000x64xf32, #tpu.memory_space<hbm>>) dst(%dma_wait3A_653 : memref<256x64xf32, #tpu.memory_space<vmem>>)
      %add3A_662 = arith.constant 3 : i32
      %add3A_663 = arith.addi %add3A_646, %add3A_662 : i32
      %lt3A_664 = arith.constant 100 : i32
      %lt3A_665 = arith.cmpi slt, %add3A_663, %lt3A_664 : i32
      %convert_element_type3A_666 = arith.extui %lt3A_665 : i1 to i32
      %cond3A_667 = arith.constant 0 : i32
      %cond3A_668 = arith.cmpi ne, %convert_element_type3A_666, %cond3A_667 : i32
      scf.if %cond3A_668 {
        %add3A_918 = arith.constant 3 : i32
        %add3A_919 = arith.addi %add3A_646, %add3A_918 : i32
        %mul3A_920 = arith.constant 2 : i32
        %mul3A_921 = arith.muli %mul3A_920, %add3A_919 : i32
        %add3A_922 = arith.constant 0 : i32
        %add3A_923 = arith.addi %add3A_922, %mul3A_921 : i32
        %add3A_924 = arith.constant 0 : i32
        %add3A_925 = arith.addi %add3A_923, %add3A_924 : i32
        %add3A_926 = vector.broadcast %add3A_925 : i32 to vector<16xi32>
        %add3A_927 = arith.addi %mul3A_5, %add3A_926 : vector<16xi32>
        %gather3A_928 = tpu.vector_load_idx %arg5[%add3A_927] : memref<25600xi32, #tpu.memory_space<vmem>>[vector<16xi32>], vector<16xi32>,
        %swap3A_929 = arith.constant 0 : i32
        %swap3A_930 = arith.index_cast %swap3A_929 : i32 to index
        %swap3A_931 = arith.constant 0 : index
        %swap3A_932 = tpu.vector_load %arg6[%swap3A_930, %swap3A_931] {strides = array<i32>} : memref<4x256xi32, #tpu.memory_space<vmem>>, vector<16xi32>,
        tpu.vector_store %arg6[%swap3A_930, %swap3A_931], %gather3A_928 {strides = array<i32>} : memref<4x256xi32, #tpu.memory_space<vmem>>, vector<16xi32>,
        %mul3A_933 = arith.constant 2 : i32
        %mul3A_934 = arith.muli %mul3A_933, %add3A_919 : i32
        %add3A_935 = arith.constant 3200 : i32
        %add3A_936 = arith.addi %add3A_935, %mul3A_934 : i32
        %add3A_937 = arith.constant 0 : i32
        %add3A_938 = arith.addi %add3A_936, %add3A_937 : i32
        %add3A_939 = vector.broadcast %add3A_938 : i32 to vector<16xi32>
        %add3A_940 = arith.addi %mul3A_5, %add3A_939 : vector<16xi32>
        %gather3A_941 = tpu.vector_load_idx %arg5[%add3A_940] : memref<25600xi32, #tpu.memory_space<vmem>>[vector<16xi32>], vector<16xi32>,
        %swap3A_942 = arith.constant 0 : i32
        %swap3A_943 = arith.index_cast %swap3A_942 : i32 to index
        %swap3A_944 = arith.constant 16 : index
        %swap3A_945 = tpu.vector_load %arg6[%swap3A_943, %swap3A_944] {strides = array<i32>} : memref<4x256xi32, #tpu.memory_space<vmem>>, vector<16xi32>,
        tpu.vector_store %arg6[%swap3A_943, %swap3A_944], %gather3A_941 {strides = array<i32>} : memref<4x256xi32, #tpu.memory_space<vmem>>, vector<16xi32>,
        %mul3A_946 = arith.constant 2 : i32
        %mul3A_947 = arith.muli %mul3A_946, %add3A_919 : i32
        %add3A_948 = arith.constant 6400 : i32
        %add3A_949 = arith.addi %add3A_948, %mul3A_947 : i32
        %add3A_950 = arith.constant 0 : i32
        %add3A_951 = arith.addi %add3A_949, %add3A_950 : i32
        %add3A_952 = vector.broadcast %add3A_951 : i32 to vector<16xi32>
        %add3A_953 = arith.addi %mul3A_5, %add3A_952 : vector<16xi32>
        %gather3A_954 = tpu.vector_load_idx %arg5[%add3A_953] : memref<25600xi32, #tpu.memory_space<vmem>>[vector<16xi32>], vector<16xi32>,
        %swap3A_955 = arith.constant 0 : i32
        %swap3A_956 = arith.index_cast %swap3A_955 : i32 to index
        %swap3A_957 = arith.constant 32 : index
        %swap3A_958 = tpu.vector_load %arg6[%swap3A_956, %swap3A_957] {strides = array<i32>} : memref<4x256xi32, #tpu.memory_space<vmem>>, vector<16xi32>,
        tpu.vector_store %arg6[%swap3A_956, %swap3A_957], %gather3A_954 {strides = array<i32>} : memref<4x256xi32, #tpu.memory_space<vmem>>, vector<16xi32>,
        %mul3A_959 = arith.constant 2 : i32
        %mul3A_960 = arith.muli %mul3A_959, %add3A_919 : i32
        %add3A_961 = arith.constant 9600 : i32
        %add3A_962 = arith.addi %add3A_961, %mul3A_960 : i32
        %add3A_963 = arith.constant 0 : i32
        %add3A_964 = arith.addi %add3A_962, %add3A_963 : i32
        %add3A_965 = vector.broadcast %add3A_964 : i32 to vector<16xi32>
        %add3A_966 = arith.addi %mul3A_5, %add3A_965 : vector<16xi32>
        %gather3A_967 = tpu.vector_load_idx %arg5[%add3A_966] : memref<25600xi32, #tpu.memory_space<vmem>>[vector<16xi32>], vector<16xi32>,
        %swap3A_968 = arith.constant 0 : i32
        %swap3A_969 = arith.index_cast %swap3A_968 : i32 to index
        %swap3A_970 = arith.constant 48 : index
        %swap3A_971 = tpu.vector_load %arg6[%swap3A_969, %swap3A_970] {strides = array<i32>} : memref<4x256xi32, #tpu.memory_space<vmem>>, vector<16xi32>,
        tpu.vector_store %arg6[%swap3A_969, %swap3A_970], %gather3A_967 {strides = array<i32>} : memref<4x256xi32, #tpu.memory_space<vmem>>, vector<16xi32>,
        %mul3A_972 = arith.constant 2 : i32
        %mul3A_973 = arith.muli %mul3A_972, %add3A_919 : i32
        %add3A_974 = arith.constant 12800 : i32
        %add3A_975 = arith.addi %add3A_974, %mul3A_973 : i32
        %add3A_976 = arith.constant 0 : i32
        %add3A_977 = arith.addi %add3A_975, %add3A_976 : i32
        %add3A_978 = vector.broadcast %add3A_977 : i32 to vector<16xi32>
        %add3A_979 = arith.addi %mul3A_5, %add3A_978 : vector<16xi32>
        %gather3A_980 = tpu.vector_load_idx %arg5[%add3A_979] : memref<25600xi32, #tpu.memory_space<vmem>>[vector<16xi32>], vector<16xi32>,
        %swap3A_981 = arith.constant 0 : i32
        %swap3A_982 = arith.index_cast %swap3A_981 : i32 to index
        %swap3A_983 = arith.constant 64 : index
        %swap3A_984 = tpu.vector_load %arg6[%swap3A_982, %swap3A_983] {strides = array<i32>} : memref<4x256xi32, #tpu.memory_space<vmem>>, vector<16xi32>,
        tpu.vector_store %arg6[%swap3A_982, %swap3A_983], %gather3A_980 {strides = array<i32>} : memref<4x256xi32, #tpu.memory_space<vmem>>, vector<16xi32>,
        %mul3A_985 = arith.constant 2 : i32
        %mul3A_986 = arith.muli %mul3A_985, %add3A_919 : i32
        %add3A_987 = arith.constant 16000 : i32
        %add3A_988 = arith.addi %add3A_987, %mul3A_986 : i32
        %add3A_989 = arith.constant 0 : i32
        %add3A_990 = arith.addi %add3A_988, %add3A_989 : i32
        %add3A_991 = vector.broadcast %add3A_990 : i32 to vector<16xi32>
        %add3A_992 = arith.addi %mul3A_5, %add3A_991 : vector<16xi32>
        %gather3A_993 = tpu.vector_load_idx %arg5[%add3A_992] : memref<25600xi32, #tpu.memory_space<vmem>>[vector<16xi32>], vector<16xi32>,
        %swap3A_994 = arith.constant 0 : i32
        %swap3A_995 = arith.index_cast %swap3A_994 : i32 to index
        %swap3A_996 = arith.constant 80 : index
        %swap3A_997 = tpu.vector_load %arg6[%swap3A_995, %swap3A_996] {strides = array<i32>} : memref<4x256xi32, #tpu.memory_space<vmem>>, vector<16xi32>,
        tpu.vector_store %arg6[%swap3A_995, %swap3A_996], %gather3A_993 {strides = array<i32>} : memref<4x256xi32, #tpu.memory_space<vmem>>, vector<16xi32>,
        %mul3A_998 = arith.constant 2 : i32
        %mul3A_999 = arith.muli %mul3A_998, %add3A_919 : i32
        %add3A_1000 = arith.constant 19200 : i32
        %add3A_1001 = arith.addi %add3A_1000, %mul3A_999 : i32
        %add3A_1002 = arith.constant 0 : i32
        %add3A_1003 = arith.addi %add3A_1001, %add3A_1002 : i32
        %add3A_1004 = vector.broadcast %add3A_1003 : i32 to vector<16xi32>
        %add3A_1005 = arith.addi %mul3A_5, %add3A_1004 : vector<16xi32>
        %gather3A_1006 = tpu.vector_load_idx %arg5[%add3A_1005] : memref<25600xi32, #tpu.memory_space<vmem>>[vector<16xi32>], vector<16xi32>,
        %swap3A_1007 = arith.constant 0 : i32
        %swap3A_1008 = arith.index_cast %swap3A_1007 : i32 to index
        %swap3A_1009 = arith.constant 96 : index
        %swap3A_1010 = tpu.vector_load %arg6[%swap3A_1008, %swap3A_1009] {strides = array<i32>} : memref<4x256xi32, #tpu.memory_space<vmem>>, vector<16xi32>,
        tpu.vector_store %arg6[%swap3A_1008, %swap3A_1009], %gather3A_1006 {strides = array<i32>} : memref<4x256xi32, #tpu.memory_space<vmem>>, vector<16xi32>,
        %mul3A_1011 = arith.constant 2 : i32
        %mul3A_1012 = arith.muli %mul3A_1011, %add3A_919 : i32
        %add3A_1013 = arith.constant 22400 : i32
        %add3A_1014 = arith.addi %add3A_1013, %mul3A_1012 : i32
        %add3A_1015 = arith.constant 0 : i32
        %add3A_1016 = arith.addi %add3A_1014, %add3A_1015 : i32
        %add3A_1017 = vector.broadcast %add3A_1016 : i32 to vector<16xi32>
        %add3A_1018 = arith.addi %mul3A_5, %add3A_1017 : vector<16xi32>
        %gather3A_1019 = tpu.vector_load_idx %arg5[%add3A_1018] : memref<25600xi32, #tpu.memory_space<vmem>>[vector<16xi32>], vector<16xi32>,
        %swap3A_1020 = arith.constant 0 : i32
        %swap3A_1021 = arith.index_cast %swap3A_1020 : i32 to index
        %swap3A_1022 = arith.constant 112 : index
        %swap3A_1023 = tpu.vector_load %arg6[%swap3A_1021, %swap3A_1022] {strides = array<i32>} : memref<4x256xi32, #tpu.memory_space<vmem>>, vector<16xi32>,
        tpu.vector_store %arg6[%swap3A_1021, %swap3A_1022], %gather3A_1019 {strides = array<i32>} : memref<4x256xi32, #tpu.memory_space<vmem>>, vector<16xi32>,
        %mul3A_1024 = arith.constant 2 : i32
        %mul3A_1025 = arith.muli %mul3A_1024, %add3A_919 : i32
        %add3A_1026 = arith.constant 0 : i32
        %add3A_1027 = arith.addi %add3A_1026, %mul3A_1025 : i32
        %add3A_1028 = arith.constant 1 : i32
        %add3A_1029 = arith.addi %add3A_1027, %add3A_1028 : i32
        %add3A_1030 = vector.broadcast %add3A_1029 : i32 to vector<16xi32>
        %add3A_1031 = arith.addi %mul3A_5, %add3A_1030 : vector<16xi32>
        %gather3A_1032 = tpu.vector_load_idx %arg5[%add3A_1031] : memref<25600xi32, #tpu.memory_space<vmem>>[vector<16xi32>], vector<16xi32>,
        %swap3A_1033 = arith.constant 0 : i32
        %swap3A_1034 = arith.index_cast %swap3A_1033 : i32 to index
        %swap3A_1035 = arith.constant 128 : index
        %swap3A_1036 = tpu.vector_load %arg6[%swap3A_1034, %swap3A_1035] {strides = array<i32>} : memref<4x256xi32, #tpu.memory_space<vmem>>, vector<16xi32>,
        tpu.vector_store %arg6[%swap3A_1034, %swap3A_1035], %gather3A_1032 {strides = array<i32>} : memref<4x256xi32, #tpu.memory_space<vmem>>, vector<16xi32>,
        %mul3A_1037 = arith.constant 2 : i32
        %mul3A_1038 = arith.muli %mul3A_1037, %add3A_919 : i32
        %add3A_1039 = arith.constant 3200 : i32
        %add3A_1040 = arith.addi %add3A_1039, %mul3A_1038 : i32
        %add3A_1041 = arith.constant 1 : i32
        %add3A_1042 = arith.addi %add3A_1040, %add3A_1041 : i32
        %add3A_1043 = vector.broadcast %add3A_1042 : i32 to vector<16xi32>
        %add3A_1044 = arith.addi %mul3A_5, %add3A_1043 : vector<16xi32>
        %gather3A_1045 = tpu.vector_load_idx %arg5[%add3A_1044] : memref<25600xi32, #tpu.memory_space<vmem>>[vector<16xi32>], vector<16xi32>,
        %swap3A_1046 = arith.constant 0 : i32
        %swap3A_1047 = arith.index_cast %swap3A_1046 : i32 to index
        %swap3A_1048 = arith.constant 144 : index
        %swap3A_1049 = tpu.vector_load %arg6[%swap3A_1047, %swap3A_1048] {strides = array<i32>} : memref<4x256xi32, #tpu.memory_space<vmem>>, vector<16xi32>,
        tpu.vector_store %arg6[%swap3A_1047, %swap3A_1048], %gather3A_1045 {strides = array<i32>} : memref<4x256xi32, #tpu.memory_space<vmem>>, vector<16xi32>,
        %mul3A_1050 = arith.constant 2 : i32
        %mul3A_1051 = arith.muli %mul3A_1050, %add3A_919 : i32
        %add3A_1052 = arith.constant 6400 : i32
        %add3A_1053 = arith.addi %add3A_1052, %mul3A_1051 : i32
        %add3A_1054 = arith.constant 1 : i32
        %add3A_1055 = arith.addi %add3A_1053, %add3A_1054 : i32
        %add3A_1056 = vector.broadcast %add3A_1055 : i32 to vector<16xi32>
        %add3A_1057 = arith.addi %mul3A_5, %add3A_1056 : vector<16xi32>
        %gather3A_1058 = tpu.vector_load_idx %arg5[%add3A_1057] : memref<25600xi32, #tpu.memory_space<vmem>>[vector<16xi32>], vector<16xi32>,
        %swap3A_1059 = arith.constant 0 : i32
        %swap3A_1060 = arith.index_cast %swap3A_1059 : i32 to index
        %swap3A_1061 = arith.constant 160 : index
        %swap3A_1062 = tpu.vector_load %arg6[%swap3A_1060, %swap3A_1061] {strides = array<i32>} : memref<4x256xi32, #tpu.memory_space<vmem>>, vector<16xi32>,
        tpu.vector_store %arg6[%swap3A_1060, %swap3A_1061], %gather3A_1058 {strides = array<i32>} : memref<4x256xi32, #tpu.memory_space<vmem>>, vector<16xi32>,
        %mul3A_1063 = arith.constant 2 : i32
        %mul3A_1064 = arith.muli %mul3A_1063, %add3A_919 : i32
        %add3A_1065 = arith.constant 9600 : i32
        %add3A_1066 = arith.addi %add3A_1065, %mul3A_1064 : i32
        %add3A_1067 = arith.constant 1 : i32
        %add3A_1068 = arith.addi %add3A_1066, %add3A_1067 : i32
        %add3A_1069 = vector.broadcast %add3A_1068 : i32 to vector<16xi32>
        %add3A_1070 = arith.addi %mul3A_5, %add3A_1069 : vector<16xi32>
        %gather3A_1071 = tpu.vector_load_idx %arg5[%add3A_1070] : memref<25600xi32, #tpu.memory_space<vmem>>[vector<16xi32>], vector<16xi32>,
        %swap3A_1072 = arith.constant 0 : i32
        %swap3A_1073 = arith.index_cast %swap3A_1072 : i32 to index
        %swap3A_1074 = arith.constant 176 : index
        %swap3A_1075 = tpu.vector_load %arg6[%swap3A_1073, %swap3A_1074] {strides = array<i32>} : memref<4x256xi32, #tpu.memory_space<vmem>>, vector<16xi32>,
        tpu.vector_store %arg6[%swap3A_1073, %swap3A_1074], %gather3A_1071 {strides = array<i32>} : memref<4x256xi32, #tpu.memory_space<vmem>>, vector<16xi32>,
        %mul3A_1076 = arith.constant 2 : i32
        %mul3A_1077 = arith.muli %mul3A_1076, %add3A_919 : i32
        %add3A_1078 = arith.constant 12800 : i32
        %add3A_1079 = arith.addi %add3A_1078, %mul3A_1077 : i32
        %add3A_1080 = arith.constant 1 : i32
        %add3A_1081 = arith.addi %add3A_1079, %add3A_1080 : i32
        %add3A_1082 = vector.broadcast %add3A_1081 : i32 to vector<16xi32>
        %add3A_1083 = arith.addi %mul3A_5, %add3A_1082 : vector<16xi32>
        %gather3A_1084 = tpu.vector_load_idx %arg5[%add3A_1083] : memref<25600xi32, #tpu.memory_space<vmem>>[vector<16xi32>], vector<16xi32>,
        %swap3A_1085 = arith.constant 0 : i32
        %swap3A_1086 = arith.index_cast %swap3A_1085 : i32 to index
        %swap3A_1087 = arith.constant 192 : index
        %swap3A_1088 = tpu.vector_load %arg6[%swap3A_1086, %swap3A_1087] {strides = array<i32>} : memref<4x256xi32, #tpu.memory_space<vmem>>, vector<16xi32>,
        tpu.vector_store %arg6[%swap3A_1086, %swap3A_1087], %gather3A_1084 {strides = array<i32>} : memref<4x256xi32, #tpu.memory_space<vmem>>, vector<16xi32>,
        %mul3A_1089 = arith.constant 2 : i32
        %mul3A_1090 = arith.muli %mul3A_1089, %add3A_919 : i32
        %add3A_1091 = arith.constant 16000 : i32
        %add3A_1092 = arith.addi %add3A_1091, %mul3A_1090 : i32
        %add3A_1093 = arith.constant 1 : i32
        %add3A_1094 = arith.addi %add3A_1092, %add3A_1093 : i32
        %add3A_1095 = vector.broadcast %add3A_1094 : i32 to vector<16xi32>
        %add3A_1096 = arith.addi %mul3A_5, %add3A_1095 : vector<16xi32>
        %gather3A_1097 = tpu.vector_load_idx %arg5[%add3A_1096] : memref<25600xi32, #tpu.memory_space<vmem>>[vector<16xi32>], vector<16xi32>,
        %swap3A_1098 = arith.constant 0 : i32
        %swap3A_1099 = arith.index_cast %swap3A_1098 : i32 to index
        %swap3A_1100 = arith.constant 208 : index
        %swap3A_1101 = tpu.vector_load %arg6[%swap3A_1099, %swap3A_1100] {strides = array<i32>} : memref<4x256xi32, #tpu.memory_space<vmem>>, vector<16xi32>,
        tpu.vector_store %arg6[%swap3A_1099, %swap3A_1100], %gather3A_1097 {strides = array<i32>} : memref<4x256xi32, #tpu.memory_space<vmem>>, vector<16xi32>,
        %mul3A_1102 = arith.constant 2 : i32
        %mul3A_1103 = arith.muli %mul3A_1102, %add3A_919 : i32
        %add3A_1104 = arith.constant 19200 : i32
        %add3A_1105 = arith.addi %add3A_1104, %mul3A_1103 : i32
        %add3A_1106 = arith.constant 1 : i32
        %add3A_1107 = arith.addi %add3A_1105, %add3A_1106 : i32
        %add3A_1108 = vector.broadcast %add3A_1107 : i32 to vector<16xi32>
        %add3A_1109 = arith.addi %mul3A_5, %add3A_1108 : vector<16xi32>
        %gather3A_1110 = tpu.vector_load_idx %arg5[%add3A_1109] : memref<25600xi32, #tpu.memory_space<vmem>>[vector<16xi32>], vector<16xi32>,
        %swap3A_1111 = arith.constant 0 : i32
        %swap3A_1112 = arith.index_cast %swap3A_1111 : i32 to index
        %swap3A_1113 = arith.constant 224 : index
        %swap3A_1114 = tpu.vector_load %arg6[%swap3A_1112, %swap3A_1113] {strides = array<i32>} : memref<4x256xi32, #tpu.memory_space<vmem>>, vector<16xi32>,
        tpu.vector_store %arg6[%swap3A_1112, %swap3A_1113], %gather3A_1110 {strides = array<i32>} : memref<4x256xi32, #tpu.memory_space<vmem>>, vector<16xi32>,
        %mul3A_1115 = arith.constant 2 : i32
        %mul3A_1116 = arith.muli %mul3A_1115, %add3A_919 : i32
        %add3A_1117 = arith.constant 22400 : i32
        %add3A_1118 = arith.addi %add3A_1117, %mul3A_1116 : i32
        %add3A_1119 = arith.constant 1 : i32
        %add3A_1120 = arith.addi %add3A_1118, %add3A_1119 : i32
        %add3A_1121 = vector.broadcast %add3A_1120 : i32 to vector<16xi32>
        %add3A_1122 = arith.addi %mul3A_5, %add3A_1121 : vector<16xi32>
        %gather3A_1123 = tpu.vector_load_idx %arg5[%add3A_1122] : memref<25600xi32, #tpu.memory_space<vmem>>[vector<16xi32>], vector<16xi32>,
        %swap3A_1124 = arith.constant 0 : i32
        %swap3A_1125 = arith.index_cast %swap3A_1124 : i32 to index
        %swap3A_1126 = arith.constant 240 : index
        %swap3A_1127 = tpu.vector_load %arg6[%swap3A_1125, %swap3A_1126] {strides = array<i32>} : memref<4x256xi32, #tpu.memory_space<vmem>>, vector<16xi32>,
        tpu.vector_store %arg6[%swap3A_1125, %swap3A_1126], %gather3A_1123 {strides = array<i32>} : memref<4x256xi32, #tpu.memory_space<vmem>>, vector<16xi32>,
        %dma_start3A_1128 = arith.constant 0 : i32
        %dma_start3A_1129 = arith.constant 0 : i32
        %dma_start3A_1130 = arith.constant 0 : i32
        %dma_start3A_1131 = arith.constant 0 : i32
        %dma_start3A_1132 = arith.constant 0 : i32
        %dma_start3A_1133 = tpu.memref_slice %arg7[%dma_start3A_1129, %dma_start3A_1131, %dma_start3A_1132] : memref<4x256x64xf32, #tpu.memory_space<vmem>> -> memref<1x256x64xf32, #tpu.memory_space<vmem>>
        %dma_start3A_1134 = tpu.memref_squeeze %dma_start3A_1133 : memref<1x256x64xf32, #tpu.memory_space<vmem>> -> memref<256x64xf32, #tpu.memory_space<vmem>>
        %dma_start3A_1135 = arith.constant 0 : i32
        %dma_start3A_1136 = tpu.memref_slice %arg6[%dma_start3A_1128, %dma_start3A_1135] : memref<4x256xi32, #tpu.memory_space<vmem>> -> memref<1x256xi32, #tpu.memory_space<vmem>>
        %dma_start3A_1137 = tpu.memref_squeeze %dma_start3A_1136 : memref<1x256xi32, #tpu.memory_space<vmem>> -> memref<256xi32, #tpu.memory_space<vmem>>
        %dma_start3A_1138 = arith.constant 0 : i32
        %dma_start3A_1139 = arith.constant 0 : i32
        %dma_start3A_1140 = tpu.memref_slice %arg3[%dma_start3A_1138, %dma_start3A_1139] : memref<100000x64xf32, #tpu.memory_space<hbm>> -> memref<100000x64xf32, #tpu.memory_space<hbm>>
        %dma_start3A_1141 = tpu.memref_slice %arg9[%dma_start3A_1130] : memref<4x!tpu.dma_semaphore, #tpu.memory_space<semaphore_mem>> -> memref<1x!tpu.dma_semaphore, #tpu.memory_space<semaphore_mem>>
        %dma_start3A_1142 = tpu.memref_squeeze %dma_start3A_1141 : memref<1x!tpu.dma_semaphore, #tpu.memory_space<semaphore_mem>> -> memref<!tpu.dma_semaphore, #tpu.memory_space<semaphore_mem>>
        tpu.enqueue_indirect_dma source(%dma_start3A_1140 : memref<100000x64xf32, #tpu.memory_space<hbm>>) target(%dma_start3A_1134 : memref<256x64xf32, #tpu.memory_space<vmem>>) offsets(%dma_start3A_1137 : memref<256xi32, #tpu.memory_space<vmem>>) semaphore(%dma_start3A_1142 : memref<!tpu.dma_semaphore, #tpu.memory_space<semaphore_mem>>)
      } else {
      }
      %ge3A_669 = arith.constant 2 : i32
      %ge3A_670 = arith.cmpi sge, %add3A_646, %ge3A_669 : i32
      %convert_element_type3A_671 = arith.extui %ge3A_670 : i1 to i32
      %cond3A_672 = arith.constant 0 : i32
      %cond3A_673 = arith.cmpi ne, %convert_element_type3A_671, %cond3A_672 : i32
      scf.if %cond3A_673 {
        %sub3A = arith.constant 2 : i32
        %sub3A_918 = arith.subi %add3A_646, %sub3A : i32
        %mul3A_919 = arith.constant 2 : i32
        %mul3A_920 = arith.muli %mul3A_919, %sub3A_918 : i32
        %add3A_921 = arith.constant 0 : i32
        %add3A_922 = arith.addi %mul3A_920, %add3A_921 : i32
        %dma_wait3A_923 = arith.constant 1 : i32
        %dma_wait3A_924 = arith.constant 0 : i32
        %dma_wait3A_925 = arith.constant 1 : i32
        %dma_wait3A_926 = arith.constant 0 : i32
        %dma_wait3A_927 = arith.constant 0 : i32
        %dma_wait3A_928 = arith.constant 0 : i32
        %dma_wait3A_929 = tpu.memref_slice %arg8[%dma_wait3A_923, %dma_wait3A_924, %dma_wait3A_926, %dma_wait3A_927, %dma_wait3A_928] : memref<2x2x8x8x128xf32, #tpu.memory_space<vmem>> -> memref<1x1x8x8x128xf32, #tpu.memory_space<vmem>>
        %dma_wait3A_930 = tpu.memref_squeeze %dma_wait3A_929 : memref<1x1x8x8x128xf32, #tpu.memory_space<vmem>> -> memref<8x8x128xf32, #tpu.memory_space<vmem>>
        %dma_wait3A_931 = arith.constant 0 : i32
        %dma_wait3A_932 = arith.constant 0 : i32
        %dma_wait3A_933 = arith.constant 0 : i32
        %dma_wait3A_934 = tpu.memref_slice %arg4[%add3A_922, %dma_wait3A_931, %add3A, %dma_wait3A_932, %dma_wait3A_933] : memref<200x8x32x8x128xf32, #tpu.memory_space<hbm>> -> memref<1x8x1x8x128xf32, #tpu.memory_space<hbm>>
        %dma_wait3A_935 = tpu.memref_squeeze %dma_wait3A_934 : memref<1x8x1x8x128xf32, #tpu.memory_space<hbm>> -> memref<8x8x128xf32, #tpu.memory_space<hbm>>
        %dma_wait3A_936 = tpu.memref_slice %arg10[%dma_wait3A_925] : memref<2x!tpu.dma_semaphore, #tpu.memory_space<semaphore_mem>> -> memref<1x!tpu.dma_semaphore, #tpu.memory_space<semaphore_mem>>
        %dma_wait3A_937 = tpu.memref_squeeze %dma_wait3A_936 : memref<1x!tpu.dma_semaphore, #tpu.memory_space<semaphore_mem>> -> memref<!tpu.dma_semaphore, #tpu.memory_space<semaphore_mem>>
        %dma_wait3A_938 = arith.constant 0 : i32
        %dma_wait3A_939 = arith.constant 0 : i32
        %dma_wait3A_940 = arith.constant 0 : i32
        %dma_wait3A_941 = tpu.memref_slice %arg4[%add3A_922, %dma_wait3A_938, %add3A, %dma_wait3A_939, %dma_wait3A_940] : memref<200x8x32x8x128xf32, #tpu.memory_space<hbm>> -> memref<1x8x1x8x128xf32, #tpu.memory_space<hbm>>
        %dma_wait3A_942 = tpu.memref_squeeze %dma_wait3A_941 : memref<1x8x1x8x128xf32, #tpu.memory_space<hbm>> -> memref<8x8x128xf32, #tpu.memory_space<hbm>>
        %dma_wait3A_943 = arith.constant 0 : i32
        %dma_wait3A_944 = arith.constant 0 : i32
        %dma_wait3A_945 = arith.constant 0 : i32
        %dma_wait3A_946 = tpu.memref_slice %arg8[%dma_wait3A_923, %dma_wait3A_924, %dma_wait3A_943, %dma_wait3A_944, %dma_wait3A_945] : memref<2x2x8x8x128xf32, #tpu.memory_space<vmem>> -> memref<1x1x8x8x128xf32, #tpu.memory_space<vmem>>
        %dma_wait3A_947 = tpu.memref_squeeze %dma_wait3A_946 : memref<1x1x8x8x128xf32, #tpu.memory_space<vmem>> -> memref<8x8x128xf32, #tpu.memory_space<vmem>>
        tpu.wait_dma2 semaphore(%dma_wait3A_937 : memref<!tpu.dma_semaphore, #tpu.memory_space<semaphore_mem>>) src(%dma_wait3A_947 : memref<8x8x128xf32, #tpu.memory_space<vmem>>) dst(%dma_wait3A_942 : memref<8x8x128xf32, #tpu.memory_space<hbm>>)
        %mul3A_948 = arith.constant 2 : i32
        %mul3A_949 = arith.muli %mul3A_948, %sub3A_918 : i32
        %add3A_950 = arith.constant 1 : i32
        %add3A_951 = arith.addi %mul3A_949, %add3A_950 : i32
        %dma_wait3A_952 = arith.constant 1 : i32
        %dma_wait3A_953 = arith.constant 1 : i32
        %dma_wait3A_954 = arith.constant 1 : i32
        %dma_wait3A_955 = arith.constant 0 : i32
        %dma_wait3A_956 = arith.constant 0 : i32
        %dma_wait3A_957 = arith.constant 0 : i32
        %dma_wait3A_958 = tpu.memref_slice %arg8[%dma_wait3A_952, %dma_wait3A_953, %dma_wait3A_955, %dma_wait3A_956, %dma_wait3A_957] : memref<2x2x8x8x128xf32, #tpu.memory_space<vmem>> -> memref<1x1x8x8x128xf32, #tpu.memory_space<vmem>>
        %dma_wait3A_959 = tpu.memref_squeeze %dma_wait3A_958 : memref<1x1x8x8x128xf32, #tpu.memory_space<vmem>> -> memref<8x8x128xf32, #tpu.memory_space<vmem>>
        %dma_wait3A_960 = arith.constant 0 : i32
        %dma_wait3A_961 = arith.constant 0 : i32
        %dma_wait3A_962 = arith.constant 0 : i32
        %dma_wait3A_963 = tpu.memref_slice %arg4[%add3A_951, %dma_wait3A_960, %add3A, %dma_wait3A_961, %dma_wait3A_962] : memref<200x8x32x8x128xf32, #tpu.memory_space<hbm>> -> memref<1x8x1x8x128xf32, #tpu.memory_space<hbm>>
        %dma_wait3A_964 = tpu.memref_squeeze %dma_wait3A_963 : memref<1x8x1x8x128xf32, #tpu.memory_space<hbm>> -> memref<8x8x128xf32, #tpu.memory_space<hbm>>
        %dma_wait3A_965 = tpu.memref_slice %arg10[%dma_wait3A_954] : memref<2x!tpu.dma_semaphore, #tpu.memory_space<semaphore_mem>> -> memref<1x!tpu.dma_semaphore, #tpu.memory_space<semaphore_mem>>
        %dma_wait3A_966 = tpu.memref_squeeze %dma_wait3A_965 : memref<1x!tpu.dma_semaphore, #tpu.memory_space<semaphore_mem>> -> memref<!tpu.dma_semaphore, #tpu.memory_space<semaphore_mem>>
        %dma_wait3A_967 = arith.constant 0 : i32
        %dma_wait3A_968 = arith.constant 0 : i32
        %dma_wait3A_969 = arith.constant 0 : i32
        %dma_wait3A_970 = tpu.memref_slice %arg4[%add3A_951, %dma_wait3A_967, %add3A, %dma_wait3A_968, %dma_wait3A_969] : memref<200x8x32x8x128xf32, #tpu.memory_space<hbm>> -> memref<1x8x1x8x128xf32, #tpu.memory_space<hbm>>
        %dma_wait3A_971 = tpu.memref_squeeze %dma_wait3A_970 : memref<1x8x1x8x128xf32, #tpu.memory_space<hbm>> -> memref<8x8x128xf32, #tpu.memory_space<hbm>>
        %dma_wait3A_972 = arith.constant 0 : i32
        %dma_wait3A_973 = arith.constant 0 : i32
        %dma_wait3A_974 = arith.constant 0 : i32
        %dma_wait3A_975 = tpu.memref_slice %arg8[%dma_wait3A_952, %dma_wait3A_953, %dma_wait3A_972, %dma_wait3A_973, %dma_wait3A_974] : memref<2x2x8x8x128xf32, #tpu.memory_space<vmem>> -> memref<1x1x8x8x128xf32, #tpu.memory_space<vmem>>
        %dma_wait3A_976 = tpu.memref_squeeze %dma_wait3A_975 : memref<1x1x8x8x128xf32, #tpu.memory_space<vmem>> -> memref<8x8x128xf32, #tpu.memory_space<vmem>>
        tpu.wait_dma2 semaphore(%dma_wait3A_966 : memref<!tpu.dma_semaphore, #tpu.memory_space<semaphore_mem>>) src(%dma_wait3A_976 : memref<8x8x128xf32, #tpu.memory_space<vmem>>) dst(%dma_wait3A_971 : memref<8x8x128xf32, #tpu.memory_space<hbm>>)
      } else {
      }
      %parallel_loop3A_674 = arith.constant 0 : i32
      %parallel_loop3A_675 = arith.constant 256 : i32
      %parallel_loop3A_676 = arith.constant 1 : i32
      %parallel_loop3A_677 = arith.constant 1 : i32
      scf.for %parallel_loop3A_918 = %parallel_loop3A_674 to %parallel_loop3A_675 step %parallel_loop3A_676  : i32 {
        %parallel_loop3A_919 = arith.constant 0 : i32
        %parallel_loop3A_920 = vector.broadcast %parallel_loop3A_919 : i32 to vector<16xi32>
        %parallel_loop3A_921 = arith.muli %iota3A, %parallel_loop3A_920 : vector<16xi32>
        %parallel_loop3A_922 = arith.constant 7 : i32
        %parallel_loop3A_923 = arith.shrsi %parallel_loop3A_918, %parallel_loop3A_922 : i32
        %parallel_loop3A_924 = vector.broadcast %parallel_loop3A_923 : i32 to vector<16xi32>
        %parallel_loop3A_925 = arith.addi %parallel_loop3A_921, %parallel_loop3A_924 : vector<16xi32>
        %parallel_loop3A_926 = arith.constant 0 : i32
        %parallel_loop3A_927 = vector.broadcast %parallel_loop3A_926 : i32 to vector<16xi32>
        %parallel_loop3A_928 = arith.muli %iota3A, %parallel_loop3A_927 : vector<16xi32>
        %parallel_loop3A_929 = arith.constant 127 : i32
        %parallel_loop3A_930 = arith.andi %parallel_loop3A_918, %parallel_loop3A_929 : i32
        %parallel_loop3A_931 = vector.broadcast %parallel_loop3A_930 : i32 to vector<16xi32>
        %parallel_loop3A_932 = arith.addi %parallel_loop3A_928, %parallel_loop3A_931 : vector<16xi32>
        %parallel_loop3A_933 = arith.constant 1 : i32
        %parallel_loop3A_934 = arith.index_cast %parallel_loop3A_933 : i32 to index
        %parallel_loop3A_935 = arith.index_cast %parallel_loop3A_918 : i32 to index
        %parallel_loop3A_936 = arith.constant 0 : index
        %parallel_loop3A_937 = tpu.vector_load %arg7[%parallel_loop3A_934, %parallel_loop3A_935, %parallel_loop3A_936] {strides = array<i32>} : memref<4x256x64xf32, #tpu.memory_space<vmem>>, vector<16xf32>,
        %parallel_loop3A_938 = arith.constant 0 : i32
        %parallel_loop3A_939 = arith.constant 0 : i32
        %parallel_loop3A_940 = arith.constant 0 : i32
        %parallel_loop3A_941 = arith.constant 0 : i32
        %parallel_loop3A_942 = tpu.memref_slice %arg8[%parallel_loop3A_677, %parallel_loop3A_938, %parallel_loop3A_939, %parallel_loop3A_940, %parallel_loop3A_941] : memref<2x2x8x8x128xf32, #tpu.memory_space<vmem>> -> memref<1x2x8x8x128xf32, #tpu.memory_space<vmem>>
        %parallel_loop3A_943 = tpu.memref_squeeze %parallel_loop3A_942 : memref<1x2x8x8x128xf32, #tpu.memory_space<vmem>> -> memref<2x8x8x128xf32, #tpu.memory_space<vmem>>
        tpu.vector_store_idx %parallel_loop3A_943[%parallel_loop3A_925, %add3A_12, %and3A_9, %parallel_loop3A_932], %parallel_loop3A_937 : memref<2x8x8x128xf32, #tpu.memory_space<vmem>>[vector<16xi32>, vector<16xi32>, vector<16xi32>, vector<16xi32>], vector<16xf32>,
        %parallel_loop3A_944 = arith.constant 1 : i32
        %parallel_loop3A_945 = arith.index_cast %parallel_loop3A_944 : i32 to index
        %parallel_loop3A_946 = arith.index_cast %parallel_loop3A_918 : i32 to index
        %parallel_loop3A_947 = arith.constant 16 : index
        %parallel_loop3A_948 = tpu.vector_load %arg7[%parallel_loop3A_945, %parallel_loop3A_946, %parallel_loop3A_947] {strides = array<i32>} : memref<4x256x64xf32, #tpu.memory_space<vmem>>, vector<16xf32>,
        %parallel_loop3A_949 = arith.constant 0 : i32
        %parallel_loop3A_950 = arith.constant 0 : i32
        %parallel_loop3A_951 = arith.constant 0 : i32
        %parallel_loop3A_952 = arith.constant 0 : i32
        %parallel_loop3A_953 = tpu.memref_slice %arg8[%parallel_loop3A_677, %parallel_loop3A_949, %parallel_loop3A_950, %parallel_loop3A_951, %parallel_loop3A_952] : memref<2x2x8x8x128xf32, #tpu.memory_space<vmem>> -> memref<1x2x8x8x128xf32, #tpu.memory_space<vmem>>
        %parallel_loop3A_954 = tpu.memref_squeeze %parallel_loop3A_953 : memref<1x2x8x8x128xf32, #tpu.memory_space<vmem>> -> memref<2x8x8x128xf32, #tpu.memory_space<vmem>>
        tpu.vector_store_idx %parallel_loop3A_954[%parallel_loop3A_925, %add3A_15, %and3A_9, %parallel_loop3A_932], %parallel_loop3A_948 : memref<2x8x8x128xf32, #tpu.memory_space<vmem>>[vector<16xi32>, vector<16xi32>, vector<16xi32>, vector<16xi32>], vector<16xf32>,
        %parallel_loop3A_955 = arith.constant 1 : i32
        %parallel_loop3A_956 = arith.index_cast %parallel_loop3A_955 : i32 to index
        %parallel_loop3A_957 = arith.index_cast %parallel_loop3A_918 : i32 to index
        %parallel_loop3A_958 = arith.constant 32 : index
        %parallel_loop3A_959 = tpu.vector_load %arg7[%parallel_loop3A_956, %parallel_loop3A_957, %parallel_loop3A_958] {strides = array<i32>} : memref<4x256x64xf32, #tpu.memory_space<vmem>>, vector<16xf32>,
        %parallel_loop3A_960 = arith.constant 0 : i32
        %parallel_loop3A_961 = arith.constant 0 : i32
        %parallel_loop3A_962 = arith.constant 0 : i32
        %parallel_loop3A_963 = arith.constant 0 : i32
        %parallel_loop3A_964 = tpu.memref_slice %arg8[%parallel_loop3A_677, %parallel_loop3A_960, %parallel_loop3A_961, %parallel_loop3A_962, %parallel_loop3A_963] : memref<2x2x8x8x128xf32, #tpu.memory_space<vmem>> -> memref<1x2x8x8x128xf32, #tpu.memory_space<vmem>>
        %parallel_loop3A_965 = tpu.memref_squeeze %parallel_loop3A_964 : memref<1x2x8x8x128xf32, #tpu.memory_space<vmem>> -> memref<2x8x8x128xf32, #tpu.memory_space<vmem>>
        tpu.vector_store_idx %parallel_loop3A_965[%parallel_loop3A_925, %add3A_18, %and3A_9, %parallel_loop3A_932], %parallel_loop3A_959 : memref<2x8x8x128xf32, #tpu.memory_space<vmem>>[vector<16xi32>, vector<16xi32>, vector<16xi32>, vector<16xi32>], vector<16xf32>,
        %parallel_loop3A_966 = arith.constant 1 : i32
        %parallel_loop3A_967 = arith.index_cast %parallel_loop3A_966 : i32 to index
        %parallel_loop3A_968 = arith.index_cast %parallel_loop3A_918 : i32 to index
        %parallel_loop3A_969 = arith.constant 48 : index
        %parallel_loop3A_970 = tpu.vector_load %arg7[%parallel_loop3A_967, %parallel_loop3A_968, %parallel_loop3A_969] {strides = array<i32>} : memref<4x256x64xf32, #tpu.memory_space<vmem>>, vector<16xf32>,
        %parallel_loop3A_971 = arith.constant 0 : i32
        %parallel_loop3A_972 = arith.constant 0 : i32
        %parallel_loop3A_973 = arith.constant 0 : i32
        %parallel_loop3A_974 = arith.constant 0 : i32
        %parallel_loop3A_975 = tpu.memref_slice %arg8[%parallel_loop3A_677, %parallel_loop3A_971, %parallel_loop3A_972, %parallel_loop3A_973, %parallel_loop3A_974] : memref<2x2x8x8x128xf32, #tpu.memory_space<vmem>> -> memref<1x2x8x8x128xf32, #tpu.memory_space<vmem>>
        %parallel_loop3A_976 = tpu.memref_squeeze %parallel_loop3A_975 : memref<1x2x8x8x128xf32, #tpu.memory_space<vmem>> -> memref<2x8x8x128xf32, #tpu.memory_space<vmem>>
        tpu.vector_store_idx %parallel_loop3A_976[%parallel_loop3A_925, %add3A_21, %and3A_9, %parallel_loop3A_932], %parallel_loop3A_970 : memref<2x8x8x128xf32, #tpu.memory_space<vmem>>[vector<16xi32>, vector<16xi32>, vector<16xi32>, vector<16xi32>], vector<16xf32>,
      } {sc.loop_unroll_factor = 8 : i64, sc.parallel_access}
      %mul3A_678 = arith.constant 2 : i32
      %mul3A_679 = arith.muli %mul3A_678, %add3A_646 : i32
      %add3A_680 = arith.constant 0 : i32
      %add3A_681 = arith.addi %mul3A_679, %add3A_680 : i32
      %dma_start3A_682 = arith.constant 1 : i32
      %dma_start3A_683 = arith.constant 0 : i32
      %dma_start3A_684 = arith.constant 1 : i32
      %dma_start3A_685 = arith.constant 0 : i32
      %dma_start3A_686 = arith.constant 0 : i32
      %dma_start3A_687 = arith.constant 0 : i32
      %dma_start3A_688 = tpu.memref_slice %arg8[%dma_start3A_682, %dma_start3A_683, %dma_start3A_685, %dma_start3A_686, %dma_start3A_687] : memref<2x2x8x8x128xf32, #tpu.memory_space<vmem>> -> memref<1x1x8x8x128xf32, #tpu.memory_space<vmem>>
      %dma_start3A_689 = tpu.memref_squeeze %dma_start3A_688 : memref<1x1x8x8x128xf32, #tpu.memory_space<vmem>> -> memref<8x8x128xf32, #tpu.memory_space<vmem>>
      %dma_start3A_690 = arith.constant 0 : i32
      %dma_start3A_691 = arith.constant 0 : i32
      %dma_start3A_692 = arith.constant 0 : i32
      %dma_start3A_693 = tpu.memref_slice %arg4[%add3A_681, %dma_start3A_690, %add3A, %dma_start3A_691, %dma_start3A_692] : memref<200x8x32x8x128xf32, #tpu.memory_space<hbm>> -> memref<1x8x1x8x128xf32, #tpu.memory_space<hbm>>
      %dma_start3A_694 = tpu.memref_squeeze %dma_start3A_693 : memref<1x8x1x8x128xf32, #tpu.memory_space<hbm>> -> memref<8x8x128xf32, #tpu.memory_space<hbm>>
      %dma_start3A_695 = tpu.memref_slice %arg10[%dma_start3A_684] : memref<2x!tpu.dma_semaphore, #tpu.memory_space<semaphore_mem>> -> memref<1x!tpu.dma_semaphore, #tpu.memory_space<semaphore_mem>>
      %dma_start3A_696 = tpu.memref_squeeze %dma_start3A_695 : memref<1x!tpu.dma_semaphore, #tpu.memory_space<semaphore_mem>> -> memref<!tpu.dma_semaphore, #tpu.memory_space<semaphore_mem>>
      %dma_start3A_697 = arith.constant 0 : i32
      %dma_start3A_698 = arith.constant 0 : i32
      %dma_start3A_699 = arith.constant 0 : i32
      %dma_start3A_700 = tpu.memref_slice %arg4[%add3A_681, %dma_start3A_697, %add3A, %dma_start3A_698, %dma_start3A_699] : memref<200x8x32x8x128xf32, #tpu.memory_space<hbm>> -> memref<1x8x1x8x128xf32, #tpu.memory_space<hbm>>
      %dma_start3A_701 = tpu.memref_squeeze %dma_start3A_700 : memref<1x8x1x8x128xf32, #tpu.memory_space<hbm>> -> memref<8x8x128xf32, #tpu.memory_space<hbm>>
      %dma_start3A_702 = arith.constant 0 : i32
      %dma_start3A_703 = arith.constant 0 : i32
      %dma_start3A_704 = arith.constant 0 : i32
      %dma_start3A_705 = tpu.memref_slice %arg8[%dma_start3A_682, %dma_start3A_683, %dma_start3A_702, %dma_start3A_703, %dma_start3A_704] : memref<2x2x8x8x128xf32, #tpu.memory_space<vmem>> -> memref<1x1x8x8x128xf32, #tpu.memory_space<vmem>>
      %dma_start3A_706 = tpu.memref_squeeze %dma_start3A_705 : memref<1x1x8x8x128xf32, #tpu.memory_space<vmem>> -> memref<8x8x128xf32, #tpu.memory_space<vmem>>
      tpu.enqueue_dma source(%dma_start3A_706 : memref<8x8x128xf32, #tpu.memory_space<vmem>>) target(%dma_start3A_701 : memref<8x8x128xf32, #tpu.memory_space<hbm>>) target_semaphore(%dma_start3A_696 : memref<!tpu.dma_semaphore, #tpu.memory_space<semaphore_mem>>)
      %mul3A_707 = arith.constant 2 : i32
      %mul3A_708 = arith.muli %mul3A_707, %add3A_646 : i32
      %add3A_709 = arith.constant 1 : i32
      %add3A_710 = arith.addi %mul3A_708, %add3A_709 : i32
      %dma_start3A_711 = arith.constant 1 : i32
      %dma_start3A_712 = arith.constant 1 : i32
      %dma_start3A_713 = arith.constant 1 : i32
      %dma_start3A_714 = arith.constant 0 : i32
      %dma_start3A_715 = arith.constant 0 : i32
      %dma_start3A_716 = arith.constant 0 : i32
      %dma_start3A_717 = tpu.memref_slice %arg8[%dma_start3A_711, %dma_start3A_712, %dma_start3A_714, %dma_start3A_715, %dma_start3A_716] : memref<2x2x8x8x128xf32, #tpu.memory_space<vmem>> -> memref<1x1x8x8x128xf32, #tpu.memory_space<vmem>>
      %dma_start3A_718 = tpu.memref_squeeze %dma_start3A_717 : memref<1x1x8x8x128xf32, #tpu.memory_space<vmem>> -> memref<8x8x128xf32, #tpu.memory_space<vmem>>
      %dma_start3A_719 = arith.constant 0 : i32
      %dma_start3A_720 = arith.constant 0 : i32
      %dma_start3A_721 = arith.constant 0 : i32
      %dma_start3A_722 = tpu.memref_slice %arg4[%add3A_710, %dma_start3A_719, %add3A, %dma_start3A_720, %dma_start3A_721] : memref<200x8x32x8x128xf32, #tpu.memory_space<hbm>> -> memref<1x8x1x8x128xf32, #tpu.memory_space<hbm>>
      %dma_start3A_723 = tpu.memref_squeeze %dma_start3A_722 : memref<1x8x1x8x128xf32, #tpu.memory_space<hbm>> -> memref<8x8x128xf32, #tpu.memory_space<hbm>>
      %dma_start3A_724 = tpu.memref_slice %arg10[%dma_start3A_713] : memref<2x!tpu.dma_semaphore, #tpu.memory_space<semaphore_mem>> -> memref<1x!tpu.dma_semaphore, #tpu.memory_space<semaphore_mem>>
      %dma_start3A_725 = tpu.memref_squeeze %dma_start3A_724 : memref<1x!tpu.dma_semaphore, #tpu.memory_space<semaphore_mem>> -> memref<!tpu.dma_semaphore, #tpu.memory_space<semaphore_mem>>
      %dma_start3A_726 = arith.constant 0 : i32
      %dma_start3A_727 = arith.constant 0 : i32
      %dma_start3A_728 = arith.constant 0 : i32
      %dma_start3A_729 = tpu.memref_slice %arg4[%add3A_710, %dma_start3A_726, %add3A, %dma_start3A_727, %dma_start3A_728] : memref<200x8x32x8x128xf32, #tpu.memory_space<hbm>> -> memref<1x8x1x8x128xf32, #tpu.memory_space<hbm>>
      %dma_start3A_730 = tpu.memref_squeeze %dma_start3A_729 : memref<1x8x1x8x128xf32, #tpu.memory_space<hbm>> -> memref<8x8x128xf32, #tpu.memory_space<hbm>>
      %dma_start3A_731 = arith.constant 0 : i32
      %dma_start3A_732 = arith.constant 0 : i32
      %dma_start3A_733 = arith.constant 0 : i32
      %dma_start3A_734 = tpu.memref_slice %arg8[%dma_start3A_711, %dma_start3A_712, %dma_start3A_731, %dma_start3A_732, %dma_start3A_733] : memref<2x2x8x8x128xf32, #tpu.memory_space<vmem>> -> memref<1x1x8x8x128xf32, #tpu.memory_space<vmem>>
      %dma_start3A_735 = tpu.memref_squeeze %dma_start3A_734 : memref<1x1x8x8x128xf32, #tpu.memory_space<vmem>> -> memref<8x8x128xf32, #tpu.memory_space<vmem>>
      tpu.enqueue_dma source(%dma_start3A_735 : memref<8x8x128xf32, #tpu.memory_space<vmem>>) target(%dma_start3A_730 : memref<8x8x128xf32, #tpu.memory_space<hbm>>) target_semaphore(%dma_start3A_725 : memref<!tpu.dma_semaphore, #tpu.memory_space<semaphore_mem>>)
      %add3A_736 = arith.constant 2 : i32
      %add3A_737 = arith.addi %mul3A_558, %add3A_736 : i32
      %dma_wait3A_738 = arith.constant 2 : i32
      %dma_wait3A_739 = arith.constant 2 : i32
      %dma_wait3A_740 = arith.constant 2 : i32
      %dma_wait3A_741 = arith.constant 0 : i32
      %dma_wait3A_742 = arith.constant 0 : i32
      %dma_wait3A_743 = tpu.memref_slice %arg7[%dma_wait3A_739, %dma_wait3A_741, %dma_wait3A_742] : memref<4x256x64xf32, #tpu.memory_space<vmem>> -> memref<1x256x64xf32, #tpu.memory_space<vmem>>
      %dma_wait3A_744 = tpu.memref_squeeze %dma_wait3A_743 : memref<1x256x64xf32, #tpu.memory_space<vmem>> -> memref<256x64xf32, #tpu.memory_space<vmem>>
      %dma_wait3A_745 = arith.constant 0 : i32
      %dma_wait3A_746 = tpu.memref_slice %arg6[%dma_wait3A_738, %dma_wait3A_745] : memref<4x256xi32, #tpu.memory_space<vmem>> -> memref<1x256xi32, #tpu.memory_space<vmem>>
      %dma_wait3A_747 = tpu.memref_squeeze %dma_wait3A_746 : memref<1x256xi32, #tpu.memory_space<vmem>> -> memref<256xi32, #tpu.memory_space<vmem>>
      %dma_wait3A_748 = arith.constant 0 : i32
      %dma_wait3A_749 = arith.constant 0 : i32
      %dma_wait3A_750 = tpu.memref_slice %arg3[%dma_wait3A_748, %dma_wait3A_749] : memref<100000x64xf32, #tpu.memory_space<hbm>> -> memref<100000x64xf32, #tpu.memory_space<hbm>>
      %dma_wait3A_751 = tpu.memref_slice %arg9[%dma_wait3A_740] : memref<4x!tpu.dma_semaphore, #tpu.memory_space<semaphore_mem>> -> memref<1x!tpu.dma_semaphore, #tpu.memory_space<semaphore_mem>>
      %dma_wait3A_752 = tpu.memref_squeeze %dma_wait3A_751 : memref<1x!tpu.dma_semaphore, #tpu.memory_space<semaphore_mem>> -> memref<!tpu.dma_semaphore, #tpu.memory_space<semaphore_mem>>
      tpu.wait_indirect_dma semaphore(%dma_wait3A_752 : memref<!tpu.dma_semaphore, #tpu.memory_space<semaphore_mem>>) src(%dma_wait3A_750 : memref<100000x64xf32, #tpu.memory_space<hbm>>) dst(%dma_wait3A_744 : memref<256x64xf32, #tpu.memory_space<vmem>>)
      %add3A_753 = arith.constant 3 : i32
      %add3A_754 = arith.addi %add3A_737, %add3A_753 : i32
      %lt3A_755 = arith.constant 100 : i32
      %lt3A_756 = arith.cmpi slt, %add3A_754, %lt3A_755 : i32
      %convert_element_type3A_757 = arith.extui %lt3A_756 : i1 to i32
      %cond3A_758 = arith.constant 0 : i32
      %cond3A_759 = arith.cmpi ne, %convert_element_type3A_757, %cond3A_758 : i32
      scf.if %cond3A_759 {
        %add3A_918 = arith.constant 3 : i32
        %add3A_919 = arith.addi %add3A_737, %add3A_918 : i32
        %mul3A_920 = arith.constant 2 : i32
        %mul3A_921 = arith.muli %mul3A_920, %add3A_919 : i32
        %add3A_922 = arith.constant 0 : i32
        %add3A_923 = arith.addi %add3A_922, %mul3A_921 : i32
        %add3A_924 = arith.constant 0 : i32
        %add3A_925 = arith.addi %add3A_923, %add3A_924 : i32
        %add3A_926 = vector.broadcast %add3A_925 : i32 to vector<16xi32>
        %add3A_927 = arith.addi %mul3A_5, %add3A_926 : vector<16xi32>
        %gather3A_928 = tpu.vector_load_idx %arg5[%add3A_927] : memref<25600xi32, #tpu.memory_space<vmem>>[vector<16xi32>], vector<16xi32>,
        %swap3A_929 = arith.constant 1 : i32
        %swap3A_930 = arith.index_cast %swap3A_929 : i32 to index
        %swap3A_931 = arith.constant 0 : index
        %swap3A_932 = tpu.vector_load %arg6[%swap3A_930, %swap3A_931] {strides = array<i32>} : memref<4x256xi32, #tpu.memory_space<vmem>>, vector<16xi32>,
        tpu.vector_store %arg6[%swap3A_930, %swap3A_931], %gather3A_928 {strides = array<i32>} : memref<4x256xi32, #tpu.memory_space<vmem>>, vector<16xi32>,
        %mul3A_933 = arith.constant 2 : i32
        %mul3A_934 = arith.muli %mul3A_933, %add3A_919 : i32
        %add3A_935 = arith.constant 3200 : i32
        %add3A_936 = arith.addi %add3A_935, %mul3A_934 : i32
        %add3A_937 = arith.constant 0 : i32
        %add3A_938 = arith.addi %add3A_936, %add3A_937 : i32
        %add3A_939 = vector.broadcast %add3A_938 : i32 to vector<16xi32>
        %add3A_940 = arith.addi %mul3A_5, %add3A_939 : vector<16xi32>
        %gather3A_941 = tpu.vector_load_idx %arg5[%add3A_940] : memref<25600xi32, #tpu.memory_space<vmem>>[vector<16xi32>], vector<16xi32>,
        %swap3A_942 = arith.constant 1 : i32
        %swap3A_943 = arith.index_cast %swap3A_942 : i32 to index
        %swap3A_944 = arith.constant 16 : index
        %swap3A_945 = tpu.vector_load %arg6[%swap3A_943, %swap3A_944] {strides = array<i32>} : memref<4x256xi32, #tpu.memory_space<vmem>>, vector<16xi32>,
        tpu.vector_store %arg6[%swap3A_943, %swap3A_944], %gather3A_941 {strides = array<i32>} : memref<4x256xi32, #tpu.memory_space<vmem>>, vector<16xi32>,
        %mul3A_946 = arith.constant 2 : i32
        %mul3A_947 = arith.muli %mul3A_946, %add3A_919 : i32
        %add3A_948 = arith.constant 6400 : i32
        %add3A_949 = arith.addi %add3A_948, %mul3A_947 : i32
        %add3A_950 = arith.constant 0 : i32
        %add3A_951 = arith.addi %add3A_949, %add3A_950 : i32
        %add3A_952 = vector.broadcast %add3A_951 : i32 to vector<16xi32>
        %add3A_953 = arith.addi %mul3A_5, %add3A_952 : vector<16xi32>
        %gather3A_954 = tpu.vector_load_idx %arg5[%add3A_953] : memref<25600xi32, #tpu.memory_space<vmem>>[vector<16xi32>], vector<16xi32>,
        %swap3A_955 = arith.constant 1 : i32
        %swap3A_956 = arith.index_cast %swap3A_955 : i32 to index
        %swap3A_957 = arith.constant 32 : index
        %swap3A_958 = tpu.vector_load %arg6[%swap3A_956, %swap3A_957] {strides = array<i32>} : memref<4x256xi32, #tpu.memory_space<vmem>>, vector<16xi32>,
        tpu.vector_store %arg6[%swap3A_956, %swap3A_957], %gather3A_954 {strides = array<i32>} : memref<4x256xi32, #tpu.memory_space<vmem>>, vector<16xi32>,
        %mul3A_959 = arith.constant 2 : i32
        %mul3A_960 = arith.muli %mul3A_959, %add3A_919 : i32
        %add3A_961 = arith.constant 9600 : i32
        %add3A_962 = arith.addi %add3A_961, %mul3A_960 : i32
        %add3A_963 = arith.constant 0 : i32
        %add3A_964 = arith.addi %add3A_962, %add3A_963 : i32
        %add3A_965 = vector.broadcast %add3A_964 : i32 to vector<16xi32>
        %add3A_966 = arith.addi %mul3A_5, %add3A_965 : vector<16xi32>
        %gather3A_967 = tpu.vector_load_idx %arg5[%add3A_966] : memref<25600xi32, #tpu.memory_space<vmem>>[vector<16xi32>], vector<16xi32>,
        %swap3A_968 = arith.constant 1 : i32
        %swap3A_969 = arith.index_cast %swap3A_968 : i32 to index
        %swap3A_970 = arith.constant 48 : index
        %swap3A_971 = tpu.vector_load %arg6[%swap3A_969, %swap3A_970] {strides = array<i32>} : memref<4x256xi32, #tpu.memory_space<vmem>>, vector<16xi32>,
        tpu.vector_store %arg6[%swap3A_969, %swap3A_970], %gather3A_967 {strides = array<i32>} : memref<4x256xi32, #tpu.memory_space<vmem>>, vector<16xi32>,
        %mul3A_972 = arith.constant 2 : i32
        %mul3A_973 = arith.muli %mul3A_972, %add3A_919 : i32
        %add3A_974 = arith.constant 12800 : i32
        %add3A_975 = arith.addi %add3A_974, %mul3A_973 : i32
        %add3A_976 = arith.constant 0 : i32
        %add3A_977 = arith.addi %add3A_975, %add3A_976 : i32
        %add3A_978 = vector.broadcast %add3A_977 : i32 to vector<16xi32>
        %add3A_979 = arith.addi %mul3A_5, %add3A_978 : vector<16xi32>
        %gather3A_980 = tpu.vector_load_idx %arg5[%add3A_979] : memref<25600xi32, #tpu.memory_space<vmem>>[vector<16xi32>], vector<16xi32>,
        %swap3A_981 = arith.constant 1 : i32
        %swap3A_982 = arith.index_cast %swap3A_981 : i32 to index
        %swap3A_983 = arith.constant 64 : index
        %swap3A_984 = tpu.vector_load %arg6[%swap3A_982, %swap3A_983] {strides = array<i32>} : memref<4x256xi32, #tpu.memory_space<vmem>>, vector<16xi32>,
        tpu.vector_store %arg6[%swap3A_982, %swap3A_983], %gather3A_980 {strides = array<i32>} : memref<4x256xi32, #tpu.memory_space<vmem>>, vector<16xi32>,
        %mul3A_985 = arith.constant 2 : i32
        %mul3A_986 = arith.muli %mul3A_985, %add3A_919 : i32
        %add3A_987 = arith.constant 16000 : i32
        %add3A_988 = arith.addi %add3A_987, %mul3A_986 : i32
        %add3A_989 = arith.constant 0 : i32
        %add3A_990 = arith.addi %add3A_988, %add3A_989 : i32
        %add3A_991 = vector.broadcast %add3A_990 : i32 to vector<16xi32>
        %add3A_992 = arith.addi %mul3A_5, %add3A_991 : vector<16xi32>
        %gather3A_993 = tpu.vector_load_idx %arg5[%add3A_992] : memref<25600xi32, #tpu.memory_space<vmem>>[vector<16xi32>], vector<16xi32>,
        %swap3A_994 = arith.constant 1 : i32
        %swap3A_995 = arith.index_cast %swap3A_994 : i32 to index
        %swap3A_996 = arith.constant 80 : index
        %swap3A_997 = tpu.vector_load %arg6[%swap3A_995, %swap3A_996] {strides = array<i32>} : memref<4x256xi32, #tpu.memory_space<vmem>>, vector<16xi32>,
        tpu.vector_store %arg6[%swap3A_995, %swap3A_996], %gather3A_993 {strides = array<i32>} : memref<4x256xi32, #tpu.memory_space<vmem>>, vector<16xi32>,
        %mul3A_998 = arith.constant 2 : i32
        %mul3A_999 = arith.muli %mul3A_998, %add3A_919 : i32
        %add3A_1000 = arith.constant 19200 : i32
        %add3A_1001 = arith.addi %add3A_1000, %mul3A_999 : i32
        %add3A_1002 = arith.constant 0 : i32
        %add3A_1003 = arith.addi %add3A_1001, %add3A_1002 : i32
        %add3A_1004 = vector.broadcast %add3A_1003 : i32 to vector<16xi32>
        %add3A_1005 = arith.addi %mul3A_5, %add3A_1004 : vector<16xi32>
        %gather3A_1006 = tpu.vector_load_idx %arg5[%add3A_1005] : memref<25600xi32, #tpu.memory_space<vmem>>[vector<16xi32>], vector<16xi32>,
        %swap3A_1007 = arith.constant 1 : i32
        %swap3A_1008 = arith.index_cast %swap3A_1007 : i32 to index
        %swap3A_1009 = arith.constant 96 : index
        %swap3A_1010 = tpu.vector_load %arg6[%swap3A_1008, %swap3A_1009] {strides = array<i32>} : memref<4x256xi32, #tpu.memory_space<vmem>>, vector<16xi32>,
        tpu.vector_store %arg6[%swap3A_1008, %swap3A_1009], %gather3A_1006 {strides = array<i32>} : memref<4x256xi32, #tpu.memory_space<vmem>>, vector<16xi32>,
        %mul3A_1011 = arith.constant 2 : i32
        %mul3A_1012 = arith.muli %mul3A_1011, %add3A_919 : i32
        %add3A_1013 = arith.constant 22400 : i32
        %add3A_1014 = arith.addi %add3A_1013, %mul3A_1012 : i32
        %add3A_1015 = arith.constant 0 : i32
        %add3A_1016 = arith.addi %add3A_1014, %add3A_1015 : i32
        %add3A_1017 = vector.broadcast %add3A_1016 : i32 to vector<16xi32>
        %add3A_1018 = arith.addi %mul3A_5, %add3A_1017 : vector<16xi32>
        %gather3A_1019 = tpu.vector_load_idx %arg5[%add3A_1018] : memref<25600xi32, #tpu.memory_space<vmem>>[vector<16xi32>], vector<16xi32>,
        %swap3A_1020 = arith.constant 1 : i32
        %swap3A_1021 = arith.index_cast %swap3A_1020 : i32 to index
        %swap3A_1022 = arith.constant 112 : index
        %swap3A_1023 = tpu.vector_load %arg6[%swap3A_1021, %swap3A_1022] {strides = array<i32>} : memref<4x256xi32, #tpu.memory_space<vmem>>, vector<16xi32>,
        tpu.vector_store %arg6[%swap3A_1021, %swap3A_1022], %gather3A_1019 {strides = array<i32>} : memref<4x256xi32, #tpu.memory_space<vmem>>, vector<16xi32>,
        %mul3A_1024 = arith.constant 2 : i32
        %mul3A_1025 = arith.muli %mul3A_1024, %add3A_919 : i32
        %add3A_1026 = arith.constant 0 : i32
        %add3A_1027 = arith.addi %add3A_1026, %mul3A_1025 : i32
        %add3A_1028 = arith.constant 1 : i32
        %add3A_1029 = arith.addi %add3A_1027, %add3A_1028 : i32
        %add3A_1030 = vector.broadcast %add3A_1029 : i32 to vector<16xi32>
        %add3A_1031 = arith.addi %mul3A_5, %add3A_1030 : vector<16xi32>
        %gather3A_1032 = tpu.vector_load_idx %arg5[%add3A_1031] : memref<25600xi32, #tpu.memory_space<vmem>>[vector<16xi32>], vector<16xi32>,
        %swap3A_1033 = arith.constant 1 : i32
        %swap3A_1034 = arith.index_cast %swap3A_1033 : i32 to index
        %swap3A_1035 = arith.constant 128 : index
        %swap3A_1036 = tpu.vector_load %arg6[%swap3A_1034, %swap3A_1035] {strides = array<i32>} : memref<4x256xi32, #tpu.memory_space<vmem>>, vector<16xi32>,
        tpu.vector_store %arg6[%swap3A_1034, %swap3A_1035], %gather3A_1032 {strides = array<i32>} : memref<4x256xi32, #tpu.memory_space<vmem>>, vector<16xi32>,
        %mul3A_1037 = arith.constant 2 : i32
        %mul3A_1038 = arith.muli %mul3A_1037, %add3A_919 : i32
        %add3A_1039 = arith.constant 3200 : i32
        %add3A_1040 = arith.addi %add3A_1039, %mul3A_1038 : i32
        %add3A_1041 = arith.constant 1 : i32
        %add3A_1042 = arith.addi %add3A_1040, %add3A_1041 : i32
        %add3A_1043 = vector.broadcast %add3A_1042 : i32 to vector<16xi32>
        %add3A_1044 = arith.addi %mul3A_5, %add3A_1043 : vector<16xi32>
        %gather3A_1045 = tpu.vector_load_idx %arg5[%add3A_1044] : memref<25600xi32, #tpu.memory_space<vmem>>[vector<16xi32>], vector<16xi32>,
        %swap3A_1046 = arith.constant 1 : i32
        %swap3A_1047 = arith.index_cast %swap3A_1046 : i32 to index
        %swap3A_1048 = arith.constant 144 : index
        %swap3A_1049 = tpu.vector_load %arg6[%swap3A_1047, %swap3A_1048] {strides = array<i32>} : memref<4x256xi32, #tpu.memory_space<vmem>>, vector<16xi32>,
        tpu.vector_store %arg6[%swap3A_1047, %swap3A_1048], %gather3A_1045 {strides = array<i32>} : memref<4x256xi32, #tpu.memory_space<vmem>>, vector<16xi32>,
        %mul3A_1050 = arith.constant 2 : i32
        %mul3A_1051 = arith.muli %mul3A_1050, %add3A_919 : i32
        %add3A_1052 = arith.constant 6400 : i32
        %add3A_1053 = arith.addi %add3A_1052, %mul3A_1051 : i32
        %add3A_1054 = arith.constant 1 : i32
        %add3A_1055 = arith.addi %add3A_1053, %add3A_1054 : i32
        %add3A_1056 = vector.broadcast %add3A_1055 : i32 to vector<16xi32>
        %add3A_1057 = arith.addi %mul3A_5, %add3A_1056 : vector<16xi32>
        %gather3A_1058 = tpu.vector_load_idx %arg5[%add3A_1057] : memref<25600xi32, #tpu.memory_space<vmem>>[vector<16xi32>], vector<16xi32>,
        %swap3A_1059 = arith.constant 1 : i32
        %swap3A_1060 = arith.index_cast %swap3A_1059 : i32 to index
        %swap3A_1061 = arith.constant 160 : index
        %swap3A_1062 = tpu.vector_load %arg6[%swap3A_1060, %swap3A_1061] {strides = array<i32>} : memref<4x256xi32, #tpu.memory_space<vmem>>, vector<16xi32>,
        tpu.vector_store %arg6[%swap3A_1060, %swap3A_1061], %gather3A_1058 {strides = array<i32>} : memref<4x256xi32, #tpu.memory_space<vmem>>, vector<16xi32>,
        %mul3A_1063 = arith.constant 2 : i32
        %mul3A_1064 = arith.muli %mul3A_1063, %add3A_919 : i32
        %add3A_1065 = arith.constant 9600 : i32
        %add3A_1066 = arith.addi %add3A_1065, %mul3A_1064 : i32
        %add3A_1067 = arith.constant 1 : i32
        %add3A_1068 = arith.addi %add3A_1066, %add3A_1067 : i32
        %add3A_1069 = vector.broadcast %add3A_1068 : i32 to vector<16xi32>
        %add3A_1070 = arith.addi %mul3A_5, %add3A_1069 : vector<16xi32>
        %gather3A_1071 = tpu.vector_load_idx %arg5[%add3A_1070] : memref<25600xi32, #tpu.memory_space<vmem>>[vector<16xi32>], vector<16xi32>,
        %swap3A_1072 = arith.constant 1 : i32
        %swap3A_1073 = arith.index_cast %swap3A_1072 : i32 to index
        %swap3A_1074 = arith.constant 176 : index
        %swap3A_1075 = tpu.vector_load %arg6[%swap3A_1073, %swap3A_1074] {strides = array<i32>} : memref<4x256xi32, #tpu.memory_space<vmem>>, vector<16xi32>,
        tpu.vector_store %arg6[%swap3A_1073, %swap3A_1074], %gather3A_1071 {strides = array<i32>} : memref<4x256xi32, #tpu.memory_space<vmem>>, vector<16xi32>,
        %mul3A_1076 = arith.constant 2 : i32
        %mul3A_1077 = arith.muli %mul3A_1076, %add3A_919 : i32
        %add3A_1078 = arith.constant 12800 : i32
        %add3A_1079 = arith.addi %add3A_1078, %mul3A_1077 : i32
        %add3A_1080 = arith.constant 1 : i32
        %add3A_1081 = arith.addi %add3A_1079, %add3A_1080 : i32
        %add3A_1082 = vector.broadcast %add3A_1081 : i32 to vector<16xi32>
        %add3A_1083 = arith.addi %mul3A_5, %add3A_1082 : vector<16xi32>
        %gather3A_1084 = tpu.vector_load_idx %arg5[%add3A_1083] : memref<25600xi32, #tpu.memory_space<vmem>>[vector<16xi32>], vector<16xi32>,
        %swap3A_1085 = arith.constant 1 : i32
        %swap3A_1086 = arith.index_cast %swap3A_1085 : i32 to index
        %swap3A_1087 = arith.constant 192 : index
        %swap3A_1088 = tpu.vector_load %arg6[%swap3A_1086, %swap3A_1087] {strides = array<i32>} : memref<4x256xi32, #tpu.memory_space<vmem>>, vector<16xi32>,
        tpu.vector_store %arg6[%swap3A_1086, %swap3A_1087], %gather3A_1084 {strides = array<i32>} : memref<4x256xi32, #tpu.memory_space<vmem>>, vector<16xi32>,
        %mul3A_1089 = arith.constant 2 : i32
        %mul3A_1090 = arith.muli %mul3A_1089, %add3A_919 : i32
        %add3A_1091 = arith.constant 16000 : i32
        %add3A_1092 = arith.addi %add3A_1091, %mul3A_1090 : i32
        %add3A_1093 = arith.constant 1 : i32
        %add3A_1094 = arith.addi %add3A_1092, %add3A_1093 : i32
        %add3A_1095 = vector.broadcast %add3A_1094 : i32 to vector<16xi32>
        %add3A_1096 = arith.addi %mul3A_5, %add3A_1095 : vector<16xi32>
        %gather3A_1097 = tpu.vector_load_idx %arg5[%add3A_1096] : memref<25600xi32, #tpu.memory_space<vmem>>[vector<16xi32>], vector<16xi32>,
        %swap3A_1098 = arith.constant 1 : i32
        %swap3A_1099 = arith.index_cast %swap3A_1098 : i32 to index
        %swap3A_1100 = arith.constant 208 : index
        %swap3A_1101 = tpu.vector_load %arg6[%swap3A_1099, %swap3A_1100] {strides = array<i32>} : memref<4x256xi32, #tpu.memory_space<vmem>>, vector<16xi32>,
        tpu.vector_store %arg6[%swap3A_1099, %swap3A_1100], %gather3A_1097 {strides = array<i32>} : memref<4x256xi32, #tpu.memory_space<vmem>>, vector<16xi32>,
        %mul3A_1102 = arith.constant 2 : i32
        %mul3A_1103 = arith.muli %mul3A_1102, %add3A_919 : i32
        %add3A_1104 = arith.constant 19200 : i32
        %add3A_1105 = arith.addi %add3A_1104, %mul3A_1103 : i32
        %add3A_1106 = arith.constant 1 : i32
        %add3A_1107 = arith.addi %add3A_1105, %add3A_1106 : i32
        %add3A_1108 = vector.broadcast %add3A_1107 : i32 to vector<16xi32>
        %add3A_1109 = arith.addi %mul3A_5, %add3A_1108 : vector<16xi32>
        %gather3A_1110 = tpu.vector_load_idx %arg5[%add3A_1109] : memref<25600xi32, #tpu.memory_space<vmem>>[vector<16xi32>], vector<16xi32>,
        %swap3A_1111 = arith.constant 1 : i32
        %swap3A_1112 = arith.index_cast %swap3A_1111 : i32 to index
        %swap3A_1113 = arith.constant 224 : index
        %swap3A_1114 = tpu.vector_load %arg6[%swap3A_1112, %swap3A_1113] {strides = array<i32>} : memref<4x256xi32, #tpu.memory_space<vmem>>, vector<16xi32>,
        tpu.vector_store %arg6[%swap3A_1112, %swap3A_1113], %gather3A_1110 {strides = array<i32>} : memref<4x256xi32, #tpu.memory_space<vmem>>, vector<16xi32>,
        %mul3A_1115 = arith.constant 2 : i32
        %mul3A_1116 = arith.muli %mul3A_1115, %add3A_919 : i32
        %add3A_1117 = arith.constant 22400 : i32
        %add3A_1118 = arith.addi %add3A_1117, %mul3A_1116 : i32
        %add3A_1119 = arith.constant 1 : i32
        %add3A_1120 = arith.addi %add3A_1118, %add3A_1119 : i32
        %add3A_1121 = vector.broadcast %add3A_1120 : i32 to vector<16xi32>
        %add3A_1122 = arith.addi %mul3A_5, %add3A_1121 : vector<16xi32>
        %gather3A_1123 = tpu.vector_load_idx %arg5[%add3A_1122] : memref<25600xi32, #tpu.memory_space<vmem>>[vector<16xi32>], vector<16xi32>,
        %swap3A_1124 = arith.constant 1 : i32
        %swap3A_1125 = arith.index_cast %swap3A_1124 : i32 to index
        %swap3A_1126 = arith.constant 240 : index
        %swap3A_1127 = tpu.vector_load %arg6[%swap3A_1125, %swap3A_1126] {strides = array<i32>} : memref<4x256xi32, #tpu.memory_space<vmem>>, vector<16xi32>,
        tpu.vector_store %arg6[%swap3A_1125, %swap3A_1126], %gather3A_1123 {strides = array<i32>} : memref<4x256xi32, #tpu.memory_space<vmem>>, vector<16xi32>,
        %dma_start3A_1128 = arith.constant 1 : i32
        %dma_start3A_1129 = arith.constant 1 : i32
        %dma_start3A_1130 = arith.constant 1 : i32
        %dma_start3A_1131 = arith.constant 0 : i32
        %dma_start3A_1132 = arith.constant 0 : i32
        %dma_start3A_1133 = tpu.memref_slice %arg7[%dma_start3A_1129, %dma_start3A_1131, %dma_start3A_1132] : memref<4x256x64xf32, #tpu.memory_space<vmem>> -> memref<1x256x64xf32, #tpu.memory_space<vmem>>
        %dma_start3A_1134 = tpu.memref_squeeze %dma_start3A_1133 : memref<1x256x64xf32, #tpu.memory_space<vmem>> -> memref<256x64xf32, #tpu.memory_space<vmem>>
        %dma_start3A_1135 = arith.constant 0 : i32
        %dma_start3A_1136 = tpu.memref_slice %arg6[%dma_start3A_1128, %dma_start3A_1135] : memref<4x256xi32, #tpu.memory_space<vmem>> -> memref<1x256xi32, #tpu.memory_space<vmem>>
        %dma_start3A_1137 = tpu.memref_squeeze %dma_start3A_1136 : memref<1x256xi32, #tpu.memory_space<vmem>> -> memref<256xi32, #tpu.memory_space<vmem>>
        %dma_start3A_1138 = arith.constant 0 : i32
        %dma_start3A_1139 = arith.constant 0 : i32
        %dma_start3A_1140 = tpu.memref_slice %arg3[%dma_start3A_1138, %dma_start3A_1139] : memref<100000x64xf32, #tpu.memory_space<hbm>> -> memref<100000x64xf32, #tpu.memory_space<hbm>>
        %dma_start3A_1141 = tpu.memref_slice %arg9[%dma_start3A_1130] : memref<4x!tpu.dma_semaphore, #tpu.memory_space<semaphore_mem>> -> memref<1x!tpu.dma_semaphore, #tpu.memory_space<semaphore_mem>>
        %dma_start3A_1142 = tpu.memref_squeeze %dma_start3A_1141 : memref<1x!tpu.dma_semaphore, #tpu.memory_space<semaphore_mem>> -> memref<!tpu.dma_semaphore, #tpu.memory_space<semaphore_mem>>
        tpu.enqueue_indirect_dma source(%dma_start3A_1140 : memref<100000x64xf32, #tpu.memory_space<hbm>>) target(%dma_start3A_1134 : memref<256x64xf32, #tpu.memory_space<vmem>>) offsets(%dma_start3A_1137 : memref<256xi32, #tpu.memory_space<vmem>>) semaphore(%dma_start3A_1142 : memref<!tpu.dma_semaphore, #tpu.memory_space<semaphore_mem>>)
      } else {
      }
      %ge3A_760 = arith.constant 2 : i32
      %ge3A_761 = arith.cmpi sge, %add3A_737, %ge3A_760 : i32
      %convert_element_type3A_762 = arith.extui %ge3A_761 : i1 to i32
      %cond3A_763 = arith.constant 0 : i32
      %cond3A_764 = arith.cmpi ne, %convert_element_type3A_762, %cond3A_763 : i32
      scf.if %cond3A_764 {
        %sub3A = arith.constant 2 : i32
        %sub3A_918 = arith.subi %add3A_737, %sub3A : i32
        %mul3A_919 = arith.constant 2 : i32
        %mul3A_920 = arith.muli %mul3A_919, %sub3A_918 : i32
        %add3A_921 = arith.constant 0 : i32
        %add3A_922 = arith.addi %mul3A_920, %add3A_921 : i32
        %dma_wait3A_923 = arith.constant 0 : i32
        %dma_wait3A_924 = arith.constant 0 : i32
        %dma_wait3A_925 = arith.constant 0 : i32
        %dma_wait3A_926 = arith.constant 0 : i32
        %dma_wait3A_927 = arith.constant 0 : i32
        %dma_wait3A_928 = arith.constant 0 : i32
        %dma_wait3A_929 = tpu.memref_slice %arg8[%dma_wait3A_923, %dma_wait3A_924, %dma_wait3A_926, %dma_wait3A_927, %dma_wait3A_928] : memref<2x2x8x8x128xf32, #tpu.memory_space<vmem>> -> memref<1x1x8x8x128xf32, #tpu.memory_space<vmem>>
        %dma_wait3A_930 = tpu.memref_squeeze %dma_wait3A_929 : memref<1x1x8x8x128xf32, #tpu.memory_space<vmem>> -> memref<8x8x128xf32, #tpu.memory_space<vmem>>
        %dma_wait3A_931 = arith.constant 0 : i32
        %dma_wait3A_932 = arith.constant 0 : i32
        %dma_wait3A_933 = arith.constant 0 : i32
        %dma_wait3A_934 = tpu.memref_slice %arg4[%add3A_922, %dma_wait3A_931, %add3A, %dma_wait3A_932, %dma_wait3A_933] : memref<200x8x32x8x128xf32, #tpu.memory_space<hbm>> -> memref<1x8x1x8x128xf32, #tpu.memory_space<hbm>>
        %dma_wait3A_935 = tpu.memref_squeeze %dma_wait3A_934 : memref<1x8x1x8x128xf32, #tpu.memory_space<hbm>> -> memref<8x8x128xf32, #tpu.memory_space<hbm>>
        %dma_wait3A_936 = tpu.memref_slice %arg10[%dma_wait3A_925] : memref<2x!tpu.dma_semaphore, #tpu.memory_space<semaphore_mem>> -> memref<1x!tpu.dma_semaphore, #tpu.memory_space<semaphore_mem>>
        %dma_wait3A_937 = tpu.memref_squeeze %dma_wait3A_936 : memref<1x!tpu.dma_semaphore, #tpu.memory_space<semaphore_mem>> -> memref<!tpu.dma_semaphore, #tpu.memory_space<semaphore_mem>>
        %dma_wait3A_938 = arith.constant 0 : i32
        %dma_wait3A_939 = arith.constant 0 : i32
        %dma_wait3A_940 = arith.constant 0 : i32
        %dma_wait3A_941 = tpu.memref_slice %arg4[%add3A_922, %dma_wait3A_938, %add3A, %dma_wait3A_939, %dma_wait3A_940] : memref<200x8x32x8x128xf32, #tpu.memory_space<hbm>> -> memref<1x8x1x8x128xf32, #tpu.memory_space<hbm>>
        %dma_wait3A_942 = tpu.memref_squeeze %dma_wait3A_941 : memref<1x8x1x8x128xf32, #tpu.memory_space<hbm>> -> memref<8x8x128xf32, #tpu.memory_space<hbm>>
        %dma_wait3A_943 = arith.constant 0 : i32
        %dma_wait3A_944 = arith.constant 0 : i32
        %dma_wait3A_945 = arith.constant 0 : i32
        %dma_wait3A_946 = tpu.memref_slice %arg8[%dma_wait3A_923, %dma_wait3A_924, %dma_wait3A_943, %dma_wait3A_944, %dma_wait3A_945] : memref<2x2x8x8x128xf32, #tpu.memory_space<vmem>> -> memref<1x1x8x8x128xf32, #tpu.memory_space<vmem>>
        %dma_wait3A_947 = tpu.memref_squeeze %dma_wait3A_946 : memref<1x1x8x8x128xf32, #tpu.memory_space<vmem>> -> memref<8x8x128xf32, #tpu.memory_space<vmem>>
        tpu.wait_dma2 semaphore(%dma_wait3A_937 : memref<!tpu.dma_semaphore, #tpu.memory_space<semaphore_mem>>) src(%dma_wait3A_947 : memref<8x8x128xf32, #tpu.memory_space<vmem>>) dst(%dma_wait3A_942 : memref<8x8x128xf32, #tpu.memory_space<hbm>>)
        %mul3A_948 = arith.constant 2 : i32
        %mul3A_949 = arith.muli %mul3A_948, %sub3A_918 : i32
        %add3A_950 = arith.constant 1 : i32
        %add3A_951 = arith.addi %mul3A_949, %add3A_950 : i32
        %dma_wait3A_952 = arith.constant 0 : i32
        %dma_wait3A_953 = arith.constant 1 : i32
        %dma_wait3A_954 = arith.constant 0 : i32
        %dma_wait3A_955 = arith.constant 0 : i32
        %dma_wait3A_956 = arith.constant 0 : i32
        %dma_wait3A_957 = arith.constant 0 : i32
        %dma_wait3A_958 = tpu.memref_slice %arg8[%dma_wait3A_952, %dma_wait3A_953, %dma_wait3A_955, %dma_wait3A_956, %dma_wait3A_957] : memref<2x2x8x8x128xf32, #tpu.memory_space<vmem>> -> memref<1x1x8x8x128xf32, #tpu.memory_space<vmem>>
        %dma_wait3A_959 = tpu.memref_squeeze %dma_wait3A_958 : memref<1x1x8x8x128xf32, #tpu.memory_space<vmem>> -> memref<8x8x128xf32, #tpu.memory_space<vmem>>
        %dma_wait3A_960 = arith.constant 0 : i32
        %dma_wait3A_961 = arith.constant 0 : i32
        %dma_wait3A_962 = arith.constant 0 : i32
        %dma_wait3A_963 = tpu.memref_slice %arg4[%add3A_951, %dma_wait3A_960, %add3A, %dma_wait3A_961, %dma_wait3A_962] : memref<200x8x32x8x128xf32, #tpu.memory_space<hbm>> -> memref<1x8x1x8x128xf32, #tpu.memory_space<hbm>>
        %dma_wait3A_964 = tpu.memref_squeeze %dma_wait3A_963 : memref<1x8x1x8x128xf32, #tpu.memory_space<hbm>> -> memref<8x8x128xf32, #tpu.memory_space<hbm>>
        %dma_wait3A_965 = tpu.memref_slice %arg10[%dma_wait3A_954] : memref<2x!tpu.dma_semaphore, #tpu.memory_space<semaphore_mem>> -> memref<1x!tpu.dma_semaphore, #tpu.memory_space<semaphore_mem>>
        %dma_wait3A_966 = tpu.memref_squeeze %dma_wait3A_965 : memref<1x!tpu.dma_semaphore, #tpu.memory_space<semaphore_mem>> -> memref<!tpu.dma_semaphore, #tpu.memory_space<semaphore_mem>>
        %dma_wait3A_967 = arith.constant 0 : i32
        %dma_wait3A_968 = arith.constant 0 : i32
        %dma_wait3A_969 = arith.constant 0 : i32
        %dma_wait3A_970 = tpu.memref_slice %arg4[%add3A_951, %dma_wait3A_967, %add3A, %dma_wait3A_968, %dma_wait3A_969] : memref<200x8x32x8x128xf32, #tpu.memory_space<hbm>> -> memref<1x8x1x8x128xf32, #tpu.memory_space<hbm>>
        %dma_wait3A_971 = tpu.memref_squeeze %dma_wait3A_970 : memref<1x8x1x8x128xf32, #tpu.memory_space<hbm>> -> memref<8x8x128xf32, #tpu.memory_space<hbm>>
        %dma_wait3A_972 = arith.constant 0 : i32
        %dma_wait3A_973 = arith.constant 0 : i32
        %dma_wait3A_974 = arith.constant 0 : i32
        %dma_wait3A_975 = tpu.memref_slice %arg8[%dma_wait3A_952, %dma_wait3A_953, %dma_wait3A_972, %dma_wait3A_973, %dma_wait3A_974] : memref<2x2x8x8x128xf32, #tpu.memory_space<vmem>> -> memref<1x1x8x8x128xf32, #tpu.memory_space<vmem>>
        %dma_wait3A_976 = tpu.memref_squeeze %dma_wait3A_975 : memref<1x1x8x8x128xf32, #tpu.memory_space<vmem>> -> memref<8x8x128xf32, #tpu.memory_space<vmem>>
        tpu.wait_dma2 semaphore(%dma_wait3A_966 : memref<!tpu.dma_semaphore, #tpu.memory_space<semaphore_mem>>) src(%dma_wait3A_976 : memref<8x8x128xf32, #tpu.memory_space<vmem>>) dst(%dma_wait3A_971 : memref<8x8x128xf32, #tpu.memory_space<hbm>>)
      } else {
      }
      %parallel_loop3A_765 = arith.constant 0 : i32
      %parallel_loop3A_766 = arith.constant 256 : i32
      %parallel_loop3A_767 = arith.constant 1 : i32
      %parallel_loop3A_768 = arith.constant 0 : i32
      scf.for %parallel_loop3A_918 = %parallel_loop3A_765 to %parallel_loop3A_766 step %parallel_loop3A_767  : i32 {
        %parallel_loop3A_919 = arith.constant 0 : i32
        %parallel_loop3A_920 = vector.broadcast %parallel_loop3A_919 : i32 to vector<16xi32>
        %parallel_loop3A_921 = arith.muli %iota3A, %parallel_loop3A_920 : vector<16xi32>
        %parallel_loop3A_922 = arith.constant 7 : i32
        %parallel_loop3A_923 = arith.shrsi %parallel_loop3A_918, %parallel_loop3A_922 : i32
        %parallel_loop3A_924 = vector.broadcast %parallel_loop3A_923 : i32 to vector<16xi32>
        %parallel_loop3A_925 = arith.addi %parallel_loop3A_921, %parallel_loop3A_924 : vector<16xi32>
        %parallel_loop3A_926 = arith.constant 0 : i32
        %parallel_loop3A_927 = vector.broadcast %parallel_loop3A_926 : i32 to vector<16xi32>
        %parallel_loop3A_928 = arith.muli %iota3A, %parallel_loop3A_927 : vector<16xi32>
        %parallel_loop3A_929 = arith.constant 127 : i32
        %parallel_loop3A_930 = arith.andi %parallel_loop3A_918, %parallel_loop3A_929 : i32
        %parallel_loop3A_931 = vector.broadcast %parallel_loop3A_930 : i32 to vector<16xi32>
        %parallel_loop3A_932 = arith.addi %parallel_loop3A_928, %parallel_loop3A_931 : vector<16xi32>
        %parallel_loop3A_933 = arith.constant 2 : i32
        %parallel_loop3A_934 = arith.index_cast %parallel_loop3A_933 : i32 to index
        %parallel_loop3A_935 = arith.index_cast %parallel_loop3A_918 : i32 to index
        %parallel_loop3A_936 = arith.constant 0 : index
        %parallel_loop3A_937 = tpu.vector_load %arg7[%parallel_loop3A_934, %parallel_loop3A_935, %parallel_loop3A_936] {strides = array<i32>} : memref<4x256x64xf32, #tpu.memory_space<vmem>>, vector<16xf32>,
        %parallel_loop3A_938 = arith.constant 0 : i32
        %parallel_loop3A_939 = arith.constant 0 : i32
        %parallel_loop3A_940 = arith.constant 0 : i32
        %parallel_loop3A_941 = arith.constant 0 : i32
        %parallel_loop3A_942 = tpu.memref_slice %arg8[%parallel_loop3A_768, %parallel_loop3A_938, %parallel_loop3A_939, %parallel_loop3A_940, %parallel_loop3A_941] : memref<2x2x8x8x128xf32, #tpu.memory_space<vmem>> -> memref<1x2x8x8x128xf32, #tpu.memory_space<vmem>>
        %parallel_loop3A_943 = tpu.memref_squeeze %parallel_loop3A_942 : memref<1x2x8x8x128xf32, #tpu.memory_space<vmem>> -> memref<2x8x8x128xf32, #tpu.memory_space<vmem>>
        tpu.vector_store_idx %parallel_loop3A_943[%parallel_loop3A_925, %add3A_12, %and3A_9, %parallel_loop3A_932], %parallel_loop3A_937 : memref<2x8x8x128xf32, #tpu.memory_space<vmem>>[vector<16xi32>, vector<16xi32>, vector<16xi32>, vector<16xi32>], vector<16xf32>,
        %parallel_loop3A_944 = arith.constant 2 : i32
        %parallel_loop3A_945 = arith.index_cast %parallel_loop3A_944 : i32 to index
        %parallel_loop3A_946 = arith.index_cast %parallel_loop3A_918 : i32 to index
        %parallel_loop3A_947 = arith.constant 16 : index
        %parallel_loop3A_948 = tpu.vector_load %arg7[%parallel_loop3A_945, %parallel_loop3A_946, %parallel_loop3A_947] {strides = array<i32>} : memref<4x256x64xf32, #tpu.memory_space<vmem>>, vector<16xf32>,
        %parallel_loop3A_949 = arith.constant 0 : i32
        %parallel_loop3A_950 = arith.constant 0 : i32
        %parallel_loop3A_951 = arith.constant 0 : i32
        %parallel_loop3A_952 = arith.constant 0 : i32
        %parallel_loop3A_953 = tpu.memref_slice %arg8[%parallel_loop3A_768, %parallel_loop3A_949, %parallel_loop3A_950, %parallel_loop3A_951, %parallel_loop3A_952] : memref<2x2x8x8x128xf32, #tpu.memory_space<vmem>> -> memref<1x2x8x8x128xf32, #tpu.memory_space<vmem>>
        %parallel_loop3A_954 = tpu.memref_squeeze %parallel_loop3A_953 : memref<1x2x8x8x128xf32, #tpu.memory_space<vmem>> -> memref<2x8x8x128xf32, #tpu.memory_space<vmem>>
        tpu.vector_store_idx %parallel_loop3A_954[%parallel_loop3A_925, %add3A_15, %and3A_9, %parallel_loop3A_932], %parallel_loop3A_948 : memref<2x8x8x128xf32, #tpu.memory_space<vmem>>[vector<16xi32>, vector<16xi32>, vector<16xi32>, vector<16xi32>], vector<16xf32>,
        %parallel_loop3A_955 = arith.constant 2 : i32
        %parallel_loop3A_956 = arith.index_cast %parallel_loop3A_955 : i32 to index
        %parallel_loop3A_957 = arith.index_cast %parallel_loop3A_918 : i32 to index
        %parallel_loop3A_958 = arith.constant 32 : index
        %parallel_loop3A_959 = tpu.vector_load %arg7[%parallel_loop3A_956, %parallel_loop3A_957, %parallel_loop3A_958] {strides = array<i32>} : memref<4x256x64xf32, #tpu.memory_space<vmem>>, vector<16xf32>,
        %parallel_loop3A_960 = arith.constant 0 : i32
        %parallel_loop3A_961 = arith.constant 0 : i32
        %parallel_loop3A_962 = arith.constant 0 : i32
        %parallel_loop3A_963 = arith.constant 0 : i32
        %parallel_loop3A_964 = tpu.memref_slice %arg8[%parallel_loop3A_768, %parallel_loop3A_960, %parallel_loop3A_961, %parallel_loop3A_962, %parallel_loop3A_963] : memref<2x2x8x8x128xf32, #tpu.memory_space<vmem>> -> memref<1x2x8x8x128xf32, #tpu.memory_space<vmem>>
        %parallel_loop3A_965 = tpu.memref_squeeze %parallel_loop3A_964 : memref<1x2x8x8x128xf32, #tpu.memory_space<vmem>> -> memref<2x8x8x128xf32, #tpu.memory_space<vmem>>
        tpu.vector_store_idx %parallel_loop3A_965[%parallel_loop3A_925, %add3A_18, %and3A_9, %parallel_loop3A_932], %parallel_loop3A_959 : memref<2x8x8x128xf32, #tpu.memory_space<vmem>>[vector<16xi32>, vector<16xi32>, vector<16xi32>, vector<16xi32>], vector<16xf32>,
        %parallel_loop3A_966 = arith.constant 2 : i32
        %parallel_loop3A_967 = arith.index_cast %parallel_loop3A_966 : i32 to index
        %parallel_loop3A_968 = arith.index_cast %parallel_loop3A_918 : i32 to index
        %parallel_loop3A_969 = arith.constant 48 : index
        %parallel_loop3A_970 = tpu.vector_load %arg7[%parallel_loop3A_967, %parallel_loop3A_968, %parallel_loop3A_969] {strides = array<i32>} : memref<4x256x64xf32, #tpu.memory_space<vmem>>, vector<16xf32>,
        %parallel_loop3A_971 = arith.constant 0 : i32
        %parallel_loop3A_972 = arith.constant 0 : i32
        %parallel_loop3A_973 = arith.constant 0 : i32
        %parallel_loop3A_974 = arith.constant 0 : i32
        %parallel_loop3A_975 = tpu.memref_slice %arg8[%parallel_loop3A_768, %parallel_loop3A_971, %parallel_loop3A_972, %parallel_loop3A_973, %parallel_loop3A_974] : memref<2x2x8x8x128xf32, #tpu.memory_space<vmem>> -> memref<1x2x8x8x128xf32, #tpu.memory_space<vmem>>
        %parallel_loop3A_976 = tpu.memref_squeeze %parallel_loop3A_975 : memref<1x2x8x8x128xf32, #tpu.memory_space<vmem>> -> memref<2x8x8x128xf32, #tpu.memory_space<vmem>>
        tpu.vector_store_idx %parallel_loop3A_976[%parallel_loop3A_925, %add3A_21, %and3A_9, %parallel_loop3A_932], %parallel_loop3A_970 : memref<2x8x8x128xf32, #tpu.memory_space<vmem>>[vector<16xi32>, vector<16xi32>, vector<16xi32>, vector<16xi32>], vector<16xf32>,
      } {sc.loop_unroll_factor = 8 : i64, sc.parallel_access}
      %mul3A_769 = arith.constant 2 : i32
      %mul3A_770 = arith.muli %mul3A_769, %add3A_737 : i32
      %add3A_771 = arith.constant 0 : i32
      %add3A_772 = arith.addi %mul3A_770, %add3A_771 : i32
      %dma_start3A_773 = arith.constant 0 : i32
      %dma_start3A_774 = arith.constant 0 : i32
      %dma_start3A_775 = arith.constant 0 : i32
      %dma_start3A_776 = arith.constant 0 : i32
      %dma_start3A_777 = arith.constant 0 : i32
      %dma_start3A_778 = arith.constant 0 : i32
      %dma_start3A_779 = tpu.memref_slice %arg8[%dma_start3A_773, %dma_start3A_774, %dma_start3A_776, %dma_start3A_777, %dma_start3A_778] : memref<2x2x8x8x128xf32, #tpu.memory_space<vmem>> -> memref<1x1x8x8x128xf32, #tpu.memory_space<vmem>>
      %dma_start3A_780 = tpu.memref_squeeze %dma_start3A_779 : memref<1x1x8x8x128xf32, #tpu.memory_space<vmem>> -> memref<8x8x128xf32, #tpu.memory_space<vmem>>
      %dma_start3A_781 = arith.constant 0 : i32
      %dma_start3A_782 = arith.constant 0 : i32
      %dma_start3A_783 = arith.constant 0 : i32
      %dma_start3A_784 = tpu.memref_slice %arg4[%add3A_772, %dma_start3A_781, %add3A, %dma_start3A_782, %dma_start3A_783] : memref<200x8x32x8x128xf32, #tpu.memory_space<hbm>> -> memref<1x8x1x8x128xf32, #tpu.memory_space<hbm>>
      %dma_start3A_785 = tpu.memref_squeeze %dma_start3A_784 : memref<1x8x1x8x128xf32, #tpu.memory_space<hbm>> -> memref<8x8x128xf32, #tpu.memory_space<hbm>>
      %dma_start3A_786 = tpu.memref_slice %arg10[%dma_start3A_775] : memref<2x!tpu.dma_semaphore, #tpu.memory_space<semaphore_mem>> -> memref<1x!tpu.dma_semaphore, #tpu.memory_space<semaphore_mem>>
      %dma_start3A_787 = tpu.memref_squeeze %dma_start3A_786 : memref<1x!tpu.dma_semaphore, #tpu.memory_space<semaphore_mem>> -> memref<!tpu.dma_semaphore, #tpu.memory_space<semaphore_mem>>
      %dma_start3A_788 = arith.constant 0 : i32
      %dma_start3A_789 = arith.constant 0 : i32
      %dma_start3A_790 = arith.constant 0 : i32
      %dma_start3A_791 = tpu.memref_slice %arg4[%add3A_772, %dma_start3A_788, %add3A, %dma_start3A_789, %dma_start3A_790] : memref<200x8x32x8x128xf32, #tpu.memory_space<hbm>> -> memref<1x8x1x8x128xf32, #tpu.memory_space<hbm>>
      %dma_start3A_792 = tpu.memref_squeeze %dma_start3A_791 : memref<1x8x1x8x128xf32, #tpu.memory_space<hbm>> -> memref<8x8x128xf32, #tpu.memory_space<hbm>>
      %dma_start3A_793 = arith.constant 0 : i32
      %dma_start3A_794 = arith.constant 0 : i32
      %dma_start3A_795 = arith.constant 0 : i32
      %dma_start3A_796 = tpu.memref_slice %arg8[%dma_start3A_773, %dma_start3A_774, %dma_start3A_793, %dma_start3A_794, %dma_start3A_795] : memref<2x2x8x8x128xf32, #tpu.memory_space<vmem>> -> memref<1x1x8x8x128xf32, #tpu.memory_space<vmem>>
      %dma_start3A_797 = tpu.memref_squeeze %dma_start3A_796 : memref<1x1x8x8x128xf32, #tpu.memory_space<vmem>> -> memref<8x8x128xf32, #tpu.memory_space<vmem>>
      tpu.enqueue_dma source(%dma_start3A_797 : memref<8x8x128xf32, #tpu.memory_space<vmem>>) target(%dma_start3A_792 : memref<8x8x128xf32, #tpu.memory_space<hbm>>) target_semaphore(%dma_start3A_787 : memref<!tpu.dma_semaphore, #tpu.memory_space<semaphore_mem>>)
      %mul3A_798 = arith.constant 2 : i32
      %mul3A_799 = arith.muli %mul3A_798, %add3A_737 : i32
      %add3A_800 = arith.constant 1 : i32
      %add3A_801 = arith.addi %mul3A_799, %add3A_800 : i32
      %dma_start3A_802 = arith.constant 0 : i32
      %dma_start3A_803 = arith.constant 1 : i32
      %dma_start3A_804 = arith.constant 0 : i32
      %dma_start3A_805 = arith.constant 0 : i32
      %dma_start3A_806 = arith.constant 0 : i32
      %dma_start3A_807 = arith.constant 0 : i32
      %dma_start3A_808 = tpu.memref_slice %arg8[%dma_start3A_802, %dma_start3A_803, %dma_start3A_805, %dma_start3A_806, %dma_start3A_807] : memref<2x2x8x8x128xf32, #tpu.memory_space<vmem>> -> memref<1x1x8x8x128xf32, #tpu.memory_space<vmem>>
      %dma_start3A_809 = tpu.memref_squeeze %dma_start3A_808 : memref<1x1x8x8x128xf32, #tpu.memory_space<vmem>> -> memref<8x8x128xf32, #tpu.memory_space<vmem>>
      %dma_start3A_810 = arith.constant 0 : i32
      %dma_start3A_811 = arith.constant 0 : i32
      %dma_start3A_812 = arith.constant 0 : i32
      %dma_start3A_813 = tpu.memref_slice %arg4[%add3A_801, %dma_start3A_810, %add3A, %dma_start3A_811, %dma_start3A_812] : memref<200x8x32x8x128xf32, #tpu.memory_space<hbm>> -> memref<1x8x1x8x128xf32, #tpu.memory_space<hbm>>
      %dma_start3A_814 = tpu.memref_squeeze %dma_start3A_813 : memref<1x8x1x8x128xf32, #tpu.memory_space<hbm>> -> memref<8x8x128xf32, #tpu.memory_space<hbm>>
      %dma_start3A_815 = tpu.memref_slice %arg10[%dma_start3A_804] : memref<2x!tpu.dma_semaphore, #tpu.memory_space<semaphore_mem>> -> memref<1x!tpu.dma_semaphore, #tpu.memory_space<semaphore_mem>>
      %dma_start3A_816 = tpu.memref_squeeze %dma_start3A_815 : memref<1x!tpu.dma_semaphore, #tpu.memory_space<semaphore_mem>> -> memref<!tpu.dma_semaphore, #tpu.memory_space<semaphore_mem>>
      %dma_start3A_817 = arith.constant 0 : i32
      %dma_start3A_818 = arith.constant 0 : i32
      %dma_start3A_819 = arith.constant 0 : i32
      %dma_start3A_820 = tpu.memref_slice %arg4[%add3A_801, %dma_start3A_817, %add3A, %dma_start3A_818, %dma_start3A_819] : memref<200x8x32x8x128xf32, #tpu.memory_space<hbm>> -> memref<1x8x1x8x128xf32, #tpu.memory_space<hbm>>
      %dma_start3A_821 = tpu.memref_squeeze %dma_start3A_820 : memref<1x8x1x8x128xf32, #tpu.memory_space<hbm>> -> memref<8x8x128xf32, #tpu.memory_space<hbm>>
      %dma_start3A_822 = arith.constant 0 : i32
      %dma_start3A_823 = arith.constant 0 : i32
      %dma_start3A_824 = arith.constant 0 : i32
      %dma_start3A_825 = tpu.memref_slice %arg8[%dma_start3A_802, %dma_start3A_803, %dma_start3A_822, %dma_start3A_823, %dma_start3A_824] : memref<2x2x8x8x128xf32, #tpu.memory_space<vmem>> -> memref<1x1x8x8x128xf32, #tpu.memory_space<vmem>>
      %dma_start3A_826 = tpu.memref_squeeze %dma_start3A_825 : memref<1x1x8x8x128xf32, #tpu.memory_space<vmem>> -> memref<8x8x128xf32, #tpu.memory_space<vmem>>
      tpu.enqueue_dma source(%dma_start3A_826 : memref<8x8x128xf32, #tpu.memory_space<vmem>>) target(%dma_start3A_821 : memref<8x8x128xf32, #tpu.memory_space<hbm>>) target_semaphore(%dma_start3A_816 : memref<!tpu.dma_semaphore, #tpu.memory_space<semaphore_mem>>)
      %add3A_827 = arith.constant 3 : i32
      %add3A_828 = arith.addi %mul3A_558, %add3A_827 : i32
      %dma_wait3A_829 = arith.constant 3 : i32
      %dma_wait3A_830 = arith.constant 3 : i32
      %dma_wait3A_831 = arith.constant 3 : i32
      %dma_wait3A_832 = arith.constant 0 : i32
      %dma_wait3A_833 = arith.constant 0 : i32
      %dma_wait3A_834 = tpu.memref_slice %arg7[%dma_wait3A_830, %dma_wait3A_832, %dma_wait3A_833] : memref<4x256x64xf32, #tpu.memory_space<vmem>> -> memref<1x256x64xf32, #tpu.memory_space<vmem>>
      %dma_wait3A_835 = tpu.memref_squeeze %dma_wait3A_834 : memref<1x256x64xf32, #tpu.memory_space<vmem>> -> memref<256x64xf32, #tpu.memory_space<vmem>>
      %dma_wait3A_836 = arith.constant 0 : i32
      %dma_wait3A_837 = tpu.memref_slice %arg6[%dma_wait3A_829, %dma_wait3A_836] : memref<4x256xi32, #tpu.memory_space<vmem>> -> memref<1x256xi32, #tpu.memory_space<vmem>>
      %dma_wait3A_838 = tpu.memref_squeeze %dma_wait3A_837 : memref<1x256xi32, #tpu.memory_space<vmem>> -> memref<256xi32, #tpu.memory_space<vmem>>
      %dma_wait3A_839 = arith.constant 0 : i32
      %dma_wait3A_840 = arith.constant 0 : i32
      %dma_wait3A_841 = tpu.memref_slice %arg3[%dma_wait3A_839, %dma_wait3A_840] : memref<100000x64xf32, #tpu.memory_space<hbm>> -> memref<100000x64xf32, #tpu.memory_space<hbm>>
      %dma_wait3A_842 = tpu.memref_slice %arg9[%dma_wait3A_831] : memref<4x!tpu.dma_semaphore, #tpu.memory_space<semaphore_mem>> -> memref<1x!tpu.dma_semaphore, #tpu.memory_space<semaphore_mem>>
      %dma_wait3A_843 = tpu.memref_squeeze %dma_wait3A_842 : memref<1x!tpu.dma_semaphore, #tpu.memory_space<semaphore_mem>> -> memref<!tpu.dma_semaphore, #tpu.memory_space<semaphore_mem>>
      tpu.wait_indirect_dma semaphore(%dma_wait3A_843 : memref<!tpu.dma_semaphore, #tpu.memory_space<semaphore_mem>>) src(%dma_wait3A_841 : memref<100000x64xf32, #tpu.memory_space<hbm>>) dst(%dma_wait3A_835 : memref<256x64xf32, #tpu.memory_space<vmem>>)
      %add3A_844 = arith.constant 3 : i32
      %add3A_845 = arith.addi %add3A_828, %add3A_844 : i32
      %lt3A_846 = arith.constant 100 : i32
      %lt3A_847 = arith.cmpi slt, %add3A_845, %lt3A_846 : i32
      %convert_element_type3A_848 = arith.extui %lt3A_847 : i1 to i32
      %cond3A_849 = arith.constant 0 : i32
      %cond3A_850 = arith.cmpi ne, %convert_element_type3A_848, %cond3A_849 : i32
      scf.if %cond3A_850 {
        %add3A_918 = arith.constant 3 : i32
        %add3A_919 = arith.addi %add3A_828, %add3A_918 : i32
        %mul3A_920 = arith.constant 2 : i32
        %mul3A_921 = arith.muli %mul3A_920, %add3A_919 : i32
        %add3A_922 = arith.constant 0 : i32
        %add3A_923 = arith.addi %add3A_922, %mul3A_921 : i32
        %add3A_924 = arith.constant 0 : i32
        %add3A_925 = arith.addi %add3A_923, %add3A_924 : i32
        %add3A_926 = vector.broadcast %add3A_925 : i32 to vector<16xi32>
        %add3A_927 = arith.addi %mul3A_5, %add3A_926 : vector<16xi32>
        %gather3A_928 = tpu.vector_load_idx %arg5[%add3A_927] : memref<25600xi32, #tpu.memory_space<vmem>>[vector<16xi32>], vector<16xi32>,
        %swap3A_929 = arith.constant 2 : i32
        %swap3A_930 = arith.index_cast %swap3A_929 : i32 to index
        %swap3A_931 = arith.constant 0 : index
        %swap3A_932 = tpu.vector_load %arg6[%swap3A_930, %swap3A_931] {strides = array<i32>} : memref<4x256xi32, #tpu.memory_space<vmem>>, vector<16xi32>,
        tpu.vector_store %arg6[%swap3A_930, %swap3A_931], %gather3A_928 {strides = array<i32>} : memref<4x256xi32, #tpu.memory_space<vmem>>, vector<16xi32>,
        %mul3A_933 = arith.constant 2 : i32
        %mul3A_934 = arith.muli %mul3A_933, %add3A_919 : i32
        %add3A_935 = arith.constant 3200 : i32
        %add3A_936 = arith.addi %add3A_935, %mul3A_934 : i32
        %add3A_937 = arith.constant 0 : i32
        %add3A_938 = arith.addi %add3A_936, %add3A_937 : i32
        %add3A_939 = vector.broadcast %add3A_938 : i32 to vector<16xi32>
        %add3A_940 = arith.addi %mul3A_5, %add3A_939 : vector<16xi32>
        %gather3A_941 = tpu.vector_load_idx %arg5[%add3A_940] : memref<25600xi32, #tpu.memory_space<vmem>>[vector<16xi32>], vector<16xi32>,
        %swap3A_942 = arith.constant 2 : i32
        %swap3A_943 = arith.index_cast %swap3A_942 : i32 to index
        %swap3A_944 = arith.constant 16 : index
        %swap3A_945 = tpu.vector_load %arg6[%swap3A_943, %swap3A_944] {strides = array<i32>} : memref<4x256xi32, #tpu.memory_space<vmem>>, vector<16xi32>,
        tpu.vector_store %arg6[%swap3A_943, %swap3A_944], %gather3A_941 {strides = array<i32>} : memref<4x256xi32, #tpu.memory_space<vmem>>, vector<16xi32>,
        %mul3A_946 = arith.constant 2 : i32
        %mul3A_947 = arith.muli %mul3A_946, %add3A_919 : i32
        %add3A_948 = arith.constant 6400 : i32
        %add3A_949 = arith.addi %add3A_948, %mul3A_947 : i32
        %add3A_950 = arith.constant 0 : i32
        %add3A_951 = arith.addi %add3A_949, %add3A_950 : i32
        %add3A_952 = vector.broadcast %add3A_951 : i32 to vector<16xi32>
        %add3A_953 = arith.addi %mul3A_5, %add3A_952 : vector<16xi32>
        %gather3A_954 = tpu.vector_load_idx %arg5[%add3A_953] : memref<25600xi32, #tpu.memory_space<vmem>>[vector<16xi32>], vector<16xi32>,
        %swap3A_955 = arith.constant 2 : i32
        %swap3A_956 = arith.index_cast %swap3A_955 : i32 to index
        %swap3A_957 = arith.constant 32 : index
        %swap3A_958 = tpu.vector_load %arg6[%swap3A_956, %swap3A_957] {strides = array<i32>} : memref<4x256xi32, #tpu.memory_space<vmem>>, vector<16xi32>,
        tpu.vector_store %arg6[%swap3A_956, %swap3A_957], %gather3A_954 {strides = array<i32>} : memref<4x256xi32, #tpu.memory_space<vmem>>, vector<16xi32>,
        %mul3A_959 = arith.constant 2 : i32
        %mul3A_960 = arith.muli %mul3A_959, %add3A_919 : i32
        %add3A_961 = arith.constant 9600 : i32
        %add3A_962 = arith.addi %add3A_961, %mul3A_960 : i32
        %add3A_963 = arith.constant 0 : i32
        %add3A_964 = arith.addi %add3A_962, %add3A_963 : i32
        %add3A_965 = vector.broadcast %add3A_964 : i32 to vector<16xi32>
        %add3A_966 = arith.addi %mul3A_5, %add3A_965 : vector<16xi32>
        %gather3A_967 = tpu.vector_load_idx %arg5[%add3A_966] : memref<25600xi32, #tpu.memory_space<vmem>>[vector<16xi32>], vector<16xi32>,
        %swap3A_968 = arith.constant 2 : i32
        %swap3A_969 = arith.index_cast %swap3A_968 : i32 to index
        %swap3A_970 = arith.constant 48 : index
        %swap3A_971 = tpu.vector_load %arg6[%swap3A_969, %swap3A_970] {strides = array<i32>} : memref<4x256xi32, #tpu.memory_space<vmem>>, vector<16xi32>,
        tpu.vector_store %arg6[%swap3A_969, %swap3A_970], %gather3A_967 {strides = array<i32>} : memref<4x256xi32, #tpu.memory_space<vmem>>, vector<16xi32>,
        %mul3A_972 = arith.constant 2 : i32
        %mul3A_973 = arith.muli %mul3A_972, %add3A_919 : i32
        %add3A_974 = arith.constant 12800 : i32
        %add3A_975 = arith.addi %add3A_974, %mul3A_973 : i32
        %add3A_976 = arith.constant 0 : i32
        %add3A_977 = arith.addi %add3A_975, %add3A_976 : i32
        %add3A_978 = vector.broadcast %add3A_977 : i32 to vector<16xi32>
        %add3A_979 = arith.addi %mul3A_5, %add3A_978 : vector<16xi32>
        %gather3A_980 = tpu.vector_load_idx %arg5[%add3A_979] : memref<25600xi32, #tpu.memory_space<vmem>>[vector<16xi32>], vector<16xi32>,
        %swap3A_981 = arith.constant 2 : i32
        %swap3A_982 = arith.index_cast %swap3A_981 : i32 to index
        %swap3A_983 = arith.constant 64 : index
        %swap3A_984 = tpu.vector_load %arg6[%swap3A_982, %swap3A_983] {strides = array<i32>} : memref<4x256xi32, #tpu.memory_space<vmem>>, vector<16xi32>,
        tpu.vector_store %arg6[%swap3A_982, %swap3A_983], %gather3A_980 {strides = array<i32>} : memref<4x256xi32, #tpu.memory_space<vmem>>, vector<16xi32>,
        %mul3A_985 = arith.constant 2 : i32
        %mul3A_986 = arith.muli %mul3A_985, %add3A_919 : i32
        %add3A_987 = arith.constant 16000 : i32
        %add3A_988 = arith.addi %add3A_987, %mul3A_986 : i32
        %add3A_989 = arith.constant 0 : i32
        %add3A_990 = arith.addi %add3A_988, %add3A_989 : i32
        %add3A_991 = vector.broadcast %add3A_990 : i32 to vector<16xi32>
        %add3A_992 = arith.addi %mul3A_5, %add3A_991 : vector<16xi32>
        %gather3A_993 = tpu.vector_load_idx %arg5[%add3A_992] : memref<25600xi32, #tpu.memory_space<vmem>>[vector<16xi32>], vector<16xi32>,
        %swap3A_994 = arith.constant 2 : i32
        %swap3A_995 = arith.index_cast %swap3A_994 : i32 to index
        %swap3A_996 = arith.constant 80 : index
        %swap3A_997 = tpu.vector_load %arg6[%swap3A_995, %swap3A_996] {strides = array<i32>} : memref<4x256xi32, #tpu.memory_space<vmem>>, vector<16xi32>,
        tpu.vector_store %arg6[%swap3A_995, %swap3A_996], %gather3A_993 {strides = array<i32>} : memref<4x256xi32, #tpu.memory_space<vmem>>, vector<16xi32>,
        %mul3A_998 = arith.constant 2 : i32
        %mul3A_999 = arith.muli %mul3A_998, %add3A_919 : i32
        %add3A_1000 = arith.constant 19200 : i32
        %add3A_1001 = arith.addi %add3A_1000, %mul3A_999 : i32
        %add3A_1002 = arith.constant 0 : i32
        %add3A_1003 = arith.addi %add3A_1001, %add3A_1002 : i32
        %add3A_1004 = vector.broadcast %add3A_1003 : i32 to vector<16xi32>
        %add3A_1005 = arith.addi %mul3A_5, %add3A_1004 : vector<16xi32>
        %gather3A_1006 = tpu.vector_load_idx %arg5[%add3A_1005] : memref<25600xi32, #tpu.memory_space<vmem>>[vector<16xi32>], vector<16xi32>,
        %swap3A_1007 = arith.constant 2 : i32
        %swap3A_1008 = arith.index_cast %swap3A_1007 : i32 to index
        %swap3A_1009 = arith.constant 96 : index
        %swap3A_1010 = tpu.vector_load %arg6[%swap3A_1008, %swap3A_1009] {strides = array<i32>} : memref<4x256xi32, #tpu.memory_space<vmem>>, vector<16xi32>,
        tpu.vector_store %arg6[%swap3A_1008, %swap3A_1009], %gather3A_1006 {strides = array<i32>} : memref<4x256xi32, #tpu.memory_space<vmem>>, vector<16xi32>,
        %mul3A_1011 = arith.constant 2 : i32
        %mul3A_1012 = arith.muli %mul3A_1011, %add3A_919 : i32
        %add3A_1013 = arith.constant 22400 : i32
        %add3A_1014 = arith.addi %add3A_1013, %mul3A_1012 : i32
        %add3A_1015 = arith.constant 0 : i32
        %add3A_1016 = arith.addi %add3A_1014, %add3A_1015 : i32
        %add3A_1017 = vector.broadcast %add3A_1016 : i32 to vector<16xi32>
        %add3A_1018 = arith.addi %mul3A_5, %add3A_1017 : vector<16xi32>
        %gather3A_1019 = tpu.vector_load_idx %arg5[%add3A_1018] : memref<25600xi32, #tpu.memory_space<vmem>>[vector<16xi32>], vector<16xi32>,
        %swap3A_1020 = arith.constant 2 : i32
        %swap3A_1021 = arith.index_cast %swap3A_1020 : i32 to index
        %swap3A_1022 = arith.constant 112 : index
        %swap3A_1023 = tpu.vector_load %arg6[%swap3A_1021, %swap3A_1022] {strides = array<i32>} : memref<4x256xi32, #tpu.memory_space<vmem>>, vector<16xi32>,
        tpu.vector_store %arg6[%swap3A_1021, %swap3A_1022], %gather3A_1019 {strides = array<i32>} : memref<4x256xi32, #tpu.memory_space<vmem>>, vector<16xi32>,
        %mul3A_1024 = arith.constant 2 : i32
        %mul3A_1025 = arith.muli %mul3A_1024, %add3A_919 : i32
        %add3A_1026 = arith.constant 0 : i32
        %add3A_1027 = arith.addi %add3A_1026, %mul3A_1025 : i32
        %add3A_1028 = arith.constant 1 : i32
        %add3A_1029 = arith.addi %add3A_1027, %add3A_1028 : i32
        %add3A_1030 = vector.broadcast %add3A_1029 : i32 to vector<16xi32>
        %add3A_1031 = arith.addi %mul3A_5, %add3A_1030 : vector<16xi32>
        %gather3A_1032 = tpu.vector_load_idx %arg5[%add3A_1031] : memref<25600xi32, #tpu.memory_space<vmem>>[vector<16xi32>], vector<16xi32>,
        %swap3A_1033 = arith.constant 2 : i32
        %swap3A_1034 = arith.index_cast %swap3A_1033 : i32 to index
        %swap3A_1035 = arith.constant 128 : index
        %swap3A_1036 = tpu.vector_load %arg6[%swap3A_1034, %swap3A_1035] {strides = array<i32>} : memref<4x256xi32, #tpu.memory_space<vmem>>, vector<16xi32>,
        tpu.vector_store %arg6[%swap3A_1034, %swap3A_1035], %gather3A_1032 {strides = array<i32>} : memref<4x256xi32, #tpu.memory_space<vmem>>, vector<16xi32>,
        %mul3A_1037 = arith.constant 2 : i32
        %mul3A_1038 = arith.muli %mul3A_1037, %add3A_919 : i32
        %add3A_1039 = arith.constant 3200 : i32
        %add3A_1040 = arith.addi %add3A_1039, %mul3A_1038 : i32
        %add3A_1041 = arith.constant 1 : i32
        %add3A_1042 = arith.addi %add3A_1040, %add3A_1041 : i32
        %add3A_1043 = vector.broadcast %add3A_1042 : i32 to vector<16xi32>
        %add3A_1044 = arith.addi %mul3A_5, %add3A_1043 : vector<16xi32>
        %gather3A_1045 = tpu.vector_load_idx %arg5[%add3A_1044] : memref<25600xi32, #tpu.memory_space<vmem>>[vector<16xi32>], vector<16xi32>,
        %swap3A_1046 = arith.constant 2 : i32
        %swap3A_1047 = arith.index_cast %swap3A_1046 : i32 to index
        %swap3A_1048 = arith.constant 144 : index
        %swap3A_1049 = tpu.vector_load %arg6[%swap3A_1047, %swap3A_1048] {strides = array<i32>} : memref<4x256xi32, #tpu.memory_space<vmem>>, vector<16xi32>,
        tpu.vector_store %arg6[%swap3A_1047, %swap3A_1048], %gather3A_1045 {strides = array<i32>} : memref<4x256xi32, #tpu.memory_space<vmem>>, vector<16xi32>,
        %mul3A_1050 = arith.constant 2 : i32
        %mul3A_1051 = arith.muli %mul3A_1050, %add3A_919 : i32
        %add3A_1052 = arith.constant 6400 : i32
        %add3A_1053 = arith.addi %add3A_1052, %mul3A_1051 : i32
        %add3A_1054 = arith.constant 1 : i32
        %add3A_1055 = arith.addi %add3A_1053, %add3A_1054 : i32
        %add3A_1056 = vector.broadcast %add3A_1055 : i32 to vector<16xi32>
        %add3A_1057 = arith.addi %mul3A_5, %add3A_1056 : vector<16xi32>
        %gather3A_1058 = tpu.vector_load_idx %arg5[%add3A_1057] : memref<25600xi32, #tpu.memory_space<vmem>>[vector<16xi32>], vector<16xi32>,
        %swap3A_1059 = arith.constant 2 : i32
        %swap3A_1060 = arith.index_cast %swap3A_1059 : i32 to index
        %swap3A_1061 = arith.constant 160 : index
        %swap3A_1062 = tpu.vector_load %arg6[%swap3A_1060, %swap3A_1061] {strides = array<i32>} : memref<4x256xi32, #tpu.memory_space<vmem>>, vector<16xi32>,
        tpu.vector_store %arg6[%swap3A_1060, %swap3A_1061], %gather3A_1058 {strides = array<i32>} : memref<4x256xi32, #tpu.memory_space<vmem>>, vector<16xi32>,
        %mul3A_1063 = arith.constant 2 : i32
        %mul3A_1064 = arith.muli %mul3A_1063, %add3A_919 : i32
        %add3A_1065 = arith.constant 9600 : i32
        %add3A_1066 = arith.addi %add3A_1065, %mul3A_1064 : i32
        %add3A_1067 = arith.constant 1 : i32
        %add3A_1068 = arith.addi %add3A_1066, %add3A_1067 : i32
        %add3A_1069 = vector.broadcast %add3A_1068 : i32 to vector<16xi32>
        %add3A_1070 = arith.addi %mul3A_5, %add3A_1069 : vector<16xi32>
        %gather3A_1071 = tpu.vector_load_idx %arg5[%add3A_1070] : memref<25600xi32, #tpu.memory_space<vmem>>[vector<16xi32>], vector<16xi32>,
        %swap3A_1072 = arith.constant 2 : i32
        %swap3A_1073 = arith.index_cast %swap3A_1072 : i32 to index
        %swap3A_1074 = arith.constant 176 : index
        %swap3A_1075 = tpu.vector_load %arg6[%swap3A_1073, %swap3A_1074] {strides = array<i32>} : memref<4x256xi32, #tpu.memory_space<vmem>>, vector<16xi32>,
        tpu.vector_store %arg6[%swap3A_1073, %swap3A_1074], %gather3A_1071 {strides = array<i32>} : memref<4x256xi32, #tpu.memory_space<vmem>>, vector<16xi32>,
        %mul3A_1076 = arith.constant 2 : i32
        %mul3A_1077 = arith.muli %mul3A_1076, %add3A_919 : i32
        %add3A_1078 = arith.constant 12800 : i32
        %add3A_1079 = arith.addi %add3A_1078, %mul3A_1077 : i32
        %add3A_1080 = arith.constant 1 : i32
        %add3A_1081 = arith.addi %add3A_1079, %add3A_1080 : i32
        %add3A_1082 = vector.broadcast %add3A_1081 : i32 to vector<16xi32>
        %add3A_1083 = arith.addi %mul3A_5, %add3A_1082 : vector<16xi32>
        %gather3A_1084 = tpu.vector_load_idx %arg5[%add3A_1083] : memref<25600xi32, #tpu.memory_space<vmem>>[vector<16xi32>], vector<16xi32>,
        %swap3A_1085 = arith.constant 2 : i32
        %swap3A_1086 = arith.index_cast %swap3A_1085 : i32 to index
        %swap3A_1087 = arith.constant 192 : index
        %swap3A_1088 = tpu.vector_load %arg6[%swap3A_1086, %swap3A_1087] {strides = array<i32>} : memref<4x256xi32, #tpu.memory_space<vmem>>, vector<16xi32>,
        tpu.vector_store %arg6[%swap3A_1086, %swap3A_1087], %gather3A_1084 {strides = array<i32>} : memref<4x256xi32, #tpu.memory_space<vmem>>, vector<16xi32>,
        %mul3A_1089 = arith.constant 2 : i32
        %mul3A_1090 = arith.muli %mul3A_1089, %add3A_919 : i32
        %add3A_1091 = arith.constant 16000 : i32
        %add3A_1092 = arith.addi %add3A_1091, %mul3A_1090 : i32
        %add3A_1093 = arith.constant 1 : i32
        %add3A_1094 = arith.addi %add3A_1092, %add3A_1093 : i32
        %add3A_1095 = vector.broadcast %add3A_1094 : i32 to vector<16xi32>
        %add3A_1096 = arith.addi %mul3A_5, %add3A_1095 : vector<16xi32>
        %gather3A_1097 = tpu.vector_load_idx %arg5[%add3A_1096] : memref<25600xi32, #tpu.memory_space<vmem>>[vector<16xi32>], vector<16xi32>,
        %swap3A_1098 = arith.constant 2 : i32
        %swap3A_1099 = arith.index_cast %swap3A_1098 : i32 to index
        %swap3A_1100 = arith.constant 208 : index
        %swap3A_1101 = tpu.vector_load %arg6[%swap3A_1099, %swap3A_1100] {strides = array<i32>} : memref<4x256xi32, #tpu.memory_space<vmem>>, vector<16xi32>,
        tpu.vector_store %arg6[%swap3A_1099, %swap3A_1100], %gather3A_1097 {strides = array<i32>} : memref<4x256xi32, #tpu.memory_space<vmem>>, vector<16xi32>,
        %mul3A_1102 = arith.constant 2 : i32
        %mul3A_1103 = arith.muli %mul3A_1102, %add3A_919 : i32
        %add3A_1104 = arith.constant 19200 : i32
        %add3A_1105 = arith.addi %add3A_1104, %mul3A_1103 : i32
        %add3A_1106 = arith.constant 1 : i32
        %add3A_1107 = arith.addi %add3A_1105, %add3A_1106 : i32
        %add3A_1108 = vector.broadcast %add3A_1107 : i32 to vector<16xi32>
        %add3A_1109 = arith.addi %mul3A_5, %add3A_1108 : vector<16xi32>
        %gather3A_1110 = tpu.vector_load_idx %arg5[%add3A_1109] : memref<25600xi32, #tpu.memory_space<vmem>>[vector<16xi32>], vector<16xi32>,
        %swap3A_1111 = arith.constant 2 : i32
        %swap3A_1112 = arith.index_cast %swap3A_1111 : i32 to index
        %swap3A_1113 = arith.constant 224 : index
        %swap3A_1114 = tpu.vector_load %arg6[%swap3A_1112, %swap3A_1113] {strides = array<i32>} : memref<4x256xi32, #tpu.memory_space<vmem>>, vector<16xi32>,
        tpu.vector_store %arg6[%swap3A_1112, %swap3A_1113], %gather3A_1110 {strides = array<i32>} : memref<4x256xi32, #tpu.memory_space<vmem>>, vector<16xi32>,
        %mul3A_1115 = arith.constant 2 : i32
        %mul3A_1116 = arith.muli %mul3A_1115, %add3A_919 : i32
        %add3A_1117 = arith.constant 22400 : i32
        %add3A_1118 = arith.addi %add3A_1117, %mul3A_1116 : i32
        %add3A_1119 = arith.constant 1 : i32
        %add3A_1120 = arith.addi %add3A_1118, %add3A_1119 : i32
        %add3A_1121 = vector.broadcast %add3A_1120 : i32 to vector<16xi32>
        %add3A_1122 = arith.addi %mul3A_5, %add3A_1121 : vector<16xi32>
        %gather3A_1123 = tpu.vector_load_idx %arg5[%add3A_1122] : memref<25600xi32, #tpu.memory_space<vmem>>[vector<16xi32>], vector<16xi32>,
        %swap3A_1124 = arith.constant 2 : i32
        %swap3A_1125 = arith.index_cast %swap3A_1124 : i32 to index
        %swap3A_1126 = arith.constant 240 : index
        %swap3A_1127 = tpu.vector_load %arg6[%swap3A_1125, %swap3A_1126] {strides = array<i32>} : memref<4x256xi32, #tpu.memory_space<vmem>>, vector<16xi32>,
        tpu.vector_store %arg6[%swap3A_1125, %swap3A_1126], %gather3A_1123 {strides = array<i32>} : memref<4x256xi32, #tpu.memory_space<vmem>>, vector<16xi32>,
        %dma_start3A_1128 = arith.constant 2 : i32
        %dma_start3A_1129 = arith.constant 2 : i32
        %dma_start3A_1130 = arith.constant 2 : i32
        %dma_start3A_1131 = arith.constant 0 : i32
        %dma_start3A_1132 = arith.constant 0 : i32
        %dma_start3A_1133 = tpu.memref_slice %arg7[%dma_start3A_1129, %dma_start3A_1131, %dma_start3A_1132] : memref<4x256x64xf32, #tpu.memory_space<vmem>> -> memref<1x256x64xf32, #tpu.memory_space<vmem>>
        %dma_start3A_1134 = tpu.memref_squeeze %dma_start3A_1133 : memref<1x256x64xf32, #tpu.memory_space<vmem>> -> memref<256x64xf32, #tpu.memory_space<vmem>>
        %dma_start3A_1135 = arith.constant 0 : i32
        %dma_start3A_1136 = tpu.memref_slice %arg6[%dma_start3A_1128, %dma_start3A_1135] : memref<4x256xi32, #tpu.memory_space<vmem>> -> memref<1x256xi32, #tpu.memory_space<vmem>>
        %dma_start3A_1137 = tpu.memref_squeeze %dma_start3A_1136 : memref<1x256xi32, #tpu.memory_space<vmem>> -> memref<256xi32, #tpu.memory_space<vmem>>
        %dma_start3A_1138 = arith.constant 0 : i32
        %dma_start3A_1139 = arith.constant 0 : i32
        %dma_start3A_1140 = tpu.memref_slice %arg3[%dma_start3A_1138, %dma_start3A_1139] : memref<100000x64xf32, #tpu.memory_space<hbm>> -> memref<100000x64xf32, #tpu.memory_space<hbm>>
        %dma_start3A_1141 = tpu.memref_slice %arg9[%dma_start3A_1130] : memref<4x!tpu.dma_semaphore, #tpu.memory_space<semaphore_mem>> -> memref<1x!tpu.dma_semaphore, #tpu.memory_space<semaphore_mem>>
        %dma_start3A_1142 = tpu.memref_squeeze %dma_start3A_1141 : memref<1x!tpu.dma_semaphore, #tpu.memory_space<semaphore_mem>> -> memref<!tpu.dma_semaphore, #tpu.memory_space<semaphore_mem>>
        tpu.enqueue_indirect_dma source(%dma_start3A_1140 : memref<100000x64xf32, #tpu.memory_space<hbm>>) target(%dma_start3A_1134 : memref<256x64xf32, #tpu.memory_space<vmem>>) offsets(%dma_start3A_1137 : memref<256xi32, #tpu.memory_space<vmem>>) semaphore(%dma_start3A_1142 : memref<!tpu.dma_semaphore, #tpu.memory_space<semaphore_mem>>)
      } else {
      }
      %ge3A_851 = arith.constant 2 : i32
      %ge3A_852 = arith.cmpi sge, %add3A_828, %ge3A_851 : i32
      %convert_element_type3A_853 = arith.extui %ge3A_852 : i1 to i32
      %cond3A_854 = arith.constant 0 : i32
      %cond3A_855 = arith.cmpi ne, %convert_element_type3A_853, %cond3A_854 : i32
      scf.if %cond3A_855 {
        %sub3A = arith.constant 2 : i32
        %sub3A_918 = arith.subi %add3A_828, %sub3A : i32
        %mul3A_919 = arith.constant 2 : i32
        %mul3A_920 = arith.muli %mul3A_919, %sub3A_918 : i32
        %add3A_921 = arith.constant 0 : i32
        %add3A_922 = arith.addi %mul3A_920, %add3A_921 : i32
        %dma_wait3A_923 = arith.constant 1 : i32
        %dma_wait3A_924 = arith.constant 0 : i32
        %dma_wait3A_925 = arith.constant 1 : i32
        %dma_wait3A_926 = arith.constant 0 : i32
        %dma_wait3A_927 = arith.constant 0 : i32
        %dma_wait3A_928 = arith.constant 0 : i32
        %dma_wait3A_929 = tpu.memref_slice %arg8[%dma_wait3A_923, %dma_wait3A_924, %dma_wait3A_926, %dma_wait3A_927, %dma_wait3A_928] : memref<2x2x8x8x128xf32, #tpu.memory_space<vmem>> -> memref<1x1x8x8x128xf32, #tpu.memory_space<vmem>>
        %dma_wait3A_930 = tpu.memref_squeeze %dma_wait3A_929 : memref<1x1x8x8x128xf32, #tpu.memory_space<vmem>> -> memref<8x8x128xf32, #tpu.memory_space<vmem>>
        %dma_wait3A_931 = arith.constant 0 : i32
        %dma_wait3A_932 = arith.constant 0 : i32
        %dma_wait3A_933 = arith.constant 0 : i32
        %dma_wait3A_934 = tpu.memref_slice %arg4[%add3A_922, %dma_wait3A_931, %add3A, %dma_wait3A_932, %dma_wait3A_933] : memref<200x8x32x8x128xf32, #tpu.memory_space<hbm>> -> memref<1x8x1x8x128xf32, #tpu.memory_space<hbm>>
        %dma_wait3A_935 = tpu.memref_squeeze %dma_wait3A_934 : memref<1x8x1x8x128xf32, #tpu.memory_space<hbm>> -> memref<8x8x128xf32, #tpu.memory_space<hbm>>
        %dma_wait3A_936 = tpu.memref_slice %arg10[%dma_wait3A_925] : memref<2x!tpu.dma_semaphore, #tpu.memory_space<semaphore_mem>> -> memref<1x!tpu.dma_semaphore, #tpu.memory_space<semaphore_mem>>
        %dma_wait3A_937 = tpu.memref_squeeze %dma_wait3A_936 : memref<1x!tpu.dma_semaphore, #tpu.memory_space<semaphore_mem>> -> memref<!tpu.dma_semaphore, #tpu.memory_space<semaphore_mem>>
        %dma_wait3A_938 = arith.constant 0 : i32
        %dma_wait3A_939 = arith.constant 0 : i32
        %dma_wait3A_940 = arith.constant 0 : i32
        %dma_wait3A_941 = tpu.memref_slice %arg4[%add3A_922, %dma_wait3A_938, %add3A, %dma_wait3A_939, %dma_wait3A_940] : memref<200x8x32x8x128xf32, #tpu.memory_space<hbm>> -> memref<1x8x1x8x128xf32, #tpu.memory_space<hbm>>
        %dma_wait3A_942 = tpu.memref_squeeze %dma_wait3A_941 : memref<1x8x1x8x128xf32, #tpu.memory_space<hbm>> -> memref<8x8x128xf32, #tpu.memory_space<hbm>>
        %dma_wait3A_943 = arith.constant 0 : i32
        %dma_wait3A_944 = arith.constant 0 : i32
        %dma_wait3A_945 = arith.constant 0 : i32
        %dma_wait3A_946 = tpu.memref_slice %arg8[%dma_wait3A_923, %dma_wait3A_924, %dma_wait3A_943, %dma_wait3A_944, %dma_wait3A_945] : memref<2x2x8x8x128xf32, #tpu.memory_space<vmem>> -> memref<1x1x8x8x128xf32, #tpu.memory_space<vmem>>
        %dma_wait3A_947 = tpu.memref_squeeze %dma_wait3A_946 : memref<1x1x8x8x128xf32, #tpu.memory_space<vmem>> -> memref<8x8x128xf32, #tpu.memory_space<vmem>>
        tpu.wait_dma2 semaphore(%dma_wait3A_937 : memref<!tpu.dma_semaphore, #tpu.memory_space<semaphore_mem>>) src(%dma_wait3A_947 : memref<8x8x128xf32, #tpu.memory_space<vmem>>) dst(%dma_wait3A_942 : memref<8x8x128xf32, #tpu.memory_space<hbm>>)
        %mul3A_948 = arith.constant 2 : i32
        %mul3A_949 = arith.muli %mul3A_948, %sub3A_918 : i32
        %add3A_950 = arith.constant 1 : i32
        %add3A_951 = arith.addi %mul3A_949, %add3A_950 : i32
        %dma_wait3A_952 = arith.constant 1 : i32
        %dma_wait3A_953 = arith.constant 1 : i32
        %dma_wait3A_954 = arith.constant 1 : i32
        %dma_wait3A_955 = arith.constant 0 : i32
        %dma_wait3A_956 = arith.constant 0 : i32
        %dma_wait3A_957 = arith.constant 0 : i32
        %dma_wait3A_958 = tpu.memref_slice %arg8[%dma_wait3A_952, %dma_wait3A_953, %dma_wait3A_955, %dma_wait3A_956, %dma_wait3A_957] : memref<2x2x8x8x128xf32, #tpu.memory_space<vmem>> -> memref<1x1x8x8x128xf32, #tpu.memory_space<vmem>>
        %dma_wait3A_959 = tpu.memref_squeeze %dma_wait3A_958 : memref<1x1x8x8x128xf32, #tpu.memory_space<vmem>> -> memref<8x8x128xf32, #tpu.memory_space<vmem>>
        %dma_wait3A_960 = arith.constant 0 : i32
        %dma_wait3A_961 = arith.constant 0 : i32
        %dma_wait3A_962 = arith.constant 0 : i32
        %dma_wait3A_963 = tpu.memref_slice %arg4[%add3A_951, %dma_wait3A_960, %add3A, %dma_wait3A_961, %dma_wait3A_962] : memref<200x8x32x8x128xf32, #tpu.memory_space<hbm>> -> memref<1x8x1x8x128xf32, #tpu.memory_space<hbm>>
        %dma_wait3A_964 = tpu.memref_squeeze %dma_wait3A_963 : memref<1x8x1x8x128xf32, #tpu.memory_space<hbm>> -> memref<8x8x128xf32, #tpu.memory_space<hbm>>
        %dma_wait3A_965 = tpu.memref_slice %arg10[%dma_wait3A_954] : memref<2x!tpu.dma_semaphore, #tpu.memory_space<semaphore_mem>> -> memref<1x!tpu.dma_semaphore, #tpu.memory_space<semaphore_mem>>
        %dma_wait3A_966 = tpu.memref_squeeze %dma_wait3A_965 : memref<1x!tpu.dma_semaphore, #tpu.memory_space<semaphore_mem>> -> memref<!tpu.dma_semaphore, #tpu.memory_space<semaphore_mem>>
        %dma_wait3A_967 = arith.constant 0 : i32
        %dma_wait3A_968 = arith.constant 0 : i32
        %dma_wait3A_969 = arith.constant 0 : i32
        %dma_wait3A_970 = tpu.memref_slice %arg4[%add3A_951, %dma_wait3A_967, %add3A, %dma_wait3A_968, %dma_wait3A_969] : memref<200x8x32x8x128xf32, #tpu.memory_space<hbm>> -> memref<1x8x1x8x128xf32, #tpu.memory_space<hbm>>
        %dma_wait3A_971 = tpu.memref_squeeze %dma_wait3A_970 : memref<1x8x1x8x128xf32, #tpu.memory_space<hbm>> -> memref<8x8x128xf32, #tpu.memory_space<hbm>>
        %dma_wait3A_972 = arith.constant 0 : i32
        %dma_wait3A_973 = arith.constant 0 : i32
        %dma_wait3A_974 = arith.constant 0 : i32
        %dma_wait3A_975 = tpu.memref_slice %arg8[%dma_wait3A_952, %dma_wait3A_953, %dma_wait3A_972, %dma_wait3A_973, %dma_wait3A_974] : memref<2x2x8x8x128xf32, #tpu.memory_space<vmem>> -> memref<1x1x8x8x128xf32, #tpu.memory_space<vmem>>
        %dma_wait3A_976 = tpu.memref_squeeze %dma_wait3A_975 : memref<1x1x8x8x128xf32, #tpu.memory_space<vmem>> -> memref<8x8x128xf32, #tpu.memory_space<vmem>>
        tpu.wait_dma2 semaphore(%dma_wait3A_966 : memref<!tpu.dma_semaphore, #tpu.memory_space<semaphore_mem>>) src(%dma_wait3A_976 : memref<8x8x128xf32, #tpu.memory_space<vmem>>) dst(%dma_wait3A_971 : memref<8x8x128xf32, #tpu.memory_space<hbm>>)
      } else {
      }
      %parallel_loop3A_856 = arith.constant 0 : i32
      %parallel_loop3A_857 = arith.constant 256 : i32
      %parallel_loop3A_858 = arith.constant 1 : i32
      %parallel_loop3A_859 = arith.constant 1 : i32
      scf.for %parallel_loop3A_918 = %parallel_loop3A_856 to %parallel_loop3A_857 step %parallel_loop3A_858  : i32 {
        %parallel_loop3A_919 = arith.constant 0 : i32
        %parallel_loop3A_920 = vector.broadcast %parallel_loop3A_919 : i32 to vector<16xi32>
        %parallel_loop3A_921 = arith.muli %iota3A, %parallel_loop3A_920 : vector<16xi32>
        %parallel_loop3A_922 = arith.constant 7 : i32
        %parallel_loop3A_923 = arith.shrsi %parallel_loop3A_918, %parallel_loop3A_922 : i32
        %parallel_loop3A_924 = vector.broadcast %parallel_loop3A_923 : i32 to vector<16xi32>
        %parallel_loop3A_925 = arith.addi %parallel_loop3A_921, %parallel_loop3A_924 : vector<16xi32>
        %parallel_loop3A_926 = arith.constant 0 : i32
        %parallel_loop3A_927 = vector.broadcast %parallel_loop3A_926 : i32 to vector<16xi32>
        %parallel_loop3A_928 = arith.muli %iota3A, %parallel_loop3A_927 : vector<16xi32>
        %parallel_loop3A_929 = arith.constant 127 : i32
        %parallel_loop3A_930 = arith.andi %parallel_loop3A_918, %parallel_loop3A_929 : i32
        %parallel_loop3A_931 = vector.broadcast %parallel_loop3A_930 : i32 to vector<16xi32>
        %parallel_loop3A_932 = arith.addi %parallel_loop3A_928, %parallel_loop3A_931 : vector<16xi32>
        %parallel_loop3A_933 = arith.constant 3 : i32
        %parallel_loop3A_934 = arith.index_cast %parallel_loop3A_933 : i32 to index
        %parallel_loop3A_935 = arith.index_cast %parallel_loop3A_918 : i32 to index
        %parallel_loop3A_936 = arith.constant 0 : index
        %parallel_loop3A_937 = tpu.vector_load %arg7[%parallel_loop3A_934, %parallel_loop3A_935, %parallel_loop3A_936] {strides = array<i32>} : memref<4x256x64xf32, #tpu.memory_space<vmem>>, vector<16xf32>,
        %parallel_loop3A_938 = arith.constant 0 : i32
        %parallel_loop3A_939 = arith.constant 0 : i32
        %parallel_loop3A_940 = arith.constant 0 : i32
        %parallel_loop3A_941 = arith.constant 0 : i32
        %parallel_loop3A_942 = tpu.memref_slice %arg8[%parallel_loop3A_859, %parallel_loop3A_938, %parallel_loop3A_939, %parallel_loop3A_940, %parallel_loop3A_941] : memref<2x2x8x8x128xf32, #tpu.memory_space<vmem>> -> memref<1x2x8x8x128xf32, #tpu.memory_space<vmem>>
        %parallel_loop3A_943 = tpu.memref_squeeze %parallel_loop3A_942 : memref<1x2x8x8x128xf32, #tpu.memory_space<vmem>> -> memref<2x8x8x128xf32, #tpu.memory_space<vmem>>
        tpu.vector_store_idx %parallel_loop3A_943[%parallel_loop3A_925, %add3A_12, %and3A_9, %parallel_loop3A_932], %parallel_loop3A_937 : memref<2x8x8x128xf32, #tpu.memory_space<vmem>>[vector<16xi32>, vector<16xi32>, vector<16xi32>, vector<16xi32>], vector<16xf32>,
        %parallel_loop3A_944 = arith.constant 3 : i32
        %parallel_loop3A_945 = arith.index_cast %parallel_loop3A_944 : i32 to index
        %parallel_loop3A_946 = arith.index_cast %parallel_loop3A_918 : i32 to index
        %parallel_loop3A_947 = arith.constant 16 : index
        %parallel_loop3A_948 = tpu.vector_load %arg7[%parallel_loop3A_945, %parallel_loop3A_946, %parallel_loop3A_947] {strides = array<i32>} : memref<4x256x64xf32, #tpu.memory_space<vmem>>, vector<16xf32>,
        %parallel_loop3A_949 = arith.constant 0 : i32
        %parallel_loop3A_950 = arith.constant 0 : i32
        %parallel_loop3A_951 = arith.constant 0 : i32
        %parallel_loop3A_952 = arith.constant 0 : i32
        %parallel_loop3A_953 = tpu.memref_slice %arg8[%parallel_loop3A_859, %parallel_loop3A_949, %parallel_loop3A_950, %parallel_loop3A_951, %parallel_loop3A_952] : memref<2x2x8x8x128xf32, #tpu.memory_space<vmem>> -> memref<1x2x8x8x128xf32, #tpu.memory_space<vmem>>
        %parallel_loop3A_954 = tpu.memref_squeeze %parallel_loop3A_953 : memref<1x2x8x8x128xf32, #tpu.memory_space<vmem>> -> memref<2x8x8x128xf32, #tpu.memory_space<vmem>>
        tpu.vector_store_idx %parallel_loop3A_954[%parallel_loop3A_925, %add3A_15, %and3A_9, %parallel_loop3A_932], %parallel_loop3A_948 : memref<2x8x8x128xf32, #tpu.memory_space<vmem>>[vector<16xi32>, vector<16xi32>, vector<16xi32>, vector<16xi32>], vector<16xf32>,
        %parallel_loop3A_955 = arith.constant 3 : i32
        %parallel_loop3A_956 = arith.index_cast %parallel_loop3A_955 : i32 to index
        %parallel_loop3A_957 = arith.index_cast %parallel_loop3A_918 : i32 to index
        %parallel_loop3A_958 = arith.constant 32 : index
        %parallel_loop3A_959 = tpu.vector_load %arg7[%parallel_loop3A_956, %parallel_loop3A_957, %parallel_loop3A_958] {strides = array<i32>} : memref<4x256x64xf32, #tpu.memory_space<vmem>>, vector<16xf32>,
        %parallel_loop3A_960 = arith.constant 0 : i32
        %parallel_loop3A_961 = arith.constant 0 : i32
        %parallel_loop3A_962 = arith.constant 0 : i32
        %parallel_loop3A_963 = arith.constant 0 : i32
        %parallel_loop3A_964 = tpu.memref_slice %arg8[%parallel_loop3A_859, %parallel_loop3A_960, %parallel_loop3A_961, %parallel_loop3A_962, %parallel_loop3A_963] : memref<2x2x8x8x128xf32, #tpu.memory_space<vmem>> -> memref<1x2x8x8x128xf32, #tpu.memory_space<vmem>>
        %parallel_loop3A_965 = tpu.memref_squeeze %parallel_loop3A_964 : memref<1x2x8x8x128xf32, #tpu.memory_space<vmem>> -> memref<2x8x8x128xf32, #tpu.memory_space<vmem>>
        tpu.vector_store_idx %parallel_loop3A_965[%parallel_loop3A_925, %add3A_18, %and3A_9, %parallel_loop3A_932], %parallel_loop3A_959 : memref<2x8x8x128xf32, #tpu.memory_space<vmem>>[vector<16xi32>, vector<16xi32>, vector<16xi32>, vector<16xi32>], vector<16xf32>,
        %parallel_loop3A_966 = arith.constant 3 : i32
        %parallel_loop3A_967 = arith.index_cast %parallel_loop3A_966 : i32 to index
        %parallel_loop3A_968 = arith.index_cast %parallel_loop3A_918 : i32 to index
        %parallel_loop3A_969 = arith.constant 48 : index
        %parallel_loop3A_970 = tpu.vector_load %arg7[%parallel_loop3A_967, %parallel_loop3A_968, %parallel_loop3A_969] {strides = array<i32>} : memref<4x256x64xf32, #tpu.memory_space<vmem>>, vector<16xf32>,
        %parallel_loop3A_971 = arith.constant 0 : i32
        %parallel_loop3A_972 = arith.constant 0 : i32
        %parallel_loop3A_973 = arith.constant 0 : i32
        %parallel_loop3A_974 = arith.constant 0 : i32
        %parallel_loop3A_975 = tpu.memref_slice %arg8[%parallel_loop3A_859, %parallel_loop3A_971, %parallel_loop3A_972, %parallel_loop3A_973, %parallel_loop3A_974] : memref<2x2x8x8x128xf32, #tpu.memory_space<vmem>> -> memref<1x2x8x8x128xf32, #tpu.memory_space<vmem>>
        %parallel_loop3A_976 = tpu.memref_squeeze %parallel_loop3A_975 : memref<1x2x8x8x128xf32, #tpu.memory_space<vmem>> -> memref<2x8x8x128xf32, #tpu.memory_space<vmem>>
        tpu.vector_store_idx %parallel_loop3A_976[%parallel_loop3A_925, %add3A_21, %and3A_9, %parallel_loop3A_932], %parallel_loop3A_970 : memref<2x8x8x128xf32, #tpu.memory_space<vmem>>[vector<16xi32>, vector<16xi32>, vector<16xi32>, vector<16xi32>], vector<16xf32>,
      } {sc.loop_unroll_factor = 8 : i64, sc.parallel_access}
      %mul3A_860 = arith.constant 2 : i32
      %mul3A_861 = arith.muli %mul3A_860, %add3A_828 : i32
      %add3A_862 = arith.constant 0 : i32
      %add3A_863 = arith.addi %mul3A_861, %add3A_862 : i32
      %dma_start3A_864 = arith.constant 1 : i32
      %dma_start3A_865 = arith.constant 0 : i32
      %dma_start3A_866 = arith.constant 1 : i32
      %dma_start3A_867 = arith.constant 0 : i32
      %dma_start3A_868 = arith.constant 0 : i32
      %dma_start3A_869 = arith.constant 0 : i32
      %dma_start3A_870 = tpu.memref_slice %arg8[%dma_start3A_864, %dma_start3A_865, %dma_start3A_867, %dma_start3A_868, %dma_start3A_869] : memref<2x2x8x8x128xf32, #tpu.memory_space<vmem>> -> memref<1x1x8x8x128xf32, #tpu.memory_space<vmem>>
      %dma_start3A_871 = tpu.memref_squeeze %dma_start3A_870 : memref<1x1x8x8x128xf32, #tpu.memory_space<vmem>> -> memref<8x8x128xf32, #tpu.memory_space<vmem>>
      %dma_start3A_872 = arith.constant 0 : i32
      %dma_start3A_873 = arith.constant 0 : i32
      %dma_start3A_874 = arith.constant 0 : i32
      %dma_start3A_875 = tpu.memref_slice %arg4[%add3A_863, %dma_start3A_872, %add3A, %dma_start3A_873, %dma_start3A_874] : memref<200x8x32x8x128xf32, #tpu.memory_space<hbm>> -> memref<1x8x1x8x128xf32, #tpu.memory_space<hbm>>
      %dma_start3A_876 = tpu.memref_squeeze %dma_start3A_875 : memref<1x8x1x8x128xf32, #tpu.memory_space<hbm>> -> memref<8x8x128xf32, #tpu.memory_space<hbm>>
      %dma_start3A_877 = tpu.memref_slice %arg10[%dma_start3A_866] : memref<2x!tpu.dma_semaphore, #tpu.memory_space<semaphore_mem>> -> memref<1x!tpu.dma_semaphore, #tpu.memory_space<semaphore_mem>>
      %dma_start3A_878 = tpu.memref_squeeze %dma_start3A_877 : memref<1x!tpu.dma_semaphore, #tpu.memory_space<semaphore_mem>> -> memref<!tpu.dma_semaphore, #tpu.memory_space<semaphore_mem>>
      %dma_start3A_879 = arith.constant 0 : i32
      %dma_start3A_880 = arith.constant 0 : i32
      %dma_start3A_881 = arith.constant 0 : i32
      %dma_start3A_882 = tpu.memref_slice %arg4[%add3A_863, %dma_start3A_879, %add3A, %dma_start3A_880, %dma_start3A_881] : memref<200x8x32x8x128xf32, #tpu.memory_space<hbm>> -> memref<1x8x1x8x128xf32, #tpu.memory_space<hbm>>
      %dma_start3A_883 = tpu.memref_squeeze %dma_start3A_882 : memref<1x8x1x8x128xf32, #tpu.memory_space<hbm>> -> memref<8x8x128xf32, #tpu.memory_space<hbm>>
      %dma_start3A_884 = arith.constant 0 : i32
      %dma_start3A_885 = arith.constant 0 : i32
      %dma_start3A_886 = arith.constant 0 : i32
      %dma_start3A_887 = tpu.memref_slice %arg8[%dma_start3A_864, %dma_start3A_865, %dma_start3A_884, %dma_start3A_885, %dma_start3A_886] : memref<2x2x8x8x128xf32, #tpu.memory_space<vmem>> -> memref<1x1x8x8x128xf32, #tpu.memory_space<vmem>>
      %dma_start3A_888 = tpu.memref_squeeze %dma_start3A_887 : memref<1x1x8x8x128xf32, #tpu.memory_space<vmem>> -> memref<8x8x128xf32, #tpu.memory_space<vmem>>
      tpu.enqueue_dma source(%dma_start3A_888 : memref<8x8x128xf32, #tpu.memory_space<vmem>>) target(%dma_start3A_883 : memref<8x8x128xf32, #tpu.memory_space<hbm>>) target_semaphore(%dma_start3A_878 : memref<!tpu.dma_semaphore, #tpu.memory_space<semaphore_mem>>)
      %mul3A_889 = arith.constant 2 : i32
      %mul3A_890 = arith.muli %mul3A_889, %add3A_828 : i32
      %add3A_891 = arith.constant 1 : i32
      %add3A_892 = arith.addi %mul3A_890, %add3A_891 : i32
      %dma_start3A_893 = arith.constant 1 : i32
      %dma_start3A_894 = arith.constant 1 : i32
      %dma_start3A_895 = arith.constant 1 : i32
      %dma_start3A_896 = arith.constant 0 : i32
      %dma_start3A_897 = arith.constant 0 : i32
      %dma_start3A_898 = arith.constant 0 : i32
      %dma_start3A_899 = tpu.memref_slice %arg8[%dma_start3A_893, %dma_start3A_894, %dma_start3A_896, %dma_start3A_897, %dma_start3A_898] : memref<2x2x8x8x128xf32, #tpu.memory_space<vmem>> -> memref<1x1x8x8x128xf32, #tpu.memory_space<vmem>>
      %dma_start3A_900 = tpu.memref_squeeze %dma_start3A_899 : memref<1x1x8x8x128xf32, #tpu.memory_space<vmem>> -> memref<8x8x128xf32, #tpu.memory_space<vmem>>
      %dma_start3A_901 = arith.constant 0 : i32
      %dma_start3A_902 = arith.constant 0 : i32
      %dma_start3A_903 = arith.constant 0 : i32
      %dma_start3A_904 = tpu.memref_slice %arg4[%add3A_892, %dma_start3A_901, %add3A, %dma_start3A_902, %dma_start3A_903] : memref<200x8x32x8x128xf32, #tpu.memory_space<hbm>> -> memref<1x8x1x8x128xf32, #tpu.memory_space<hbm>>
      %dma_start3A_905 = tpu.memref_squeeze %dma_start3A_904 : memref<1x8x1x8x128xf32, #tpu.memory_space<hbm>> -> memref<8x8x128xf32, #tpu.memory_space<hbm>>
      %dma_start3A_906 = tpu.memref_slice %arg10[%dma_start3A_895] : memref<2x!tpu.dma_semaphore, #tpu.memory_space<semaphore_mem>> -> memref<1x!tpu.dma_semaphore, #tpu.memory_space<semaphore_mem>>
      %dma_start3A_907 = tpu.memref_squeeze %dma_start3A_906 : memref<1x!tpu.dma_semaphore, #tpu.memory_space<semaphore_mem>> -> memref<!tpu.dma_semaphore, #tpu.memory_space<semaphore_mem>>
      %dma_start3A_908 = arith.constant 0 : i32
      %dma_start3A_909 = arith.constant 0 : i32
      %dma_start3A_910 = arith.constant 0 : i32
      %dma_start3A_911 = tpu.memref_slice %arg4[%add3A_892, %dma_start3A_908, %add3A, %dma_start3A_909, %dma_start3A_910] : memref<200x8x32x8x128xf32, #tpu.memory_space<hbm>> -> memref<1x8x1x8x128xf32, #tpu.memory_space<hbm>>
      %dma_start3A_912 = tpu.memref_squeeze %dma_start3A_911 : memref<1x8x1x8x128xf32, #tpu.memory_space<hbm>> -> memref<8x8x128xf32, #tpu.memory_space<hbm>>
      %dma_start3A_913 = arith.constant 0 : i32
      %dma_start3A_914 = arith.constant 0 : i32
      %dma_start3A_915 = arith.constant 0 : i32
      %dma_start3A_916 = tpu.memref_slice %arg8[%dma_start3A_893, %dma_start3A_894, %dma_start3A_913, %dma_start3A_914, %dma_start3A_915] : memref<2x2x8x8x128xf32, #tpu.memory_space<vmem>> -> memref<1x1x8x8x128xf32, #tpu.memory_space<vmem>>
      %dma_start3A_917 = tpu.memref_squeeze %dma_start3A_916 : memref<1x1x8x8x128xf32, #tpu.memory_space<vmem>> -> memref<8x8x128xf32, #tpu.memory_space<vmem>>
      tpu.enqueue_dma source(%dma_start3A_917 : memref<8x8x128xf32, #tpu.memory_space<vmem>>) target(%dma_start3A_912 : memref<8x8x128xf32, #tpu.memory_space<hbm>>) target_semaphore(%dma_start3A_907 : memref<!tpu.dma_semaphore, #tpu.memory_space<semaphore_mem>>)
    }
    %scan3A_452 = arith.constant 25 : i32
    %dma_wait3A = arith.constant 0 : i32
    %dma_wait3A_453 = arith.constant 0 : i32
    %dma_wait3A_454 = arith.constant 196 : i32
    %dma_wait3A_455 = arith.constant 0 : i32
    %dma_wait3A_456 = arith.constant 0 : i32
    %dma_wait3A_457 = arith.constant 0 : i32
    %dma_wait3A_458 = arith.constant 0 : i32
    %dma_wait3A_459 = tpu.memref_slice %arg8[%dma_wait3A, %dma_wait3A_453, %dma_wait3A_456, %dma_wait3A_457, %dma_wait3A_458] : memref<2x2x8x8x128xf32, #tpu.memory_space<vmem>> -> memref<1x1x8x8x128xf32, #tpu.memory_space<vmem>>
    %dma_wait3A_460 = tpu.memref_squeeze %dma_wait3A_459 : memref<1x1x8x8x128xf32, #tpu.memory_space<vmem>> -> memref<8x8x128xf32, #tpu.memory_space<vmem>>
    %dma_wait3A_461 = arith.constant 0 : i32
    %dma_wait3A_462 = arith.constant 0 : i32
    %dma_wait3A_463 = arith.constant 0 : i32
    %dma_wait3A_464 = tpu.memref_slice %arg4[%dma_wait3A_454, %dma_wait3A_461, %add3A, %dma_wait3A_462, %dma_wait3A_463] : memref<200x8x32x8x128xf32, #tpu.memory_space<hbm>> -> memref<1x8x1x8x128xf32, #tpu.memory_space<hbm>>
    %dma_wait3A_465 = tpu.memref_squeeze %dma_wait3A_464 : memref<1x8x1x8x128xf32, #tpu.memory_space<hbm>> -> memref<8x8x128xf32, #tpu.memory_space<hbm>>
    %dma_wait3A_466 = tpu.memref_slice %arg10[%dma_wait3A_455] : memref<2x!tpu.dma_semaphore, #tpu.memory_space<semaphore_mem>> -> memref<1x!tpu.dma_semaphore, #tpu.memory_space<semaphore_mem>>
    %dma_wait3A_467 = tpu.memref_squeeze %dma_wait3A_466 : memref<1x!tpu.dma_semaphore, #tpu.memory_space<semaphore_mem>> -> memref<!tpu.dma_semaphore, #tpu.memory_space<semaphore_mem>>
    %dma_wait3A_468 = arith.constant 0 : i32
    %dma_wait3A_469 = arith.constant 0 : i32
    %dma_wait3A_470 = arith.constant 0 : i32
    %dma_wait3A_471 = tpu.memref_slice %arg4[%dma_wait3A_454, %dma_wait3A_468, %add3A, %dma_wait3A_469, %dma_wait3A_470] : memref<200x8x32x8x128xf32, #tpu.memory_space<hbm>> -> memref<1x8x1x8x128xf32, #tpu.memory_space<hbm>>
    %dma_wait3A_472 = tpu.memref_squeeze %dma_wait3A_471 : memref<1x8x1x8x128xf32, #tpu.memory_space<hbm>> -> memref<8x8x128xf32, #tpu.memory_space<hbm>>
    %dma_wait3A_473 = arith.constant 0 : i32
    %dma_wait3A_474 = arith.constant 0 : i32
    %dma_wait3A_475 = arith.constant 0 : i32
    %dma_wait3A_476 = tpu.memref_slice %arg8[%dma_wait3A, %dma_wait3A_453, %dma_wait3A_473, %dma_wait3A_474, %dma_wait3A_475] : memref<2x2x8x8x128xf32, #tpu.memory_space<vmem>> -> memref<1x1x8x8x128xf32, #tpu.memory_space<vmem>>
    %dma_wait3A_477 = tpu.memref_squeeze %dma_wait3A_476 : memref<1x1x8x8x128xf32, #tpu.memory_space<vmem>> -> memref<8x8x128xf32, #tpu.memory_space<vmem>>
    tpu.wait_dma2 semaphore(%dma_wait3A_467 : memref<!tpu.dma_semaphore, #tpu.memory_space<semaphore_mem>>) src(%dma_wait3A_477 : memref<8x8x128xf32, #tpu.memory_space<vmem>>) dst(%dma_wait3A_472 : memref<8x8x128xf32, #tpu.memory_space<hbm>>)
    %dma_wait3A_478 = arith.constant 0 : i32
    %dma_wait3A_479 = arith.constant 1 : i32
    %dma_wait3A_480 = arith.constant 197 : i32
    %dma_wait3A_481 = arith.constant 0 : i32
    %dma_wait3A_482 = arith.constant 0 : i32
    %dma_wait3A_483 = arith.constant 0 : i32
    %dma_wait3A_484 = arith.constant 0 : i32
    %dma_wait3A_485 = tpu.memref_slice %arg8[%dma_wait3A_478, %dma_wait3A_479, %dma_wait3A_482, %dma_wait3A_483, %dma_wait3A_484] : memref<2x2x8x8x128xf32, #tpu.memory_space<vmem>> -> memref<1x1x8x8x128xf32, #tpu.memory_space<vmem>>
    %dma_wait3A_486 = tpu.memref_squeeze %dma_wait3A_485 : memref<1x1x8x8x128xf32, #tpu.memory_space<vmem>> -> memref<8x8x128xf32, #tpu.memory_space<vmem>>
    %dma_wait3A_487 = arith.constant 0 : i32
    %dma_wait3A_488 = arith.constant 0 : i32
    %dma_wait3A_489 = arith.constant 0 : i32
    %dma_wait3A_490 = tpu.memref_slice %arg4[%dma_wait3A_480, %dma_wait3A_487, %add3A, %dma_wait3A_488, %dma_wait3A_489] : memref<200x8x32x8x128xf32, #tpu.memory_space<hbm>> -> memref<1x8x1x8x128xf32, #tpu.memory_space<hbm>>
    %dma_wait3A_491 = tpu.memref_squeeze %dma_wait3A_490 : memref<1x8x1x8x128xf32, #tpu.memory_space<hbm>> -> memref<8x8x128xf32, #tpu.memory_space<hbm>>
    %dma_wait3A_492 = tpu.memref_slice %arg10[%dma_wait3A_481] : memref<2x!tpu.dma_semaphore, #tpu.memory_space<semaphore_mem>> -> memref<1x!tpu.dma_semaphore, #tpu.memory_space<semaphore_mem>>
    %dma_wait3A_493 = tpu.memref_squeeze %dma_wait3A_492 : memref<1x!tpu.dma_semaphore, #tpu.memory_space<semaphore_mem>> -> memref<!tpu.dma_semaphore, #tpu.memory_space<semaphore_mem>>
    %dma_wait3A_494 = arith.constant 0 : i32
    %dma_wait3A_495 = arith.constant 0 : i32
    %dma_wait3A_496 = arith.constant 0 : i32
    %dma_wait3A_497 = tpu.memref_slice %arg4[%dma_wait3A_480, %dma_wait3A_494, %add3A, %dma_wait3A_495, %dma_wait3A_496] : memref<200x8x32x8x128xf32, #tpu.memory_space<hbm>> -> memref<1x8x1x8x128xf32, #tpu.memory_space<hbm>>
    %dma_wait3A_498 = tpu.memref_squeeze %dma_wait3A_497 : memref<1x8x1x8x128xf32, #tpu.memory_space<hbm>> -> memref<8x8x128xf32, #tpu.memory_space<hbm>>
    %dma_wait3A_499 = arith.constant 0 : i32
    %dma_wait3A_500 = arith.constant 0 : i32
    %dma_wait3A_501 = arith.constant 0 : i32
    %dma_wait3A_502 = tpu.memref_slice %arg8[%dma_wait3A_478, %dma_wait3A_479, %dma_wait3A_499, %dma_wait3A_500, %dma_wait3A_501] : memref<2x2x8x8x128xf32, #tpu.memory_space<vmem>> -> memref<1x1x8x8x128xf32, #tpu.memory_space<vmem>>
    %dma_wait3A_503 = tpu.memref_squeeze %dma_wait3A_502 : memref<1x1x8x8x128xf32, #tpu.memory_space<vmem>> -> memref<8x8x128xf32, #tpu.memory_space<vmem>>
    tpu.wait_dma2 semaphore(%dma_wait3A_493 : memref<!tpu.dma_semaphore, #tpu.memory_space<semaphore_mem>>) src(%dma_wait3A_503 : memref<8x8x128xf32, #tpu.memory_space<vmem>>) dst(%dma_wait3A_498 : memref<8x8x128xf32, #tpu.memory_space<hbm>>)
    %dma_wait3A_504 = arith.constant 1 : i32
    %dma_wait3A_505 = arith.constant 0 : i32
    %dma_wait3A_506 = arith.constant 198 : i32
    %dma_wait3A_507 = arith.constant 1 : i32
    %dma_wait3A_508 = arith.constant 0 : i32
    %dma_wait3A_509 = arith.constant 0 : i32
    %dma_wait3A_510 = arith.constant 0 : i32
    %dma_wait3A_511 = tpu.memref_slice %arg8[%dma_wait3A_504, %dma_wait3A_505, %dma_wait3A_508, %dma_wait3A_509, %dma_wait3A_510] : memref<2x2x8x8x128xf32, #tpu.memory_space<vmem>> -> memref<1x1x8x8x128xf32, #tpu.memory_space<vmem>>
    %dma_wait3A_512 = tpu.memref_squeeze %dma_wait3A_511 : memref<1x1x8x8x128xf32, #tpu.memory_space<vmem>> -> memref<8x8x128xf32, #tpu.memory_space<vmem>>
    %dma_wait3A_513 = arith.constant 0 : i32
    %dma_wait3A_514 = arith.constant 0 : i32
    %dma_wait3A_515 = arith.constant 0 : i32
    %dma_wait3A_516 = tpu.memref_slice %arg4[%dma_wait3A_506, %dma_wait3A_513, %add3A, %dma_wait3A_514, %dma_wait3A_515] : memref<200x8x32x8x128xf32, #tpu.memory_space<hbm>> -> memref<1x8x1x8x128xf32, #tpu.memory_space<hbm>>
    %dma_wait3A_517 = tpu.memref_squeeze %dma_wait3A_516 : memref<1x8x1x8x128xf32, #tpu.memory_space<hbm>> -> memref<8x8x128xf32, #tpu.memory_space<hbm>>
    %dma_wait3A_518 = tpu.memref_slice %arg10[%dma_wait3A_507] : memref<2x!tpu.dma_semaphore, #tpu.memory_space<semaphore_mem>> -> memref<1x!tpu.dma_semaphore, #tpu.memory_space<semaphore_mem>>
    %dma_wait3A_519 = tpu.memref_squeeze %dma_wait3A_518 : memref<1x!tpu.dma_semaphore, #tpu.memory_space<semaphore_mem>> -> memref<!tpu.dma_semaphore, #tpu.memory_space<semaphore_mem>>
    %dma_wait3A_520 = arith.constant 0 : i32
    %dma_wait3A_521 = arith.constant 0 : i32
    %dma_wait3A_522 = arith.constant 0 : i32
    %dma_wait3A_523 = tpu.memref_slice %arg4[%dma_wait3A_506, %dma_wait3A_520, %add3A, %dma_wait3A_521, %dma_wait3A_522] : memref<200x8x32x8x128xf32, #tpu.memory_space<hbm>> -> memref<1x8x1x8x128xf32, #tpu.memory_space<hbm>>
    %dma_wait3A_524 = tpu.memref_squeeze %dma_wait3A_523 : memref<1x8x1x8x128xf32, #tpu.memory_space<hbm>> -> memref<8x8x128xf32, #tpu.memory_space<hbm>>
    %dma_wait3A_525 = arith.constant 0 : i32
    %dma_wait3A_526 = arith.constant 0 : i32
    %dma_wait3A_527 = arith.constant 0 : i32
    %dma_wait3A_528 = tpu.memref_slice %arg8[%dma_wait3A_504, %dma_wait3A_505, %dma_wait3A_525, %dma_wait3A_526, %dma_wait3A_527] : memref<2x2x8x8x128xf32, #tpu.memory_space<vmem>> -> memref<1x1x8x8x128xf32, #tpu.memory_space<vmem>>
    %dma_wait3A_529 = tpu.memref_squeeze %dma_wait3A_528 : memref<1x1x8x8x128xf32, #tpu.memory_space<vmem>> -> memref<8x8x128xf32, #tpu.memory_space<vmem>>
    tpu.wait_dma2 semaphore(%dma_wait3A_519 : memref<!tpu.dma_semaphore, #tpu.memory_space<semaphore_mem>>) src(%dma_wait3A_529 : memref<8x8x128xf32, #tpu.memory_space<vmem>>) dst(%dma_wait3A_524 : memref<8x8x128xf32, #tpu.memory_space<hbm>>)
    %dma_wait3A_530 = arith.constant 1 : i32
    %dma_wait3A_531 = arith.constant 1 : i32
    %dma_wait3A_532 = arith.constant 199 : i32
    %dma_wait3A_533 = arith.constant 1 : i32
    %dma_wait3A_534 = arith.constant 0 : i32
    %dma_wait3A_535 = arith.constant 0 : i32
    %dma_wait3A_536 = arith.constant 0 : i32
    %dma_wait3A_537 = tpu.memref_slice %arg8[%dma_wait3A_530, %dma_wait3A_531, %dma_wait3A_534, %dma_wait3A_535, %dma_wait3A_536] : memref<2x2x8x8x128xf32, #tpu.memory_space<vmem>> -> memref<1x1x8x8x128xf32, #tpu.memory_space<vmem>>
    %dma_wait3A_538 = tpu.memref_squeeze %dma_wait3A_537 : memref<1x1x8x8x128xf32, #tpu.memory_space<vmem>> -> memref<8x8x128xf32, #tpu.memory_space<vmem>>
    %dma_wait3A_539 = arith.constant 0 : i32
    %dma_wait3A_540 = arith.constant 0 : i32
    %dma_wait3A_541 = arith.constant 0 : i32
    %dma_wait3A_542 = tpu.memref_slice %arg4[%dma_wait3A_532, %dma_wait3A_539, %add3A, %dma_wait3A_540, %dma_wait3A_541] : memref<200x8x32x8x128xf32, #tpu.memory_space<hbm>> -> memref<1x8x1x8x128xf32, #tpu.memory_space<hbm>>
    %dma_wait3A_543 = tpu.memref_squeeze %dma_wait3A_542 : memref<1x8x1x8x128xf32, #tpu.memory_space<hbm>> -> memref<8x8x128xf32, #tpu.memory_space<hbm>>
    %dma_wait3A_544 = tpu.memref_slice %arg10[%dma_wait3A_533] : memref<2x!tpu.dma_semaphore, #tpu.memory_space<semaphore_mem>> -> memref<1x!tpu.dma_semaphore, #tpu.memory_space<semaphore_mem>>
    %dma_wait3A_545 = tpu.memref_squeeze %dma_wait3A_544 : memref<1x!tpu.dma_semaphore, #tpu.memory_space<semaphore_mem>> -> memref<!tpu.dma_semaphore, #tpu.memory_space<semaphore_mem>>
    %dma_wait3A_546 = arith.constant 0 : i32
    %dma_wait3A_547 = arith.constant 0 : i32
    %dma_wait3A_548 = arith.constant 0 : i32
    %dma_wait3A_549 = tpu.memref_slice %arg4[%dma_wait3A_532, %dma_wait3A_546, %add3A, %dma_wait3A_547, %dma_wait3A_548] : memref<200x8x32x8x128xf32, #tpu.memory_space<hbm>> -> memref<1x8x1x8x128xf32, #tpu.memory_space<hbm>>
    %dma_wait3A_550 = tpu.memref_squeeze %dma_wait3A_549 : memref<1x8x1x8x128xf32, #tpu.memory_space<hbm>> -> memref<8x8x128xf32, #tpu.memory_space<hbm>>
    %dma_wait3A_551 = arith.constant 0 : i32
    %dma_wait3A_552 = arith.constant 0 : i32
    %dma_wait3A_553 = arith.constant 0 : i32
    %dma_wait3A_554 = tpu.memref_slice %arg8[%dma_wait3A_530, %dma_wait3A_531, %dma_wait3A_551, %dma_wait3A_552, %dma_wait3A_553] : memref<2x2x8x8x128xf32, #tpu.memory_space<vmem>> -> memref<1x1x8x8x128xf32, #tpu.memory_space<vmem>>
    %dma_wait3A_555 = tpu.memref_squeeze %dma_wait3A_554 : memref<1x1x8x8x128xf32, #tpu.memory_space<vmem>> -> memref<8x8x128xf32, #tpu.memory_space<vmem>>
    tpu.wait_dma2 semaphore(%dma_wait3A_545 : memref<!tpu.dma_semaphore, #tpu.memory_space<semaphore_mem>>) src(%dma_wait3A_555 : memref<8x8x128xf32, #tpu.memory_space<vmem>>) dst(%dma_wait3A_550 : memref<8x8x128xf32, #tpu.memory_space<hbm>>)
    return
  }
}

</mosaic_0001>

<sc_bundles>
// kernel: kernel.3.cloned.1.call-start
scs
__scs_entry_jumppad:
0x0: {  	(pc) =	sbr.rel $0x88, $3  }
0x1: {  	(tag) =	ssettag $0x0;
	lr =	simm.s32 $0x1  }
0x2: {  	[smem:$0x3F9F] =	sst lr;
	_ =	strace $0xD0000000  }
0x3: {  	_ = 	snop  }
0x4: {  	_ = 	snop  }
0x5: {  	_ = 	snop  }
0x6: {  	_ = 	snop  }
0x7: {  	_ = 	snop  }
__scs_overlays_trampoline_lowered:
0x8: {  	[smem:$0x3FAE] =	sst s0  }
0x9: {  	[smem:$0x3FAF] =	sst s1  }
0xa: {  	[smem:$0x3FB0] =	sst s2  }
0xb: {  	[smem:$0x3FB1] =	sst s3  }
0xc: {  	[smem:$0x3FB2] =	sst s4  }
0xd: {  	[smem:$0x3FB3] =	sst s5  }
0xe: {  	[smem:$0x3FB4] =	sst s6  }
0xf: {  	[smem:$0x3FB5] =	sst s7  }
0x10: {  	[smem:$0x3FB6] =	sst s8  }
0x11: {  	[smem:$0x3FB7] =	sst s9;
	s0 =	simm.s32 @!p0 $0x0  }
0x12: {  	s1 =	sld [smem:$0x3F9D];
	s0 =	simm.s32 @p0 $0x1  }
0x13: {  	[smem:$0x3FB8] =	sst s0;
	s0 =	simm.s32 @!p1 $0x0  }
0x14: {  	s2 =	sld [smem:$0x3F9C];
	s0 =	simm.s32 @p1 $0x1  }
0x15: {  	[smem:$0x3FB9] =	sst s0;
	s0 =	simm.s32 @!p2 $0x0  }
0x16: {  	s3 =	sld [smem:$0x3FDB];
	s0 =	simm.s32 @p2 $0x1  }
0x17: {  	s4 =	simm.s32 $0x1BF5;
	[smem:$0x3FBB] =	sst s0  }
0x18: {  	s0 =	sld [smem:$0x3F9E];
	_ =	swait.ge [sflag:s4], $0x0  }
0x19: {  	s7 =	sld [smem:$0x3F9F]  }
0x1a: {  	s8 =	sadd.s32 $0xFFFFE003, lr  }
0x1b: {  	s9 =	sadd.s32 $0xFFFFFEF7, lr;
	s5 =	simm.s32 $0xFFFFFFFF;
	p2 =	slt.u32 s8, $0xFFFFF086  }
0x1c: {  	p1 =	slt.u32 s9, $0xF7A;
	s5 =	simm.s32 @!p2 $0x0  }
0x1d: {  	s5 =	simm.s32 @p1 $0x1;
	p0 =	seq.s32 s7, s2  }
0x1e: {  	s7 =	smul.u32 @!p0 $0xF7A, s2;
	p2 =	seq.s32 @!p0 s5, $0x0  }
0x1f: {  	s9 =	smul.u32 $0xF7A, s1;
	s8 =	simm.s32 @!p0 $0x1BF5;
	p2 =	por !p2, p0  }
0x20: {  	[sflag:s8] =	ssyncset.s32 @!p0 $0xFFFFF086;
	s6 =	sadd.s32 @!p0 s3, s7;
	s7 =	simm.s32 @!p0 $0x108  }
0x21: {  	s3 =	sadd.s32 s3, s9;
	s6 =	sadd.s32 @!p0 $0x88, s6;
	s7 =	simm.s32 @p2 $0x1082  }
0x22: {  	[simem:s7], [sflag:s8] =	dma.local @!p0 [hbm:s6], $0xF7A  }
0x23: {  	s9 =	sor.u32 $0xD0000000, s2;
	s6 =	simm.s32 $0x108;
	_ =	swait.ge @!p0 [sflag:s8], $0x0  }
0x24: {  	s3 =	sadd.s32 $0x88, s3;
	s6 =	simm.s32 @!p1 $0x1082;
	[sflag:s4] =	ssyncset.s32 $0xFFFFF086  }
0x25: {  	[simem:s6], [sflag:s4] =	dma.local [hbm:s3], $0xF7A  }
0x26: {  	[smem:$0x3F9F] =	sst s1;
	(tag) =	ssettag s2;
	_ =	strace s9  }
0x27: {  	s1 =	sld [smem:$0x3FAF]  }
0x28: {  	s2 =	sld [smem:$0x3FB0]  }
0x29: {  	s4 =	sld [smem:$0x3FB2]  }
0x2a: {  	p0 =	seq.s32 s5, $0x0;
	s5 =	sld [smem:$0x3FB3]  }
0x2b: {  	s6 =	sld [smem:$0x3FB4]  }
0x2c: {  	s7 =	sld [smem:$0x3FB5]  }
0x2d: {  	s3 =	simm.s32 $0x108;
	s8 =	sld [smem:$0x3FB6]  }
0x2e: {  	s3 =	simm.s32 @!p0 $0x1082;
	s9 =	sld [smem:$0x3FB7]  }
0x2f: {  	lr =	sadd.s32 s0, s3;
	s0 =	sld [smem:$0x3FAE]  }
0x30: {  	s3 =	sld [smem:$0x3FB1]  }
0x31: {  	[smem:$0x3FBA] =	sst s10  }
0x32: {  	s10 =	sld [smem:$0x3FB8];
	_ =	sdelay $0x3  }
0x33: {  	p0 =	seq.s32 s10, $0x1;
	s10 =	sld [smem:$0x3FBA];
	_ =	sdelay $0x3  }
0x34: {  	[smem:$0x3FBA] =	sst s10  }
0x35: {  	s10 =	sld [smem:$0x3FB9];
	_ =	sdelay $0x3  }
0x36: {  	p1 =	seq.s32 s10, $0x1;
	s10 =	sld [smem:$0x3FBA];
	_ =	sdelay $0x3  }
0x37: {  	[smem:$0x3FBA] =	sst s10  }
0x38: {  	s10 =	sld [smem:$0x3FBB]  }
0x39: {  	_ = 	snop;
	(pc) =	sbr.ind lr, $3  }
0x3a: {  	_ = 	snop  }
0x3b: {  	_ = 	snop  }
0x3c: {  	p2 =	seq.s32 s10, $0x1;
	s10 =	sld [smem:$0x3FBA]  }
0x3d: {  	_ =	shalt  }
0x3e: {  	_ =	shalt  }
0x3f: {  	_ =	shalt  }
0x40: {  	_ =	shalt  }
0x41: {  	_ =	shalt  }
0x42: {  	_ =	shalt  }
0x43: {  	_ =	shalt  }
0x44: {  	_ =	shalt  }
0x45: {  	_ =	shalt  }
0x46: {  	_ =	shalt  }
0x47: {  	_ =	shalt  }
0x48: {  	_ =	shalt  }
0x49: {  	_ =	shalt  }
0x4a: {  	_ =	shalt  }
0x4b: {  	_ =	shalt  }
0x4c: {  	_ =	shalt  }
0x4d: {  	_ =	shalt  }
0x4e: {  	_ =	shalt  }
0x4f: {  	_ =	shalt  }
0x50: {  	_ =	shalt  }
0x51: {  	_ =	shalt  }
0x52: {  	_ =	shalt  }
0x53: {  	_ =	shalt  }
0x54: {  	_ =	shalt  }
0x55: {  	_ =	shalt  }
0x56: {  	_ =	shalt  }
0x57: {  	_ =	shalt  }
0x58: {  	_ =	shalt  }
0x59: {  	_ =	shalt  }
0x5a: {  	_ =	shalt  }
0x5b: {  	_ =	shalt  }
0x5c: {  	_ =	shalt  }
0x5d: {  	_ =	shalt  }
0x5e: {  	_ =	shalt  }
0x5f: {  	_ =	shalt  }
0x60: {  	_ =	shalt  }
0x61: {  	_ =	shalt  }
0x62: {  	_ =	shalt  }
0x63: {  	_ =	shalt  }
0x64: {  	_ =	shalt  }
0x65: {  	_ =	shalt  }
0x66: {  	_ =	shalt  }
0x67: {  	_ =	shalt  }
0x68: {  	_ =	shalt  }
0x69: {  	_ =	shalt  }
0x6a: {  	_ =	shalt  }
0x6b: {  	_ =	shalt  }
0x6c: {  	_ =	shalt  }
0x6d: {  	_ =	shalt  }
0x6e: {  	_ =	shalt  }
0x6f: {  	_ =	shalt  }
0x70: {  	_ =	shalt  }
0x71: {  	_ =	shalt  }
0x72: {  	_ =	shalt  }
0x73: {  	_ =	shalt  }
0x74: {  	_ =	shalt  }
0x75: {  	_ =	shalt  }
0x76: {  	_ =	shalt  }
0x77: {  	_ =	shalt  }
0x78: {  	_ =	shalt  }
0x79: {  	_ =	shalt  }
0x7a: {  	_ =	shalt  }
0x7b: {  	_ =	shalt  }
0x7c: {  	_ =	shalt  }
0x7d: {  	_ =	shalt  }
0x7e: {  	_ =	shalt  }
0x7f: {  	_ =	shalt  }
0x80: {  	_ =	shalt  }
0x81: {  	_ =	shalt  }
0x82: {  	_ =	shalt  }
0x83: {  	_ =	shalt  }
0x84: {  	_ =	shalt  }
0x85: {  	_ =	shalt  }
0x86: {  	_ =	shalt  }
0x87: {  	_ =	shalt  }
.Lfunc_end0:
.L_simem_size_0:
called_computation_lowered:
.L_overlay_start_0:
0x88: {  	s2 =	sld [smem:$0x3FD9]  }
0x89: {  	s3 =	sld [smem:$0x3FFE];
	_ =	sdelay $0x1  }
0x8a: {  	s1 =	srdreg.scid  }
0x8b: {  	s0 =	sand.u32 $0x1, s1  }
0x8c: {  	s17 =	sshll.u32 s0, $0xA;
	s2 =	sadd.s32 s3, s2  }
0x8d: {  	s2 =	sadd.s32 s2, s17  }
0x8e: {  	[smem:$0x3FC6] =	sst s2  }
0x8f: {  	_ = 	snop  }
0x90: {  	s2 =	sld [smem:$0x3FD0];
	(tm) =	ssettm $0x1  }
0x91: {  	s18 =	sld [smem:$0x3FFB];
	_ =	sdelay $0x3  }
0x92: {  	_ =	strace s18  }
0x93: {  	s3 =	sld [smem:$0x3FFC];
	_ =	sdelay $0x3  }
0x94: {  	_ =	strace s3  }
0x95: {  	s3 =	sld [smem:$0x3FFD];
	_ =	sdelay $0x3  }
0x96: {  	_ =	strace s3  }
0x97: {  	_ =	strace $0x8FFFFFFF  }
0x98: {  	s19 =	sld [smem:$0x3FDB];
	_ =	sdelay $0x1  }
0x99: {  	s4 =	simm.s32 $_scs_section_size  }
0x9a: {  	s5 =	simm.s32 $_size__tile_overlayer_lowered;
	s6 =	simm.s32 $_tile_overlayer_lowered  }
0x9b: {  	s22 =	simm.s32 $0x1BFF;
	s21 =	sshll.u32 s6, $0x1;
	s3 =	sadd.s32 s4, s19  }
0x9c: {  	s7 =	simm.s32 $0x0;
	s20 =	sshll.u32 s5, $0x1;
	s5 =	sadd.s32 s21, s3  }
0x9d: {  	[timem:s7], [sflag:s22] =	dma.local [hbm:s5], s20  }
0x9e: {  	_ =	swait.ge [sflag:s22], s20  }
0x9f: {  	s4 =	ssub.s32 $0x0, s20;
	[sflag:s22] =	ssyncset.done $0x0  }
0xa0: {  	[sflag:s22] =	ssyncadd.s32 s4;
	_ =	sdelay $0x1  }
0xa1: {  	s23 =	simm.s32 $0x1B8B  }
0xa2: {  	_ =	swait.ge [sflag:s23], $0x1  }
0xa3: {  	[sflag:s23] =	ssyncset.done $0x0  }
0xa4: {  	s25 =	simm.s32 $0x1B8E;
	s24 =	sld [smem:$0x3FFE];
	[sflag:s23] =	ssyncadd.s32 $0xFFFFFFFF  }
0xa5: {  	s26 =	simm.s32 $execute0_lowered;
	[smem:$0x3FD2] =	sst s25  }
0xa6: {  	s5 =	sshll.u32 s26, $0x1;
	_ =	strace $0x80000046;
	[dreg:$0x1] =	wrdreg $0xFFFFFFFF  }
0xa7: {  	s28 =	simm.s32 $_size_execute0_lowered;
	s3 =	sadd.s32 s3, s5;
	[dreg:$0x0] =	wrdreg $0x0  }
0xa8: {  	s5 =	sshll.u32 s28, $0x1;
	[dreg:$0x2] =	wrdreg s3  }
0xa9: {  	[dreg:$0x3] =	wrdreg s5  }
0xaa: {  	[dreg:$0x4] =	wrdreg $0xC0  }
0xab: {  	_ =	task [dreg:s7], $0x5FFFF  }
0xac: {  	[dreg:$0x1] =	wrdreg $0xFFFFFFFF  }
0xad: {  	[dreg:$0x0] =	wrdreg $0x60  }
0xae: {  	[dreg:$0x2] =	wrdreg s24  }
0xaf: {  	[dreg:$0x3] =	wrdreg s2  }
0xb0: {  	[dreg:$0x4] =	wrdreg $0x9  }
0xb1: {  	_ =	task.clear_ibuf [dreg:s7], $0x5FFFF;
	_ =	strace $0x90000046  }
0xb2: {  	s29 =	simm.s32 $0x9;
	_ =	strace $0x80000048  }
0xb3: {  	_ =	swait.ge [sflag:s29], $0x1  }
0xb4: {  	[sflag:s29] =	ssyncadd.s32 $0xFFFFFFFF  }
0xb5: {  	_ =	strace $0x90000048  }
0xb6: {  	_ =	sfence  }
0xb7: {  	s30 =	sld [smem:$0x0];
	_ =	sdelay $0x2  }
0xb8: {  	s31 =	sshll.u32 s1, $0xD;
	s1 =	sshrl.u32 s1, $0x2  }
0xb9: {  	s3 =	sand.u32 $0x4000, s31;
	s1 =	sadd.s32 s1, s30  }
0xba: {  	s0 =	sor.u32 s3, s0;
	s1 =	sshll.u32 s1, $0x11  }
0xbb: {  	s0 =	sor.u32 s1, s0  }
0xbc: {  	s0 =	sadd.s32 $0x8F2B, s0  }
0xbd: {  	[sflag:s0] =	ssyncadd.remote.s32 $0x1  }
0xbe: {  	_ =	sfence.sel $0xFFFF  }
0xbf: {  	[dreg:$0x0] =	wrdreg $0xFFFFFFFF;
	(pc) =	sbr.abs _section_cstart, $3  }
0xc0: {  	[dreg:$0x1] =	wrdreg $0xFFFFFFFF  }
0xc1: {  	_ =	task.clear_ibuf [dreg:s7], $0x2FFFF;
	_ =	strace $0x9FFFFFFF  }
0xc2: {  	(tm) =	ssettm $0x7FFFFFFF  }
0xc3: {  	_ =	shalt  }
tec
execute0_lowered:
.L_overlay_start_1:
0x0: {  	(tag) =	ssettag $0x1  }
0x1: {  	v1 =	vlaneseq.u32  }
0x2: {  	v0 =	vmul.u32 $0xC8, v1;
	_ =	sdelay $0x1  }
0x3: {  	v2 =	vadd.s32 $0xC80, v0  }
0x4: {  	[tilespmem:$0x1FD90] =	vst v2;
	v2 =	vadd.s32 $0x1900, v0  }
0x5: {  	[tilespmem:$0x1FDA0] =	vst v2;
	v2 =	vadd.s32 $0x2580, v0  }
0x6: {  	[tilespmem:$0x1FDB0] =	vst v2;
	v2 =	vadd.s32 $0x3200, v0  }
0x7: {  	[tilespmem:$0x1FDC0] =	vst v2;
	v2 =	vadd.s32 $0x3E80, v0  }
0x8: {  	[tilespmem:$0x1FDD0] =	vst v2;
	v2 =	vadd.s32 $0x4B00, v0  }
0x9: {  	[tilespmem:$0x1FDE0] =	vst v2;
	v2 =	vadd.s32 $0x5780, v0  }
0xa: {  	[tilespmem:$0x1FDF0] =	vst v2;
	v2 =	vor.u32 $0x1, v0  }
0xb: {  	[tilespmem:$0x1FE00] =	vst v2;
	v2 =	vadd.s32 $0xC81, v0  }
0xc: {  	[tilespmem:$0x1FE10] =	vst v2;
	v2 =	vadd.s32 $0x1901, v0  }
0xd: {  	[tilespmem:$0x1FE20] =	vst v2;
	v2 =	vadd.s32 $0x2581, v0  }
0xe: {  	[tilespmem:$0x1FE30] =	vst v2;
	v2 =	vadd.s32 $0x3201, v0  }
0xf: {  	[tilespmem:$0x1FE40] =	vst v2;
	v2 =	vadd.s32 $0x3E81, v0  }
0x10: {  	[tilespmem:$0x1FE50] =	vst v2;
	v2 =	vadd.s32 $0x4B01, v0  }
0x11: {  	[tilespmem:$0x1FE60] =	vst v2;
	v2 =	vadd.s32 $0x5781, v0  }
0x12: {  	s0 =	srdreg.scid;
	s2 =	stileid.u32;
	[tilespmem:$0x1FE70] =	vst v2;
	v2 =	vor.u32 $0x2, v0  }
0x13: {  	s0 =	sand.u32 $0x1, s0;
	s3 =	sshll.u32 s2, $0x1;
	[tilespmem:$0x1FE80] =	vst v2;
	v2 =	vadd.s32 $0xC82, v0  }
0x14: {  	s1 =	rddreg [dreg:$0x0];
	s5 =	sor.u32 s0, s3;
	s3 =	simm.s32 $0x0;
	[tilespmem:$0x1FE90] =	vst v2;
	v2 =	vadd.s32 $0x1902, v0  }
0x15: {  	[smem:$0x7FF] =	sst s3;
	[tilespmem:$0x1FEA0] =	vst v2;
	v2 =	vadd.s32 $0x2582, v0  }
0x16: {  	s10 =	rddreg [dreg:$0x1];
	_ =	strace $0x80000047;
	[tilespmem:$0x1FEB0] =	vst v2;
	v2 =	vadd.s32 $0x3202, v0  }
0x17: {  	[tilespmem:$0x1FEC0] =	vst v2;
	v2 =	vadd.s32 $0x3E82, v0  }
0x18: {  	[tilespmem:$0x1FED0] =	vst v2;
	v2 =	vadd.s32 $0x4B02, v0  }
0x19: {  	[tilespmem:$0x1FEE0] =	vst v2;
	v2 =	vadd.s32 $0x5782, v0  }
0x1a: {  	[tilespmem:$0x1FEF0] =	vst v2;
	v2 =	vor.u32 $0x3, v0  }
0x1b: {  	[tilespmem:$0x1FF00] =	vst v2;
	v2 =	vadd.s32 $0xC83, v0  }
0x1c: {  	[tilespmem:$0x1FF10] =	vst v2;
	v2 =	vadd.s32 $0x1903, v0  }
0x1d: {  	[tilespmem:$0x1FF20] =	vst v2;
	v2 =	vadd.s32 $0x2583, v0  }
0x1e: {  	[tilespmem:$0x1FF30] =	vst v2;
	v2 =	vadd.s32 $0x3203, v0  }
0x1f: {  	s14 =	simm.s32 $0x100;
	[tilespmem:$0x1FF40] =	vst v2;
	v2 =	vadd.s32 $0x3E83, v0  }
0x20: {  	s21 =	simm.s32 $0x1;
	s28 =	simm.s32 $0x18800;
	s4 =	smul.u32 $0xC80, s5;
	[tilespmem:$0x1FF50] =	vst v2;
	v2 =	vadd.s32 $0x4B03, v0  }
0x21: {  	s29 =	simm.s32 $0x2;
	s30 =	simm.s32 $0x1A800;
	s31 =	simm.s32 $0x1C800;
	[tilespmem:$0x1FF60] =	vst v2;
	v2 =	vadd.s32 $0x5783, v0  }
0x22: {  	s15 =	simm.s32 $0x4;
	s16 =	simm.s32 $0x6;
	s6 =	sadd.s32 s4, s1;
	[tilespmem:$0x1FF70] =	vst v2;
	v2 =	vor.u32 $0x4, v0  }
0x23: {  	vm0 =	vcmask $0x300;
	s23 =	sadd.s32 $0x10000, s10;
	s24 =	sadd.s32 $0x18000, s10;
	s22 =	sadd.s32 $0x400, s6;
	[tilespmem:$0x1FF80] =	vst v2;
	v2 =	vadd.s32 $0xC84, v0  }
0x24: {  	s25 =	sadd.s32 $0x20000, s10;
	v46 =	vmul.u32 $0x80, v1;
	v1 =	vimm.s32 $0x0;
	s0 =	ssub.s32 $0x2, s0;
	[dreg:$0x3] =	wrdreg s22;
	[tilespmem:$0x1FF90] =	vst v2;
	v2 =	vadd.s32 $0x1904, v0  }
0x25: {  	s26 =	sadd.s32 $0x28000, s10;
	v49 =	vsel vm0, $0x3, v1;
	s7 =	sshrl.u32 s0, $0x1;
	[dreg:$0x4] =	wrdreg s23;
	[tilespmem:$0x1FFA0] =	vst v2;
	v2 =	vadd.s32 $0x2584, v0  }
0x26: {  	v40 =	vor.u32 $0x5, v0;
	v41 =	vadd.s32 $0xC85, v0;
	s0 =	ssub.s32 s0, s7;
	s7 =	sadd.s32 $0x8000, s10;
	[dreg:$0x5] =	wrdreg s24;
	[tilespmem:$0x1FFB0] =	vst v2;
	v2 =	vadd.s32 $0x3204, v0  }
0x27: {  	v42 =	vadd.s32 $0x1905, v0;
	v43 =	vadd.s32 $0x2585, v0;
	s4 =	sadd.s32 $0x19400, s1;
	s0 =	smax.u32 s0, $0x1;
	[dreg:$0x6] =	wrdreg s25;
	[tilespmem:$0x1FFC0] =	vst v2;
	v2 =	vadd.s32 $0x3E84, v0  }
0x28: {  	v44 =	vadd.s32 $0x3205, v0;
	v45 =	vadd.s32 $0x3E85, v0;
	s1 =	simm.s32 $0x3;
	s6 =	sshll.u32 s5, $0xA;
	[dreg:$0x7] =	wrdreg s26;
	[tilespmem:$0x1FFD0] =	vst v2;
	v2 =	vadd.s32 $0x4B04, v0  }
0x29: {  	v47 =	vadd.s32 $0x4B05, v0;
	v48 =	vadd.s32 $0x5785, v0;
	s5 =	simm.s32 $0x0;
	[dreg:$0x8] =	wrdreg s0;
	s24 =	simm.s32 $0x16800;
	[tilespmem:$0x1FFE0] =	vst v2;
	v2 =	vadd.s32 $0x5784, v0  }
0x2a: {  	v50 =	vor.u32 $0x800, v46;
	v51 =	vor.u32 $0x1000, v46;
	v52 =	vor.u32 $0x1800, v46;
	s25 =	simm.s32 $0x400;
	s26 =	simm.s32 $0x8000;
	s0 =	simm.s32 $0x5;
	[tilespmem:$0x1FFF0] =	vst v2  }
.LBB2_1:
0x2b: {  	[dreg:$0x9] =	wrdreg s5  }
0x2c: {  	s2 =	rddreg [dreg:$0x3];
	s13 =	simm.s32 $0x7  }
0x2d: {  	[tilespmem:s3], [sflag:$0x7] =	stream.linear.gather [hbm4b:s2+s3], $0x6400, $0x38;
	[tilespmem:$0x1E800] =	vst v63  }
0x2e: {  	_ =	swait.ge [sflag:s13], $0x6400  }
0x2f: {  	[sflag:s13] =	ssyncset.done $0x0  }
0x30: {  	[sflag:s13] =	ssyncadd.s32 $0xFFFF9C00  }
0x31: {  	v1 =	vld.idx.msk [tilespmem:v0+s3+$0x0], $0xffff;
	_ =	sdelay $0x4  }
0x32: {  	[tilespmem:$0x6400] =	vst v1;
	v1 =	vld [tilespmem:$0x1FD90];
	_ =	sdelay $0x7  }
0x33: {  	v1 =	vld.idx.msk [tilespmem:v1+s3+$0x0], $0xffff;
	_ =	sdelay $0x4  }
0x34: {  	[tilespmem:$0x6410] =	vst v1;
	v1 =	vld [tilespmem:$0x1FDA0];
	_ =	sdelay $0x7  }
0x35: {  	v1 =	vld.idx.msk [tilespmem:v1+s3+$0x0], $0xffff;
	_ =	sdelay $0x4  }
0x36: {  	[tilespmem:$0x6420] =	vst v1;
	v1 =	vld [tilespmem:$0x1FDB0];
	_ =	sdelay $0x7  }
0x37: {  	v1 =	vld.idx.msk [tilespmem:v1+s3+$0x0], $0xffff;
	_ =	sdelay $0x4  }
0x38: {  	[tilespmem:$0x6430] =	vst v1;
	v1 =	vld [tilespmem:$0x1FDC0];
	_ =	sdelay $0x7  }
0x39: {  	v1 =	vld.idx.msk [tilespmem:v1+s3+$0x0], $0xffff;
	_ =	sdelay $0x4  }
0x3a: {  	[tilespmem:$0x6440] =	vst v1;
	v1 =	vld [tilespmem:$0x1FDD0];
	_ =	sdelay $0x7  }
0x3b: {  	v1 =	vld.idx.msk [tilespmem:v1+s3+$0x0], $0xffff;
	_ =	sdelay $0x4  }
0x3c: {  	[tilespmem:$0x6450] =	vst v1;
	v1 =	vld [tilespmem:$0x1FDE0];
	_ =	sdelay $0x7  }
0x3d: {  	v1 =	vld.idx.msk [tilespmem:v1+s3+$0x0], $0xffff;
	_ =	sdelay $0x4  }
0x3e: {  	[tilespmem:$0x6460] =	vst v1;
	v1 =	vld [tilespmem:$0x1FDF0];
	_ =	sdelay $0x7  }
0x3f: {  	v1 =	vld.idx.msk [tilespmem:v1+s3+$0x0], $0xffff;
	_ =	sdelay $0x4  }
0x40: {  	[tilespmem:$0x6470] =	vst v1;
	v1 =	vld [tilespmem:$0x1FE00];
	_ =	sdelay $0x7  }
0x41: {  	v1 =	vld.idx.msk [tilespmem:v1+s3+$0x0], $0xffff;
	_ =	sdelay $0x4  }
0x42: {  	[tilespmem:$0x6480] =	vst v1;
	v1 =	vld [tilespmem:$0x1FE10];
	_ =	sdelay $0x7  }
0x43: {  	v1 =	vld.idx.msk [tilespmem:v1+s3+$0x0], $0xffff;
	_ =	sdelay $0x4  }
0x44: {  	[tilespmem:$0x6490] =	vst v1;
	v1 =	vld [tilespmem:$0x1FE20];
	_ =	sdelay $0x7  }
0x45: {  	v1 =	vld.idx.msk [tilespmem:v1+s3+$0x0], $0xffff;
	_ =	sdelay $0x4  }
0x46: {  	[tilespmem:$0x64A0] =	vst v1;
	v1 =	vld [tilespmem:$0x1FE30];
	_ =	sdelay $0x7  }
0x47: {  	v1 =	vld.idx.msk [tilespmem:v1+s3+$0x0], $0xffff;
	_ =	sdelay $0x4  }
0x48: {  	[tilespmem:$0x64B0] =	vst v1;
	v1 =	vld [tilespmem:$0x1FE40];
	_ =	sdelay $0x7  }
0x49: {  	v1 =	vld.idx.msk [tilespmem:v1+s3+$0x0], $0xffff;
	_ =	sdelay $0x4  }
0x4a: {  	[tilespmem:$0x64C0] =	vst v1;
	v1 =	vld [tilespmem:$0x1FE50];
	_ =	sdelay $0x7  }
0x4b: {  	v1 =	vld.idx.msk [tilespmem:v1+s3+$0x0], $0xffff;
	_ =	sdelay $0x4  }
0x4c: {  	[tilespmem:$0x64D0] =	vst v1;
	v1 =	vld [tilespmem:$0x1FE60];
	_ =	sdelay $0x7  }
0x4d: {  	v1 =	vld.idx.msk [tilespmem:v1+s3+$0x0], $0xffff;
	_ =	sdelay $0x4  }
0x4e: {  	[tilespmem:$0x64E0] =	vst v1;
	v1 =	vld [tilespmem:$0x1FE70];
	_ =	sdelay $0x7  }
0x4f: {  	v1 =	vld.idx.msk [tilespmem:v1+s3+$0x0], $0xffff;
	_ =	sdelay $0x4  }
0x50: {  	[tilespmem:$0x64F0] =	vst v1;
	v1 =	vld [tilespmem:$0x1FE80];
	_ =	sdelay $0x5  }
0x51: {  	s17 =	simm.s32 $0x6400;
	s18 =	simm.s32 $0x6800  }
0x52: {  	[tilespmem:s18], [sflag:$0x1] =	stream.indirect.gather [hbm4b:s4+s14], $0x40, s17, s14, $0xb8;
	[tilespmem:$0x1E800] =	vst v63  }
0x53: {  	v1 =	vld.idx.msk [tilespmem:v1+s3+$0x0], $0xffff;
	_ =	sdelay $0x4  }
0x54: {  	[tilespmem:$0x6500] =	vst v1;
	v1 =	vld [tilespmem:$0x1FE90];
	_ =	sdelay $0x7  }
0x55: {  	v1 =	vld.idx.msk [tilespmem:v1+s3+$0x0], $0xffff;
	_ =	sdelay $0x4  }
0x56: {  	[tilespmem:$0x6510] =	vst v1;
	v1 =	vld [tilespmem:$0x1FEA0];
	_ =	sdelay $0x7  }
0x57: {  	v1 =	vld.idx.msk [tilespmem:v1+s3+$0x0], $0xffff;
	_ =	sdelay $0x4  }
0x58: {  	[tilespmem:$0x6520] =	vst v1;
	v1 =	vld [tilespmem:$0x1FEB0];
	_ =	sdelay $0x7  }
0x59: {  	v1 =	vld.idx.msk [tilespmem:v1+s3+$0x0], $0xffff;
	_ =	sdelay $0x4  }
0x5a: {  	[tilespmem:$0x6530] =	vst v1;
	v1 =	vld [tilespmem:$0x1FEC0];
	_ =	sdelay $0x7  }
0x5b: {  	v1 =	vld.idx.msk [tilespmem:v1+s3+$0x0], $0xffff;
	_ =	sdelay $0x4  }
0x5c: {  	[tilespmem:$0x6540] =	vst v1;
	v1 =	vld [tilespmem:$0x1FED0];
	_ =	sdelay $0x7  }
0x5d: {  	v1 =	vld.idx.msk [tilespmem:v1+s3+$0x0], $0xffff;
	_ =	sdelay $0x4  }
0x5e: {  	[tilespmem:$0x6550] =	vst v1;
	v1 =	vld [tilespmem:$0x1FEE0];
	_ =	sdelay $0x7  }
0x5f: {  	v1 =	vld.idx.msk [tilespmem:v1+s3+$0x0], $0xffff;
	_ =	sdelay $0x4  }
0x60: {  	[tilespmem:$0x6560] =	vst v1;
	v1 =	vld [tilespmem:$0x1FEF0];
	_ =	sdelay $0x7  }
0x61: {  	v1 =	vld.idx.msk [tilespmem:v1+s3+$0x0], $0xffff;
	_ =	sdelay $0x4  }
0x62: {  	[tilespmem:$0x6570] =	vst v1;
	v1 =	vld [tilespmem:$0x1FF00];
	_ =	sdelay $0x7  }
0x63: {  	v1 =	vld.idx.msk [tilespmem:v1+s3+$0x0], $0xffff;
	_ =	sdelay $0x4  }
0x64: {  	[tilespmem:$0x6580] =	vst v1;
	v1 =	vld [tilespmem:$0x1FF10];
	_ =	sdelay $0x7  }
0x65: {  	v1 =	vld.idx.msk [tilespmem:v1+s3+$0x0], $0xffff;
	_ =	sdelay $0x4  }
0x66: {  	[tilespmem:$0x6590] =	vst v1;
	v1 =	vld [tilespmem:$0x1FF20];
	_ =	sdelay $0x7  }
0x67: {  	v1 =	vld.idx.msk [tilespmem:v1+s3+$0x0], $0xffff;
	_ =	sdelay $0x4  }
0x68: {  	[tilespmem:$0x65A0] =	vst v1;
	v1 =	vld [tilespmem:$0x1FF30];
	_ =	sdelay $0x7  }
0x69: {  	v1 =	vld.idx.msk [tilespmem:v1+s3+$0x0], $0xffff;
	_ =	sdelay $0x4  }
0x6a: {  	[tilespmem:$0x65B0] =	vst v1;
	v1 =	vld [tilespmem:$0x1FF40];
	_ =	sdelay $0x7  }
0x6b: {  	v1 =	vld.idx.msk [tilespmem:v1+s3+$0x0], $0xffff;
	_ =	sdelay $0x4  }
0x6c: {  	[tilespmem:$0x65C0] =	vst v1;
	v1 =	vld [tilespmem:$0x1FF50];
	_ =	sdelay $0x7  }
0x6d: {  	v1 =	vld.idx.msk [tilespmem:v1+s3+$0x0], $0xffff;
	_ =	sdelay $0x4  }
0x6e: {  	[tilespmem:$0x65D0] =	vst v1;
	v1 =	vld [tilespmem:$0x1FF60];
	_ =	sdelay $0x7  }
0x6f: {  	v1 =	vld.idx.msk [tilespmem:v1+s3+$0x0], $0xffff;
	_ =	sdelay $0x4  }
0x70: {  	[tilespmem:$0x65E0] =	vst v1;
	v1 =	vld [tilespmem:$0x1FF70];
	_ =	sdelay $0x7  }
0x71: {  	v1 =	vld.idx.msk [tilespmem:v1+s3+$0x0], $0xffff;
	_ =	sdelay $0x4  }
0x72: {  	[tilespmem:$0x65F0] =	vst v1;
	v1 =	vld [tilespmem:$0x1FF80];
	_ =	sdelay $0x5  }
0x73: {  	s19 =	simm.s32 $0x6500;
	s20 =	simm.s32 $0xA800  }
0x74: {  	[tilespmem:s20], [sflag:$0x2] =	stream.indirect.gather [hbm4b:s4+s14], $0x40, s19, s14, $0xb8;
	[tilespmem:$0x1E800] =	vst v63  }
0x75: {  	v1 =	vld.idx.msk [tilespmem:v1+s3+$0x0], $0xffff;
	_ =	sdelay $0x4  }
0x76: {  	[tilespmem:$0x6600] =	vst v1;
	v1 =	vld [tilespmem:$0x1FF90];
	_ =	sdelay $0x7  }
0x77: {  	v1 =	vld.idx.msk [tilespmem:v1+s3+$0x0], $0xffff;
	_ =	sdelay $0x4  }
0x78: {  	[tilespmem:$0x6610] =	vst v1;
	v1 =	vld [tilespmem:$0x1FFA0];
	_ =	sdelay $0x7  }
0x79: {  	v1 =	vld.idx.msk [tilespmem:v1+s3+$0x0], $0xffff;
	_ =	sdelay $0x4  }
0x7a: {  	[tilespmem:$0x6620] =	vst v1;
	v1 =	vld [tilespmem:$0x1FFB0];
	_ =	sdelay $0x7  }
0x7b: {  	v1 =	vld.idx.msk [tilespmem:v1+s3+$0x0], $0xffff;
	_ =	sdelay $0x4  }
0x7c: {  	[tilespmem:$0x6630] =	vst v1;
	v1 =	vld [tilespmem:$0x1FFC0];
	_ =	sdelay $0x7  }
0x7d: {  	v1 =	vld.idx.msk [tilespmem:v1+s3+$0x0], $0xffff;
	_ =	sdelay $0x4  }
0x7e: {  	[tilespmem:$0x6640] =	vst v1;
	v1 =	vld [tilespmem:$0x1FFD0];
	_ =	sdelay $0x7  }
0x7f: {  	v1 =	vld.idx.msk [tilespmem:v1+s3+$0x0], $0xffff;
	_ =	sdelay $0x4  }
0x80: {  	[tilespmem:$0x6650] =	vst v1;
	v1 =	vld [tilespmem:$0x1FFE0];
	_ =	sdelay $0x7  }
0x81: {  	v1 =	vld.idx.msk [tilespmem:v1+s3+$0x0], $0xffff;
	_ =	sdelay $0x4  }
0x82: {  	[tilespmem:$0x6660] =	vst v1;
	v1 =	vld [tilespmem:$0x1FFF0];
	_ =	sdelay $0x7  }
0x83: {  	v1 =	vld.idx.msk [tilespmem:v1+s3+$0x0], $0xffff;
	_ =	sdelay $0x4  }
0x84: {  	[tilespmem:$0x6670] =	vst v1  }
0x85: {  	v1 =	vld.idx.msk [tilespmem:v40+s3+$0x0], $0xffff;
	_ =	sdelay $0x4  }
0x86: {  	[tilespmem:$0x6680] =	vst v1  }
0x87: {  	v1 =	vld.idx.msk [tilespmem:v41+s3+$0x0], $0xffff;
	_ =	sdelay $0x4  }
0x88: {  	[tilespmem:$0x6690] =	vst v1  }
0x89: {  	v1 =	vld.idx.msk [tilespmem:v42+s3+$0x0], $0xffff;
	_ =	sdelay $0x4  }
0x8a: {  	[tilespmem:$0x66A0] =	vst v1  }
0x8b: {  	v1 =	vld.idx.msk [tilespmem:v43+s3+$0x0], $0xffff;
	_ =	sdelay $0x4  }
0x8c: {  	[tilespmem:$0x66B0] =	vst v1  }
0x8d: {  	v1 =	vld.idx.msk [tilespmem:v44+s3+$0x0], $0xffff;
	_ =	sdelay $0x4  }
0x8e: {  	[tilespmem:$0x66C0] =	vst v1  }
0x8f: {  	v1 =	vld.idx.msk [tilespmem:v45+s3+$0x0], $0xffff;
	_ =	sdelay $0x4  }
0x90: {  	[tilespmem:$0x66D0] =	vst v1  }
0x91: {  	v1 =	vld.idx.msk [tilespmem:v47+s3+$0x0], $0xffff;
	_ =	sdelay $0x4  }
0x92: {  	[tilespmem:$0x66E0] =	vst v1  }
0x93: {  	v1 =	vld.idx.msk [tilespmem:v48+s3+$0x0], $0xffff;
	_ =	sdelay $0x4  }
0x94: {  	s22 =	simm.s32 $0x6600;
	s23 =	simm.s32 $0xE800;
	s12 =	simm.s32 $0x0;
	[tilespmem:$0x66F0] =	vst v1  }
0x95: {  	[tilespmem:s23], [sflag:$0x3] =	stream.indirect.gather [hbm4b:s4+s14], $0x40, s22, s14, $0xb8;
	[tilespmem:$0x1E800] =	vst v63  }
.LBB2_2:
0x96: {  	s13 =	sshllo.u32 s12, $0x2  }
0x97: {  	s5 =	sshll.u32 s13, $0x1  }
0x98: {  	v1 =	vadd.s32 s5, v0;
	_ =	sdelay $0x1  }
0x99: {  	_ =	swait.ge [sflag:s21], $0x4000  }
0x9a: {  	[sflag:s21] =	ssyncset.done $0x0  }
0x9b: {  	[sflag:s21] =	ssyncadd.s32 $0xFFFFC000  }
0x9c: {  	s17 =	sadd.s32 $0xC80, s5;
	v1 =	vld.idx.msk [tilespmem:v1+s3+$0x0], $0xffff  }
0x9d: {  	v2 =	vadd.s32 s17, v0;
	_ =	sdelay $0x3  }
0x9e: {  	[tilespmem:$0x6700] =	vst v1  }
0x9f: {  	s9 =	sor.u32 $0x1900, s5;
	v1 =	vld.idx.msk [tilespmem:v2+s3+$0x0], $0xffff  }
0xa0: {  	v2 =	vadd.s32 s9, v0;
	_ =	sdelay $0x3  }
0xa1: {  	[tilespmem:$0x6710] =	vst v1  }
0xa2: {  	s11 =	sadd.s32 $0x2580, s5;
	v1 =	vld.idx.msk [tilespmem:v2+s3+$0x0], $0xffff  }
0xa3: {  	v2 =	vadd.s32 s11, v0;
	_ =	sdelay $0x3  }
0xa4: {  	[tilespmem:$0x6720] =	vst v1  }
0xa5: {  	s18 =	sor.u32 $0x3200, s5;
	v1 =	vld.idx.msk [tilespmem:v2+s3+$0x0], $0xffff  }
0xa6: {  	v2 =	vadd.s32 s18, v0;
	_ =	sdelay $0x3  }
0xa7: {  	[tilespmem:$0x6730] =	vst v1  }
0xa8: {  	s19 =	sadd.s32 $0x3E80, s5;
	v1 =	vld.idx.msk [tilespmem:v2+s3+$0x0], $0xffff  }
0xa9: {  	v2 =	vadd.s32 s19, v0;
	_ =	sdelay $0x3  }
0xaa: {  	[tilespmem:$0x6740] =	vst v1  }
0xab: {  	s20 =	sor.u32 $0x4B00, s5;
	v1 =	vld.idx.msk [tilespmem:v2+s3+$0x0], $0xffff  }
0xac: {  	v2 =	vadd.s32 s20, v0;
	_ =	sdelay $0x3  }
0xad: {  	[tilespmem:$0x6750] =	vst v1  }
0xae: {  	s22 =	sadd.s32 $0x5780, s5;
	v1 =	vld.idx.msk [tilespmem:v2+s3+$0x0], $0xffff  }
0xaf: {  	v2 =	vadd.s32 s22, v0;
	_ =	sdelay $0x3  }
0xb0: {  	[tilespmem:$0x6760] =	vst v1  }
0xb1: {  	s23 =	sshllo.u32 s13, $0x1;
	v1 =	vld.idx.msk [tilespmem:v2+s3+$0x0], $0xffff  }
0xb2: {  	v2 =	vadd.s32 s23, v0;
	_ =	sdelay $0x3  }
0xb3: {  	[tilespmem:$0x6770] =	vst v1  }
0xb4: {  	s2 =	sadd.s32 $0xC81, s5;
	v1 =	vld.idx.msk [tilespmem:v2+s3+$0x0], $0xffff  }
0xb5: {  	v2 =	vadd.s32 s2, v0;
	_ =	sdelay $0x3  }
0xb6: {  	[tilespmem:$0x6780] =	vst v1  }
0xb7: {  	s8 =	sor.u32 $0x1901, s5;
	v1 =	vld.idx.msk [tilespmem:v2+s3+$0x0], $0xffff  }
0xb8: {  	v2 =	vadd.s32 s8, v0;
	_ =	sdelay $0x3  }
0xb9: {  	[tilespmem:$0x6790] =	vst v1  }
0xba: {  	s9 =	sadd.s32 $0x2581, s5;
	v1 =	vld.idx.msk [tilespmem:v2+s3+$0x0], $0xffff  }
0xbb: {  	v2 =	vadd.s32 s9, v0;
	_ =	sdelay $0x3  }
0xbc: {  	[tilespmem:$0x67A0] =	vst v1  }
0xbd: {  	s11 =	sor.u32 $0x3201, s5;
	v1 =	vld.idx.msk [tilespmem:v2+s3+$0x0], $0xffff  }
0xbe: {  	v2 =	vadd.s32 s11, v0;
	_ =	sdelay $0x3  }
0xbf: {  	[tilespmem:$0x67B0] =	vst v1  }
0xc0: {  	s18 =	sadd.s32 $0x3E81, s5;
	v1 =	vld.idx.msk [tilespmem:v2+s3+$0x0], $0xffff  }
0xc1: {  	v2 =	vadd.s32 s18, v0;
	_ =	sdelay $0x3  }
0xc2: {  	[tilespmem:$0x67C0] =	vst v1  }
0xc3: {  	s19 =	sor.u32 $0x4B01, s5;
	v1 =	vld.idx.msk [tilespmem:v2+s3+$0x0], $0xffff  }
0xc4: {  	v2 =	vadd.s32 s19, v0;
	_ =	sdelay $0x3  }
0xc5: {  	[tilespmem:$0x67D0] =	vst v1  }
0xc6: {  	s5 =	sadd.s32 $0x5781, s5;
	v1 =	vld.idx.msk [tilespmem:v2+s3+$0x0], $0xffff  }
0xc7: {  	v2 =	vadd.s32 s5, v0;
	_ =	sdelay $0x3  }
0xc8: {  	[tilespmem:$0x67E0] =	vst v1  }
0xc9: {  	v1 =	vld.idx.msk [tilespmem:v2+s3+$0x0], $0xffff  }
0xca: {  	s23 =	simm.s32 $0x3  }
0xcb: {  	p0 =	seq.s32 s12, $0x0;
	s17 =	sand.u32 $0x7B, s23;
	s8 =	simm.s32 $0x4  }
0xcc: {  	s20 =	simm.s32 $0x12800;
	s22 =	simm.s32 $0x1;
	v2 =	vmov s17;
	s17 =	sand.u32 $0x7C, s8  }
0xcd: {  	s2 =	simm.s32 $0x6700;
	s11 =	simm.s32 $0x0;
	s18 =	simm.s32 @!p0 $0x5;
	v2 =	vshrl.u32 v2, $0x3;
	v4 =	vmov s17  }
0xce: {  	s19 =	simm.s32 $0x5;
	s5 =	sand.u32 $0x79, s22;
	s17 =	sand.u32 $0xFFFFE000, s11;
	v2 =	vshll.u32 v2, v49;
	v4 =	vshrl.u32 v4, $0x3;
	[tilespmem:$0x67F0] =	vst v1  }
0xcf: {  	v7 =	vor.u32 s17, v46;
	v10 =	vor.u32 s17, v51;
	v2 =	vor.u32 $0x3, v2;
	[tilespmem:s20], [sflag:$0x4] =	stream.indirect.gather [hbm4b:s4+s14], $0x40, s2, s14, $0xb8;
	[tilespmem:$0x1E800] =	vst v63  }
0xd0: {  	s19 =	sand.u32 $0x7D, s19;
	v5 =	vbroadcast v2, $0x0;
	v2 =	vshll.u32 v4, v49;
	v1 =	vmov s5;
	s2 =	simm.s32 $0x2;
	_ =	swait.ge @!p0 [sflag:s18], $0x2000  }
0xd1: {  	s9 =	simm.s32 $0x0;
	v4 =	vmov s19;
	v2 =	vor.u32 $0x4, v2;
	v1 =	vshrl.u32 v1, $0x3;
	s5 =	sand.u32 $0x7A, s2;
	[sflag:s18] =	ssyncset.done @!p0 $0x0  }
0xd2: {  	s19 =	simm.s32 $0x6;
	v4 =	vshrl.u32 v4, $0x3;
	v1 =	vshll.u32 v1, v49;
	v3 =	vmov s5;
	s5 =	sand.u32 $0x78, s9;
	[sflag:s18] =	ssyncadd.s32 @!p0 $0xFFFFE000  }
0xd3: {  	v9 =	vbroadcast v2, $0x0;
	v1 =	vor.u32 $0x1, v1;
	v6 =	vmov s5;
	s5 =	sand.u32 $0x7E, s19;
	_ =	swait.ge @!p0 [sflag:s18], $0x2000  }
0xd4: {  	v1 =	vbroadcast v1, $0x0;
	v3 =	vshrl.u32 v3, $0x3;
	v12 =	vmov s5;
	[sflag:s18] =	ssyncset.done @!p0 $0x0  }
0xd5: {  	v17 =	vor.u32 v7, v5;
	v3 =	vshll.u32 v3, v49;
	v12 =	vshrl.u32 v12, $0x3;
	[sflag:s18] =	ssyncadd.s32 @!p0 $0xFFFFE000;
	s18 =	simm.s32 $0x6900  }
0xd6: {  	v11 =	vor.u32 v7, v1;
	v3 =	vor.u32 $0x2, v3;
	v12 =	vshll.u32 v12, v49;
	v2 =	vld [tilespmem:s18+$0xFFFFFF40]  }
0xd7: {  	s20 =	simm.s32 $0x7;
	v13 =	vor.u32 v7, v9;
	v16 =	vbroadcast v3, $0x0;
	v14 =	vld [tilespmem:s18+$0x0];
	v3 =	vor.u32 $0x6, v12  }
0xd8: {  	v27 =	vor.u32 v10, v5;
	s20 =	sand.u32 $0x78, s20;
	v15 =	vld [tilespmem:s18+$0x40];
	v18 =	vbroadcast v3, $0x0;
	v3 =	vshll.u32 v4, v49  }
0xd9: {  	v8 =	vmov s20;
	v19 =	vld [tilespmem:s18+$0xFFFFFF80];
	v4 =	vor.u32 v7, v16;
	v3 =	vor.u32 $0x5, v3  }
0xda: {  	v29 =	vor.u32 v10, v9;
	v6 =	vshrl.u32 v6, $0x3;
	v12 =	vld [tilespmem:s18+$0x80];
	v62 =	vbroadcast v3, $0x0  }
0xdb: {  	v8 =	vor.u32 $0x7, v8;
	v6 =	vshll.u32 v6, v49;
	v24 =	vld [tilespmem:s18+$0xFFFFFFC0];
	[tilespmem:v11+s24+$0x0] =	vst.idx.msk $0xffff, v2;
	v11 =	vor.u32 v7, v18  }
0xdc: {  	v25 =	vor.u32 v10, v1;
	v28 =	vld [tilespmem:s18+$0xFFFFFF00];
	[tilespmem:v13+s24+$0x0] =	vst.idx.msk $0xffff, v14;
	v13 =	vor.u32 s17, v50;
	v26 =	vor.u32 v7, v62  }
0xdd: {  	s5 =	simm.s32 $0x6B00;
	v22 =	vor.u32 v10, v16;
	v2 =	vbroadcast v8, $0x0;
	v8 =	vld [tilespmem:s18+$0xFFFFFF50];
	v20 =	vor.u32 v13, v1  }
0xde: {  	v3 =	vld [tilespmem:s5+$0x40];
	v56 =	vor.u32 v10, v18;
	v14 =	vbroadcast v6, $0x0;
	v6 =	vor.u32 v13, v5;
	[tilespmem:v4+s24+$0x0] =	vst.idx.msk $0xffff, v19  }
0xdf: {  	v21 =	vld [tilespmem:s18+$0x10];
	v19 =	vor.u32 v13, v18;
	v31 =	vor.u32 v13, v16;
	v54 =	vor.u32 v13, v9  }
0xe0: {  	v23 =	vor.u32 v7, v2;
	v30 =	vor.u32 v13, v2;
	v53 =	vld [tilespmem:s18+$0xFFFFFF90];
	[tilespmem:v11+s24+$0x0] =	vst.idx.msk $0xffff, v12  }
0xe1: {  	v4 =	vld [tilespmem:s18+$0xC0];
	v7 =	vor.u32 v14, v7;
	v63 =	vor.u32 v14, v10;
	[tilespmem:v26+s24+$0x0] =	vst.idx.msk $0xffff, v15  }
0xe2: {  	v59 =	vor.u32 v10, v2;
	v12 =	vor.u32 v14, v13;
	[tilespmem:v20+s24+$0x0] =	vst.idx.msk $0xffff, v8;
	v8 =	vld [tilespmem:s18+$0x90]  }
0xe3: {  	[tilespmem:v17+s24+$0x0] =	vst.idx.msk $0xffff, v24;
	v11 =	vor.u32 v13, v62;
	v13 =	vor.u32 v10, v62;
	v15 =	vor.u32 s17, v52;
	v10 =	vld [tilespmem:s18+$0x50]  }
0xe4: {  	s22 =	simm.s32 $0x9;
	v17 =	vor.u32 v15, v18;
	v18 =	vld [tilespmem:s18+$0xFFFFFFD0];
	[tilespmem:v54+s24+$0x0] =	vst.idx.msk $0xffff, v21  }
0xe5: {  	s19 =	sand.u32 $0x79, s22;
	v26 =	vld [tilespmem:s18+$0xFFFFFF60];
	[tilespmem:v31+s24+$0x0] =	vst.idx.msk $0xffff, v53  }
0xe6: {  	s23 =	simm.s32 $0xB;
	v20 =	vor.u32 v15, v1;
	v1 =	vmov s19;
	v31 =	vld [tilespmem:s5+$0xFFFFFF40];
	[tilespmem:v23+s24+$0x0] =	vst.idx.msk $0xffff, v4  }
0xe7: {  	s2 =	simm.s32 $0xA;
	s17 =	sand.u32 $0x7B, s23;
	v16 =	vor.u32 v15, v16;
	v55 =	vor.u32 v15, v5;
	v1 =	vshrl.u32 v1, $0x3;
	v5 =	vld [tilespmem:s18+$0x20];
	[tilespmem:v7+s24+$0x0] =	vst.idx.msk $0xffff, v28  }
0xe8: {  	v24 =	vmov s17;
	s19 =	sand.u32 $0x7A, s2;
	v36 =	vor.u32 v15, v2;
	v1 =	vshll.u32 v1, v49;
	v23 =	vld [tilespmem:s18+$0xFFFFFFA0];
	[tilespmem:v19+s24+$0x0] =	vst.idx.msk $0xffff, v8  }
0xe9: {  	s9 =	simm.s32 $0x200;
	v21 =	vshrl.u32 v24, $0x3;
	v4 =	vmov s19;
	v1 =	vor.u32 $0x1, v1;
	[tilespmem:v11+s24+$0x0] =	vst.idx.msk $0xffff, v10;
	v10 =	vld [tilespmem:s18+$0xD0]  }
0xea: {  	s8 =	simm.s32 $0xC;
	s17 =	simm.s32 $0x8;
	s19 =	sand.u32 $0xFFFFE000, s9;
	v21 =	vshll.u32 v21, v49;
	v4 =	vshrl.u32 v4, $0x3;
	v54 =	vbroadcast v1, $0x0;
	[tilespmem:v6+s24+$0x0] =	vst.idx.msk $0xffff, v18;
	v1 =	vld [tilespmem:s18+$0xA0]  }
0xeb: {  	s20 =	sand.u32 $0x7C, s8;
	s22 =	simm.s32 $0xD;
	s23 =	sand.u32 $0x78, s17;
	v32 =	vor.u32 s19, v51;
	v4 =	vshll.u32 v4, v49;
	v8 =	vor.u32 $0x3, v21;
	[tilespmem:v25+s24+$0x0] =	vst.idx.msk $0xffff, v26;
	v18 =	vld [tilespmem:s18+$0x60]  }
0xec: {  	s11 =	simm.s32 $0xF;
	s22 =	sand.u32 $0x7D, s22;
	v19 =	vor.u32 v15, v9;
	v9 =	vmov s20;
	v11 =	vmov s23;
	v25 =	vld [tilespmem:s18+$0xFFFFFF10];
	[tilespmem:v29+s24+$0x0] =	vst.idx.msk $0xffff, v5  }
0xed: {  	s2 =	sand.u32 $0x78, s11;
	v53 =	vbroadcast v8, $0x0;
	v8 =	vmov s22;
	s22 =	simm.s32 $0xE;
	v9 =	vshrl.u32 v9, $0x3;
	v7 =	vld [tilespmem:s18+$0xFFFFFFE0];
	[tilespmem:v22+s24+$0x0] =	vst.idx.msk $0xffff, v23  }
0xee: {  	v21 =	vor.u32 s19, v46;
	v6 =	vmov s2;
	s20 =	sand.u32 $0x7E, s22;
	v9 =	vshll.u32 v9, v49;
	v34 =	vld [tilespmem:s18+$0xFFFFFF70];
	[tilespmem:v30+s24+$0x0] =	vst.idx.msk $0xffff, v10  }
0xef: {  	v8 =	vshrl.u32 v8, $0x3;
	v9 =	vor.u32 $0x4, v9;
	v24 =	vmov s20;
	v22 =	vld [tilespmem:s18+$0xFFFFFFB0];
	[tilespmem:v56+s24+$0x0] =	vst.idx.msk $0xffff, v1  }
0xf0: {  	v29 =	vld [tilespmem:s5+$0xFFFFFF80];
	v58 =	vbroadcast v9, $0x0;
	v9 =	vshrl.u32 v24, $0x3;
	v24 =	vor.u32 v21, v54;
	[tilespmem:v13+s24+$0x0] =	vst.idx.msk $0xffff, v18  }
0xf1: {  	v60 =	vor.u32 v32, v53;
	v9 =	vshll.u32 v9, v49;
	v10 =	vor.u32 $0x7, v6;
	v13 =	vld [tilespmem:s18+$0xE0];
	[tilespmem:v12+s24+$0x0] =	vst.idx.msk $0xffff, v25  }
0xf2: {  	v6 =	vor.u32 v21, v53;
	v1 =	vor.u32 $0x2, v4;
	v4 =	vshrl.u32 v11, $0x3;
	[tilespmem:v27+s24+$0x0] =	vst.idx.msk $0xffff, v7;
	v23 =	vld [tilespmem:s18+$0xB0]  }
0xf3: {  	v28 =	vor.u32 v21, v58;
	v5 =	vbroadcast v1, $0x0;
	v1 =	vshll.u32 v8, v49;
	v8 =	vld [tilespmem:s18+$0x30];
	[tilespmem:v20+s24+$0x0] =	vst.idx.msk $0xffff, v34  }
0xf4: {  	v9 =	vor.u32 $0x6, v9;
	v56 =	vbroadcast v10, $0x0;
	v7 =	vor.u32 v32, v54;
	v12 =	vld [tilespmem:s18+$0xFFFFFF20];
	[tilespmem:v16+s24+$0x0] =	vst.idx.msk $0xffff, v22  }
0xf5: {  	v30 =	vld [tilespmem:s5+$0x80];
	v61 =	vor.u32 v32, v58;
	v11 =	vbroadcast v9, $0x0;
	v1 =	vor.u32 $0x5, v1;
	[tilespmem:v24+s24+$0x0] =	vst.idx.msk $0xffff, v31  }
0xf6: {  	v4 =	vshll.u32 v4, v49;
	v18 =	vld [tilespmem:s18+$0x70];
	v25 =	vor.u32 v21, v5;
	v57 =	vbroadcast v1, $0x0;
	[tilespmem:v59+s24+$0x0] =	vst.idx.msk $0xffff, v13  }
0xf7: {  	v10 =	vor.u32 v21, v56;
	v22 =	vld [tilespmem:s5+$0xFFFFFF00];
	v27 =	vor.u32 v21, v11;
	[tilespmem:v17+s24+$0x0] =	vst.idx.msk $0xffff, v23  }
0xf8: {  	v1 =	vor.u32 v32, v5;
	v33 =	vor.u32 v21, v57;
	v13 =	vld [tilespmem:s5+$0x0];
	v17 =	vor.u32 s19, v50;
	[tilespmem:v19+s24+$0x0] =	vst.idx.msk $0xffff, v8  }
0xf9: {  	v31 =	vld [tilespmem:s5+$0xFFFFFFC0];
	v59 =	vbroadcast v4, $0x0;
	[tilespmem:v63+s24+$0x0] =	vst.idx.msk $0xffff, v12;
	v8 =	vor.u32 v32, v57;
	v24 =	vor.u32 v17, v54  }
0xfa: {  	v35 =	vld [tilespmem:s18+$0xF0];
	v9 =	vor.u32 v17, v53;
	v16 =	vor.u32 v17, v11;
	v4 =	vor.u32 v17, v56  }
0xfb: {  	v26 =	vld [tilespmem:s5+$0xFFFFFF50];
	v12 =	vor.u32 v59, v21;
	v19 =	vor.u32 v17, v58;
	[tilespmem:v25+s24+$0x0] =	vst.idx.msk $0xffff, v29  }
0xfc: {  	v21 =	vld [tilespmem:s18+$0xFFFFFFF0];
	v2 =	vor.u32 v59, v17;
	v23 =	vor.u32 v17, v5;
	[tilespmem:v27+s24+$0x0] =	vst.idx.msk $0xffff, v30  }
0xfd: {  	v17 =	vor.u32 v17, v57;
	v63 =	vor.u32 v59, v32;
	v27 =	vld [tilespmem:s5+$0xC0];
	[tilespmem:v28+s24+$0x0] =	vst.idx.msk $0xffff, v13  }
0xfe: {  	v30 =	vor.u32 v14, v15;
	v29 =	vor.u32 v15, v62;
	v28 =	vld [tilespmem:s18+$0xFFFFFF30];
	[tilespmem:v33+s24+$0x0] =	vst.idx.msk $0xffff, v3  }
0xff: {  	v62 =	vor.u32 s19, v52;
	v13 =	vor.u32 v32, v11;
	v3 =	vor.u32 v32, v56;
	s18 =	simm.s32 $0x6D00;
	v25 =	vld [tilespmem:s5+$0x10];
	[tilespmem:v36+s24+$0x0] =	vst.idx.msk $0xffff, v35  }
.LBB2_3:
0x100: {  	s2 =	sadd.s32 $0x9, s17  }
0x101: {  	s19 =	sadd.s32 $0xA, s17;
	s20 =	sadd.s32 $0xB, s17;
	v32 =	vld [tilespmem:s5+$0xFFFFFF90];
	v20 =	vor.u32 v62, v11;
	[tilespmem:v55+s24+$0x0] =	vst.idx.msk $0xffff, v21;
	s22 =	smov.u32 s17  }
0x102: {  	s17 =	sadd.s32 $0x8, s17;
	v14 =	vor.u32 v62, v54;
	s2 =	sand.u32 $0x79, s2;
	s20 =	sand.u32 $0x7B, s20;
	v15 =	vld [tilespmem:s18+$0x40];
	[tilespmem:v24+s24+$0x0] =	vst.idx.msk $0xffff, v26  }
0x103: {  	v21 =	vor.u32 v62, v5;
	s23 =	sshll.u32 s17, $0x6;
	v11 =	vmov s2;
	s2 =	sand.u32 $0x7A, s19;
	v24 =	vmov s20;
	s19 =	sadd.s32 $0xC, s22;
	[tilespmem:v6+s24+$0x0] =	vst.idx.msk $0xffff, v31;
	v5 =	vld [tilespmem:s5+$0x90]  }
0x104: {  	v55 =	vor.u32 v62, v53;
	s8 =	sadd.s32 $0xD, s22;
	v6 =	vshrl.u32 v11, $0x3;
	v11 =	vshrl.u32 v24, $0x3;
	s20 =	sand.u32 $0x7C, s19;
	s19 =	sadd.s32 $0xE, s22;
	v24 =	vld [tilespmem:s5+$0xFFFFFF60];
	[tilespmem:v30+s24+$0x0] =	vst.idx.msk $0xffff, v28  }
0x105: {  	s9 =	sand.u32 $0x78, s17;
	v26 =	vmov s2;
	s22 =	sadd.s32 $0xF, s22;
	v6 =	vshll.u32 v6, v49;
	v11 =	vshll.u32 v11, v49;
	s2 =	sand.u32 $0x7E, s19;
	v28 =	vld [tilespmem:s5+$0x50];
	[tilespmem:v29+s24+$0x0] =	vst.idx.msk $0xffff, v18  }
0x106: {  	s8 =	sand.u32 $0x7D, s8;
	s19 =	sand.u32 $0xFFFFE000, s23;
	s22 =	sand.u32 $0x78, s22;
	v29 =	vor.u32 v62, v58;
	v6 =	vor.u32 $0x1, v6;
	v11 =	vor.u32 $0x3, v11;
	[tilespmem:v23+s24+$0x0] =	vst.idx.msk $0xffff, v32;
	v18 =	vld [tilespmem:s5+$0xFFFFFFD0]  }
0x107: {  	p0 =	slt.u32 s17, $0xF8;
	v23 =	vld [tilespmem:s18+$0xFFFFFF40];
	v54 =	vbroadcast v6, $0x0;
	v53 =	vbroadcast v11, $0x0;
	v11 =	vmov s8;
	[tilespmem:v19+s24+$0x0] =	vst.idx.msk $0xffff, v25  }
0x108: {  	v6 =	vmov s9;
	v19 =	vmov s20;
	v25 =	vld [tilespmem:s5+$0x20];
	[tilespmem:v10+s24+$0x0] =	vst.idx.msk $0xffff, v27  }
0x109: {  	v27 =	vor.u32 s19, v46;
	v10 =	vshrl.u32 v19, $0x3;
	v19 =	vmov s22;
	v30 =	vld [tilespmem:s5+$0xFFFFFFA0];
	[tilespmem:v16+s24+$0x0] =	vst.idx.msk $0xffff, v5  }
0x10a: {  	v31 =	vor.u32 s19, v51;
	v5 =	vshrl.u32 v26, $0x3;
	v10 =	vshll.u32 v10, v49;
	[tilespmem:v7+s24+$0x0] =	vst.idx.msk $0xffff, v24;
	v7 =	vld [tilespmem:s5+$0xA0]  }
0x10b: {  	v16 =	vmov s2;
	v5 =	vshll.u32 v5, v49;
	v10 =	vor.u32 $0x4, v10;
	[tilespmem:v17+s24+$0x0] =	vst.idx.msk $0xffff, v28;
	v17 =	vld [tilespmem:s5+$0xD0]  }
0x10c: {  	v5 =	vor.u32 $0x2, v5;
	v58 =	vbroadcast v10, $0x0;
	v10 =	vshrl.u32 v16, $0x3;
	[tilespmem:v9+s24+$0x0] =	vst.idx.msk $0xffff, v18;
	v9 =	vld [tilespmem:s5+$0x60]  }
0x10d: {  	v16 =	vshrl.u32 v6, $0x3;
	v10 =	vshll.u32 v10, v49;
	v18 =	vor.u32 $0x7, v19;
	[tilespmem:v12+s24+$0x0] =	vst.idx.msk $0xffff, v22;
	v12 =	vld [tilespmem:s5+$0xFFFFFFE0]  }
0x10e: {  	v6 =	vor.u32 v27, v53;
	v22 =	vor.u32 v27, v58;
	v10 =	vor.u32 $0x6, v10;
	v19 =	vld [tilespmem:s5+$0xFFFFFF10];
	[tilespmem:v1+s24+$0x0] =	vst.idx.msk $0xffff, v30  }
0x10f: {  	v26 =	vor.u32 v27, v54;
	v1 =	vshrl.u32 v11, $0x3;
	v11 =	vbroadcast v10, $0x0;
	v28 =	vld [tilespmem:s5+$0xFFFFFFB0];
	[tilespmem:v13+s24+$0x0] =	vst.idx.msk $0xffff, v7  }
0x110: {  	v5 =	vbroadcast v5, $0x0;
	v30 =	vbroadcast v18, $0x0;
	v1 =	vshll.u32 v1, v49;
	v13 =	vld [tilespmem:s5+$0xB0];
	[tilespmem:v4+s24+$0x0] =	vst.idx.msk $0xffff, v17  }
0x111: {  	v4 =	vshll.u32 v16, v49;
	v1 =	vor.u32 $0x5, v1;
	v32 =	vor.u32 v27, v11;
	[tilespmem:v8+s24+$0x0] =	vst.idx.msk $0xffff, v9;
	v8 =	vld [tilespmem:s5+$0xE0]  }
0x112: {  	v34 =	vor.u32 v27, v5;
	v33 =	vbroadcast v4, $0x0;
	v35 =	vbroadcast v1, $0x0;
	v36 =	vld [tilespmem:s18+$0x80];
	[tilespmem:v61+s24+$0x0] =	vst.idx.msk $0xffff, v25  }
0x113: {  	v10 =	vor.u32 v27, v30;
	v1 =	vor.u32 v31, v5;
	[tilespmem:v2+s24+$0x0] =	vst.idx.msk $0xffff, v19;
	v17 =	vld [tilespmem:s5+$0x30]  }
0x114: {  	v7 =	vor.u32 v31, v54;
	v37 =	vor.u32 v27, v35;
	v25 =	vld [tilespmem:s5+$0xFFFFFF20];
	[tilespmem:v60+s24+$0x0] =	vst.idx.msk $0xffff, v12  }
0x115: {  	v38 =	vor.u32 s19, v50;
	v61 =	vor.u32 v31, v58;
	v60 =	vor.u32 v31, v53;
	v39 =	vld [tilespmem:s18+$0xFFFFFF80];
	[tilespmem:v20+s24+$0x0] =	vst.idx.msk $0xffff, v13  }
0x116: {  	v24 =	vor.u32 v38, v54;
	v9 =	vor.u32 v38, v53;
	v18 =	vld [tilespmem:s5+$0x70];
	[tilespmem:v3+s24+$0x0] =	vst.idx.msk $0xffff, v8  }
0x117: {  	v16 =	vor.u32 v38, v11;
	v4 =	vor.u32 v38, v30;
	[tilespmem:v26+s24+$0x0] =	vst.idx.msk $0xffff, v23;
	v3 =	vld [tilespmem:s18+$0x0]  }
0x118: {  	v19 =	vor.u32 v38, v58;
	v12 =	vor.u32 v33, v27;
	v26 =	vld [tilespmem:s18+$0xFFFFFF50];
	[tilespmem:v21+s24+$0x0] =	vst.idx.msk $0xffff, v28  }
0x119: {  	v2 =	vor.u32 v33, v38;
	v23 =	vor.u32 v38, v5;
	v20 =	vld [tilespmem:s5+$0xFFFFFF70];
	[tilespmem:v29+s24+$0x0] =	vst.idx.msk $0xffff, v17  }
0x11a: {  	v8 =	vor.u32 v31, v35;
	v17 =	vor.u32 v38, v35;
	[tilespmem:v63+s24+$0x0] =	vst.idx.msk $0xffff, v25;
	v38 =	vld [tilespmem:s5+$0xF0]  }
0x11b: {  	v13 =	vor.u32 v31, v11;
	[tilespmem:v34+s24+$0x0] =	vst.idx.msk $0xffff, v39;
	v21 =	vld [tilespmem:s5+$0xFFFFFFF0];
	v34 =	vor.u32 v62, v56;
	v56 =	vmov v30  }
.Ltmp0:
0x11c: {  	v63 =	vor.u32 v33, v31;
	[tilespmem:v22+s24+$0x0] =	vst.idx.msk $0xffff, v3;
	v3 =	vor.u32 v31, v56;
	v28 =	vld [tilespmem:s5+$0xFFFFFF30];
	s5 =	smov.u32 s18;
	(pc) =	sbr.rel @p0 .LBB2_3-.Ltmp0, $4  }
0x11d: {  	v25 =	vld [tilespmem:s18+$0x10];
	[tilespmem:v32+s24+$0x0] =	vst.idx.msk $0xffff, v36  }
0x11e: {  	v31 =	vld [tilespmem:s18+$0xFFFFFFC0];
	[tilespmem:v37+s24+$0x0] =	vst.idx.msk $0xffff, v15  }
0x11f: {  	v29 =	vor.u32 v62, v57;
	v30 =	vor.u32 v59, v62;
	v59 =	vmov v33;
	v22 =	vld [tilespmem:s18+$0xFFFFFF00];
	[tilespmem:v14+s24+$0x0] =	vst.idx.msk $0xffff, v20  }
0x120: {  	v57 =	vmov v35;
	v62 =	vor.u32 s19, v52;
	s18 =	sadd.s32 $0x200, s18;
	v27 =	vld [tilespmem:s5+$0xC0];
	[tilespmem:v34+s24+$0x0] =	vst.idx.msk $0xffff, v38  }
0x121: {  	_ =	sdelay $0x3  }
0x122: {  	[tilespmem:v55+s24+$0x0] =	vst.idx.msk $0xffff, v21  }
0x123: {  	[tilespmem:v24+s24+$0x0] =	vst.idx.msk $0xffff, v26  }
0x124: {  	v14 =	vld [tilespmem:s5+$0xFFFFFF90];
	[tilespmem:v30+s24+$0x0] =	vst.idx.msk $0xffff, v28  }
0x125: {  	[tilespmem:v29+s24+$0x0] =	vst.idx.msk $0xffff, v18  }
0x126: {  	[tilespmem:v6+s24+$0x0] =	vst.idx.msk $0xffff, v31;
	v6 =	vld [tilespmem:s5+$0x90]  }
0x127: {  	v15 =	vld [tilespmem:s5+$0xFFFFFF60];
	[tilespmem:v19+s24+$0x0] =	vst.idx.msk $0xffff, v25  }
0x128: {  	v18 =	vld [tilespmem:s5+$0xFFFFFFD0];
	[tilespmem:v12+s24+$0x0] =	vst.idx.msk $0xffff, v22  }
0x129: {  	[tilespmem:v23+s24+$0x0] =	vst.idx.msk $0xffff, v14;
	v14 =	vld [tilespmem:s5+$0x50]  }
0x12a: {  	[tilespmem:v10+s24+$0x0] =	vst.idx.msk $0xffff, v27;
	v10 =	vld [tilespmem:s5+$0xFFFFFFA0]  }
0x12b: {  	[tilespmem:v16+s24+$0x0] =	vst.idx.msk $0xffff, v6;
	v6 =	vld [tilespmem:s5+$0xD0]  }
0x12c: {  	[tilespmem:v7+s24+$0x0] =	vst.idx.msk $0xffff, v15;
	v7 =	vld [tilespmem:s5+$0xA0]  }
0x12d: {  	v12 =	vld [tilespmem:s5+$0xFFFFFF10];
	[tilespmem:v9+s24+$0x0] =	vst.idx.msk $0xffff, v18  }
0x12e: {  	[tilespmem:v17+s24+$0x0] =	vst.idx.msk $0xffff, v14;
	v14 =	vld [tilespmem:s5+$0x20]  }
0x12f: {  	v9 =	vld [tilespmem:s5+$0x60];
	[tilespmem:v1+s24+$0x0] =	vst.idx.msk $0xffff, v10  }
0x130: {  	v1 =	vld [tilespmem:s5+$0xFFFFFFE0];
	[tilespmem:v4+s24+$0x0] =	vst.idx.msk $0xffff, v6  }
0x131: {  	[tilespmem:v13+s24+$0x0] =	vst.idx.msk $0xffff, v7;
	v4 =	vld [tilespmem:s5+$0xE0]  }
0x132: {  	[tilespmem:v2+s24+$0x0] =	vst.idx.msk $0xffff, v12;
	v6 =	vor.u32 v62, v11;
	v7 =	vld [tilespmem:s5+$0xB0]  }
0x133: {  	v2 =	vld [tilespmem:s5+$0xFFFFFF20];
	[tilespmem:v61+s24+$0x0] =	vst.idx.msk $0xffff, v14  }
0x134: {  	v5 =	vor.u32 v62, v5;
	[tilespmem:v8+s24+$0x0] =	vst.idx.msk $0xffff, v9;
	v8 =	vld [tilespmem:s5+$0xFFFFFFB0]  }
0x135: {  	v9 =	vor.u32 v62, v58;
	v10 =	vld [tilespmem:s5+$0x30];
	[tilespmem:v60+s24+$0x0] =	vst.idx.msk $0xffff, v1  }
0x136: {  	v1 =	vor.u32 v62, v54;
	[tilespmem:v3+s24+$0x0] =	vst.idx.msk $0xffff, v4;
	v3 =	vld [tilespmem:s5+$0xFFFFFF70]  }
0x137: {  	[tilespmem:v6+s24+$0x0] =	vst.idx.msk $0xffff, v7;
	v4 =	vld [tilespmem:s5+$0xF0];
	v6 =	vor.u32 v62, v56  }
0x138: {  	[tilespmem:v63+s24+$0x0] =	vst.idx.msk $0xffff, v2;
	v2 =	vld [tilespmem:s5+$0xFFFFFFF0];
	v7 =	vor.u32 v62, v53  }
0x139: {  	[tilespmem:v5+s24+$0x0] =	vst.idx.msk $0xffff, v8;
	v5 =	vld [tilespmem:s5+$0xFFFFFF30];
	v8 =	vor.u32 v59, v62  }
0x13a: {  	v11 =	vld [tilespmem:s5+$0x70];
	[tilespmem:v9+s24+$0x0] =	vst.idx.msk $0xffff, v10;
	v9 =	vor.u32 v62, v57  }
0x13b: {  	[tilespmem:v1+s24+$0x0] =	vst.idx.msk $0xffff, v3  }
0x13c: {  	s2 =	sshll.u32 s12, $0x15;
	[tilespmem:v6+s24+$0x0] =	vst.idx.msk $0xffff, v4  }
0x13d: {  	s2 =	sor.u32 s6, s2;
	[tilespmem:v7+s24+$0x0] =	vst.idx.msk $0xffff, v2  }
0x13e: {  	p0 =	seq.s32 s12, $0x18;
	s5 =	sshrl.u32 s2, $0x3;
	[tilespmem:v8+s24+$0x0] =	vst.idx.msk $0xffff, v5  }
0x13f: {  	s17 =	sshll.u32 @!p0 s12, $0x3;
	s2 =	sadd.s32 s10, s5;
	v1 =	vlaneseq.u32 @!p0;
	[tilespmem:v9+s24+$0x0] =	vst.idx.msk $0xffff, v11  }
0x140: {  	v1 =	vmul.u32 @!p0 $0xC8, v1;
	[hbm4b:s2+s25] =	stream.strided.scatter [tilespmem:s24], [sflag:$0x5], $0x2000, s26, s25, $0x38;
	[tilespmem:$0x1E800] =	vst v63  }
0x141: {  	s2 =	sadd.s32 @!p0 $0x8, s17  }
0x142: {  	s8 =	sadd.s32 s5, s7;
	v2 =	vadd.s32 @!p0 s2, v1  }
0x143: {  	[hbm4b:s8+s25] =	stream.strided.scatter [tilespmem:s28], [sflag:$0x5], $0x2000, s26, s25, $0x38;
	[tilespmem:$0x1E800] =	vst v63  }
0x144: {  	_ =	swait.ge [sflag:s29], $0x4000  }
0x145: {  	[sflag:s29] =	ssyncset.done $0x0  }
0x146: {  	s2 =	simm.s32 @!p0 $0x0;
	[sflag:s29] =	ssyncadd.s32 $0xFFFFC000  }
0x147: {  	s8 =	sadd.s32 @!p0 $0xC88, s17;
	v2 =	vld.idx.msk @!p0 [tilespmem:v2+s2+$0x0], $0xffff  }
0x148: {  	v3 =	vadd.s32 @!p0 s8, v1;
	_ =	sdelay $0x3  }
0x149: {  	[tilespmem:$0x6400] =	vst @!p0 v2  }
0x14a: {  	s8 =	sadd.s32 @!p0 $0x1908, s17;
	v2 =	vld.idx.msk @!p0 [tilespmem:v3+s2+$0x0], $0xffff  }
0x14b: {  	v3 =	vadd.s32 @!p0 s8, v1;
	_ =	sdelay $0x3  }
0x14c: {  	[tilespmem:$0x6410] =	vst @!p0 v2  }
0x14d: {  	s8 =	sadd.s32 @!p0 $0x2588, s17;
	v2 =	vld.idx.msk @!p0 [tilespmem:v3+s2+$0x0], $0xffff  }
0x14e: {  	v3 =	vadd.s32 @!p0 s8, v1;
	_ =	sdelay $0x3  }
0x14f: {  	[tilespmem:$0x6420] =	vst @!p0 v2  }
0x150: {  	s8 =	sadd.s32 @!p0 $0x3208, s17;
	v2 =	vld.idx.msk @!p0 [tilespmem:v3+s2+$0x0], $0xffff  }
0x151: {  	v3 =	vadd.s32 @!p0 s8, v1;
	_ =	sdelay $0x3  }
0x152: {  	[tilespmem:$0x6430] =	vst @!p0 v2  }
0x153: {  	s8 =	sadd.s32 @!p0 $0x3E88, s17;
	v2 =	vld.idx.msk @!p0 [tilespmem:v3+s2+$0x0], $0xffff  }
0x154: {  	v3 =	vadd.s32 @!p0 s8, v1;
	_ =	sdelay $0x3  }
0x155: {  	[tilespmem:$0x6440] =	vst @!p0 v2  }
0x156: {  	s8 =	sadd.s32 @!p0 $0x4B08, s17;
	v2 =	vld.idx.msk @!p0 [tilespmem:v3+s2+$0x0], $0xffff  }
0x157: {  	v3 =	vadd.s32 @!p0 s8, v1;
	_ =	sdelay $0x3  }
0x158: {  	[tilespmem:$0x6450] =	vst @!p0 v2  }
0x159: {  	s8 =	sadd.s32 @!p0 $0x5788, s17;
	v2 =	vld.idx.msk @!p0 [tilespmem:v3+s2+$0x0], $0xffff  }
0x15a: {  	v3 =	vadd.s32 @!p0 s8, v1;
	_ =	sdelay $0x3  }
0x15b: {  	[tilespmem:$0x6460] =	vst @!p0 v2  }
0x15c: {  	s8 =	sadd.s32 @!p0 $0x9, s17;
	v2 =	vld.idx.msk @!p0 [tilespmem:v3+s2+$0x0], $0xffff  }
0x15d: {  	v3 =	vadd.s32 @!p0 s8, v1;
	_ =	sdelay $0x3  }
0x15e: {  	[tilespmem:$0x6470] =	vst @!p0 v2  }
0x15f: {  	s8 =	sadd.s32 @!p0 $0xC89, s17;
	v2 =	vld.idx.msk @!p0 [tilespmem:v3+s2+$0x0], $0xffff  }
0x160: {  	v3 =	vadd.s32 @!p0 s8, v1;
	_ =	sdelay $0x3  }
0x161: {  	[tilespmem:$0x6480] =	vst @!p0 v2  }
0x162: {  	s8 =	sadd.s32 @!p0 $0x1909, s17;
	v2 =	vld.idx.msk @!p0 [tilespmem:v3+s2+$0x0], $0xffff  }
0x163: {  	v3 =	vadd.s32 @!p0 s8, v1;
	_ =	sdelay $0x3  }
0x164: {  	[tilespmem:$0x6490] =	vst @!p0 v2  }
0x165: {  	s8 =	sadd.s32 @!p0 $0x2589, s17;
	v2 =	vld.idx.msk @!p0 [tilespmem:v3+s2+$0x0], $0xffff  }
0x166: {  	v3 =	vadd.s32 @!p0 s8, v1;
	_ =	sdelay $0x3  }
0x167: {  	[tilespmem:$0x64A0] =	vst @!p0 v2  }
0x168: {  	s8 =	sadd.s32 @!p0 $0x3209, s17;
	v2 =	vld.idx.msk @!p0 [tilespmem:v3+s2+$0x0], $0xffff  }
0x169: {  	v3 =	vadd.s32 @!p0 s8, v1;
	_ =	sdelay $0x3  }
0x16a: {  	[tilespmem:$0x64B0] =	vst @!p0 v2  }
0x16b: {  	s8 =	sadd.s32 @!p0 $0x3E89, s17;
	v2 =	vld.idx.msk @!p0 [tilespmem:v3+s2+$0x0], $0xffff  }
0x16c: {  	v3 =	vadd.s32 @!p0 s8, v1;
	_ =	sdelay $0x3  }
0x16d: {  	[tilespmem:$0x64C0] =	vst @!p0 v2  }
0x16e: {  	s8 =	sadd.s32 @!p0 $0x4B09, s17;
	v2 =	vld.idx.msk @!p0 [tilespmem:v3+s2+$0x0], $0xffff  }
0x16f: {  	v3 =	vadd.s32 @!p0 s8, v1;
	_ =	sdelay $0x3  }
0x170: {  	[tilespmem:$0x64D0] =	vst @!p0 v2  }
0x171: {  	s8 =	sadd.s32 @!p0 $0x5789, s17;
	v2 =	vld.idx.msk @!p0 [tilespmem:v3+s2+$0x0], $0xffff  }
0x172: {  	v1 =	vadd.s32 @!p0 s8, v1;
	_ =	sdelay $0x3  }
0x173: {  	[tilespmem:$0x64E0] =	vst @!p0 v2  }
0x174: {  	v1 =	vld.idx.msk @!p0 [tilespmem:v1+s2+$0x0], $0xffff;
	_ =	sdelay $0x2  }
0x175: {  	s11 =	smov.u32 s10  }
0x176: {  	s18 =	simm.s32 $0x4;
	s23 =	simm.s32 $0x7;
	s9 =	simm.s32 @!p0 $0x6800  }
0x177: {  	s10 =	simm.s32 $0x3;
	s8 =	simm.s32 @!p0 $0x6400;
	s2 =	simm.s32 @!p0 $0x100;
	[tilespmem:$0x64F0] =	vst @!p0 v1  }
0x178: {  	[tilespmem:s9], [sflag:$0x1] =	stream.indirect.gather @!p0 [hbm4b:s4+s2], $0x40, s8, s2, $0xb8;
	[tilespmem:$0x1E800] =	vst v63  }
0x179: {  	s9 =	simm.s32 $0x1;
	s8 =	sand.u32 $0x7B, s10;
	s10 =	sand.u32 $0x78, s23  }
0x17a: {  	s20 =	simm.s32 $0x0;
	s2 =	sand.u32 $0x79, s9;
	v2 =	vmov s8;
	s8 =	sand.u32 $0x7C, s18;
	v8 =	vmov s10  }
0x17b: {  	s17 =	simm.s32 $0x2;
	s18 =	sand.u32 $0xFFFFE000, s20;
	v1 =	vmov s2;
	v2 =	vshrl.u32 v2, $0x3;
	v4 =	vmov s8  }
0x17c: {  	p1 =	seq.s32 @!p0 s12, $0x0;
	s2 =	sand.u32 $0x7A, s17;
	v7 =	vor.u32 s18, v46;
	v10 =	vor.u32 s18, v51;
	v8 =	vor.u32 $0x7, v8  }
0x17d: {  	s19 =	simm.s32 $0x0;
	p1 =	por p0, !p1;
	v1 =	vshrl.u32 v1, $0x3;
	v3 =	vmov s2;
	v2 =	vshll.u32 v2, v49  }
0x17e: {  	s22 =	simm.s32 $0x5;
	_ =	swait.ge @p1 [sflag:s16], $0x2000;
	v4 =	vshrl.u32 v4, $0x3;
	s2 =	sand.u32 $0x78, s19;
	v1 =	vshll.u32 v1, v49;
	v2 =	vor.u32 $0x3, v2  }
0x17f: {  	s9 =	sand.u32 $0x7D, s22;
	[sflag:s16] =	ssyncset.done @p1 $0x0;
	s17 =	simm.s32 $0x6;
	v6 =	vmov s2;
	v3 =	vshrl.u32 v3, $0x3;
	v1 =	vor.u32 $0x1, v1  }
0x180: {  	[sflag:s16] =	ssyncadd.s32 @p1 $0xFFFFE000;
	s2 =	sand.u32 $0x7E, s17;
	v5 =	vbroadcast v2, $0x0;
	v2 =	vshll.u32 v4, v49;
	v4 =	vmov s9  }
0x181: {  	_ =	swait.ge @p1 [sflag:s16], $0x2000;
	v3 =	vshll.u32 v3, v49;
	v12 =	vmov s2;
	v6 =	vshrl.u32 v6, $0x3  }
0x182: {  	[sflag:s16] =	ssyncset.done @p1 $0x0;
	v1 =	vbroadcast v1, $0x0;
	v2 =	vor.u32 $0x4, v2;
	v3 =	vor.u32 $0x2, v3  }
0x183: {  	s19 =	simm.s32 $0xA9F0;
	[sflag:s16] =	ssyncadd.s32 @p1 $0xFFFFE000;
	v12 =	vshrl.u32 v12, $0x3;
	v4 =	vshrl.u32 v4, $0x3;
	v9 =	vbroadcast v2, $0x0  }
0x184: {  	v2 =	vld [tilespmem:s19+$0xFFFFFE50];
	v12 =	vshll.u32 v12, v49;
	v16 =	vbroadcast v3, $0x0;
	v11 =	vor.u32 v7, v1  }
0x185: {  	v6 =	vshll.u32 v6, v49;
	v14 =	vld [tilespmem:s19+$0xFFFFFF10];
	v3 =	vor.u32 $0x6, v12;
	v13 =	vor.u32 v7, v9  }
0x186: {  	v19 =	vld [tilespmem:s19+$0xFFFFFE90];
	v18 =	vbroadcast v3, $0x0;
	v3 =	vshll.u32 v4, v49;
	v4 =	vor.u32 v7, v16  }
0x187: {  	v15 =	vld [tilespmem:s19+$0xFFFFFF50];
	v17 =	vor.u32 v7, v5;
	v27 =	vor.u32 v10, v5;
	v3 =	vor.u32 $0x5, v3  }
0x188: {  	v24 =	vld [tilespmem:s19+$0xFFFFFED0];
	v25 =	vor.u32 v10, v1;
	v22 =	vor.u32 v10, v16;
	v62 =	vbroadcast v3, $0x0  }
0x189: {  	v12 =	vld [tilespmem:s19+$0xFFFFFF90];
	v29 =	vor.u32 v10, v9;
	[tilespmem:v11+s30+$0x0] =	vst.idx.msk $0xffff, v2;
	v2 =	vbroadcast v8, $0x0;
	v11 =	vor.u32 v7, v18  }
0x18a: {  	s17 =	simm.s32 $0xABF0;
	v28 =	vld [tilespmem:s19+$0xFFFFFE10];
	v34 =	vor.u32 v10, v18;
	v26 =	vor.u32 v7, v62;
	[tilespmem:v13+s30+$0x0] =	vst.idx.msk $0xffff, v14  }
0x18b: {  	v3 =	vld [tilespmem:s17+$0xFFFFFF50];
	v13 =	vor.u32 s18, v50;
	v14 =	vbroadcast v6, $0x0;
	[tilespmem:v4+s30+$0x0] =	vst.idx.msk $0xffff, v19;
	v23 =	vor.u32 v7, v2  }
0x18c: {  	v8 =	vld [tilespmem:s19+$0xFFFFFE60];
	v20 =	vor.u32 v13, v1;
	v6 =	vor.u32 v13, v5;
	v19 =	vor.u32 v13, v18  }
0x18d: {  	v30 =	vor.u32 v13, v2;
	v31 =	vor.u32 v13, v16;
	v32 =	vld [tilespmem:s19+$0xFFFFFEA0];
	v33 =	vor.u32 v13, v9  }
0x18e: {  	v21 =	vld [tilespmem:s19+$0xFFFFFF20];
	v36 =	vor.u32 v10, v2;
	v7 =	vor.u32 v14, v7;
	[tilespmem:v11+s30+$0x0] =	vst.idx.msk $0xffff, v12  }
0x18f: {  	v4 =	vld [tilespmem:s19+$0xFFFFFFD0];
	v35 =	vor.u32 v14, v10;
	v12 =	vor.u32 v14, v13;
	[tilespmem:v26+s30+$0x0] =	vst.idx.msk $0xffff, v15  }
0x190: {  	[tilespmem:v17+s30+$0x0] =	vst.idx.msk $0xffff, v24;
	v11 =	vor.u32 v13, v62;
	v13 =	vor.u32 v10, v62;
	v15 =	vor.u32 s18, v52;
	v10 =	vld [tilespmem:s19+$0xFFFFFF60]  }
0x191: {  	v17 =	vor.u32 v15, v18;
	v18 =	vld [tilespmem:s19+$0xFFFFFEE0];
	[tilespmem:v20+s30+$0x0] =	vst.idx.msk $0xffff, v8  }
0x192: {  	s22 =	simm.s32 $0xB;
	v8 =	vld [tilespmem:s19+$0xFFFFFFA0];
	[tilespmem:v31+s30+$0x0] =	vst.idx.msk $0xffff, v32  }
0x193: {  	s23 =	simm.s32 $0xA;
	s20 =	simm.s32 $0x9;
	s8 =	sand.u32 $0x7B, s22;
	v31 =	vld [tilespmem:s17+$0xFFFFFE50];
	[tilespmem:v33+s30+$0x0] =	vst.idx.msk $0xffff, v21  }
0x194: {  	s2 =	sand.u32 $0x79, s20;
	s9 =	simm.s32 $0xC;
	s20 =	simm.s32 $0x200;
	v24 =	vmov s8;
	v16 =	vor.u32 v15, v16;
	[tilespmem:v23+s30+$0x0] =	vst.idx.msk $0xffff, v4;
	v26 =	vld [tilespmem:s19+$0xFFFFFE70]  }
0x195: {  	s10 =	simm.s32 $0xD;
	s20 =	sand.u32 $0xFFFFE000, s20;
	s8 =	sand.u32 $0x7C, s9;
	v55 =	vor.u32 v15, v5;
	v20 =	vor.u32 v15, v1;
	v1 =	vmov s2;
	v23 =	vld [tilespmem:s19+$0xFFFFFEB0];
	[tilespmem:v7+s30+$0x0] =	vst.idx.msk $0xffff, v28  }
0x196: {  	s9 =	sand.u32 $0x7D, s10;
	s10 =	simm.s32 $0xE;
	s2 =	sand.u32 $0x7A, s23;
	v21 =	vshrl.u32 v24, $0x3;
	v32 =	vor.u32 s20, v51;
	v1 =	vshrl.u32 v1, $0x3;
	v5 =	vld [tilespmem:s19+$0xFFFFFF30];
	[tilespmem:v11+s30+$0x0] =	vst.idx.msk $0xffff, v10  }
0x197: {  	v4 =	vmov s2;
	v21 =	vshll.u32 v21, v49;
	s2 =	sand.u32 $0x7E, s10;
	v1 =	vshll.u32 v1, v49;
	v10 =	vld [tilespmem:s19+$0xFFFFFFE0];
	[tilespmem:v6+s30+$0x0] =	vst.idx.msk $0xffff, v18  }
0x198: {  	s18 =	simm.s32 $0x8;
	v4 =	vshrl.u32 v4, $0x3;
	v24 =	vmov s2;
	v1 =	vor.u32 $0x1, v1;
	[tilespmem:v19+s30+$0x0] =	vst.idx.msk $0xffff, v8;
	v18 =	vld [tilespmem:s19+$0xFFFFFF70]  }
0x199: {  	s22 =	sand.u32 $0x78, s18;
	v4 =	vshll.u32 v4, v49;
	v19 =	vor.u32 v15, v9;
	v9 =	vmov s8;
	v7 =	vld [tilespmem:s19+$0xFFFFFEF0];
	[tilespmem:v25+s30+$0x0] =	vst.idx.msk $0xffff, v26  }
0x19a: {  	v54 =	vbroadcast v1, $0x0;
	v11 =	vmov s22;
	v1 =	vld [tilespmem:s19+$0xFFFFFFB0];
	v9 =	vshrl.u32 v9, $0x3;
	[tilespmem:v22+s30+$0x0] =	vst.idx.msk $0xffff, v23  }
0x19b: {  	v8 =	vor.u32 $0x3, v21;
	v21 =	vor.u32 s20, v46;
	v25 =	vld [tilespmem:s19+$0xFFFFFE20];
	[tilespmem:v29+s30+$0x0] =	vst.idx.msk $0xffff, v5;
	v9 =	vshll.u32 v9, v49  }
0x19c: {  	s23 =	simm.s32 $0xF;
	v53 =	vbroadcast v8, $0x0;
	v8 =	vmov s9;
	v22 =	vld [tilespmem:s19+$0xFFFFFEC0];
	v9 =	vor.u32 $0x4, v9;
	[tilespmem:v30+s30+$0x0] =	vst.idx.msk $0xffff, v10  }
0x19d: {  	s23 =	sand.u32 $0x78, s23;
	v29 =	vld [tilespmem:s17+$0xFFFFFE90];
	v58 =	vbroadcast v9, $0x0;
	v9 =	vshrl.u32 v24, $0x3;
	v24 =	vor.u32 v21, v54;
	[tilespmem:v13+s30+$0x0] =	vst.idx.msk $0xffff, v18  }
0x19e: {  	v6 =	vmov s23;
	v8 =	vshrl.u32 v8, $0x3;
	v60 =	vor.u32 v32, v53;
	v13 =	vld [tilespmem:s19+$0xFFFFFFF0];
	[tilespmem:v27+s30+$0x0] =	vst.idx.msk $0xffff, v7  }
0x19f: {  	v10 =	vor.u32 $0x7, v6;
	v6 =	vor.u32 v21, v53;
	v9 =	vshll.u32 v9, v49;
	[tilespmem:v34+s30+$0x0] =	vst.idx.msk $0xffff, v1;
	v34 =	vld [tilespmem:s19+$0xFFFFFE80]  }
0x1a0: {  	v56 =	vbroadcast v10, $0x0;
	v7 =	vor.u32 v32, v54;
	v1 =	vor.u32 $0x2, v4;
	[tilespmem:v12+s30+$0x0] =	vst.idx.msk $0xffff, v25;
	v23 =	vld [tilespmem:s19+$0xFFFFFFC0]  }
0x1a1: {  	v4 =	vshrl.u32 v11, $0x3;
	v5 =	vbroadcast v1, $0x0;
	v1 =	vshll.u32 v8, v49;
	v8 =	vld [tilespmem:s19+$0xFFFFFF40];
	[tilespmem:v16+s30+$0x0] =	vst.idx.msk $0xffff, v22  }
0x1a2: {  	v28 =	vor.u32 v21, v58;
	v9 =	vor.u32 $0x6, v9;
	v61 =	vor.u32 v32, v58;
	v12 =	vld [tilespmem:s19+$0xFFFFFE30];
	[tilespmem:v24+s30+$0x0] =	vst.idx.msk $0xffff, v31  }
0x1a3: {  	v30 =	vld [tilespmem:s17+$0xFFFFFF90];
	v11 =	vbroadcast v9, $0x0;
	v4 =	vshll.u32 v4, v49;
	v10 =	vor.u32 v21, v56;
	[tilespmem:v36+s30+$0x0] =	vst.idx.msk $0xffff, v13  }
0x1a4: {  	v18 =	vld [tilespmem:s19+$0xFFFFFF80];
	v1 =	vor.u32 $0x5, v1;
	v59 =	vbroadcast v4, $0x0;
	v25 =	vor.u32 v21, v5;
	[tilespmem:v20+s30+$0x0] =	vst.idx.msk $0xffff, v34  }
0x1a5: {  	v22 =	vld [tilespmem:s17+$0xFFFFFE10];
	v27 =	vor.u32 v21, v11;
	v57 =	vbroadcast v1, $0x0;
	v1 =	vor.u32 v32, v5;
	[tilespmem:v17+s30+$0x0] =	vst.idx.msk $0xffff, v23  }
0x1a6: {  	v13 =	vld [tilespmem:s17+$0xFFFFFF10];
	v36 =	vor.u32 v15, v2;
	v63 =	vor.u32 v59, v32;
	[tilespmem:v19+s30+$0x0] =	vst.idx.msk $0xffff, v8  }
0x1a7: {  	v31 =	vld [tilespmem:s17+$0xFFFFFED0];
	v33 =	vor.u32 v21, v57;
	v17 =	vor.u32 s20, v50;
	[tilespmem:v35+s30+$0x0] =	vst.idx.msk $0xffff, v12;
	v12 =	vor.u32 v59, v21  }
0x1a8: {  	v35 =	vld [tilespmem:s19+$0x0];
	v8 =	vor.u32 v32, v57;
	v24 =	vor.u32 v17, v54;
	v9 =	vor.u32 v17, v53  }
0x1a9: {  	v26 =	vld [tilespmem:s17+$0xFFFFFE60];
	v16 =	vor.u32 v17, v11;
	v4 =	vor.u32 v17, v56;
	[tilespmem:v25+s30+$0x0] =	vst.idx.msk $0xffff, v29  }
0x1aa: {  	v21 =	vld [tilespmem:s19+$0xFFFFFF00];
	v19 =	vor.u32 v17, v58;
	v2 =	vor.u32 v59, v17;
	[tilespmem:v27+s30+$0x0] =	vst.idx.msk $0xffff, v30  }
0x1ab: {  	v23 =	vor.u32 v17, v5;
	v17 =	vor.u32 v17, v57;
	v27 =	vld [tilespmem:s17+$0xFFFFFFD0];
	[tilespmem:v28+s30+$0x0] =	vst.idx.msk $0xffff, v13  }
0x1ac: {  	v30 =	vor.u32 v14, v15;
	v29 =	vor.u32 v15, v62;
	v28 =	vld [tilespmem:s19+$0xFFFFFE40];
	[tilespmem:v33+s30+$0x0] =	vst.idx.msk $0xffff, v3  }
0x1ad: {  	v62 =	vor.u32 s20, v52;
	v13 =	vor.u32 v32, v11;
	s19 =	simm.s32 $0xADF0;
	v25 =	vld [tilespmem:s17+$0xFFFFFF20];
	v3 =	vor.u32 v32, v56;
	[tilespmem:v36+s30+$0x0] =	vst.idx.msk $0xffff, v35  }
.LBB2_5:
0x1ae: {  	s2 =	sadd.s32 $0x9, s18  }
0x1af: {  	s8 =	sadd.s32 $0xA, s18;
	s9 =	sadd.s32 $0xB, s18;
	v32 =	vld [tilespmem:s17+$0xFFFFFEA0];
	v20 =	vor.u32 v62, v11;
	[tilespmem:v55+s30+$0x0] =	vst.idx.msk $0xffff, v21;
	s20 =	smov.u32 s18  }
0x1b0: {  	s18 =	sadd.s32 $0x8, s18;
	v14 =	vor.u32 v62, v54;
	s2 =	sand.u32 $0x79, s2;
	s9 =	sand.u32 $0x7B, s9;
	v15 =	vld [tilespmem:s19+$0xFFFFFF50];
	[tilespmem:v24+s30+$0x0] =	vst.idx.msk $0xffff, v26  }
0x1b1: {  	v21 =	vor.u32 v62, v5;
	s22 =	sshll.u32 s18, $0x6;
	v11 =	vmov s2;
	s2 =	sand.u32 $0x7A, s8;
	v24 =	vmov s9;
	s8 =	sadd.s32 $0xC, s20;
	[tilespmem:v6+s30+$0x0] =	vst.idx.msk $0xffff, v31;
	v5 =	vld [tilespmem:s17+$0xFFFFFFA0]  }
0x1b2: {  	v55 =	vor.u32 v62, v53;
	s23 =	sadd.s32 $0xE, s20;
	s9 =	sadd.s32 $0xD, s20;
	v6 =	vshrl.u32 v11, $0x3;
	v11 =	vshrl.u32 v24, $0x3;
	s8 =	sand.u32 $0x7C, s8;
	v24 =	vld [tilespmem:s17+$0xFFFFFE70];
	[tilespmem:v30+s30+$0x0] =	vst.idx.msk $0xffff, v28  }
0x1b3: {  	s10 =	sand.u32 $0x78, s18;
	v26 =	vmov s2;
	s2 =	sand.u32 $0x7E, s23;
	s23 =	sadd.s32 $0xF, s20;
	v6 =	vshll.u32 v6, v49;
	v11 =	vshll.u32 v11, v49;
	v28 =	vld [tilespmem:s17+$0xFFFFFF60];
	[tilespmem:v29+s30+$0x0] =	vst.idx.msk $0xffff, v18  }
0x1b4: {  	s20 =	sand.u32 $0xFFFFE000, s22;
	s9 =	sand.u32 $0x7D, s9;
	s22 =	sand.u32 $0x78, s23;
	v29 =	vor.u32 v62, v58;
	v6 =	vor.u32 $0x1, v6;
	v11 =	vor.u32 $0x3, v11;
	[tilespmem:v23+s30+$0x0] =	vst.idx.msk $0xffff, v32;
	v18 =	vld [tilespmem:s17+$0xFFFFFEE0]  }
0x1b5: {  	p1 =	slt.u32 s18, $0xF8;
	v23 =	vld [tilespmem:s19+$0xFFFFFE50];
	v54 =	vbroadcast v6, $0x0;
	v53 =	vbroadcast v11, $0x0;
	v11 =	vmov s9;
	[tilespmem:v19+s30+$0x0] =	vst.idx.msk $0xffff, v25  }
0x1b6: {  	v6 =	vmov s10;
	v19 =	vmov s8;
	v25 =	vld [tilespmem:s17+$0xFFFFFF30];
	[tilespmem:v10+s30+$0x0] =	vst.idx.msk $0xffff, v27  }
0x1b7: {  	v27 =	vor.u32 s20, v46;
	v10 =	vshrl.u32 v19, $0x3;
	v19 =	vmov s22;
	v30 =	vld [tilespmem:s17+$0xFFFFFEB0];
	[tilespmem:v16+s30+$0x0] =	vst.idx.msk $0xffff, v5  }
0x1b8: {  	v31 =	vor.u32 s20, v51;
	v5 =	vshrl.u32 v26, $0x3;
	v10 =	vshll.u32 v10, v49;
	[tilespmem:v7+s30+$0x0] =	vst.idx.msk $0xffff, v24;
	v7 =	vld [tilespmem:s17+$0xFFFFFFB0]  }
0x1b9: {  	v16 =	vmov s2;
	v5 =	vshll.u32 v5, v49;
	v10 =	vor.u32 $0x4, v10;
	[tilespmem:v17+s30+$0x0] =	vst.idx.msk $0xffff, v28;
	v17 =	vld [tilespmem:s17+$0xFFFFFFE0]  }
0x1ba: {  	v5 =	vor.u32 $0x2, v5;
	v58 =	vbroadcast v10, $0x0;
	v10 =	vshrl.u32 v16, $0x3;
	[tilespmem:v9+s30+$0x0] =	vst.idx.msk $0xffff, v18;
	v9 =	vld [tilespmem:s17+$0xFFFFFF70]  }
0x1bb: {  	v16 =	vshrl.u32 v6, $0x3;
	v10 =	vshll.u32 v10, v49;
	v18 =	vor.u32 $0x7, v19;
	[tilespmem:v12+s30+$0x0] =	vst.idx.msk $0xffff, v22;
	v12 =	vld [tilespmem:s17+$0xFFFFFEF0]  }
0x1bc: {  	v6 =	vor.u32 v27, v53;
	v22 =	vor.u32 v27, v58;
	v10 =	vor.u32 $0x6, v10;
	v19 =	vld [tilespmem:s17+$0xFFFFFE20];
	[tilespmem:v1+s30+$0x0] =	vst.idx.msk $0xffff, v30  }
0x1bd: {  	v26 =	vor.u32 v27, v54;
	v1 =	vshrl.u32 v11, $0x3;
	v11 =	vbroadcast v10, $0x0;
	v28 =	vld [tilespmem:s17+$0xFFFFFEC0];
	[tilespmem:v13+s30+$0x0] =	vst.idx.msk $0xffff, v7  }
0x1be: {  	v5 =	vbroadcast v5, $0x0;
	v30 =	vbroadcast v18, $0x0;
	v1 =	vshll.u32 v1, v49;
	v13 =	vld [tilespmem:s17+$0xFFFFFFC0];
	[tilespmem:v4+s30+$0x0] =	vst.idx.msk $0xffff, v17  }
0x1bf: {  	v4 =	vshll.u32 v16, v49;
	v1 =	vor.u32 $0x5, v1;
	v32 =	vor.u32 v27, v11;
	[tilespmem:v8+s30+$0x0] =	vst.idx.msk $0xffff, v9;
	v8 =	vld [tilespmem:s17+$0xFFFFFFF0]  }
0x1c0: {  	v34 =	vor.u32 v27, v5;
	v33 =	vbroadcast v4, $0x0;
	v35 =	vbroadcast v1, $0x0;
	v36 =	vld [tilespmem:s19+$0xFFFFFF90];
	[tilespmem:v61+s30+$0x0] =	vst.idx.msk $0xffff, v25  }
0x1c1: {  	v10 =	vor.u32 v27, v30;
	v1 =	vor.u32 v31, v5;
	[tilespmem:v2+s30+$0x0] =	vst.idx.msk $0xffff, v19;
	v17 =	vld [tilespmem:s17+$0xFFFFFF40]  }
0x1c2: {  	v7 =	vor.u32 v31, v54;
	v37 =	vor.u32 v27, v35;
	v25 =	vld [tilespmem:s17+$0xFFFFFE30];
	[tilespmem:v60+s30+$0x0] =	vst.idx.msk $0xffff, v12  }
0x1c3: {  	v38 =	vor.u32 s20, v50;
	v61 =	vor.u32 v31, v58;
	v60 =	vor.u32 v31, v53;
	v39 =	vld [tilespmem:s19+$0xFFFFFE90];
	[tilespmem:v20+s30+$0x0] =	vst.idx.msk $0xffff, v13  }
0x1c4: {  	v24 =	vor.u32 v38, v54;
	v9 =	vor.u32 v38, v53;
	v18 =	vld [tilespmem:s17+$0xFFFFFF80];
	[tilespmem:v3+s30+$0x0] =	vst.idx.msk $0xffff, v8  }
0x1c5: {  	v16 =	vor.u32 v38, v11;
	v4 =	vor.u32 v38, v30;
	[tilespmem:v26+s30+$0x0] =	vst.idx.msk $0xffff, v23;
	v3 =	vld [tilespmem:s19+$0xFFFFFF10]  }
0x1c6: {  	v19 =	vor.u32 v38, v58;
	v12 =	vor.u32 v33, v27;
	v26 =	vld [tilespmem:s19+$0xFFFFFE60];
	[tilespmem:v21+s30+$0x0] =	vst.idx.msk $0xffff, v28  }
0x1c7: {  	v2 =	vor.u32 v33, v38;
	v23 =	vor.u32 v38, v5;
	v20 =	vld [tilespmem:s17+$0xFFFFFE80];
	[tilespmem:v29+s30+$0x0] =	vst.idx.msk $0xffff, v17  }
0x1c8: {  	v8 =	vor.u32 v31, v35;
	v17 =	vor.u32 v38, v35;
	[tilespmem:v63+s30+$0x0] =	vst.idx.msk $0xffff, v25;
	v38 =	vld [tilespmem:s17+$0x0]  }
0x1c9: {  	v13 =	vor.u32 v31, v11;
	[tilespmem:v34+s30+$0x0] =	vst.idx.msk $0xffff, v39;
	v21 =	vld [tilespmem:s17+$0xFFFFFF00];
	v34 =	vor.u32 v62, v56;
	v56 =	vmov v30  }
.Ltmp1:
0x1ca: {  	v63 =	vor.u32 v33, v31;
	[tilespmem:v22+s30+$0x0] =	vst.idx.msk $0xffff, v3;
	v3 =	vor.u32 v31, v56;
	v28 =	vld [tilespmem:s17+$0xFFFFFE40];
	s17 =	smov.u32 s19;
	(pc) =	sbr.rel @p1 .LBB2_5-.Ltmp1, $4  }
0x1cb: {  	v25 =	vld [tilespmem:s19+$0xFFFFFF20];
	[tilespmem:v32+s30+$0x0] =	vst.idx.msk $0xffff, v36  }
0x1cc: {  	v31 =	vld [tilespmem:s19+$0xFFFFFED0];
	[tilespmem:v37+s30+$0x0] =	vst.idx.msk $0xffff, v15  }
0x1cd: {  	v29 =	vor.u32 v62, v57;
	v30 =	vor.u32 v59, v62;
	v59 =	vmov v33;
	v22 =	vld [tilespmem:s19+$0xFFFFFE10];
	[tilespmem:v14+s30+$0x0] =	vst.idx.msk $0xffff, v20  }
0x1ce: {  	v57 =	vmov v35;
	v62 =	vor.u32 s20, v52;
	s19 =	sadd.s32 $0x200, s19;
	v27 =	vld [tilespmem:s17+$0xFFFFFFD0];
	[tilespmem:v34+s30+$0x0] =	vst.idx.msk $0xffff, v38  }
0x1cf: {  	_ =	sdelay $0x3  }
0x1d0: {  	[tilespmem:v55+s30+$0x0] =	vst.idx.msk $0xffff, v21  }
0x1d1: {  	[tilespmem:v24+s30+$0x0] =	vst.idx.msk $0xffff, v26  }
0x1d2: {  	[tilespmem:v30+s30+$0x0] =	vst.idx.msk $0xffff, v28  }
0x1d3: {  	v14 =	vld [tilespmem:s17+$0xFFFFFEA0];
	[tilespmem:v29+s30+$0x0] =	vst.idx.msk $0xffff, v18  }
0x1d4: {  	v26 =	vld [tilespmem:s17+$0xFFFFFFA0];
	[tilespmem:v19+s30+$0x0] =	vst.idx.msk $0xffff, v25  }
0x1d5: {  	v29 =	vld [tilespmem:s17+$0xFFFFFF60];
	[tilespmem:v6+s30+$0x0] =	vst.idx.msk $0xffff, v31  }
0x1d6: {  	v15 =	vld [tilespmem:s17+$0xFFFFFE70];
	[tilespmem:v12+s30+$0x0] =	vst.idx.msk $0xffff, v22  }
0x1d7: {  	v30 =	vld [tilespmem:s17+$0xFFFFFEE0];
	[tilespmem:v10+s30+$0x0] =	vst.idx.msk $0xffff, v27  }
0x1d8: {  	v12 =	vld [tilespmem:s17+$0xFFFFFE20];
	[tilespmem:v23+s30+$0x0] =	vst.idx.msk $0xffff, v14  }
0x1d9: {  	[tilespmem:v16+s30+$0x0] =	vst.idx.msk $0xffff, v26;
	v32 =	vld [tilespmem:s17+$0xFFFFFFE0]  }
0x1da: {  	[tilespmem:v17+s30+$0x0] =	vst.idx.msk $0xffff, v29;
	v31 =	vld [tilespmem:s17+$0xFFFFFEB0]  }
0x1db: {  	v35 =	vld [tilespmem:s17+$0xFFFFFF30];
	[tilespmem:v7+s30+$0x0] =	vst.idx.msk $0xffff, v15  }
0x1dc: {  	v33 =	vld [tilespmem:s17+$0xFFFFFFB0];
	[tilespmem:v9+s30+$0x0] =	vst.idx.msk $0xffff, v30  }
0x1dd: {  	v34 =	vld [tilespmem:s17+$0xFFFFFF70];
	[tilespmem:v2+s30+$0x0] =	vst.idx.msk $0xffff, v12  }
0x1de: {  	[tilespmem:v4+s30+$0x0] =	vst.idx.msk $0xffff, v32;
	v2 =	vld [tilespmem:s17+$0xFFFFFE30]  }
0x1df: {  	[tilespmem:v1+s30+$0x0] =	vst.idx.msk $0xffff, v31;
	v1 =	vld [tilespmem:s17+$0xFFFFFEF0]  }
0x1e0: {  	[tilespmem:v61+s30+$0x0] =	vst.idx.msk $0xffff, v35;
	v4 =	vld [tilespmem:s17+$0xFFFFFFF0]  }
0x1e1: {  	v38 =	vor.u32 v62, v58;
	v39 =	vld [tilespmem:s17+$0xFFFFFF40];
	[tilespmem:v13+s30+$0x0] =	vst.idx.msk $0xffff, v33  }
0x1e2: {  	v36 =	vor.u32 v62, v11;
	[tilespmem:v8+s30+$0x0] =	vst.idx.msk $0xffff, v34;
	v7 =	vld [tilespmem:s17+$0xFFFFFFC0]  }
0x1e3: {  	v5 =	vor.u32 v62, v5;
	v37 =	vld [tilespmem:s17+$0xFFFFFEC0];
	[tilespmem:v63+s30+$0x0] =	vst.idx.msk $0xffff, v2  }
0x1e4: {  	v61 =	vld [tilespmem:s17+$0xFFFFFF80];
	v63 =	vor.u32 v62, v57;
	[tilespmem:v60+s30+$0x0] =	vst.idx.msk $0xffff, v1  }
0x1e5: {  	v1 =	vor.u32 v62, v54;
	[tilespmem:v3+s30+$0x0] =	vst.idx.msk $0xffff, v4;
	v3 =	vld [tilespmem:s17+$0xFFFFFE80]  }
0x1e6: {  	[tilespmem:v38+s30+$0x0] =	vst.idx.msk $0xffff, v39;
	v58 =	vld [tilespmem:s17+$0xFFFFFE40];
	v60 =	vor.u32 v59, v62  }
0x1e7: {  	v55 =	vor.u32 v62, v56;
	[tilespmem:v36+s30+$0x0] =	vst.idx.msk $0xffff, v7;
	v4 =	vld [tilespmem:s17+$0x0]  }
0x1e8: {  	v56 =	vor.u32 v62, v53;
	v2 =	vld [tilespmem:s17+$0xFFFFFF00];
	[tilespmem:v5+s30+$0x0] =	vst.idx.msk $0xffff, v37  }
0x1e9: {  	[tilespmem:v63+s30+$0x0] =	vst.idx.msk $0xffff, v61  }
0x1ea: {  	[tilespmem:v1+s30+$0x0] =	vst.idx.msk $0xffff, v3  }
0x1eb: {  	[tilespmem:v60+s30+$0x0] =	vst.idx.msk $0xffff, v58  }
0x1ec: {  	[tilespmem:v55+s30+$0x0] =	vst.idx.msk $0xffff, v4  }
0x1ed: {  	[tilespmem:v56+s30+$0x0] =	vst.idx.msk $0xffff, v2  }
0x1ee: {  	s2 =	rddreg [dreg:$0x4]  }
0x1ef: {  	s23 =	rddreg [dreg:$0x5];
	s2 =	sadd.s32 s5, s2  }
0x1f0: {  	[hbm4b:s2+s25] =	stream.strided.scatter [tilespmem:s30], [sflag:$0x6], $0x2000, s26, s25, $0x38;
	[tilespmem:$0x1E800] =	vst v63  }
.Ltmp2:
0x1f1: {  	s2 =	sadd.s32 s5, s23;
	(pc) =	sbr.rel @p0 .LBB2_8-.Ltmp2, $4  }
0x1f2: {  	[hbm4b:s2+s25] =	stream.strided.scatter [tilespmem:s31], [sflag:$0x6], $0x2000, s26, s25, $0x38;
	[tilespmem:$0x1E800] =	vst v63  }
0x1f3: {  	_ =	swait.ge [sflag:s1], $0x4000  }
0x1f4: {  	[sflag:s1] =	ssyncset.done $0x0  }
0x1f5: {  	[sflag:s1] =	ssyncadd.s32 $0xFFFFC000  }
0x1f6: {  	s2 =	sshll.u32 s12, $0x3  }
0x1f7: {  	s8 =	sadd.s32 $0xA, s2  }
0x1f8: {  	v1 =	vadd.s32 s8, v0;
	_ =	sdelay $0x4  }
0x1f9: {  	s9 =	sadd.s32 $0xC8A, s2;
	v1 =	vld.idx.msk [tilespmem:v1+s3+$0x0], $0xffff  }
0x1fa: {  	v2 =	vadd.s32 s9, v0;
	_ =	sdelay $0x3  }
0x1fb: {  	[tilespmem:$0x6500] =	vst v1  }
0x1fc: {  	s10 =	sadd.s32 $0x190A, s2;
	v1 =	vld.idx.msk [tilespmem:v2+s3+$0x0], $0xffff  }
0x1fd: {  	v2 =	vadd.s32 s10, v0;
	_ =	sdelay $0x3  }
0x1fe: {  	[tilespmem:$0x6510] =	vst v1  }
0x1ff: {  	s17 =	sadd.s32 $0x258A, s2;
	v1 =	vld.idx.msk [tilespmem:v2+s3+$0x0], $0xffff  }
0x200: {  	v2 =	vadd.s32 s17, v0;
	_ =	sdelay $0x3  }
0x201: {  	[tilespmem:$0x6520] =	vst v1  }
0x202: {  	s18 =	sadd.s32 $0x320A, s2;
	v1 =	vld.idx.msk [tilespmem:v2+s3+$0x0], $0xffff  }
0x203: {  	v2 =	vadd.s32 s18, v0;
	_ =	sdelay $0x3  }
0x204: {  	[tilespmem:$0x6530] =	vst v1  }
0x205: {  	s19 =	sadd.s32 $0x3E8A, s2;
	v1 =	vld.idx.msk [tilespmem:v2+s3+$0x0], $0xffff  }
0x206: {  	v2 =	vadd.s32 s19, v0;
	_ =	sdelay $0x3  }
0x207: {  	[tilespmem:$0x6540] =	vst v1  }
0x208: {  	s20 =	sadd.s32 $0x4B0A, s2;
	v1 =	vld.idx.msk [tilespmem:v2+s3+$0x0], $0xffff  }
0x209: {  	v2 =	vadd.s32 s20, v0;
	_ =	sdelay $0x3  }
0x20a: {  	[tilespmem:$0x6550] =	vst v1  }
0x20b: {  	s22 =	sadd.s32 $0x578A, s2;
	v1 =	vld.idx.msk [tilespmem:v2+s3+$0x0], $0xffff  }
0x20c: {  	v2 =	vadd.s32 s22, v0;
	_ =	sdelay $0x3  }
0x20d: {  	[tilespmem:$0x6560] =	vst v1  }
0x20e: {  	s23 =	sadd.s32 $0xB, s2;
	v1 =	vld.idx.msk [tilespmem:v2+s3+$0x0], $0xffff  }
0x20f: {  	v2 =	vadd.s32 s23, v0;
	_ =	sdelay $0x3  }
0x210: {  	[tilespmem:$0x6570] =	vst v1  }
0x211: {  	s9 =	sadd.s32 $0xC8B, s2;
	v1 =	vld.idx.msk [tilespmem:v2+s3+$0x0], $0xffff  }
0x212: {  	v2 =	vadd.s32 s9, v0;
	_ =	sdelay $0x3  }
0x213: {  	[tilespmem:$0x6580] =	vst v1  }
0x214: {  	s10 =	sadd.s32 $0x190B, s2;
	v1 =	vld.idx.msk [tilespmem:v2+s3+$0x0], $0xffff  }
0x215: {  	v2 =	vadd.s32 s10, v0;
	_ =	sdelay $0x3  }
0x216: {  	[tilespmem:$0x6590] =	vst v1  }
0x217: {  	s17 =	sadd.s32 $0x258B, s2;
	v1 =	vld.idx.msk [tilespmem:v2+s3+$0x0], $0xffff  }
0x218: {  	v2 =	vadd.s32 s17, v0;
	_ =	sdelay $0x3  }
0x219: {  	[tilespmem:$0x65A0] =	vst v1  }
0x21a: {  	s18 =	sadd.s32 $0x320B, s2;
	v1 =	vld.idx.msk [tilespmem:v2+s3+$0x0], $0xffff  }
0x21b: {  	v2 =	vadd.s32 s18, v0;
	_ =	sdelay $0x3  }
0x21c: {  	[tilespmem:$0x65B0] =	vst v1  }
0x21d: {  	s19 =	sadd.s32 $0x3E8B, s2;
	v1 =	vld.idx.msk [tilespmem:v2+s3+$0x0], $0xffff  }
0x21e: {  	v2 =	vadd.s32 s19, v0;
	_ =	sdelay $0x3  }
0x21f: {  	[tilespmem:$0x65C0] =	vst v1  }
0x220: {  	s20 =	sadd.s32 $0x4B0B, s2;
	v1 =	vld.idx.msk [tilespmem:v2+s3+$0x0], $0xffff  }
0x221: {  	v2 =	vadd.s32 s20, v0;
	_ =	sdelay $0x3  }
0x222: {  	[tilespmem:$0x65D0] =	vst v1  }
0x223: {  	s2 =	sadd.s32 $0x578B, s2;
	v1 =	vld.idx.msk [tilespmem:v2+s3+$0x0], $0xffff  }
0x224: {  	v2 =	vadd.s32 s2, v0;
	_ =	sdelay $0x3  }
0x225: {  	[tilespmem:$0x65E0] =	vst v1  }
0x226: {  	v1 =	vld.idx.msk [tilespmem:v2+s3+$0x0], $0xffff;
	_ =	sdelay $0x4  }
0x227: {  	s22 =	simm.s32 $0x6500;
	s23 =	simm.s32 $0xA800;
	[tilespmem:$0x65F0] =	vst v1  }
0x228: {  	[tilespmem:s23], [sflag:$0x2] =	stream.indirect.gather [hbm4b:s4+s14], $0x40, s22, s14, $0xb8;
	[tilespmem:$0x1E800] =	vst v63  }
.LBB2_8:
0x229: {  	s2 =	simm.s32 $0x1;
	s8 =	simm.s32 $0x3;
	s17 =	simm.s32 $0x2  }
0x22a: {  	s10 =	simm.s32 $0x7;
	s2 =	sand.u32 $0x79, s2;
	s8 =	sand.u32 $0x7B, s8  }
0x22b: {  	s18 =	simm.s32 $0x4;
	s20 =	simm.s32 $0x0;
	s22 =	sand.u32 $0x78, s10;
	v1 =	vmov s2;
	v2 =	vmov s8  }
0x22c: {  	s2 =	sand.u32 $0x7A, s17;
	s8 =	sand.u32 $0x7C, s18;
	s18 =	sand.u32 $0xFFFFE000, s20;
	v8 =	vmov s22;
	v1 =	vshrl.u32 v1, $0x3;
	v2 =	vshrl.u32 v2, $0x3  }
0x22d: {  	s19 =	simm.s32 $0x0;
	v3 =	vmov s2;
	v4 =	vmov s8;
	v7 =	vor.u32 s18, v46  }
0x22e: {  	s2 =	sand.u32 $0x78, s19;
	v10 =	vor.u32 s18, v51;
	v1 =	vshll.u32 v1, v49;
	v2 =	vshll.u32 v2, v49  }
0x22f: {  	_ =	swait.ge [sflag:s0], $0x2000;
	s23 =	simm.s32 $0x6;
	v4 =	vshrl.u32 v4, $0x3;
	v6 =	vmov s2;
	v3 =	vshrl.u32 v3, $0x3  }
0x230: {  	s9 =	simm.s32 $0x5;
	[sflag:s0] =	ssyncset.done $0x0;
	s2 =	sand.u32 $0x7E, s23;
	v1 =	vor.u32 $0x1, v1;
	v2 =	vor.u32 $0x3, v2;
	v3 =	vshll.u32 v3, v49  }
0x231: {  	s9 =	sand.u32 $0x7D, s9;
	[sflag:s0] =	ssyncadd.s32 $0xFFFFE000;
	v12 =	vmov s2;
	v6 =	vshrl.u32 v6, $0x3;
	v1 =	vbroadcast v1, $0x0  }
0x232: {  	_ =	swait.ge [sflag:s0], $0x2000;
	v5 =	vbroadcast v2, $0x0;
	v2 =	vshll.u32 v4, v49;
	v4 =	vmov s9  }
0x233: {  	[sflag:s0] =	ssyncset.done $0x0;
	v3 =	vor.u32 $0x2, v3;
	v12 =	vshrl.u32 v12, $0x3;
	v2 =	vor.u32 $0x4, v2  }
0x234: {  	s19 =	simm.s32 $0xE9F0;
	[sflag:s0] =	ssyncadd.s32 $0xFFFFE000;
	v12 =	vshll.u32 v12, v49;
	v16 =	vbroadcast v3, $0x0;
	v4 =	vshrl.u32 v4, $0x3  }
0x235: {  	v9 =	vbroadcast v2, $0x0;
	v2 =	vld [tilespmem:s19+$0xFFFFFE50];
	v11 =	vor.u32 v7, v1;
	v3 =	vor.u32 $0x6, v12  }
0x236: {  	v19 =	vld [tilespmem:s19+$0xFFFFFE90];
	v18 =	vbroadcast v3, $0x0;
	v3 =	vshll.u32 v4, v49;
	v4 =	vor.u32 v7, v16  }
0x237: {  	v8 =	vor.u32 $0x7, v8;
	v14 =	vld [tilespmem:s19+$0xFFFFFF10];
	v6 =	vshll.u32 v6, v49;
	v13 =	vor.u32 v7, v9  }
0x238: {  	v15 =	vld [tilespmem:s19+$0xFFFFFF50];
	v17 =	vor.u32 v7, v5;
	v25 =	vor.u32 v10, v1;
	v3 =	vor.u32 $0x5, v3  }
0x239: {  	v24 =	vld [tilespmem:s19+$0xFFFFFED0];
	v27 =	vor.u32 v10, v5;
	v22 =	vor.u32 v10, v16;
	v62 =	vbroadcast v3, $0x0  }
0x23a: {  	v12 =	vld [tilespmem:s19+$0xFFFFFF90];
	v29 =	vor.u32 v10, v9;
	[tilespmem:v11+s24+$0x0] =	vst.idx.msk $0xffff, v2;
	v2 =	vbroadcast v8, $0x0;
	v11 =	vor.u32 v7, v18  }
0x23b: {  	s17 =	simm.s32 $0xEBF0;
	v28 =	vld [tilespmem:s19+$0xFFFFFE10];
	v34 =	vor.u32 v10, v18;
	v26 =	vor.u32 v7, v62;
	[tilespmem:v4+s24+$0x0] =	vst.idx.msk $0xffff, v19  }
0x23c: {  	v3 =	vld [tilespmem:s17+$0xFFFFFF50];
	[tilespmem:v13+s24+$0x0] =	vst.idx.msk $0xffff, v14;
	v13 =	vor.u32 s18, v50;
	v23 =	vor.u32 v7, v2;
	v14 =	vbroadcast v6, $0x0  }
0x23d: {  	v4 =	vld [tilespmem:s19+$0xFFFFFFD0];
	v36 =	vor.u32 v10, v2;
	v20 =	vor.u32 v13, v1;
	v6 =	vor.u32 v13, v5  }
0x23e: {  	v8 =	vld [tilespmem:s19+$0xFFFFFE60];
	v19 =	vor.u32 v13, v18;
	v30 =	vor.u32 v13, v2;
	v31 =	vor.u32 v13, v16  }
0x23f: {  	v32 =	vld [tilespmem:s19+$0xFFFFFEA0];
	v33 =	vor.u32 v13, v9;
	v7 =	vor.u32 v14, v7;
	[tilespmem:v11+s24+$0x0] =	vst.idx.msk $0xffff, v12  }
0x240: {  	v21 =	vld [tilespmem:s19+$0xFFFFFF20];
	v35 =	vor.u32 v14, v10;
	v12 =	vor.u32 v14, v13;
	[tilespmem:v26+s24+$0x0] =	vst.idx.msk $0xffff, v15  }
0x241: {  	[tilespmem:v17+s24+$0x0] =	vst.idx.msk $0xffff, v24;
	v11 =	vor.u32 v13, v62;
	v13 =	vor.u32 v10, v62;
	v15 =	vor.u32 s18, v52;
	v10 =	vld [tilespmem:s19+$0xFFFFFF60]  }
0x242: {  	v17 =	vor.u32 v15, v18;
	v18 =	vld [tilespmem:s19+$0xFFFFFEE0];
	[tilespmem:v23+s24+$0x0] =	vst.idx.msk $0xffff, v4  }
0x243: {  	s10 =	simm.s32 $0xB;
	[tilespmem:v20+s24+$0x0] =	vst.idx.msk $0xffff, v8;
	v8 =	vld [tilespmem:s19+$0xFFFFFFA0]  }
0x244: {  	s8 =	sand.u32 $0x7B, s10;
	s9 =	simm.s32 $0x9;
	[tilespmem:v31+s24+$0x0] =	vst.idx.msk $0xffff, v32;
	v31 =	vld [tilespmem:s17+$0xFFFFFE50]  }
0x245: {  	s20 =	simm.s32 $0xC;
	s23 =	simm.s32 $0x200;
	s2 =	sand.u32 $0x79, s9;
	v24 =	vmov s8;
	v16 =	vor.u32 v15, v16;
	[tilespmem:v33+s24+$0x0] =	vst.idx.msk $0xffff, v21;
	v26 =	vld [tilespmem:s19+$0xFFFFFE70]  }
0x246: {  	s8 =	sand.u32 $0x7C, s20;
	s20 =	sand.u32 $0xFFFFE000, s23;
	s18 =	simm.s32 $0xA;
	v55 =	vor.u32 v15, v5;
	v20 =	vor.u32 v15, v1;
	v1 =	vmov s2;
	v23 =	vld [tilespmem:s19+$0xFFFFFEB0];
	[tilespmem:v7+s24+$0x0] =	vst.idx.msk $0xffff, v28  }
0x247: {  	s22 =	simm.s32 $0xD;
	s2 =	sand.u32 $0x7A, s18;
	v21 =	vshrl.u32 v24, $0x3;
	s18 =	simm.s32 $0x8;
	v32 =	vor.u32 s20, v51;
	v1 =	vshrl.u32 v1, $0x3;
	v5 =	vld [tilespmem:s19+$0xFFFFFF30];
	[tilespmem:v11+s24+$0x0] =	vst.idx.msk $0xffff, v10  }
0x248: {  	s9 =	sand.u32 $0x7D, s22;
	s22 =	simm.s32 $0xF;
	v4 =	vmov s2;
	v21 =	vshll.u32 v21, v49;
	s10 =	sand.u32 $0x78, s18;
	v1 =	vshll.u32 v1, v49;
	v10 =	vld [tilespmem:s19+$0xFFFFFFE0];
	[tilespmem:v6+s24+$0x0] =	vst.idx.msk $0xffff, v18  }
0x249: {  	s23 =	sand.u32 $0x78, s22;
	v4 =	vshrl.u32 v4, $0x3;
	v1 =	vor.u32 $0x1, v1;
	v11 =	vmov s10;
	v18 =	vld [tilespmem:s19+$0xFFFFFF70];
	[tilespmem:v19+s24+$0x0] =	vst.idx.msk $0xffff, v8  }
0x24a: {  	v6 =	vmov s23;
	v4 =	vshll.u32 v4, v49;
	v54 =	vbroadcast v1, $0x0;
	v7 =	vld [tilespmem:s19+$0xFFFFFEF0];
	[tilespmem:v25+s24+$0x0] =	vst.idx.msk $0xffff, v26  }
0x24b: {  	v8 =	vor.u32 $0x3, v21;
	v19 =	vor.u32 v15, v9;
	v9 =	vmov s8;
	v1 =	vld [tilespmem:s19+$0xFFFFFFB0];
	[tilespmem:v22+s24+$0x0] =	vst.idx.msk $0xffff, v23  }
0x24c: {  	v53 =	vbroadcast v8, $0x0;
	v8 =	vmov s9;
	s9 =	simm.s32 $0xE;
	v9 =	vshrl.u32 v9, $0x3;
	v25 =	vld [tilespmem:s19+$0xFFFFFE20];
	[tilespmem:v29+s24+$0x0] =	vst.idx.msk $0xffff, v5  }
0x24d: {  	v21 =	vor.u32 s20, v46;
	s2 =	sand.u32 $0x7E, s9;
	v9 =	vshll.u32 v9, v49;
	v22 =	vld [tilespmem:s19+$0xFFFFFEC0];
	v8 =	vshrl.u32 v8, $0x3;
	[tilespmem:v30+s24+$0x0] =	vst.idx.msk $0xffff, v10  }
0x24e: {  	v9 =	vor.u32 $0x4, v9;
	v24 =	vmov s2;
	v10 =	vor.u32 $0x7, v6;
	[tilespmem:v13+s24+$0x0] =	vst.idx.msk $0xffff, v18;
	v13 =	vld [tilespmem:s19+$0xFFFFFFF0]  }
0x24f: {  	v29 =	vld [tilespmem:s17+$0xFFFFFE90];
	v58 =	vbroadcast v9, $0x0;
	v9 =	vshrl.u32 v24, $0x3;
	v24 =	vor.u32 v21, v54;
	[tilespmem:v27+s24+$0x0] =	vst.idx.msk $0xffff, v7  }
0x250: {  	v6 =	vor.u32 v21, v53;
	v60 =	vor.u32 v32, v53;
	v56 =	vbroadcast v10, $0x0;
	[tilespmem:v34+s24+$0x0] =	vst.idx.msk $0xffff, v1;
	v34 =	vld [tilespmem:s19+$0xFFFFFE80]  }
0x251: {  	v7 =	vor.u32 v32, v54;
	v9 =	vshll.u32 v9, v49;
	v1 =	vor.u32 $0x2, v4;
	[tilespmem:v12+s24+$0x0] =	vst.idx.msk $0xffff, v25;
	v23 =	vld [tilespmem:s19+$0xFFFFFFC0]  }
0x252: {  	v4 =	vshrl.u32 v11, $0x3;
	v5 =	vbroadcast v1, $0x0;
	v1 =	vshll.u32 v8, v49;
	v8 =	vld [tilespmem:s19+$0xFFFFFF40];
	[tilespmem:v16+s24+$0x0] =	vst.idx.msk $0xffff, v22  }
0x253: {  	v28 =	vor.u32 v21, v58;
	v9 =	vor.u32 $0x6, v9;
	v10 =	vor.u32 v21, v56;
	v12 =	vld [tilespmem:s19+$0xFFFFFE30];
	[tilespmem:v36+s24+$0x0] =	vst.idx.msk $0xffff, v13  }
0x254: {  	v30 =	vld [tilespmem:s17+$0xFFFFFF90];
	v61 =	vor.u32 v32, v58;
	v11 =	vbroadcast v9, $0x0;
	v4 =	vshll.u32 v4, v49;
	[tilespmem:v24+s24+$0x0] =	vst.idx.msk $0xffff, v31  }
0x255: {  	v18 =	vld [tilespmem:s19+$0xFFFFFF80];
	v1 =	vor.u32 $0x5, v1;
	v59 =	vbroadcast v4, $0x0;
	v25 =	vor.u32 v21, v5;
	[tilespmem:v20+s24+$0x0] =	vst.idx.msk $0xffff, v34  }
0x256: {  	v27 =	vor.u32 v21, v11;
	v57 =	vbroadcast v1, $0x0;
	v1 =	vor.u32 v32, v5;
	v13 =	vld [tilespmem:s17+$0xFFFFFF10];
	[tilespmem:v17+s24+$0x0] =	vst.idx.msk $0xffff, v23  }
0x257: {  	v22 =	vld [tilespmem:s17+$0xFFFFFE10];
	v36 =	vor.u32 v15, v2;
	v63 =	vor.u32 v59, v32;
	[tilespmem:v19+s24+$0x0] =	vst.idx.msk $0xffff, v8  }
0x258: {  	v31 =	vld [tilespmem:s17+$0xFFFFFED0];
	v33 =	vor.u32 v21, v57;
	v17 =	vor.u32 s20, v50;
	[tilespmem:v35+s24+$0x0] =	vst.idx.msk $0xffff, v12;
	v12 =	vor.u32 v59, v21  }
0x259: {  	v35 =	vld [tilespmem:s19+$0x0];
	v8 =	vor.u32 v32, v57;
	v24 =	vor.u32 v17, v54;
	v9 =	vor.u32 v17, v53  }
0x25a: {  	v26 =	vld [tilespmem:s17+$0xFFFFFE60];
	v16 =	vor.u32 v17, v11;
	v4 =	vor.u32 v17, v56;
	[tilespmem:v25+s24+$0x0] =	vst.idx.msk $0xffff, v29  }
0x25b: {  	v21 =	vld [tilespmem:s19+$0xFFFFFF00];
	v19 =	vor.u32 v17, v58;
	v2 =	vor.u32 v59, v17;
	[tilespmem:v28+s24+$0x0] =	vst.idx.msk $0xffff, v13  }
0x25c: {  	v23 =	vor.u32 v17, v5;
	v17 =	vor.u32 v17, v57;
	v28 =	vld [tilespmem:s19+$0xFFFFFE40];
	[tilespmem:v27+s24+$0x0] =	vst.idx.msk $0xffff, v30  }
0x25d: {  	v13 =	vor.u32 v32, v11;
	v30 =	vor.u32 v14, v15;
	v27 =	vld [tilespmem:s17+$0xFFFFFFD0];
	[tilespmem:v33+s24+$0x0] =	vst.idx.msk $0xffff, v3  }
0x25e: {  	v29 =	vor.u32 v15, v62;
	v62 =	vor.u32 s20, v52;
	s19 =	simm.s32 $0xEDF0;
	v25 =	vld [tilespmem:s17+$0xFFFFFF20];
	v3 =	vor.u32 v32, v56;
	[tilespmem:v36+s24+$0x0] =	vst.idx.msk $0xffff, v35  }
.LBB2_9:
0x25f: {  	s2 =	sadd.s32 $0x9, s18  }
0x260: {  	s8 =	sadd.s32 $0xA, s18;
	s9 =	sadd.s32 $0xB, s18;
	v32 =	vld [tilespmem:s17+$0xFFFFFEA0];
	v20 =	vor.u32 v62, v11;
	[tilespmem:v55+s24+$0x0] =	vst.idx.msk $0xffff, v21;
	s10 =	smov.u32 s18  }
0x261: {  	s18 =	sadd.s32 $0x8, s18;
	v14 =	vor.u32 v62, v54;
	s2 =	sand.u32 $0x79, s2;
	s9 =	sand.u32 $0x7B, s9;
	v15 =	vld [tilespmem:s19+$0xFFFFFF50];
	[tilespmem:v24+s24+$0x0] =	vst.idx.msk $0xffff, v26  }
0x262: {  	v21 =	vor.u32 v62, v5;
	s20 =	sshll.u32 s18, $0x6;
	v11 =	vmov s2;
	s2 =	sand.u32 $0x7A, s8;
	v24 =	vmov s9;
	s8 =	sadd.s32 $0xC, s10;
	[tilespmem:v6+s24+$0x0] =	vst.idx.msk $0xffff, v31;
	v5 =	vld [tilespmem:s17+$0xFFFFFFA0]  }
0x263: {  	v55 =	vor.u32 v62, v53;
	s22 =	sadd.s32 $0xE, s10;
	s9 =	sadd.s32 $0xD, s10;
	v6 =	vshrl.u32 v11, $0x3;
	v11 =	vshrl.u32 v24, $0x3;
	s8 =	sand.u32 $0x7C, s8;
	v24 =	vld [tilespmem:s17+$0xFFFFFE70];
	[tilespmem:v30+s24+$0x0] =	vst.idx.msk $0xffff, v28  }
0x264: {  	s23 =	sand.u32 $0x78, s18;
	s10 =	sadd.s32 $0xF, s10;
	v26 =	vmov s2;
	s2 =	sand.u32 $0x7E, s22;
	v6 =	vshll.u32 v6, v49;
	v11 =	vshll.u32 v11, v49;
	v28 =	vld [tilespmem:s17+$0xFFFFFF60];
	[tilespmem:v29+s24+$0x0] =	vst.idx.msk $0xffff, v18  }
0x265: {  	s20 =	sand.u32 $0xFFFFE000, s20;
	s9 =	sand.u32 $0x7D, s9;
	s10 =	sand.u32 $0x78, s10;
	v29 =	vor.u32 v62, v58;
	v6 =	vor.u32 $0x1, v6;
	v11 =	vor.u32 $0x3, v11;
	[tilespmem:v23+s24+$0x0] =	vst.idx.msk $0xffff, v32;
	v18 =	vld [tilespmem:s17+$0xFFFFFEE0]  }
0x266: {  	p1 =	slt.u32 s18, $0xF8;
	v23 =	vld [tilespmem:s19+$0xFFFFFE50];
	v54 =	vbroadcast v6, $0x0;
	v53 =	vbroadcast v11, $0x0;
	v11 =	vmov s9;
	[tilespmem:v19+s24+$0x0] =	vst.idx.msk $0xffff, v25  }
0x267: {  	v6 =	vmov s23;
	v19 =	vmov s8;
	v25 =	vld [tilespmem:s17+$0xFFFFFF30];
	[tilespmem:v10+s24+$0x0] =	vst.idx.msk $0xffff, v27  }
0x268: {  	v27 =	vor.u32 s20, v46;
	v10 =	vshrl.u32 v19, $0x3;
	v19 =	vmov s10;
	v30 =	vld [tilespmem:s17+$0xFFFFFEB0];
	[tilespmem:v16+s24+$0x0] =	vst.idx.msk $0xffff, v5  }
0x269: {  	v31 =	vor.u32 s20, v51;
	v5 =	vshrl.u32 v26, $0x3;
	v10 =	vshll.u32 v10, v49;
	[tilespmem:v7+s24+$0x0] =	vst.idx.msk $0xffff, v24;
	v7 =	vld [tilespmem:s17+$0xFFFFFFB0]  }
0x26a: {  	v16 =	vmov s2;
	v5 =	vshll.u32 v5, v49;
	v10 =	vor.u32 $0x4, v10;
	[tilespmem:v17+s24+$0x0] =	vst.idx.msk $0xffff, v28;
	v17 =	vld [tilespmem:s17+$0xFFFFFFE0]  }
0x26b: {  	v5 =	vor.u32 $0x2, v5;
	v58 =	vbroadcast v10, $0x0;
	v10 =	vshrl.u32 v16, $0x3;
	[tilespmem:v9+s24+$0x0] =	vst.idx.msk $0xffff, v18;
	v9 =	vld [tilespmem:s17+$0xFFFFFF70]  }
0x26c: {  	v16 =	vshrl.u32 v6, $0x3;
	v10 =	vshll.u32 v10, v49;
	v18 =	vor.u32 $0x7, v19;
	[tilespmem:v12+s24+$0x0] =	vst.idx.msk $0xffff, v22;
	v12 =	vld [tilespmem:s17+$0xFFFFFEF0]  }
0x26d: {  	v6 =	vor.u32 v27, v53;
	v22 =	vor.u32 v27, v58;
	v10 =	vor.u32 $0x6, v10;
	v19 =	vld [tilespmem:s17+$0xFFFFFE20];
	[tilespmem:v1+s24+$0x0] =	vst.idx.msk $0xffff, v30  }
0x26e: {  	v26 =	vor.u32 v27, v54;
	v1 =	vshrl.u32 v11, $0x3;
	v11 =	vbroadcast v10, $0x0;
	v28 =	vld [tilespmem:s17+$0xFFFFFEC0];
	[tilespmem:v13+s24+$0x0] =	vst.idx.msk $0xffff, v7  }
0x26f: {  	v5 =	vbroadcast v5, $0x0;
	v30 =	vbroadcast v18, $0x0;
	v1 =	vshll.u32 v1, v49;
	v13 =	vld [tilespmem:s17+$0xFFFFFFC0];
	[tilespmem:v4+s24+$0x0] =	vst.idx.msk $0xffff, v17  }
0x270: {  	v4 =	vshll.u32 v16, v49;
	v1 =	vor.u32 $0x5, v1;
	v32 =	vor.u32 v27, v11;
	[tilespmem:v8+s24+$0x0] =	vst.idx.msk $0xffff, v9;
	v8 =	vld [tilespmem:s17+$0xFFFFFFF0]  }
0x271: {  	v34 =	vor.u32 v27, v5;
	v33 =	vbroadcast v4, $0x0;
	v35 =	vbroadcast v1, $0x0;
	v36 =	vld [tilespmem:s19+$0xFFFFFF90];
	[tilespmem:v61+s24+$0x0] =	vst.idx.msk $0xffff, v25  }
0x272: {  	v10 =	vor.u32 v27, v30;
	v1 =	vor.u32 v31, v5;
	[tilespmem:v2+s24+$0x0] =	vst.idx.msk $0xffff, v19;
	v17 =	vld [tilespmem:s17+$0xFFFFFF40]  }
0x273: {  	v7 =	vor.u32 v31, v54;
	v37 =	vor.u32 v27, v35;
	v25 =	vld [tilespmem:s17+$0xFFFFFE30];
	[tilespmem:v60+s24+$0x0] =	vst.idx.msk $0xffff, v12  }
0x274: {  	v38 =	vor.u32 s20, v50;
	v61 =	vor.u32 v31, v58;
	v60 =	vor.u32 v31, v53;
	v39 =	vld [tilespmem:s19+$0xFFFFFE90];
	[tilespmem:v20+s24+$0x0] =	vst.idx.msk $0xffff, v13  }
0x275: {  	v24 =	vor.u32 v38, v54;
	v9 =	vor.u32 v38, v53;
	v18 =	vld [tilespmem:s17+$0xFFFFFF80];
	[tilespmem:v3+s24+$0x0] =	vst.idx.msk $0xffff, v8  }
0x276: {  	v16 =	vor.u32 v38, v11;
	v4 =	vor.u32 v38, v30;
	[tilespmem:v26+s24+$0x0] =	vst.idx.msk $0xffff, v23;
	v3 =	vld [tilespmem:s19+$0xFFFFFF10]  }
0x277: {  	v19 =	vor.u32 v38, v58;
	v12 =	vor.u32 v33, v27;
	v26 =	vld [tilespmem:s19+$0xFFFFFE60];
	[tilespmem:v21+s24+$0x0] =	vst.idx.msk $0xffff, v28  }
0x278: {  	v2 =	vor.u32 v33, v38;
	v23 =	vor.u32 v38, v5;
	v20 =	vld [tilespmem:s17+$0xFFFFFE80];
	[tilespmem:v29+s24+$0x0] =	vst.idx.msk $0xffff, v17  }
0x279: {  	v8 =	vor.u32 v31, v35;
	v17 =	vor.u32 v38, v35;
	[tilespmem:v63+s24+$0x0] =	vst.idx.msk $0xffff, v25;
	v38 =	vld [tilespmem:s17+$0x0]  }
0x27a: {  	v13 =	vor.u32 v31, v11;
	[tilespmem:v34+s24+$0x0] =	vst.idx.msk $0xffff, v39;
	v21 =	vld [tilespmem:s17+$0xFFFFFF00];
	v34 =	vor.u32 v62, v56;
	v56 =	vmov v30  }
.Ltmp3:
0x27b: {  	v63 =	vor.u32 v33, v31;
	[tilespmem:v22+s24+$0x0] =	vst.idx.msk $0xffff, v3;
	v3 =	vor.u32 v31, v56;
	v28 =	vld [tilespmem:s17+$0xFFFFFE40];
	s17 =	smov.u32 s19;
	(pc) =	sbr.rel @p1 .LBB2_9-.Ltmp3, $4  }
0x27c: {  	v25 =	vld [tilespmem:s19+$0xFFFFFF20];
	[tilespmem:v32+s24+$0x0] =	vst.idx.msk $0xffff, v36  }
0x27d: {  	v31 =	vld [tilespmem:s19+$0xFFFFFED0];
	[tilespmem:v37+s24+$0x0] =	vst.idx.msk $0xffff, v15  }
0x27e: {  	v29 =	vor.u32 v62, v57;
	v30 =	vor.u32 v59, v62;
	v59 =	vmov v33;
	v22 =	vld [tilespmem:s19+$0xFFFFFE10];
	[tilespmem:v14+s24+$0x0] =	vst.idx.msk $0xffff, v20  }
0x27f: {  	v57 =	vmov v35;
	v62 =	vor.u32 s20, v52;
	s19 =	sadd.s32 $0x200, s19;
	v27 =	vld [tilespmem:s17+$0xFFFFFFD0];
	[tilespmem:v34+s24+$0x0] =	vst.idx.msk $0xffff, v38  }
0x280: {  	_ =	sdelay $0x3  }
0x281: {  	[tilespmem:v55+s24+$0x0] =	vst.idx.msk $0xffff, v21  }
0x282: {  	[tilespmem:v24+s24+$0x0] =	vst.idx.msk $0xffff, v26  }
0x283: {  	[tilespmem:v30+s24+$0x0] =	vst.idx.msk $0xffff, v28  }
0x284: {  	v14 =	vld [tilespmem:s17+$0xFFFFFEA0];
	[tilespmem:v29+s24+$0x0] =	vst.idx.msk $0xffff, v18  }
0x285: {  	v26 =	vld [tilespmem:s17+$0xFFFFFFA0];
	[tilespmem:v19+s24+$0x0] =	vst.idx.msk $0xffff, v25  }
0x286: {  	v29 =	vld [tilespmem:s17+$0xFFFFFF60];
	[tilespmem:v6+s24+$0x0] =	vst.idx.msk $0xffff, v31  }
0x287: {  	v15 =	vld [tilespmem:s17+$0xFFFFFE70];
	[tilespmem:v12+s24+$0x0] =	vst.idx.msk $0xffff, v22  }
0x288: {  	v30 =	vld [tilespmem:s17+$0xFFFFFEE0];
	[tilespmem:v10+s24+$0x0] =	vst.idx.msk $0xffff, v27  }
0x289: {  	v12 =	vld [tilespmem:s17+$0xFFFFFE20];
	[tilespmem:v23+s24+$0x0] =	vst.idx.msk $0xffff, v14  }
0x28a: {  	[tilespmem:v16+s24+$0x0] =	vst.idx.msk $0xffff, v26;
	v32 =	vld [tilespmem:s17+$0xFFFFFFE0]  }
0x28b: {  	[tilespmem:v17+s24+$0x0] =	vst.idx.msk $0xffff, v29;
	v31 =	vld [tilespmem:s17+$0xFFFFFEB0]  }
0x28c: {  	v35 =	vld [tilespmem:s17+$0xFFFFFF30];
	[tilespmem:v7+s24+$0x0] =	vst.idx.msk $0xffff, v15  }
0x28d: {  	v33 =	vld [tilespmem:s17+$0xFFFFFFB0];
	[tilespmem:v9+s24+$0x0] =	vst.idx.msk $0xffff, v30  }
0x28e: {  	v34 =	vld [tilespmem:s17+$0xFFFFFF70];
	[tilespmem:v2+s24+$0x0] =	vst.idx.msk $0xffff, v12  }
0x28f: {  	[tilespmem:v4+s24+$0x0] =	vst.idx.msk $0xffff, v32;
	v2 =	vld [tilespmem:s17+$0xFFFFFE30]  }
0x290: {  	[tilespmem:v1+s24+$0x0] =	vst.idx.msk $0xffff, v31;
	v1 =	vld [tilespmem:s17+$0xFFFFFEF0]  }
0x291: {  	[tilespmem:v61+s24+$0x0] =	vst.idx.msk $0xffff, v35;
	v4 =	vld [tilespmem:s17+$0xFFFFFFF0]  }
0x292: {  	v38 =	vor.u32 v62, v58;
	v39 =	vld [tilespmem:s17+$0xFFFFFF40];
	[tilespmem:v13+s24+$0x0] =	vst.idx.msk $0xffff, v33  }
0x293: {  	v36 =	vor.u32 v62, v11;
	[tilespmem:v8+s24+$0x0] =	vst.idx.msk $0xffff, v34;
	v7 =	vld [tilespmem:s17+$0xFFFFFFC0]  }
0x294: {  	v5 =	vor.u32 v62, v5;
	v37 =	vld [tilespmem:s17+$0xFFFFFEC0];
	[tilespmem:v63+s24+$0x0] =	vst.idx.msk $0xffff, v2  }
0x295: {  	v61 =	vld [tilespmem:s17+$0xFFFFFF80];
	v63 =	vor.u32 v62, v57;
	[tilespmem:v60+s24+$0x0] =	vst.idx.msk $0xffff, v1  }
0x296: {  	v1 =	vor.u32 v62, v54;
	[tilespmem:v3+s24+$0x0] =	vst.idx.msk $0xffff, v4;
	v3 =	vld [tilespmem:s17+$0xFFFFFE80]  }
0x297: {  	[tilespmem:v38+s24+$0x0] =	vst.idx.msk $0xffff, v39;
	v58 =	vld [tilespmem:s17+$0xFFFFFE40];
	v60 =	vor.u32 v59, v62  }
0x298: {  	v55 =	vor.u32 v62, v56;
	[tilespmem:v36+s24+$0x0] =	vst.idx.msk $0xffff, v7;
	v4 =	vld [tilespmem:s17+$0x0]  }
0x299: {  	v56 =	vor.u32 v62, v53;
	v2 =	vld [tilespmem:s17+$0xFFFFFF00];
	[tilespmem:v5+s24+$0x0] =	vst.idx.msk $0xffff, v37  }
0x29a: {  	[tilespmem:v63+s24+$0x0] =	vst.idx.msk $0xffff, v61  }
0x29b: {  	[tilespmem:v1+s24+$0x0] =	vst.idx.msk $0xffff, v3  }
0x29c: {  	[tilespmem:v60+s24+$0x0] =	vst.idx.msk $0xffff, v58  }
0x29d: {  	[tilespmem:v55+s24+$0x0] =	vst.idx.msk $0xffff, v4  }
0x29e: {  	[tilespmem:v56+s24+$0x0] =	vst.idx.msk $0xffff, v2  }
0x29f: {  	s2 =	rddreg [dreg:$0x6]  }
0x2a0: {  	s23 =	rddreg [dreg:$0x7];
	s2 =	sadd.s32 s5, s2  }
0x2a1: {  	[hbm4b:s2+s25] =	stream.strided.scatter [tilespmem:s24], [sflag:$0x5], $0x2000, s26, s25, $0x38;
	[tilespmem:$0x1E800] =	vst v63  }
.Ltmp4:
0x2a2: {  	s2 =	sadd.s32 s5, s23;
	(pc) =	sbr.rel @p0 .LBB2_12-.Ltmp4, $4  }
0x2a3: {  	[hbm4b:s2+s25] =	stream.strided.scatter [tilespmem:s28], [sflag:$0x5], $0x2000, s26, s25, $0x38;
	[tilespmem:$0x1E800] =	vst v63  }
0x2a4: {  	_ =	swait.ge [sflag:s15], $0x4000  }
0x2a5: {  	[sflag:s15] =	ssyncset.done $0x0  }
0x2a6: {  	[sflag:s15] =	ssyncadd.s32 $0xFFFFC000  }
0x2a7: {  	s2 =	sshll.u32 s12, $0x3  }
0x2a8: {  	s5 =	sadd.s32 $0xC, s2  }
0x2a9: {  	v1 =	vadd.s32 s5, v0;
	_ =	sdelay $0x4  }
0x2aa: {  	s10 =	sadd.s32 $0xC8C, s2;
	v1 =	vld.idx.msk [tilespmem:v1+s3+$0x0], $0xffff  }
0x2ab: {  	v2 =	vadd.s32 s10, v0;
	_ =	sdelay $0x3  }
0x2ac: {  	[tilespmem:$0x6600] =	vst v1  }
0x2ad: {  	s17 =	sadd.s32 $0x190C, s2;
	v1 =	vld.idx.msk [tilespmem:v2+s3+$0x0], $0xffff  }
0x2ae: {  	v2 =	vadd.s32 s17, v0;
	_ =	sdelay $0x3  }
0x2af: {  	[tilespmem:$0x6610] =	vst v1  }
0x2b0: {  	s18 =	sadd.s32 $0x258C, s2;
	v1 =	vld.idx.msk [tilespmem:v2+s3+$0x0], $0xffff  }
0x2b1: {  	v2 =	vadd.s32 s18, v0;
	_ =	sdelay $0x3  }
0x2b2: {  	[tilespmem:$0x6620] =	vst v1  }
0x2b3: {  	s19 =	sadd.s32 $0x320C, s2;
	v1 =	vld.idx.msk [tilespmem:v2+s3+$0x0], $0xffff  }
0x2b4: {  	v2 =	vadd.s32 s19, v0;
	_ =	sdelay $0x3  }
0x2b5: {  	[tilespmem:$0x6630] =	vst v1  }
0x2b6: {  	s20 =	sadd.s32 $0x3E8C, s2;
	v1 =	vld.idx.msk [tilespmem:v2+s3+$0x0], $0xffff  }
0x2b7: {  	v2 =	vadd.s32 s20, v0;
	_ =	sdelay $0x3  }
0x2b8: {  	[tilespmem:$0x6640] =	vst v1  }
0x2b9: {  	s22 =	sadd.s32 $0x4B0C, s2;
	v1 =	vld.idx.msk [tilespmem:v2+s3+$0x0], $0xffff  }
0x2ba: {  	v2 =	vadd.s32 s22, v0;
	_ =	sdelay $0x3  }
0x2bb: {  	[tilespmem:$0x6650] =	vst v1  }
0x2bc: {  	s23 =	sadd.s32 $0x578C, s2;
	v1 =	vld.idx.msk [tilespmem:v2+s3+$0x0], $0xffff  }
0x2bd: {  	v2 =	vadd.s32 s23, v0;
	_ =	sdelay $0x3  }
0x2be: {  	[tilespmem:$0x6660] =	vst v1  }
0x2bf: {  	s8 =	sadd.s32 $0xD, s2;
	v1 =	vld.idx.msk [tilespmem:v2+s3+$0x0], $0xffff  }
0x2c0: {  	v2 =	vadd.s32 s8, v0;
	_ =	sdelay $0x3  }
0x2c1: {  	[tilespmem:$0x6670] =	vst v1  }
0x2c2: {  	s9 =	sadd.s32 $0xC8D, s2;
	v1 =	vld.idx.msk [tilespmem:v2+s3+$0x0], $0xffff  }
0x2c3: {  	v2 =	vadd.s32 s9, v0;
	_ =	sdelay $0x3  }
0x2c4: {  	[tilespmem:$0x6680] =	vst v1  }
0x2c5: {  	s10 =	sadd.s32 $0x190D, s2;
	v1 =	vld.idx.msk [tilespmem:v2+s3+$0x0], $0xffff  }
0x2c6: {  	v2 =	vadd.s32 s10, v0;
	_ =	sdelay $0x3  }
0x2c7: {  	[tilespmem:$0x6690] =	vst v1  }
0x2c8: {  	s17 =	sadd.s32 $0x258D, s2;
	v1 =	vld.idx.msk [tilespmem:v2+s3+$0x0], $0xffff  }
0x2c9: {  	v2 =	vadd.s32 s17, v0;
	_ =	sdelay $0x3  }
0x2ca: {  	[tilespmem:$0x66A0] =	vst v1  }
0x2cb: {  	s18 =	sadd.s32 $0x320D, s2;
	v1 =	vld.idx.msk [tilespmem:v2+s3+$0x0], $0xffff  }
0x2cc: {  	v2 =	vadd.s32 s18, v0;
	_ =	sdelay $0x3  }
0x2cd: {  	[tilespmem:$0x66B0] =	vst v1  }
0x2ce: {  	s19 =	sadd.s32 $0x3E8D, s2;
	v1 =	vld.idx.msk [tilespmem:v2+s3+$0x0], $0xffff  }
0x2cf: {  	v2 =	vadd.s32 s19, v0;
	_ =	sdelay $0x3  }
0x2d0: {  	[tilespmem:$0x66C0] =	vst v1  }
0x2d1: {  	s20 =	sadd.s32 $0x4B0D, s2;
	v1 =	vld.idx.msk [tilespmem:v2+s3+$0x0], $0xffff  }
0x2d2: {  	v2 =	vadd.s32 s20, v0;
	_ =	sdelay $0x3  }
0x2d3: {  	[tilespmem:$0x66D0] =	vst v1  }
0x2d4: {  	s2 =	sadd.s32 $0x578D, s2;
	v1 =	vld.idx.msk [tilespmem:v2+s3+$0x0], $0xffff  }
0x2d5: {  	v2 =	vadd.s32 s2, v0;
	_ =	sdelay $0x3  }
0x2d6: {  	[tilespmem:$0x66E0] =	vst v1  }
0x2d7: {  	v1 =	vld.idx.msk [tilespmem:v2+s3+$0x0], $0xffff;
	_ =	sdelay $0x4  }
0x2d8: {  	s22 =	simm.s32 $0x6600;
	s23 =	simm.s32 $0xE800;
	[tilespmem:$0x66F0] =	vst v1  }
0x2d9: {  	[tilespmem:s23], [sflag:$0x3] =	stream.indirect.gather [hbm4b:s4+s14], $0x40, s22, s14, $0xb8;
	[tilespmem:$0x1E800] =	vst v63  }
.LBB2_12:
0x2da: {  	s2 =	simm.s32 $0x1;
	s5 =	simm.s32 $0x3;
	s23 =	simm.s32 $0x0  }
0x2db: {  	s9 =	simm.s32 $0x7;
	s2 =	sand.u32 $0x79, s2;
	s5 =	sand.u32 $0x7B, s5  }
0x2dc: {  	s19 =	simm.s32 $0x2;
	s17 =	sand.u32 $0xFFFFE000, s23;
	s10 =	sand.u32 $0x78, s9;
	v1 =	vmov s2;
	v2 =	vmov s5  }
0x2dd: {  	s20 =	simm.s32 $0x4;
	s2 =	sand.u32 $0x7A, s19;
	v7 =	vor.u32 s17, v46;
	v8 =	vmov s10;
	v10 =	vor.u32 s17, v51  }
0x2de: {  	s22 =	simm.s32 $0x0;
	s5 =	sand.u32 $0x7C, s20;
	v1 =	vshrl.u32 v1, $0x3;
	v2 =	vshrl.u32 v2, $0x3;
	v3 =	vmov s2  }
0x2df: {  	v4 =	vmov s5;
	s2 =	sand.u32 $0x78, s22;
	v1 =	vshll.u32 v1, v49;
	v2 =	vshll.u32 v2, v49  }
0x2e0: {  	_ =	swait.ge [sflag:s16], $0x2000;
	s19 =	simm.s32 $0x6;
	v4 =	vshrl.u32 v4, $0x3;
	v6 =	vmov s2;
	v3 =	vshrl.u32 v3, $0x3  }
0x2e1: {  	s8 =	simm.s32 $0x5;
	[sflag:s16] =	ssyncset.done $0x0;
	s2 =	sand.u32 $0x7E, s19;
	v1 =	vor.u32 $0x1, v1;
	v2 =	vor.u32 $0x3, v2;
	v3 =	vshll.u32 v3, v49  }
0x2e2: {  	s8 =	sand.u32 $0x7D, s8;
	[sflag:s16] =	ssyncadd.s32 $0xFFFFE000;
	v12 =	vmov s2;
	v6 =	vshrl.u32 v6, $0x3;
	v1 =	vbroadcast v1, $0x0  }
0x2e3: {  	_ =	swait.ge [sflag:s16], $0x2000;
	v5 =	vbroadcast v2, $0x0;
	v2 =	vshll.u32 v4, v49;
	v4 =	vmov s8  }
0x2e4: {  	[sflag:s16] =	ssyncset.done $0x0;
	v3 =	vor.u32 $0x2, v3;
	v12 =	vshrl.u32 v12, $0x3;
	v2 =	vor.u32 $0x4, v2  }
0x2e5: {  	s18 =	simm.s32 $0x129F0;
	[sflag:s16] =	ssyncadd.s32 $0xFFFFE000;
	v12 =	vshll.u32 v12, v49;
	v16 =	vbroadcast v3, $0x0;
	v4 =	vshrl.u32 v4, $0x3  }
0x2e6: {  	v9 =	vbroadcast v2, $0x0;
	v2 =	vld [tilespmem:s18+$0xFFFFFE50];
	v11 =	vor.u32 v7, v1;
	v3 =	vor.u32 $0x6, v12  }
0x2e7: {  	v19 =	vld [tilespmem:s18+$0xFFFFFE90];
	v18 =	vbroadcast v3, $0x0;
	v3 =	vshll.u32 v4, v49;
	v4 =	vor.u32 v7, v16  }
0x2e8: {  	v8 =	vor.u32 $0x7, v8;
	v14 =	vld [tilespmem:s18+$0xFFFFFF10];
	v6 =	vshll.u32 v6, v49;
	v13 =	vor.u32 v7, v9  }
0x2e9: {  	v15 =	vld [tilespmem:s18+$0xFFFFFF50];
	v17 =	vor.u32 v7, v5;
	v25 =	vor.u32 v10, v1;
	v3 =	vor.u32 $0x5, v3  }
0x2ea: {  	v24 =	vld [tilespmem:s18+$0xFFFFFED0];
	v27 =	vor.u32 v10, v5;
	v22 =	vor.u32 v10, v16;
	v62 =	vbroadcast v3, $0x0  }
0x2eb: {  	v12 =	vld [tilespmem:s18+$0xFFFFFF90];
	v29 =	vor.u32 v10, v9;
	[tilespmem:v11+s30+$0x0] =	vst.idx.msk $0xffff, v2;
	v2 =	vbroadcast v8, $0x0;
	v11 =	vor.u32 v7, v18  }
0x2ec: {  	s5 =	simm.s32 $0x12BF0;
	v28 =	vld [tilespmem:s18+$0xFFFFFE10];
	v34 =	vor.u32 v10, v18;
	v26 =	vor.u32 v7, v62;
	[tilespmem:v4+s30+$0x0] =	vst.idx.msk $0xffff, v19  }
0x2ed: {  	v3 =	vld [tilespmem:s5+$0xFFFFFF50];
	[tilespmem:v13+s30+$0x0] =	vst.idx.msk $0xffff, v14;
	v13 =	vor.u32 s17, v50;
	v23 =	vor.u32 v7, v2;
	v14 =	vbroadcast v6, $0x0  }
0x2ee: {  	v4 =	vld [tilespmem:s18+$0xFFFFFFD0];
	v36 =	vor.u32 v10, v2;
	v20 =	vor.u32 v13, v1;
	v6 =	vor.u32 v13, v5  }
0x2ef: {  	v8 =	vld [tilespmem:s18+$0xFFFFFE60];
	v19 =	vor.u32 v13, v18;
	v30 =	vor.u32 v13, v2;
	v31 =	vor.u32 v13, v16  }
0x2f0: {  	v32 =	vld [tilespmem:s18+$0xFFFFFEA0];
	v33 =	vor.u32 v13, v9;
	v7 =	vor.u32 v14, v7;
	[tilespmem:v11+s30+$0x0] =	vst.idx.msk $0xffff, v12  }
0x2f1: {  	v21 =	vld [tilespmem:s18+$0xFFFFFF20];
	v35 =	vor.u32 v14, v10;
	v12 =	vor.u32 v14, v13;
	[tilespmem:v26+s30+$0x0] =	vst.idx.msk $0xffff, v15  }
0x2f2: {  	[tilespmem:v17+s30+$0x0] =	vst.idx.msk $0xffff, v24;
	v11 =	vor.u32 v13, v62;
	v13 =	vor.u32 v10, v62;
	v15 =	vor.u32 s17, v52;
	v10 =	vld [tilespmem:s18+$0xFFFFFF60]  }
0x2f3: {  	v17 =	vor.u32 v15, v18;
	v18 =	vld [tilespmem:s18+$0xFFFFFEE0];
	[tilespmem:v23+s30+$0x0] =	vst.idx.msk $0xffff, v4  }
0x2f4: {  	s22 =	simm.s32 $0xB;
	[tilespmem:v20+s30+$0x0] =	vst.idx.msk $0xffff, v8;
	v8 =	vld [tilespmem:s18+$0xFFFFFFA0]  }
0x2f5: {  	s20 =	simm.s32 $0x9;
	s8 =	sand.u32 $0x7B, s22;
	[tilespmem:v31+s30+$0x0] =	vst.idx.msk $0xffff, v32;
	v31 =	vld [tilespmem:s5+$0xFFFFFE50]  }
0x2f6: {  	s23 =	simm.s32 $0xA;
	s19 =	simm.s32 $0x200;
	s2 =	sand.u32 $0x79, s20;
	v24 =	vmov s8;
	v16 =	vor.u32 v15, v16;
	[tilespmem:v33+s30+$0x0] =	vst.idx.msk $0xffff, v21;
	v26 =	vld [tilespmem:s18+$0xFFFFFE70]  }
0x2f7: {  	s9 =	simm.s32 $0xC;
	s10 =	simm.s32 $0xD;
	s19 =	sand.u32 $0xFFFFE000, s19;
	v55 =	vor.u32 v15, v5;
	v20 =	vor.u32 v15, v1;
	v1 =	vmov s2;
	v23 =	vld [tilespmem:s18+$0xFFFFFEB0];
	[tilespmem:v7+s30+$0x0] =	vst.idx.msk $0xffff, v28  }
0x2f8: {  	s20 =	simm.s32 $0xF;
	s22 =	simm.s32 $0xE;
	s2 =	sand.u32 $0x7A, s23;
	v21 =	vshrl.u32 v24, $0x3;
	v32 =	vor.u32 s19, v51;
	v1 =	vshrl.u32 v1, $0x3;
	v5 =	vld [tilespmem:s18+$0xFFFFFF30];
	[tilespmem:v11+s30+$0x0] =	vst.idx.msk $0xffff, v10  }
0x2f9: {  	s8 =	sand.u32 $0x7C, s9;
	s17 =	simm.s32 $0x8;
	v4 =	vmov s2;
	v21 =	vshll.u32 v21, v49;
	s2 =	sand.u32 $0x7E, s22;
	v1 =	vshll.u32 v1, v49;
	v10 =	vld [tilespmem:s18+$0xFFFFFFE0];
	[tilespmem:v6+s30+$0x0] =	vst.idx.msk $0xffff, v18  }
0x2fa: {  	s9 =	sand.u32 $0x7D, s10;
	s10 =	sand.u32 $0x78, s17;
	s23 =	sand.u32 $0x78, s20;
	v4 =	vshrl.u32 v4, $0x3;
	v24 =	vmov s2;
	v1 =	vor.u32 $0x1, v1;
	v18 =	vld [tilespmem:s18+$0xFFFFFF70];
	[tilespmem:v19+s30+$0x0] =	vst.idx.msk $0xffff, v8  }
0x2fb: {  	v11 =	vmov s10;
	v6 =	vmov s23;
	v4 =	vshll.u32 v4, v49;
	v7 =	vld [tilespmem:s18+$0xFFFFFEF0];
	[tilespmem:v25+s30+$0x0] =	vst.idx.msk $0xffff, v26  }
0x2fc: {  	v54 =	vbroadcast v1, $0x0;
	v19 =	vor.u32 v15, v9;
	v9 =	vmov s8;
	v1 =	vld [tilespmem:s18+$0xFFFFFFB0];
	[tilespmem:v22+s30+$0x0] =	vst.idx.msk $0xffff, v23  }
0x2fd: {  	v8 =	vor.u32 $0x3, v21;
	v21 =	vor.u32 s19, v46;
	v9 =	vshrl.u32 v9, $0x3;
	v25 =	vld [tilespmem:s18+$0xFFFFFE20];
	[tilespmem:v29+s30+$0x0] =	vst.idx.msk $0xffff, v5  }
0x2fe: {  	v53 =	vbroadcast v8, $0x0;
	v8 =	vmov s9;
	v9 =	vshll.u32 v9, v49;
	v22 =	vld [tilespmem:s18+$0xFFFFFEC0];
	[tilespmem:v30+s30+$0x0] =	vst.idx.msk $0xffff, v10  }
0x2ff: {  	v8 =	vshrl.u32 v8, $0x3;
	v9 =	vor.u32 $0x4, v9;
	v10 =	vor.u32 $0x7, v6;
	[tilespmem:v13+s30+$0x0] =	vst.idx.msk $0xffff, v18;
	v13 =	vld [tilespmem:s18+$0xFFFFFFF0]  }
0x300: {  	v29 =	vld [tilespmem:s5+$0xFFFFFE90];
	v58 =	vbroadcast v9, $0x0;
	v9 =	vshrl.u32 v24, $0x3;
	v24 =	vor.u32 v21, v54;
	[tilespmem:v27+s30+$0x0] =	vst.idx.msk $0xffff, v7  }
0x301: {  	v6 =	vor.u32 v21, v53;
	v60 =	vor.u32 v32, v53;
	v56 =	vbroadcast v10, $0x0;
	[tilespmem:v34+s30+$0x0] =	vst.idx.msk $0xffff, v1;
	v34 =	vld [tilespmem:s18+$0xFFFFFE80]  }
0x302: {  	v7 =	vor.u32 v32, v54;
	v9 =	vshll.u32 v9, v49;
	v1 =	vor.u32 $0x2, v4;
	[tilespmem:v12+s30+$0x0] =	vst.idx.msk $0xffff, v25;
	v23 =	vld [tilespmem:s18+$0xFFFFFFC0]  }
0x303: {  	v4 =	vshrl.u32 v11, $0x3;
	v5 =	vbroadcast v1, $0x0;
	v1 =	vshll.u32 v8, v49;
	v8 =	vld [tilespmem:s18+$0xFFFFFF40];
	[tilespmem:v16+s30+$0x0] =	vst.idx.msk $0xffff, v22  }
0x304: {  	v28 =	vor.u32 v21, v58;
	v9 =	vor.u32 $0x6, v9;
	v10 =	vor.u32 v21, v56;
	v12 =	vld [tilespmem:s18+$0xFFFFFE30];
	[tilespmem:v36+s30+$0x0] =	vst.idx.msk $0xffff, v13  }
0x305: {  	v30 =	vld [tilespmem:s5+$0xFFFFFF90];
	v61 =	vor.u32 v32, v58;
	v11 =	vbroadcast v9, $0x0;
	v4 =	vshll.u32 v4, v49;
	[tilespmem:v24+s30+$0x0] =	vst.idx.msk $0xffff, v31  }
0x306: {  	v18 =	vld [tilespmem:s18+$0xFFFFFF80];
	v1 =	vor.u32 $0x5, v1;
	v59 =	vbroadcast v4, $0x0;
	v25 =	vor.u32 v21, v5;
	[tilespmem:v20+s30+$0x0] =	vst.idx.msk $0xffff, v34  }
0x307: {  	v27 =	vor.u32 v21, v11;
	v57 =	vbroadcast v1, $0x0;
	v1 =	vor.u32 v32, v5;
	v13 =	vld [tilespmem:s5+$0xFFFFFF10];
	[tilespmem:v17+s30+$0x0] =	vst.idx.msk $0xffff, v23  }
0x308: {  	v22 =	vld [tilespmem:s5+$0xFFFFFE10];
	v36 =	vor.u32 v15, v2;
	v63 =	vor.u32 v59, v32;
	[tilespmem:v19+s30+$0x0] =	vst.idx.msk $0xffff, v8  }
0x309: {  	v31 =	vld [tilespmem:s5+$0xFFFFFED0];
	v33 =	vor.u32 v21, v57;
	v17 =	vor.u32 s19, v50;
	[tilespmem:v35+s30+$0x0] =	vst.idx.msk $0xffff, v12;
	v12 =	vor.u32 v59, v21  }
0x30a: {  	v35 =	vld [tilespmem:s18+$0x0];
	v8 =	vor.u32 v32, v57;
	v24 =	vor.u32 v17, v54;
	v9 =	vor.u32 v17, v53  }
0x30b: {  	v26 =	vld [tilespmem:s5+$0xFFFFFE60];
	v16 =	vor.u32 v17, v11;
	v4 =	vor.u32 v17, v56;
	[tilespmem:v25+s30+$0x0] =	vst.idx.msk $0xffff, v29  }
0x30c: {  	v21 =	vld [tilespmem:s18+$0xFFFFFF00];
	v19 =	vor.u32 v17, v58;
	v2 =	vor.u32 v59, v17;
	[tilespmem:v28+s30+$0x0] =	vst.idx.msk $0xffff, v13  }
0x30d: {  	v23 =	vor.u32 v17, v5;
	v17 =	vor.u32 v17, v57;
	v28 =	vld [tilespmem:s18+$0xFFFFFE40];
	[tilespmem:v27+s30+$0x0] =	vst.idx.msk $0xffff, v30  }
0x30e: {  	v13 =	vor.u32 v32, v11;
	v30 =	vor.u32 v14, v15;
	v27 =	vld [tilespmem:s5+$0xFFFFFFD0];
	[tilespmem:v33+s30+$0x0] =	vst.idx.msk $0xffff, v3  }
0x30f: {  	v29 =	vor.u32 v15, v62;
	v62 =	vor.u32 s19, v52;
	s18 =	simm.s32 $0x12DF0;
	v25 =	vld [tilespmem:s5+$0xFFFFFF20];
	v3 =	vor.u32 v32, v56;
	[tilespmem:v36+s30+$0x0] =	vst.idx.msk $0xffff, v35  }
.LBB2_13:
0x310: {  	s2 =	sadd.s32 $0x9, s17  }
0x311: {  	s8 =	sadd.s32 $0xA, s17;
	s9 =	sadd.s32 $0xB, s17;
	v32 =	vld [tilespmem:s5+$0xFFFFFEA0];
	v20 =	vor.u32 v62, v11;
	[tilespmem:v55+s30+$0x0] =	vst.idx.msk $0xffff, v21;
	s10 =	smov.u32 s17  }
0x312: {  	s17 =	sadd.s32 $0x8, s17;
	v14 =	vor.u32 v62, v54;
	s2 =	sand.u32 $0x79, s2;
	s9 =	sand.u32 $0x7B, s9;
	v15 =	vld [tilespmem:s18+$0xFFFFFF50];
	[tilespmem:v24+s30+$0x0] =	vst.idx.msk $0xffff, v26  }
0x313: {  	v21 =	vor.u32 v62, v5;
	s19 =	sshll.u32 s17, $0x6;
	v11 =	vmov s2;
	s2 =	sand.u32 $0x7A, s8;
	v24 =	vmov s9;
	s8 =	sadd.s32 $0xC, s10;
	[tilespmem:v6+s30+$0x0] =	vst.idx.msk $0xffff, v31;
	v5 =	vld [tilespmem:s5+$0xFFFFFFA0]  }
0x314: {  	v55 =	vor.u32 v62, v53;
	s20 =	sadd.s32 $0xE, s10;
	s9 =	sadd.s32 $0xD, s10;
	v6 =	vshrl.u32 v11, $0x3;
	v11 =	vshrl.u32 v24, $0x3;
	s8 =	sand.u32 $0x7C, s8;
	v24 =	vld [tilespmem:s5+$0xFFFFFE70];
	[tilespmem:v30+s30+$0x0] =	vst.idx.msk $0xffff, v28  }
0x315: {  	s22 =	sand.u32 $0x78, s17;
	s10 =	sadd.s32 $0xF, s10;
	v26 =	vmov s2;
	s2 =	sand.u32 $0x7E, s20;
	v6 =	vshll.u32 v6, v49;
	v11 =	vshll.u32 v11, v49;
	v28 =	vld [tilespmem:s5+$0xFFFFFF60];
	[tilespmem:v29+s30+$0x0] =	vst.idx.msk $0xffff, v18  }
0x316: {  	s19 =	sand.u32 $0xFFFFE000, s19;
	s9 =	sand.u32 $0x7D, s9;
	s10 =	sand.u32 $0x78, s10;
	v29 =	vor.u32 v62, v58;
	v6 =	vor.u32 $0x1, v6;
	v11 =	vor.u32 $0x3, v11;
	[tilespmem:v23+s30+$0x0] =	vst.idx.msk $0xffff, v32;
	v18 =	vld [tilespmem:s5+$0xFFFFFEE0]  }
0x317: {  	p0 =	slt.u32 s17, $0xF8;
	v23 =	vld [tilespmem:s18+$0xFFFFFE50];
	v54 =	vbroadcast v6, $0x0;
	v53 =	vbroadcast v11, $0x0;
	v11 =	vmov s9;
	[tilespmem:v19+s30+$0x0] =	vst.idx.msk $0xffff, v25  }
0x318: {  	v6 =	vmov s22;
	v19 =	vmov s8;
	v25 =	vld [tilespmem:s5+$0xFFFFFF30];
	[tilespmem:v10+s30+$0x0] =	vst.idx.msk $0xffff, v27  }
0x319: {  	v27 =	vor.u32 s19, v46;
	v10 =	vshrl.u32 v19, $0x3;
	v19 =	vmov s10;
	v30 =	vld [tilespmem:s5+$0xFFFFFEB0];
	[tilespmem:v16+s30+$0x0] =	vst.idx.msk $0xffff, v5  }
0x31a: {  	v31 =	vor.u32 s19, v51;
	v5 =	vshrl.u32 v26, $0x3;
	v10 =	vshll.u32 v10, v49;
	[tilespmem:v7+s30+$0x0] =	vst.idx.msk $0xffff, v24;
	v7 =	vld [tilespmem:s5+$0xFFFFFFB0]  }
0x31b: {  	v16 =	vmov s2;
	v5 =	vshll.u32 v5, v49;
	v10 =	vor.u32 $0x4, v10;
	[tilespmem:v17+s30+$0x0] =	vst.idx.msk $0xffff, v28;
	v17 =	vld [tilespmem:s5+$0xFFFFFFE0]  }
0x31c: {  	v5 =	vor.u32 $0x2, v5;
	v58 =	vbroadcast v10, $0x0;
	v10 =	vshrl.u32 v16, $0x3;
	[tilespmem:v9+s30+$0x0] =	vst.idx.msk $0xffff, v18;
	v9 =	vld [tilespmem:s5+$0xFFFFFF70]  }
0x31d: {  	v16 =	vshrl.u32 v6, $0x3;
	v10 =	vshll.u32 v10, v49;
	v18 =	vor.u32 $0x7, v19;
	[tilespmem:v12+s30+$0x0] =	vst.idx.msk $0xffff, v22;
	v12 =	vld [tilespmem:s5+$0xFFFFFEF0]  }
0x31e: {  	v6 =	vor.u32 v27, v53;
	v22 =	vor.u32 v27, v58;
	v10 =	vor.u32 $0x6, v10;
	v19 =	vld [tilespmem:s5+$0xFFFFFE20];
	[tilespmem:v1+s30+$0x0] =	vst.idx.msk $0xffff, v30  }
0x31f: {  	v26 =	vor.u32 v27, v54;
	v1 =	vshrl.u32 v11, $0x3;
	v11 =	vbroadcast v10, $0x0;
	v28 =	vld [tilespmem:s5+$0xFFFFFEC0];
	[tilespmem:v13+s30+$0x0] =	vst.idx.msk $0xffff, v7  }
0x320: {  	v5 =	vbroadcast v5, $0x0;
	v30 =	vbroadcast v18, $0x0;
	v1 =	vshll.u32 v1, v49;
	v13 =	vld [tilespmem:s5+$0xFFFFFFC0];
	[tilespmem:v4+s30+$0x0] =	vst.idx.msk $0xffff, v17  }
0x321: {  	v4 =	vshll.u32 v16, v49;
	v1 =	vor.u32 $0x5, v1;
	v32 =	vor.u32 v27, v11;
	[tilespmem:v8+s30+$0x0] =	vst.idx.msk $0xffff, v9;
	v8 =	vld [tilespmem:s5+$0xFFFFFFF0]  }
0x322: {  	v34 =	vor.u32 v27, v5;
	v33 =	vbroadcast v4, $0x0;
	v35 =	vbroadcast v1, $0x0;
	v36 =	vld [tilespmem:s18+$0xFFFFFF90];
	[tilespmem:v61+s30+$0x0] =	vst.idx.msk $0xffff, v25  }
0x323: {  	v10 =	vor.u32 v27, v30;
	v1 =	vor.u32 v31, v5;
	[tilespmem:v2+s30+$0x0] =	vst.idx.msk $0xffff, v19;
	v17 =	vld [tilespmem:s5+$0xFFFFFF40]  }
0x324: {  	v7 =	vor.u32 v31, v54;
	v37 =	vor.u32 v27, v35;
	v25 =	vld [tilespmem:s5+$0xFFFFFE30];
	[tilespmem:v60+s30+$0x0] =	vst.idx.msk $0xffff, v12  }
0x325: {  	v38 =	vor.u32 s19, v50;
	v61 =	vor.u32 v31, v58;
	v60 =	vor.u32 v31, v53;
	v39 =	vld [tilespmem:s18+$0xFFFFFE90];
	[tilespmem:v20+s30+$0x0] =	vst.idx.msk $0xffff, v13  }
0x326: {  	v24 =	vor.u32 v38, v54;
	v9 =	vor.u32 v38, v53;
	v18 =	vld [tilespmem:s5+$0xFFFFFF80];
	[tilespmem:v3+s30+$0x0] =	vst.idx.msk $0xffff, v8  }
0x327: {  	v16 =	vor.u32 v38, v11;
	v4 =	vor.u32 v38, v30;
	[tilespmem:v26+s30+$0x0] =	vst.idx.msk $0xffff, v23;
	v3 =	vld [tilespmem:s18+$0xFFFFFF10]  }
0x328: {  	v19 =	vor.u32 v38, v58;
	v12 =	vor.u32 v33, v27;
	v26 =	vld [tilespmem:s18+$0xFFFFFE60];
	[tilespmem:v21+s30+$0x0] =	vst.idx.msk $0xffff, v28  }
0x329: {  	v2 =	vor.u32 v33, v38;
	v23 =	vor.u32 v38, v5;
	v20 =	vld [tilespmem:s5+$0xFFFFFE80];
	[tilespmem:v29+s30+$0x0] =	vst.idx.msk $0xffff, v17  }
0x32a: {  	v8 =	vor.u32 v31, v35;
	v17 =	vor.u32 v38, v35;
	[tilespmem:v63+s30+$0x0] =	vst.idx.msk $0xffff, v25;
	v38 =	vld [tilespmem:s5+$0x0]  }
0x32b: {  	v13 =	vor.u32 v31, v11;
	[tilespmem:v34+s30+$0x0] =	vst.idx.msk $0xffff, v39;
	v21 =	vld [tilespmem:s5+$0xFFFFFF00];
	v34 =	vor.u32 v62, v56;
	v56 =	vmov v30  }
.Ltmp5:
0x32c: {  	v63 =	vor.u32 v33, v31;
	[tilespmem:v22+s30+$0x0] =	vst.idx.msk $0xffff, v3;
	v3 =	vor.u32 v31, v56;
	v28 =	vld [tilespmem:s5+$0xFFFFFE40];
	s5 =	smov.u32 s18;
	(pc) =	sbr.rel @p0 .LBB2_13-.Ltmp5, $4  }
0x32d: {  	v25 =	vld [tilespmem:s18+$0xFFFFFF20];
	[tilespmem:v32+s30+$0x0] =	vst.idx.msk $0xffff, v36  }
0x32e: {  	v31 =	vld [tilespmem:s18+$0xFFFFFED0];
	[tilespmem:v37+s30+$0x0] =	vst.idx.msk $0xffff, v15  }
0x32f: {  	v29 =	vor.u32 v62, v57;
	v30 =	vor.u32 v59, v62;
	v59 =	vmov v33;
	v22 =	vld [tilespmem:s18+$0xFFFFFE10];
	[tilespmem:v14+s30+$0x0] =	vst.idx.msk $0xffff, v20  }
0x330: {  	v57 =	vmov v35;
	v62 =	vor.u32 s19, v52;
	s18 =	sadd.s32 $0x200, s18;
	v27 =	vld [tilespmem:s5+$0xFFFFFFD0];
	[tilespmem:v34+s30+$0x0] =	vst.idx.msk $0xffff, v38  }
0x331: {  	_ =	sdelay $0x3  }
0x332: {  	[tilespmem:v55+s30+$0x0] =	vst.idx.msk $0xffff, v21  }
0x333: {  	[tilespmem:v24+s30+$0x0] =	vst.idx.msk $0xffff, v26  }
0x334: {  	[tilespmem:v30+s30+$0x0] =	vst.idx.msk $0xffff, v28  }
0x335: {  	v14 =	vld [tilespmem:s5+$0xFFFFFEA0];
	[tilespmem:v29+s30+$0x0] =	vst.idx.msk $0xffff, v18  }
0x336: {  	v26 =	vld [tilespmem:s5+$0xFFFFFFA0];
	[tilespmem:v19+s30+$0x0] =	vst.idx.msk $0xffff, v25  }
0x337: {  	v29 =	vld [tilespmem:s5+$0xFFFFFF60];
	[tilespmem:v6+s30+$0x0] =	vst.idx.msk $0xffff, v31  }
0x338: {  	v15 =	vld [tilespmem:s5+$0xFFFFFE70];
	[tilespmem:v12+s30+$0x0] =	vst.idx.msk $0xffff, v22  }
0x339: {  	v30 =	vld [tilespmem:s5+$0xFFFFFEE0];
	[tilespmem:v10+s30+$0x0] =	vst.idx.msk $0xffff, v27  }
0x33a: {  	v12 =	vld [tilespmem:s5+$0xFFFFFE20];
	[tilespmem:v23+s30+$0x0] =	vst.idx.msk $0xffff, v14  }
0x33b: {  	[tilespmem:v16+s30+$0x0] =	vst.idx.msk $0xffff, v26;
	v32 =	vld [tilespmem:s5+$0xFFFFFFE0]  }
0x33c: {  	[tilespmem:v17+s30+$0x0] =	vst.idx.msk $0xffff, v29;
	v31 =	vld [tilespmem:s5+$0xFFFFFEB0]  }
0x33d: {  	v35 =	vld [tilespmem:s5+$0xFFFFFF30];
	[tilespmem:v7+s30+$0x0] =	vst.idx.msk $0xffff, v15  }
0x33e: {  	v33 =	vld [tilespmem:s5+$0xFFFFFFB0];
	[tilespmem:v9+s30+$0x0] =	vst.idx.msk $0xffff, v30  }
0x33f: {  	v34 =	vld [tilespmem:s5+$0xFFFFFF70];
	[tilespmem:v2+s30+$0x0] =	vst.idx.msk $0xffff, v12  }
0x340: {  	[tilespmem:v4+s30+$0x0] =	vst.idx.msk $0xffff, v32;
	v2 =	vld [tilespmem:s5+$0xFFFFFE30]  }
0x341: {  	[tilespmem:v1+s30+$0x0] =	vst.idx.msk $0xffff, v31;
	v1 =	vld [tilespmem:s5+$0xFFFFFEF0]  }
0x342: {  	[tilespmem:v61+s30+$0x0] =	vst.idx.msk $0xffff, v35;
	v4 =	vld [tilespmem:s5+$0xFFFFFFF0]  }
0x343: {  	v38 =	vor.u32 v62, v58;
	v39 =	vld [tilespmem:s5+$0xFFFFFF40];
	[tilespmem:v13+s30+$0x0] =	vst.idx.msk $0xffff, v33  }
0x344: {  	v36 =	vor.u32 v62, v11;
	[tilespmem:v8+s30+$0x0] =	vst.idx.msk $0xffff, v34;
	v7 =	vld [tilespmem:s5+$0xFFFFFFC0]  }
0x345: {  	v5 =	vor.u32 v62, v5;
	v37 =	vld [tilespmem:s5+$0xFFFFFEC0];
	[tilespmem:v63+s30+$0x0] =	vst.idx.msk $0xffff, v2  }
0x346: {  	v61 =	vld [tilespmem:s5+$0xFFFFFF80];
	v63 =	vor.u32 v62, v57;
	[tilespmem:v60+s30+$0x0] =	vst.idx.msk $0xffff, v1  }
0x347: {  	v1 =	vor.u32 v62, v54;
	[tilespmem:v3+s30+$0x0] =	vst.idx.msk $0xffff, v4;
	v3 =	vld [tilespmem:s5+$0xFFFFFE80]  }
0x348: {  	[tilespmem:v38+s30+$0x0] =	vst.idx.msk $0xffff, v39;
	v58 =	vld [tilespmem:s5+$0xFFFFFE40];
	v60 =	vor.u32 v59, v62  }
0x349: {  	v55 =	vor.u32 v62, v56;
	[tilespmem:v36+s30+$0x0] =	vst.idx.msk $0xffff, v7;
	v4 =	vld [tilespmem:s5+$0x0]  }
0x34a: {  	v56 =	vor.u32 v62, v53;
	v2 =	vld [tilespmem:s5+$0xFFFFFF00];
	[tilespmem:v5+s30+$0x0] =	vst.idx.msk $0xffff, v37  }
0x34b: {  	[tilespmem:v63+s30+$0x0] =	vst.idx.msk $0xffff, v61  }
0x34c: {  	s2 =	sshll.u32 s13, $0x13;
	s12 =	sadd.s32 $0x1, s12;
	[tilespmem:v1+s30+$0x0] =	vst.idx.msk $0xffff, v3  }
0x34d: {  	s2 =	sor.u32 s6, s2;
	p0 =	sne.s32 s12, $0x19;
	[tilespmem:v60+s30+$0x0] =	vst.idx.msk $0xffff, v58  }
.Ltmp6:
0x34e: {  	s2 =	sshrl.u32 s2, $0x3;
	[tilespmem:v55+s30+$0x0] =	vst.idx.msk $0xffff, v4;
	(pc) =	sbr.rel @p0 .LBB2_2-.Ltmp6, $4  }
0x34f: {  	s23 =	sadd.s32 s11, s2;
	[tilespmem:v56+s30+$0x0] =	vst.idx.msk $0xffff, v2  }
0x350: {  	[hbm4b:s23+s25] =	stream.strided.scatter [tilespmem:s30], [sflag:$0x6], $0x2000, s26, s25, $0x38;
	[tilespmem:$0x1E800] =	vst v63  }
0x351: {  	s10 =	smov.u32 s11;
	s2 =	sadd.s32 s2, s7  }
0x352: {  	[hbm4b:s2+s25] =	stream.strided.scatter [tilespmem:s31], [sflag:$0x6], $0x2000, s26, s25, $0x38;
	[tilespmem:$0x1E800] =	vst v63  }
0x353: {  	_ =	swait.ge [sflag:s0], $0x2000  }
0x354: {  	[sflag:s0] =	ssyncset.done $0x0  }
0x355: {  	[sflag:s0] =	ssyncadd.s32 $0xFFFFE000  }
0x356: {  	_ =	swait.ge [sflag:s0], $0x2000  }
0x357: {  	[sflag:s0] =	ssyncset.done $0x0  }
0x358: {  	[sflag:s0] =	ssyncadd.s32 $0xFFFFE000  }
0x359: {  	_ =	swait.ge [sflag:s16], $0x2000  }
0x35a: {  	[sflag:s16] =	ssyncset.done $0x0  }
0x35b: {  	[sflag:s16] =	ssyncadd.s32 $0xFFFFE000  }
0x35c: {  	_ =	swait.ge [sflag:s16], $0x2000  }
0x35d: {  	s5 =	rddreg [dreg:$0x9]  }
0x35e: {  	s2 =	rddreg [dreg:$0x8];
	s5 =	sadd.s32 $0x1, s5  }
0x35f: {  	p0 =	sne.s32 s5, s2  }
.Ltmp7:
0x360: {  	_ = 	snop;
	(pc) =	sbr.rel @p0 .LBB2_1-.Ltmp7, $3  }
0x361: {  	_ =	sdelay $0x1  }
0x362: {  	[sflag:s16] =	ssyncset.done $0x0  }
0x363: {  	[sflag:s16] =	ssyncadd.s32 $0xFFFFE000  }
0x364: {  	_ =	sfence.sel $0x180000  }
0x365: {  	[bflag:$0x0] =	sbarrier.arrive $0xFFFF  }
0x366: {  	_ =	strace $0x90000047  }
0x367: {  	s0 =	stileid.u32;
	[bflag:$0x2] =	sbarrier.arrive $0xFFFF  }
0x368: {  	p0 =	sne.s32 s0, $0x0;
	s0 =	rddreg [dreg:$0x2]  }
0x369: {  	s0 =	sadd.s32 @!p0 $0x100000, s0  }
0x36a: {  	[sflag:s0] =	ssyncadd.tile.s32 @!p0 $0x1;
	_ =	shalt  }
.Lfunc_end2:
_tile_overlayer_lowered:
.L_overlay_start_2:
0x36b: {  	(tag) =	ssettag $0x2  }
0x36c: {  	s0 =	rddreg [dreg:$0x0];
	s2 =	stileid.u32  }
0x36d: {  	s1 =	rddreg [dreg:$0x1];
	p0 =	sne.s32 s2, $0x0  }
0x36e: {  	s3 =	rddreg [dreg:$0x2];
	[bflag:$0x3] =	sbarrier.arrive $0xFFFF;
	s2 =	simm.s32 @!p0 $0x1C07  }
0x36f: {  	[timem:s3], [sflag:s2] =	dma.local @!p0 [hbm:s0], s1  }
0x370: {  	s0 =	simm.s32 @!p0 $0x7  }
0x371: {  	_ =	swait.ge @!p0 [sflag:s0], s1  }
0x372: {  	s1 =	ssub.s32 @!p0 $0x0, s1;
	[sflag:s0] =	ssyncset.done @!p0 $0x0  }
0x373: {  	[sflag:s0] =	ssyncadd.s32 @!p0 s1  }
0x374: {  	[bflag:$0x3] =	sbarrier.arrive $0xFFFF  }
0x375: {  	_ =	shalt  }

</sc_bundles>
